<compile_context>
chip_gen: v7x
topology: tpu7x:2x2x1
jax: 0.10.2.dev20260603
libtpu: 0.0.44.dev20260713+nightly
codegen_flags: <defaults>
</compile_context>

<pallas_src>
import functools

import jax
import jax.numpy as jnp
from jax import lax
from jax.experimental import pallas as pl
from jax.experimental.pallas import tpu as pltpu
from jax.experimental.pallas import tpu_sc as plsc

B = 4
N = 100000
C = 128
K = 10000

NT = 8
BLK = 16384
NBLK = 7
NP = NBLK * BLK
CT = NP // NT
NV = CT // 16

CAP = 1264
LAST_START = K - CAP
NCH = CAP // 16
GCH = (128,) * 9 + (112,)
SSROW = 10240

INT_MIN = -2147483648
MAXP = 2147483647
NEG_INF = float("-inf")


def _score_body(x_ref, w_ref, bias_ref, o_ref):
  j = pl.program_id(1)
  xb = x_ref[0]
  wv = w_ref[...]
  sc = lax.dot_general(wv, xb, (((1,), (1,)), ((), ())),
                       preferred_element_type=jnp.float32)
  sc = sc + bias_ref[0, 0]
  cols = j * BLK + lax.broadcasted_iota(jnp.int32, (1, BLK), 1)
  o_ref[0, 0] = jnp.where(cols < N, sc, NEG_INF)


def _scores(x, W, bias):
  out4 = pl.pallas_call(
      _score_body,
      grid=(B, NBLK),
      in_specs=[
          pl.BlockSpec((1, BLK, C), lambda i, j: (i, j, 0)),
          pl.BlockSpec((1, C), lambda i, j: (0, 0)),
          pl.BlockSpec((1, 1), lambda i, j: (0, 0)),
      ],
      out_specs=pl.BlockSpec((1, 1, 1, BLK), lambda i, j: (i, j, 0, 0)),
      out_shape=jax.ShapeDtypeStruct((B, NBLK, 1, BLK), jnp.float32),
  )(x, W, bias.reshape(1, 1))
  return out4.reshape(B, NP)


def _keys_at(scores_v, i):
  sv = scores_v[pl.ds(i * 16, 16)]
  bits = lax.bitcast_convert_type(sv, jnp.int32)
  return jnp.where(bits >= 0, bits, bits ^ MAXP)


def _sc_body(scores_hbm, x2_hbm, pooled_hbm, oidx_hbm,
             scores_v, candk, selbuf, hist, hist8, merged, lmerged, cnt16,
             tmpa, outbuf, idxl, rowbufa, rowbufb, shist, scnt, ssel,
             sema, semb):
  cc = lax.axis_index("c")
  ss = lax.axis_index("s")
  g = ss // NT
  w = ss % NT
  bb = cc * 2 + g
  base_n = w * CT
  lane = lax.iota(jnp.int32, 16)
  ones = jnp.ones((16,), jnp.int32)
  alltrue = lane < 16

  pltpu.sync_copy(scores_hbm.at[pl.ds(bb * NP + base_n, CT)], scores_v)

  def zero_hist():
    def zbody(t, _):
      hist[pl.ds(t * 16, 16)] = jnp.zeros((16,), jnp.int32)
      return _
    lax.fori_loop(0, 256, zbody, 0)

  def merge_publish_search(p, kp):
    def mbody(jv, _):
      acc = hist[pl.ds(jv * 16, 16)]
      for r in range(1, 16):
        acc = acc + hist[pl.ds(r * 256 + jv * 16, 16)]
      lmerged[pl.ds(jv * 16, 16)] = acc
      return _
    lax.fori_loop(0, 16, mbody, 0)
    pltpu.sync_copy(lmerged, shist.at[p, g, w])
    plsc.subcore_barrier()
    pltpu.sync_copy(shist.at[p, g], hist8)

    def gbody(jv, _):
      acc = hist8[0, pl.ds(jv * 16, 16)]
      for r in range(1, NT):
        acc = acc + hist8[r, pl.ds(jv * 16, 16)]
      merged[pl.ds(jv * 16, 16)] = acc
      return _
    lax.fori_loop(0, 16, gbody, 0)

    def cnt_ge(ref, mval):
      def cbody(jv, a):
        vec = ref[pl.ds(jv * 16, 16)]
        bins = jv * 16 + lane
        return a + jnp.sum(jnp.where(bins >= mval, vec, 0))
      return lax.fori_loop(0, 16, cbody, jnp.int32(0))

    def sbody(_, lohi):
      lo, hi = lohi
      mid = (lo + hi + 1) >> 1
      take = cnt_ge(merged, mid) >= kp
      return (jnp.where(take, mid, lo), jnp.where(take, hi, mid - 1))
    bstar, _hi = lax.fori_loop(0, 8, sbody, (jnp.int32(0), jnp.int32(255)))
    cnt_above = cnt_ge(merged, bstar + 1)
    loc_above = cnt_ge(lmerged, bstar + 1)
    loc_eq = cnt_ge(lmerged, bstar) - loc_above
    return bstar, cnt_above, loc_above, loc_eq

  zero_hist()

  def h1body(i, _):
    ub = _keys_at(scores_v, i) ^ INT_MIN
    bucket = lax.shift_right_logical(ub, jnp.int32(24))
    plsc.addupdate_scatter(hist, [lane * 256 + bucket], ones, mask=alltrue)
    return _
  lax.fori_loop(0, NV, h1body, 0)

  kp = jnp.int32(K)
  b1, ca1, la1, _le1 = merge_publish_search(0, kp)
  kp = kp - ca1
  prefix = b1
  c_gt_local = la1

  zero_hist()

  def h2body(i, nc):
    ub = _keys_at(scores_v, i) ^ INT_MIN
    m = lax.shift_right_logical(ub, jnp.int32(24)) == prefix
    bucket = lax.shift_right_logical(ub, jnp.int32(16)) & 255
    plsc.addupdate_scatter(hist, [lane * 256 + bucket], ones, mask=m)
    mi = jnp.where(m, 1, 0)
    pos = nc + plsc.cumsum(mi) - mi
    plsc.store_scatter(candk, [pos], ub, mask=m)
    return nc + jnp.sum(mi)
  nc = lax.fori_loop(0, NV, h2body, jnp.int32(0))
  ncv = (nc + 15) >> 4

  b2, ca2, la2, _le2 = merge_publish_search(1, kp)
  kp = kp - ca2
  prefix = (prefix << 8) | b2
  c_gt_local = c_gt_local + la2

  zero_hist()

  def h3body(i, _):
    ub = candk[pl.ds(i * 16, 16)]
    valid = (i * 16 + lane) < nc
    m = valid & (lax.shift_right_logical(ub, jnp.int32(16)) == prefix)
    bucket = lax.shift_right_logical(ub, jnp.int32(8)) & 255
    plsc.addupdate_scatter(hist, [lane * 256 + bucket], ones, mask=m)
    return _
  lax.fori_loop(0, ncv, h3body, 0)

  b3, ca3, la3, _le3 = merge_publish_search(2, kp)
  kp = kp - ca3
  prefix = (prefix << 8) | b3
  c_gt_local = c_gt_local + la3

  zero_hist()

  def h4body(i, _):
    ub = candk[pl.ds(i * 16, 16)]
    valid = (i * 16 + lane) < nc
    m = valid & (lax.shift_right_logical(ub, jnp.int32(8)) == prefix)
    bucket = ub & 255
    plsc.addupdate_scatter(hist, [lane * 256 + bucket], ones, mask=m)
    return _
  lax.fori_loop(0, ncv, h4body, 0)

  b4, ca4, la4, le4 = merge_publish_search(3, kp)
  kp = kp - ca4
  prefix = (prefix << 8) | b4
  c_gt = c_gt_local + la4
  c_eq = le4

  t_key = prefix ^ INT_MIN
  need_eq = kp

  cnt16[...] = jnp.where(lane == 0, c_gt, 0) + jnp.where(lane == 1, c_eq, 0)
  pltpu.sync_copy(cnt16, scnt.at[g, w])
  plsc.subcore_barrier()

  cgt_l, ceq_l = [], []
  for v in range(NT):
    pltpu.sync_copy(scnt.at[g, v], cnt16)
    vec = cnt16[...]
    cgt_l.append(jnp.sum(jnp.where(lane == 0, vec, 0)))
    ceq_l.append(jnp.sum(jnp.where(lane == 1, vec, 0)))

  eqpref = jnp.int32(0)
  off = jnp.int32(0)
  off_l, cw_l = [], []
  for v in range(NT):
    e_v = jnp.clip(need_eq - eqpref, 0, ceq_l[v])
    c_v = cgt_l[v] + e_v
    off_l.append(off)
    cw_l.append(c_v)
    eqpref = eqpref + ceq_l[v]
    off = off + c_v

  my_eqpref = jnp.int32(0)
  for v in range(NT):
    my_eqpref = my_eqpref + jnp.where(w > v, ceq_l[v], 0)

  def pbody(i, a):
    nsel, neq = a
    key = _keys_at(scores_v, i)
    m_gt = key > t_key
    m_eq = key == t_key
    meqi = jnp.where(m_eq, 1, 0)
    eqrank = my_eqpref + neq + plsc.cumsum(meqi) - meqi
    m = m_gt | (m_eq & (eqrank < need_eq))
    mi = jnp.where(m, 1, 0)
    pos = nsel + plsc.cumsum(mi) - mi
    nodeidx = base_n + i * 16 + lane
    plsc.store_scatter(selbuf, [pos], nodeidx, mask=m)
    return (nsel + jnp.sum(mi), neq + jnp.sum(meqi))
  lax.fori_loop(0, NV, pbody, (jnp.int32(0), jnp.int32(0)))

  pltpu.sync_copy(selbuf, ssel.at[g, w])
  plsc.subcore_barrier()

  @pl.when(w == 0)
  def _assemble():
    for v in range(NT):
      trips = (cw_l[v] + 15) >> 4
      base_o = off_l[v]
      pltpu.sync_copy(ssel.at[g, v], tmpa)

      def ubody(u, __, base_o=base_o):
        vec = tmpa[pl.ds(u * 16, 16)]
        dst = base_o + u * 16 + lane
        plsc.store_scatter(outbuf, [dst], vec, mask=alltrue)
        return __
      lax.fori_loop(0, trips, ubody, 0)
    pltpu.sync_copy(outbuf.at[pl.ds(0, K)], oidx_hbm.at[pl.ds(bb * K, K)])
  plsc.subcore_barrier()

  a_w = jnp.minimum(w * CAP, jnp.int32(LAST_START))
  pltpu.sync_copy(oidx_hbm.at[pl.ds(bb * K + a_w, CAP)], idxl)
  boff = bb * N
  for q in range(NCH):
    idxl[pl.ds(q * 16, 16)] = idxl[pl.ds(q * 16, 16)] + boff
  bufs = (rowbufa, rowbufb)
  sems = (sema, semb)
  prev = None
  off = 0
  for i, sz in enumerate(GCH):
    buf, sem = bufs[i % 2], sems[i % 2]
    d = pltpu.async_copy(x2_hbm.at[idxl.at[pl.ds(off, sz)]],
                         buf.at[pl.ds(0, sz), :], sem)
    if prev is not None:
      pd, poff, psz, pbuf = prev
      pd.wait()
      pltpu.sync_copy(pbuf.at[pl.ds(0, psz), :],
                      pooled_hbm.at[pl.ds(bb * K + a_w + poff, psz)])
    prev = (d, off, sz, buf)
    off += sz
  pd, poff, psz, pbuf = prev
  pd.wait()
  pltpu.sync_copy(pbuf.at[pl.ds(0, psz), :],
                  pooled_hbm.at[pl.ds(bb * K + a_w + poff, psz)])


@functools.partial(jax.jit, static_argnames=())
def _run(x, W, bias):
  scores = _scores(x, W, bias)
  x2 = x.reshape(B * N, C)
  sck = pl.kernel(
      _sc_body,
      out_type=(
          jax.ShapeDtypeStruct((B * K, C), jnp.float32),
          jax.ShapeDtypeStruct((B * K,), jnp.int32),
      ),
      mesh=plsc.VectorSubcoreMesh(core_axis_name="c", subcore_axis_name="s"),
      compiler_params=pltpu.CompilerParams(needs_layout_passes=False),
      scratch_types=[
          pltpu.VMEM((CT,), jnp.float32),
          pltpu.VMEM((CT,), jnp.int32),
          pltpu.VMEM((SSROW,), jnp.int32),
          pltpu.VMEM((4096,), jnp.int32),
          pltpu.VMEM((NT, 256), jnp.int32),
          pltpu.VMEM((256,), jnp.int32),
          pltpu.VMEM((256,), jnp.int32),
          pltpu.VMEM((16,), jnp.int32),
          pltpu.VMEM((SSROW,), jnp.int32),
          pltpu.VMEM((11072,), jnp.int32),
          pltpu.VMEM((CAP,), jnp.int32),
          pltpu.VMEM((128, C), jnp.float32),
          pltpu.VMEM((128, C), jnp.float32),
          pltpu.VMEM_SHARED((4, 2, NT, 256), jnp.int32),
          pltpu.VMEM_SHARED((2, NT, 16), jnp.int32),
          pltpu.VMEM_SHARED((2, NT, SSROW), jnp.int32),
          pltpu.SemaphoreType.DMA,
          pltpu.SemaphoreType.DMA,
      ],
  )
  pooled, idx = sck(scores.reshape(B * NP), x2)
  return pooled.reshape(B, K, C), idx.reshape(B, K)


def kernel(x, W, b):
  return _run(x, W, b)

# --- scband reference (transcript-rebuilt; emitter-appended) ---
"""Pipeline reference for scband-g-pool-39865886442140 (READ-ONLY COPY).

The authoritative reference and input builder live on the scoring server;
editing this copy changes nothing except your own understanding.
"""

import jax, jax.numpy as jnp
import numpy as np

TARGET_NUM_NODES = 10000

def setup_inputs(seed: int = 0) -> dict:
    key = jax.random.key(seed)
    k1, k2, k3 = jax.random.split(key, 3)
    x = jax.random.normal(k1, (4, 100000, 128), dtype=jnp.float32)
    # nn.Linear(128, 1): weight [1, 128], bias [1]
    W = jax.random.normal(k2, (1, 128), dtype=jnp.float32) * (1.0 / np.sqrt(128.0))
    b = jax.random.normal(k3, (1,), dtype=jnp.float32) * 0.01
    return {"x": x, "W": W, "b": b}

def reference(x, W, b):
    # scores = proj(x).squeeze(-1)  -> [B, N]
    scores = jnp.einsum('bnc,oc->bno', x, W) + b  # [B, N, 1]
    scores = jnp.squeeze(scores, axis=-1)         # [B, N]
    k = min(TARGET_NUM_NODES, x.shape[1])
    _, top_k_indices = jax.lax.top_k(scores, k)   # [B, k]
    top_k_indices = jnp.sort(top_k_indices, axis=1)
    # gather along node dim
    idx = top_k_indices[:, :, None]               # [B, k, 1]
    pooled_x = jnp.take_along_axis(x, idx, axis=1)  # [B, k, C]
    return (pooled_x, top_k_indices)

if __name__ == "__main__":
    import jax
    _d = setup_inputs()
    print(jax.jit(kernel)(*tuple(_d.values())))

</pallas_src>

<mosaic_0001>
#map = affine_map<(d0, d1) -> (0)>
#map1 = affine_map<(d0, d1) -> (0, 0)>
module attributes {stable_mosaic.version = 14 : i64} {
  func.func @_sc_body(%arg0: i32, %arg1: i32, %arg2: memref<458752xf32, #tpu.memory_space<hbm>>, %arg3: memref<400000x128xf32, #tpu.memory_space<hbm>>, %arg4: memref<40000x128xf32, #tpu.memory_space<hbm>>, %arg5: memref<40000xi32, #tpu.memory_space<hbm>>, %arg6: memref<14336xf32, #tpu.memory_space<vmem>>, %arg7: memref<14336xi32, #tpu.memory_space<vmem>>, %arg8: memref<10240xi32, #tpu.memory_space<vmem>>, %arg9: memref<4096xi32, #tpu.memory_space<vmem>>, %arg10: memref<8x256xi32, #tpu.memory_space<vmem>>, %arg11: memref<256xi32, #tpu.memory_space<vmem>>, %arg12: memref<256xi32, #tpu.memory_space<vmem>>, %arg13: memref<16xi32, #tpu.memory_space<vmem>>, %arg14: memref<10240xi32, #tpu.memory_space<vmem>>, %arg15: memref<11072xi32, #tpu.memory_space<vmem>>, %arg16: memref<1264xi32, #tpu.memory_space<vmem>>, %arg17: memref<128x128xf32, #tpu.memory_space<vmem>>, %arg18: memref<128x128xf32, #tpu.memory_space<vmem>>, %arg19: memref<4x2x8x256xi32, #tpu.memory_space<vmem_shared>>, %arg20: memref<2x8x16xi32, #tpu.memory_space<vmem_shared>>, %arg21: memref<2x8x10240xi32, #tpu.memory_space<vmem_shared>>, %arg22: memref<!tpu.dma_semaphore, #tpu.memory_space<semaphore_mem>>, %arg23: memref<!tpu.dma_semaphore, #tpu.memory_space<semaphore_mem>>) attributes {dimension_semantics = [#tpu.dimension_semantics<core_parallel>, #tpu.dimension_semantics<subcore_parallel>], iteration_bounds = array<i64: 2, 16>, scalar_prefetch = 0 : i64, scratch_operands = 18 : i64, tpu.core_type = #tpu.core_type<sc_vector_subcore>, window_params = [{transform_indices = #map}, {transform_indices = #map1}, {transform_indices = #map1}, {transform_indices = #map}]} {
    %jit3A = arith.constant 8 : i32
    %div3A = arith.divsi %arg1, %jit3A : i32
    %sign3A = arith.constant 0 : i32
    %sign3A_0 = arith.cmpi sgt, %arg1, %sign3A : i32
    %sign3A_1 = arith.extui %sign3A_0 : i1 to i32
    %sign3A_2 = arith.constant 0 : i32
    %sign3A_3 = arith.cmpi slt, %arg1, %sign3A_2 : i32
    %sign3A_4 = arith.extui %sign3A_3 : i1 to i32
    %sign3A_5 = arith.subi %sign3A_1, %sign3A_4 : i32
    %sign3A_6 = arith.constant 0 : i32
    %sign3A_7 = arith.cmpi sgt, %jit3A, %sign3A_6 : i32
    %sign3A_8 = arith.extui %sign3A_7 : i1 to i32
    %sign3A_9 = arith.constant 0 : i32
    %sign3A_10 = arith.cmpi slt, %jit3A, %sign3A_9 : i32
    %sign3A_11 = arith.extui %sign3A_10 : i1 to i32
    %sign3A_12 = arith.subi %sign3A_8, %sign3A_11 : i32
    %ne3A = arith.cmpi ne, %sign3A_5, %sign3A_12 : i32
    %rem3A = arith.remsi %arg1, %jit3A : i32
    %ne3A_13 = arith.constant 0 : i32
    %ne3A_14 = arith.cmpi ne, %rem3A, %ne3A_13 : i32
    %and3A = arith.andi %ne3A, %ne3A_14 : i1
    %sub3A = arith.constant 1 : i32
    %sub3A_15 = arith.subi %div3A, %sub3A : i32
    %select_n3A = arith.select %and3A, %sub3A_15, %div3A : i32
    %jit3A_16 = arith.constant 8 : i32
    %eq3A = arith.constant 0 : i32
    %eq3A_17 = arith.cmpi eq, %jit3A_16, %eq3A : i32
    %jit3A_18 = arith.constant 1 : i32
    %select_n3A_19 = arith.select %eq3A_17, %jit3A_18, %jit3A_16 : i32
    %rem3A_20 = arith.remsi %arg1, %select_n3A_19 : i32
    %ne3A_21 = arith.constant 0 : i32
    %ne3A_22 = arith.cmpi ne, %rem3A_20, %ne3A_21 : i32
    %lt3A = arith.constant 0 : i32
    %lt3A_23 = arith.cmpi slt, %rem3A_20, %lt3A : i32
    %lt3A_24 = arith.constant 0 : i32
    %lt3A_25 = arith.cmpi slt, %select_n3A_19, %lt3A_24 : i32
    %ne3A_26 = arith.xori %lt3A_23, %lt3A_25 : i1
    %and3A_27 = arith.andi %ne3A_26, %ne3A_22 : i1
    %add3A = arith.addi %rem3A_20, %select_n3A_19 : i32
    %select_n3A_28 = arith.select %and3A_27, %add3A, %rem3A_20 : i32
    %mul3A = arith.constant 2 : i32
    %mul3A_29 = arith.muli %arg0, %mul3A : i32
    %add3A_30 = arith.addi %mul3A_29, %select_n3A : i32
    %mul3A_31 = arith.constant 14336 : i32
    %mul3A_32 = arith.muli %select_n3A_28, %mul3A_31 : i32
    %iota3A = tpu.iota {dimensions = array<i32: 0>} : vector<16xi32>
    %broadcast_in_dim3A = arith.constant 1 : i32
    %broadcast_in_dim3A_33 = vector.broadcast %broadcast_in_dim3A : i32 to vector<16xi32>
    %lt3A_34 = arith.constant 16 : i32
    %lt3A_35 = vector.broadcast %lt3A_34 : i32 to vector<16xi32>
    %lt3A_36 = arith.cmpi slt, %iota3A, %lt3A_35 : vector<16xi32>
    %mul3A_37 = arith.constant 114688 : i32
    %mul3A_38 = arith.muli %add3A_30, %mul3A_37 : i32
    %add3A_39 = arith.addi %mul3A_38, %mul3A_32 : i32
    "tpu.region"() ({
      %run_scoped3A_1310 = tpu.sem_alloc : memref<!tpu.dma_semaphore, #tpu.memory_space<semaphore_mem>>
      %dma_start3A_1311 = tpu.memref_slice %arg2[%add3A_39] : memref<458752xf32, #tpu.memory_space<hbm>> -> memref<14336xf32, #tpu.memory_space<hbm>>
      %dma_start3A_1312 = tpu.memref_slice %arg2[%add3A_39] : memref<458752xf32, #tpu.memory_space<hbm>> -> memref<14336xf32, #tpu.memory_space<hbm>>
      tpu.enqueue_dma source(%dma_start3A_1312 : memref<14336xf32, #tpu.memory_space<hbm>>) target(%arg6 : memref<14336xf32, #tpu.memory_space<vmem>>) target_semaphore(%run_scoped3A_1310 : memref<!tpu.dma_semaphore, #tpu.memory_space<semaphore_mem>>)
      %dma_wait3A_1313 = tpu.memref_slice %arg2[%add3A_39] : memref<458752xf32, #tpu.memory_space<hbm>> -> memref<14336xf32, #tpu.memory_space<hbm>>
      %dma_wait3A_1314 = tpu.memref_slice %arg2[%add3A_39] : memref<458752xf32, #tpu.memory_space<hbm>> -> memref<14336xf32, #tpu.memory_space<hbm>>
      tpu.wait_dma2 semaphore(%run_scoped3A_1310 : memref<!tpu.dma_semaphore, #tpu.memory_space<semaphore_mem>>) src(%dma_wait3A_1314 : memref<14336xf32, #tpu.memory_space<hbm>>) dst(%arg6 : memref<14336xf32, #tpu.memory_space<vmem>>)
      tpu.yield
    }) : () -> ()
    %scan3A = arith.constant 0 : i32
    %scan3A_40 = arith.constant 0 : i32
    %scan3A_41 = arith.constant 256 : i32
    %scan3A_42 = arith.addi %scan3A_40, %scan3A_41 : i32
    %scan3A_43 = arith.constant 1 : i32
    scf.for %scan3A_1310 = %scan3A_40 to %scan3A_42 step %scan3A_43  : i32 {
      %broadcast_in_dim3A_1311 = arith.constant 0 : i32
      %broadcast_in_dim3A_1312 = vector.broadcast %broadcast_in_dim3A_1311 : i32 to vector<16xi32>
      %mul3A_1313 = arith.constant 16 : i32
      %mul3A_1314 = arith.muli %scan3A_1310, %mul3A_1313 : i32
      %swap3A_1315 = arith.index_cast %mul3A_1314 : i32 to index
      %swap3A_1316 = tpu.vector_load %arg9[%swap3A_1315] {strides = array<i32>} : memref<4096xi32, #tpu.memory_space<vmem>>, vector<16xi32>,
      tpu.vector_store %arg9[%swap3A_1315], %broadcast_in_dim3A_1312 {strides = array<i32>} : memref<4096xi32, #tpu.memory_space<vmem>>, vector<16xi32>,
    }
    %scan3A_44 = arith.constant 256 : i32
    %scan3A_45 = arith.constant 0 : i32
    %scan3A_46 = arith.constant 0 : i32
    %scan3A_47 = arith.constant 896 : i32
    %scan3A_48 = arith.addi %scan3A_46, %scan3A_47 : i32
    %scan3A_49 = arith.constant 1 : i32
    scf.for %scan3A_1310 = %scan3A_46 to %scan3A_48 step %scan3A_49  : i32 {
      %mul3A_1311 = arith.constant 16 : i32
      %mul3A_1312 = arith.muli %scan3A_1310, %mul3A_1311 : i32
      %get3A_1313 = arith.index_cast %mul3A_1312 : i32 to index
      %get3A_1314 = tpu.vector_load %arg6[%get3A_1313] {strides = array<i32>} : memref<14336xf32, #tpu.memory_space<vmem>>, vector<16xf32>,
      %bitcast_convert_type3A = tpu.bitcast %get3A_1314 : vector<16xf32> -> vector<16xi32>
      %ge3A = arith.constant 0 : i32
      %ge3A_1315 = vector.broadcast %ge3A : i32 to vector<16xi32>
      %ge3A_1316 = arith.cmpi sge, %bitcast_convert_type3A, %ge3A_1315 : vector<16xi32>
      %xor3A_1317 = arith.constant 2147483647 : i32
      %xor3A_1318 = vector.broadcast %xor3A_1317 : i32 to vector<16xi32>
      %xor3A_1319 = arith.xori %bitcast_convert_type3A, %xor3A_1318 : vector<16xi32>
      %select_n3A_1320 = arith.select %ge3A_1316, %bitcast_convert_type3A, %xor3A_1319 : vector<16xi1>, vector<16xi32>
      %xor3A_1321 = arith.constant -2147483648 : i32
      %xor3A_1322 = vector.broadcast %xor3A_1321 : i32 to vector<16xi32>
      %xor3A_1323 = arith.xori %select_n3A_1320, %xor3A_1322 : vector<16xi32>
      %shift_right_logical3A = arith.constant 24 : i32
      %shift_right_logical3A_1324 = vector.broadcast %shift_right_logical3A : i32 to vector<16xi32>
      %shift_right_logical3A_1325 = arith.shrui %xor3A_1323, %shift_right_logical3A_1324 : vector<16xi32>
      %mul3A_1326 = arith.constant 256 : i32
      %mul3A_1327 = vector.broadcast %mul3A_1326 : i32 to vector<16xi32>
      %mul3A_1328 = arith.muli %iota3A, %mul3A_1327 : vector<16xi32>
      %add3A_1329 = arith.addi %mul3A_1328, %shift_right_logical3A_1325 : vector<16xi32>
      tpu.vector_store_idx %arg9[%add3A_1329], %broadcast_in_dim3A_33 masked %lt3A_36 {add = true} : memref<4096xi32, #tpu.memory_space<vmem>>[vector<16xi32>], vector<16xi32>, vector<16xi1>
    }
    %scan3A_50 = arith.constant 896 : i32
    %scan3A_51 = arith.constant 0 : i32
    %scan3A_52 = arith.constant 0 : i32
    %scan3A_53 = arith.constant 16 : i32
    %scan3A_54 = arith.addi %scan3A_52, %scan3A_53 : i32
    %scan3A_55 = arith.constant 1 : i32
    scf.for %scan3A_1310 = %scan3A_52 to %scan3A_54 step %scan3A_55  : i32 {
      %mul3A_1311 = arith.constant 16 : i32
      %mul3A_1312 = arith.muli %scan3A_1310, %mul3A_1311 : i32
      %get3A_1313 = arith.index_cast %mul3A_1312 : i32 to index
      %get3A_1314 = tpu.vector_load %arg9[%get3A_1313] {strides = array<i32>} : memref<4096xi32, #tpu.memory_space<vmem>>, vector<16xi32>,
      %mul3A_1315 = arith.constant 16 : i32
      %mul3A_1316 = arith.muli %scan3A_1310, %mul3A_1315 : i32
      %add3A_1317 = arith.constant 256 : i32
      %add3A_1318 = arith.addi %add3A_1317, %mul3A_1316 : i32
      %get3A_1319 = arith.index_cast %add3A_1318 : i32 to index
      %get3A_1320 = tpu.vector_load %arg9[%get3A_1319] {strides = array<i32>} : memref<4096xi32, #tpu.memory_space<vmem>>, vector<16xi32>,
      %add3A_1321 = arith.addi %get3A_1314, %get3A_1320 : vector<16xi32>
      %mul3A_1322 = arith.constant 16 : i32
      %mul3A_1323 = arith.muli %scan3A_1310, %mul3A_1322 : i32
      %add3A_1324 = arith.constant 512 : i32
      %add3A_1325 = arith.addi %add3A_1324, %mul3A_1323 : i32
      %get3A_1326 = arith.index_cast %add3A_1325 : i32 to index
      %get3A_1327 = tpu.vector_load %arg9[%get3A_1326] {strides = array<i32>} : memref<4096xi32, #tpu.memory_space<vmem>>, vector<16xi32>,
      %add3A_1328 = arith.addi %add3A_1321, %get3A_1327 : vector<16xi32>
      %mul3A_1329 = arith.constant 16 : i32
      %mul3A_1330 = arith.muli %scan3A_1310, %mul3A_1329 : i32
      %add3A_1331 = arith.constant 768 : i32
      %add3A_1332 = arith.addi %add3A_1331, %mul3A_1330 : i32
      %get3A_1333 = arith.index_cast %add3A_1332 : i32 to index
      %get3A_1334 = tpu.vector_load %arg9[%get3A_1333] {strides = array<i32>} : memref<4096xi32, #tpu.memory_space<vmem>>, vector<16xi32>,
      %add3A_1335 = arith.addi %add3A_1328, %get3A_1334 : vector<16xi32>
      %mul3A_1336 = arith.constant 16 : i32
      %mul3A_1337 = arith.muli %scan3A_1310, %mul3A_1336 : i32
      %add3A_1338 = arith.constant 1024 : i32
      %add3A_1339 = arith.addi %add3A_1338, %mul3A_1337 : i32
      %get3A_1340 = arith.index_cast %add3A_1339 : i32 to index
      %get3A_1341 = tpu.vector_load %arg9[%get3A_1340] {strides = array<i32>} : memref<4096xi32, #tpu.memory_space<vmem>>, vector<16xi32>,
      %add3A_1342 = arith.addi %add3A_1335, %get3A_1341 : vector<16xi32>
      %mul3A_1343 = arith.constant 16 : i32
      %mul3A_1344 = arith.muli %scan3A_1310, %mul3A_1343 : i32
      %add3A_1345 = arith.constant 1280 : i32
      %add3A_1346 = arith.addi %add3A_1345, %mul3A_1344 : i32
      %get3A_1347 = arith.index_cast %add3A_1346 : i32 to index
      %get3A_1348 = tpu.vector_load %arg9[%get3A_1347] {strides = array<i32>} : memref<4096xi32, #tpu.memory_space<vmem>>, vector<16xi32>,
      %add3A_1349 = arith.addi %add3A_1342, %get3A_1348 : vector<16xi32>
      %mul3A_1350 = arith.constant 16 : i32
      %mul3A_1351 = arith.muli %scan3A_1310, %mul3A_1350 : i32
      %add3A_1352 = arith.constant 1536 : i32
      %add3A_1353 = arith.addi %add3A_1352, %mul3A_1351 : i32
      %get3A_1354 = arith.index_cast %add3A_1353 : i32 to index
      %get3A_1355 = tpu.vector_load %arg9[%get3A_1354] {strides = array<i32>} : memref<4096xi32, #tpu.memory_space<vmem>>, vector<16xi32>,
      %add3A_1356 = arith.addi %add3A_1349, %get3A_1355 : vector<16xi32>
      %mul3A_1357 = arith.constant 16 : i32
      %mul3A_1358 = arith.muli %scan3A_1310, %mul3A_1357 : i32
      %add3A_1359 = arith.constant 1792 : i32
      %add3A_1360 = arith.addi %add3A_1359, %mul3A_1358 : i32
      %get3A_1361 = arith.index_cast %add3A_1360 : i32 to index
      %get3A_1362 = tpu.vector_load %arg9[%get3A_1361] {strides = array<i32>} : memref<4096xi32, #tpu.memory_space<vmem>>, vector<16xi32>,
      %add3A_1363 = arith.addi %add3A_1356, %get3A_1362 : vector<16xi32>
      %mul3A_1364 = arith.constant 16 : i32
      %mul3A_1365 = arith.muli %scan3A_1310, %mul3A_1364 : i32
      %add3A_1366 = arith.constant 2048 : i32
      %add3A_1367 = arith.addi %add3A_1366, %mul3A_1365 : i32
      %get3A_1368 = arith.index_cast %add3A_1367 : i32 to index
      %get3A_1369 = tpu.vector_load %arg9[%get3A_1368] {strides = array<i32>} : memref<4096xi32, #tpu.memory_space<vmem>>, vector<16xi32>,
      %add3A_1370 = arith.addi %add3A_1363, %get3A_1369 : vector<16xi32>
      %mul3A_1371 = arith.constant 16 : i32
      %mul3A_1372 = arith.muli %scan3A_1310, %mul3A_1371 : i32
      %add3A_1373 = arith.constant 2304 : i32
      %add3A_1374 = arith.addi %add3A_1373, %mul3A_1372 : i32
      %get3A_1375 = arith.index_cast %add3A_1374 : i32 to index
      %get3A_1376 = tpu.vector_load %arg9[%get3A_1375] {strides = array<i32>} : memref<4096xi32, #tpu.memory_space<vmem>>, vector<16xi32>,
      %add3A_1377 = arith.addi %add3A_1370, %get3A_1376 : vector<16xi32>
      %mul3A_1378 = arith.constant 16 : i32
      %mul3A_1379 = arith.muli %scan3A_1310, %mul3A_1378 : i32
      %add3A_1380 = arith.constant 2560 : i32
      %add3A_1381 = arith.addi %add3A_1380, %mul3A_1379 : i32
      %get3A_1382 = arith.index_cast %add3A_1381 : i32 to index
      %get3A_1383 = tpu.vector_load %arg9[%get3A_1382] {strides = array<i32>} : memref<4096xi32, #tpu.memory_space<vmem>>, vector<16xi32>,
      %add3A_1384 = arith.addi %add3A_1377, %get3A_1383 : vector<16xi32>
      %mul3A_1385 = arith.constant 16 : i32
      %mul3A_1386 = arith.muli %scan3A_1310, %mul3A_1385 : i32
      %add3A_1387 = arith.constant 2816 : i32
      %add3A_1388 = arith.addi %add3A_1387, %mul3A_1386 : i32
      %get3A_1389 = arith.index_cast %add3A_1388 : i32 to index
      %get3A_1390 = tpu.vector_load %arg9[%get3A_1389] {strides = array<i32>} : memref<4096xi32, #tpu.memory_space<vmem>>, vector<16xi32>,
      %add3A_1391 = arith.addi %add3A_1384, %get3A_1390 : vector<16xi32>
      %mul3A_1392 = arith.constant 16 : i32
      %mul3A_1393 = arith.muli %scan3A_1310, %mul3A_1392 : i32
      %add3A_1394 = arith.constant 3072 : i32
      %add3A_1395 = arith.addi %add3A_1394, %mul3A_1393 : i32
      %get3A_1396 = arith.index_cast %add3A_1395 : i32 to index
      %get3A_1397 = tpu.vector_load %arg9[%get3A_1396] {strides = array<i32>} : memref<4096xi32, #tpu.memory_space<vmem>>, vector<16xi32>,
      %add3A_1398 = arith.addi %add3A_1391, %get3A_1397 : vector<16xi32>
      %mul3A_1399 = arith.constant 16 : i32
      %mul3A_1400 = arith.muli %scan3A_1310, %mul3A_1399 : i32
      %add3A_1401 = arith.constant 3328 : i32
      %add3A_1402 = arith.addi %add3A_1401, %mul3A_1400 : i32
      %get3A_1403 = arith.index_cast %add3A_1402 : i32 to index
      %get3A_1404 = tpu.vector_load %arg9[%get3A_1403] {strides = array<i32>} : memref<4096xi32, #tpu.memory_space<vmem>>, vector<16xi32>,
      %add3A_1405 = arith.addi %add3A_1398, %get3A_1404 : vector<16xi32>
      %mul3A_1406 = arith.constant 16 : i32
      %mul3A_1407 = arith.muli %scan3A_1310, %mul3A_1406 : i32
      %add3A_1408 = arith.constant 3584 : i32
      %add3A_1409 = arith.addi %add3A_1408, %mul3A_1407 : i32
      %get3A_1410 = arith.index_cast %add3A_1409 : i32 to index
      %get3A_1411 = tpu.vector_load %arg9[%get3A_1410] {strides = array<i32>} : memref<4096xi32, #tpu.memory_space<vmem>>, vector<16xi32>,
      %add3A_1412 = arith.addi %add3A_1405, %get3A_1411 : vector<16xi32>
      %mul3A_1413 = arith.constant 16 : i32
      %mul3A_1414 = arith.muli %scan3A_1310, %mul3A_1413 : i32
      %add3A_1415 = arith.constant 3840 : i32
      %add3A_1416 = arith.addi %add3A_1415, %mul3A_1414 : i32
      %get3A_1417 = arith.index_cast %add3A_1416 : i32 to index
      %get3A_1418 = tpu.vector_load %arg9[%get3A_1417] {strides = array<i32>} : memref<4096xi32, #tpu.memory_space<vmem>>, vector<16xi32>,
      %add3A_1419 = arith.addi %add3A_1412, %get3A_1418 : vector<16xi32>
      %mul3A_1420 = arith.constant 16 : i32
      %mul3A_1421 = arith.muli %scan3A_1310, %mul3A_1420 : i32
      %swap3A_1422 = arith.index_cast %mul3A_1421 : i32 to index
      %swap3A_1423 = tpu.vector_load %arg12[%swap3A_1422] {strides = array<i32>} : memref<256xi32, #tpu.memory_space<vmem>>, vector<16xi32>,
      tpu.vector_store %arg12[%swap3A_1422], %add3A_1419 {strides = array<i32>} : memref<256xi32, #tpu.memory_space<vmem>>, vector<16xi32>,
    }
    %scan3A_56 = arith.constant 16 : i32
    %run_scoped3A = arith.constant 0 : i32
    "tpu.region"() ({
      %run_scoped3A_1310 = tpu.sem_alloc : memref<!tpu.dma_semaphore, #tpu.memory_space<semaphore_mem>>
      %dma_start3A_1311 = arith.constant 0 : i32
      %dma_start3A_1312 = tpu.memref_slice %arg19[%run_scoped3A, %select_n3A, %select_n3A_28, %dma_start3A_1311] : memref<4x2x8x256xi32, #tpu.memory_space<vmem_shared>> -> memref<1x1x1x256xi32, #tpu.memory_space<vmem_shared>>
      %dma_start3A_1313 = tpu.memref_squeeze %dma_start3A_1312 : memref<1x1x1x256xi32, #tpu.memory_space<vmem_shared>> -> memref<256xi32, #tpu.memory_space<vmem_shared>>
      %dma_start3A_1314 = arith.constant 0 : i32
      %dma_start3A_1315 = tpu.memref_slice %arg19[%run_scoped3A, %select_n3A, %select_n3A_28, %dma_start3A_1314] : memref<4x2x8x256xi32, #tpu.memory_space<vmem_shared>> -> memref<1x1x1x256xi32, #tpu.memory_space<vmem_shared>>
      %dma_start3A_1316 = tpu.memref_squeeze %dma_start3A_1315 : memref<1x1x1x256xi32, #tpu.memory_space<vmem_shared>> -> memref<256xi32, #tpu.memory_space<vmem_shared>>
      tpu.enqueue_dma source(%arg12 : memref<256xi32, #tpu.memory_space<vmem>>) target(%dma_start3A_1316 : memref<256xi32, #tpu.memory_space<vmem_shared>>) target_semaphore(%run_scoped3A_1310 : memref<!tpu.dma_semaphore, #tpu.memory_space<semaphore_mem>>)
      %dma_wait3A_1317 = arith.constant 0 : i32
      %dma_wait3A_1318 = tpu.memref_slice %arg19[%run_scoped3A, %select_n3A, %select_n3A_28, %dma_wait3A_1317] : memref<4x2x8x256xi32, #tpu.memory_space<vmem_shared>> -> memref<1x1x1x256xi32, #tpu.memory_space<vmem_shared>>
      %dma_wait3A_1319 = tpu.memref_squeeze %dma_wait3A_1318 : memref<1x1x1x256xi32, #tpu.memory_space<vmem_shared>> -> memref<256xi32, #tpu.memory_space<vmem_shared>>
      %dma_wait3A_1320 = arith.constant 0 : i32
      %dma_wait3A_1321 = tpu.memref_slice %arg19[%run_scoped3A, %select_n3A, %select_n3A_28, %dma_wait3A_1320] : memref<4x2x8x256xi32, #tpu.memory_space<vmem_shared>> -> memref<1x1x1x256xi32, #tpu.memory_space<vmem_shared>>
      %dma_wait3A_1322 = tpu.memref_squeeze %dma_wait3A_1321 : memref<1x1x1x256xi32, #tpu.memory_space<vmem_shared>> -> memref<256xi32, #tpu.memory_space<vmem_shared>>
      tpu.wait_dma2 semaphore(%run_scoped3A_1310 : memref<!tpu.dma_semaphore, #tpu.memory_space<semaphore_mem>>) src(%arg12 : memref<256xi32, #tpu.memory_space<vmem>>) dst(%dma_wait3A_1322 : memref<256xi32, #tpu.memory_space<vmem_shared>>)
      tpu.yield
    }) : () -> ()
    %barrier3A = arith.constant 0 : index
    tpu.barrier barrier_id(%barrier3A)
    %run_scoped3A_57 = arith.constant 0 : i32
    "tpu.region"() ({
      %run_scoped3A_1310 = tpu.sem_alloc : memref<!tpu.dma_semaphore, #tpu.memory_space<semaphore_mem>>
      %dma_start3A_1311 = arith.constant 0 : i32
      %dma_start3A_1312 = arith.constant 0 : i32
      %dma_start3A_1313 = tpu.memref_slice %arg19[%run_scoped3A_57, %select_n3A, %dma_start3A_1311, %dma_start3A_1312] : memref<4x2x8x256xi32, #tpu.memory_space<vmem_shared>> -> memref<1x1x8x256xi32, #tpu.memory_space<vmem_shared>>
      %dma_start3A_1314 = tpu.memref_squeeze %dma_start3A_1313 : memref<1x1x8x256xi32, #tpu.memory_space<vmem_shared>> -> memref<8x256xi32, #tpu.memory_space<vmem_shared>>
      %dma_start3A_1315 = arith.constant 0 : i32
      %dma_start3A_1316 = arith.constant 0 : i32
      %dma_start3A_1317 = tpu.memref_slice %arg19[%run_scoped3A_57, %select_n3A, %dma_start3A_1315, %dma_start3A_1316] : memref<4x2x8x256xi32, #tpu.memory_space<vmem_shared>> -> memref<1x1x8x256xi32, #tpu.memory_space<vmem_shared>>
      %dma_start3A_1318 = tpu.memref_squeeze %dma_start3A_1317 : memref<1x1x8x256xi32, #tpu.memory_space<vmem_shared>> -> memref<8x256xi32, #tpu.memory_space<vmem_shared>>
      tpu.enqueue_dma source(%dma_start3A_1318 : memref<8x256xi32, #tpu.memory_space<vmem_shared>>) target(%arg10 : memref<8x256xi32, #tpu.memory_space<vmem>>) target_semaphore(%run_scoped3A_1310 : memref<!tpu.dma_semaphore, #tpu.memory_space<semaphore_mem>>)
      %dma_wait3A_1319 = arith.constant 0 : i32
      %dma_wait3A_1320 = arith.constant 0 : i32
      %dma_wait3A_1321 = tpu.memref_slice %arg19[%run_scoped3A_57, %select_n3A, %dma_wait3A_1319, %dma_wait3A_1320] : memref<4x2x8x256xi32, #tpu.memory_space<vmem_shared>> -> memref<1x1x8x256xi32, #tpu.memory_space<vmem_shared>>
      %dma_wait3A_1322 = tpu.memref_squeeze %dma_wait3A_1321 : memref<1x1x8x256xi32, #tpu.memory_space<vmem_shared>> -> memref<8x256xi32, #tpu.memory_space<vmem_shared>>
      %dma_wait3A_1323 = arith.constant 0 : i32
      %dma_wait3A_1324 = arith.constant 0 : i32
      %dma_wait3A_1325 = tpu.memref_slice %arg19[%run_scoped3A_57, %select_n3A, %dma_wait3A_1323, %dma_wait3A_1324] : memref<4x2x8x256xi32, #tpu.memory_space<vmem_shared>> -> memref<1x1x8x256xi32, #tpu.memory_space<vmem_shared>>
      %dma_wait3A_1326 = tpu.memref_squeeze %dma_wait3A_1325 : memref<1x1x8x256xi32, #tpu.memory_space<vmem_shared>> -> memref<8x256xi32, #tpu.memory_space<vmem_shared>>
      tpu.wait_dma2 semaphore(%run_scoped3A_1310 : memref<!tpu.dma_semaphore, #tpu.memory_space<semaphore_mem>>) src(%dma_wait3A_1326 : memref<8x256xi32, #tpu.memory_space<vmem_shared>>) dst(%arg10 : memref<8x256xi32, #tpu.memory_space<vmem>>)
      tpu.yield
    }) : () -> ()
    %scan3A_58 = arith.constant 0 : i32
    %scan3A_59 = arith.constant 0 : i32
    %scan3A_60 = arith.constant 16 : i32
    %scan3A_61 = arith.addi %scan3A_59, %scan3A_60 : i32
    %scan3A_62 = arith.constant 1 : i32
    scf.for %scan3A_1310 = %scan3A_59 to %scan3A_61 step %scan3A_62  : i32 {
      %mul3A_1311 = arith.constant 16 : i32
      %mul3A_1312 = arith.muli %scan3A_1310, %mul3A_1311 : i32
      %get3A_1313 = arith.constant 0 : i32
      %get3A_1314 = arith.index_cast %get3A_1313 : i32 to index
      %get3A_1315 = arith.index_cast %mul3A_1312 : i32 to index
      %get3A_1316 = tpu.vector_load %arg10[%get3A_1314, %get3A_1315] {strides = array<i32>} : memref<8x256xi32, #tpu.memory_space<vmem>>, vector<16xi32>,
      %mul3A_1317 = arith.constant 16 : i32
      %mul3A_1318 = arith.muli %scan3A_1310, %mul3A_1317 : i32
      %get3A_1319 = arith.constant 1 : i32
      %get3A_1320 = arith.index_cast %get3A_1319 : i32 to index
      %get3A_1321 = arith.index_cast %mul3A_1318 : i32 to index
      %get3A_1322 = tpu.vector_load %arg10[%get3A_1320, %get3A_1321] {strides = array<i32>} : memref<8x256xi32, #tpu.memory_space<vmem>>, vector<16xi32>,
      %add3A_1323 = arith.addi %get3A_1316, %get3A_1322 : vector<16xi32>
      %mul3A_1324 = arith.constant 16 : i32
      %mul3A_1325 = arith.muli %scan3A_1310, %mul3A_1324 : i32
      %get3A_1326 = arith.constant 2 : i32
      %get3A_1327 = arith.index_cast %get3A_1326 : i32 to index
      %get3A_1328 = arith.index_cast %mul3A_1325 : i32 to index
      %get3A_1329 = tpu.vector_load %arg10[%get3A_1327, %get3A_1328] {strides = array<i32>} : memref<8x256xi32, #tpu.memory_space<vmem>>, vector<16xi32>,
      %add3A_1330 = arith.addi %add3A_1323, %get3A_1329 : vector<16xi32>
      %mul3A_1331 = arith.constant 16 : i32
      %mul3A_1332 = arith.muli %scan3A_1310, %mul3A_1331 : i32
      %get3A_1333 = arith.constant 3 : i32
      %get3A_1334 = arith.index_cast %get3A_1333 : i32 to index
      %get3A_1335 = arith.index_cast %mul3A_1332 : i32 to index
      %get3A_1336 = tpu.vector_load %arg10[%get3A_1334, %get3A_1335] {strides = array<i32>} : memref<8x256xi32, #tpu.memory_space<vmem>>, vector<16xi32>,
      %add3A_1337 = arith.addi %add3A_1330, %get3A_1336 : vector<16xi32>
      %mul3A_1338 = arith.constant 16 : i32
      %mul3A_1339 = arith.muli %scan3A_1310, %mul3A_1338 : i32
      %get3A_1340 = arith.constant 4 : i32
      %get3A_1341 = arith.index_cast %get3A_1340 : i32 to index
      %get3A_1342 = arith.index_cast %mul3A_1339 : i32 to index
      %get3A_1343 = tpu.vector_load %arg10[%get3A_1341, %get3A_1342] {strides = array<i32>} : memref<8x256xi32, #tpu.memory_space<vmem>>, vector<16xi32>,
      %add3A_1344 = arith.addi %add3A_1337, %get3A_1343 : vector<16xi32>
      %mul3A_1345 = arith.constant 16 : i32
      %mul3A_1346 = arith.muli %scan3A_1310, %mul3A_1345 : i32
      %get3A_1347 = arith.constant 5 : i32
      %get3A_1348 = arith.index_cast %get3A_1347 : i32 to index
      %get3A_1349 = arith.index_cast %mul3A_1346 : i32 to index
      %get3A_1350 = tpu.vector_load %arg10[%get3A_1348, %get3A_1349] {strides = array<i32>} : memref<8x256xi32, #tpu.memory_space<vmem>>, vector<16xi32>,
      %add3A_1351 = arith.addi %add3A_1344, %get3A_1350 : vector<16xi32>
      %mul3A_1352 = arith.constant 16 : i32
      %mul3A_1353 = arith.muli %scan3A_1310, %mul3A_1352 : i32
      %get3A_1354 = arith.constant 6 : i32
      %get3A_1355 = arith.index_cast %get3A_1354 : i32 to index
      %get3A_1356 = arith.index_cast %mul3A_1353 : i32 to index
      %get3A_1357 = tpu.vector_load %arg10[%get3A_1355, %get3A_1356] {strides = array<i32>} : memref<8x256xi32, #tpu.memory_space<vmem>>, vector<16xi32>,
      %add3A_1358 = arith.addi %add3A_1351, %get3A_1357 : vector<16xi32>
      %mul3A_1359 = arith.constant 16 : i32
      %mul3A_1360 = arith.muli %scan3A_1310, %mul3A_1359 : i32
      %get3A_1361 = arith.constant 7 : i32
      %get3A_1362 = arith.index_cast %get3A_1361 : i32 to index
      %get3A_1363 = arith.index_cast %mul3A_1360 : i32 to index
      %get3A_1364 = tpu.vector_load %arg10[%get3A_1362, %get3A_1363] {strides = array<i32>} : memref<8x256xi32, #tpu.memory_space<vmem>>, vector<16xi32>,
      %add3A_1365 = arith.addi %add3A_1358, %get3A_1364 : vector<16xi32>
      %mul3A_1366 = arith.constant 16 : i32
      %mul3A_1367 = arith.muli %scan3A_1310, %mul3A_1366 : i32
      %swap3A_1368 = arith.index_cast %mul3A_1367 : i32 to index
      %swap3A_1369 = tpu.vector_load %arg11[%swap3A_1368] {strides = array<i32>} : memref<256xi32, #tpu.memory_space<vmem>>, vector<16xi32>,
      tpu.vector_store %arg11[%swap3A_1368], %add3A_1365 {strides = array<i32>} : memref<256xi32, #tpu.memory_space<vmem>>, vector<16xi32>,
    }
    %scan3A_63 = arith.constant 16 : i32
    %scan3A_64 = arith.constant 10000 : i32
    %scan3A_65 = arith.constant 0 : i32
    %scan3A_66 = arith.constant 255 : i32
    %scan3A_67 = arith.constant 0 : i32
    %scan3A_68 = arith.constant 8 : i32
    %scan3A_69 = arith.addi %scan3A_67, %scan3A_68 : i32
    %scan3A_70 = arith.constant 1 : i32
    %scan3A_71:2 = scf.for %scan3A_1310 = %scan3A_67 to %scan3A_69 step %scan3A_70 iter_args(%scan3A_1311 = %scan3A_65, %scan3A_1312 = %scan3A_66) -> (i32, i32)  : i32 {
      %add3A_1313 = arith.addi %scan3A_1311, %scan3A_1312 : i32
      %add3A_1314 = arith.constant 1 : i32
      %add3A_1315 = arith.addi %add3A_1313, %add3A_1314 : i32
      %shift_right_arithmetic3A_1316 = arith.constant 1 : i32
      %shift_right_arithmetic3A_1317 = arith.shrsi %add3A_1315, %shift_right_arithmetic3A_1316 : i32
      %scan3A_1318 = arith.constant 0 : i32
      %scan3A_1319 = arith.constant 0 : i32
      %scan3A_1320 = arith.constant 16 : i32
      %scan3A_1321 = arith.addi %scan3A_1319, %scan3A_1320 : i32
      %scan3A_1322 = arith.constant 1 : i32
      %scan3A_1323 = scf.for %scan3A_1329 = %scan3A_1319 to %scan3A_1321 step %scan3A_1322 iter_args(%scan3A_1330 = %scan3A_1318) -> (i32)  : i32 {
        %mul3A_1331 = arith.constant 16 : i32
        %mul3A_1332 = arith.muli %scan3A_1329, %mul3A_1331 : i32
        %get3A_1333 = arith.index_cast %mul3A_1332 : i32 to index
        %get3A_1334 = tpu.vector_load %arg11[%get3A_1333] {strides = array<i32>} : memref<256xi32, #tpu.memory_space<vmem>>, vector<16xi32>,
        %mul3A_1335 = arith.constant 16 : i32
        %mul3A_1336 = arith.muli %scan3A_1329, %mul3A_1335 : i32
        %add3A_1337 = vector.broadcast %mul3A_1336 : i32 to vector<16xi32>
        %add3A_1338 = arith.addi %add3A_1337, %iota3A : vector<16xi32>
        %ge3A_1339 = vector.broadcast %shift_right_arithmetic3A_1317 : i32 to vector<16xi32>
        %ge3A_1340 = arith.cmpi sge, %add3A_1338, %ge3A_1339 : vector<16xi32>
        %jit3A_1341 = arith.constant 0 : i32
        %broadcast_in_dim3A_1342 = vector.broadcast %jit3A_1341 : i32 to vector<16xi32>
        %select_n3A_1343 = arith.select %ge3A_1340, %get3A_1334, %broadcast_in_dim3A_1342 : vector<16xi1>, vector<16xi32>
        %reduce_sum3A_1344 = arith.constant true
        %reduce_sum3A_1345 = vector.broadcast %reduce_sum3A_1344 : i1 to vector<16xi1>
        %reduce_sum3A_1346 = tpu.scan <sum>, %select_n3A_1343 masked %reduce_sum3A_1345 : vector<16xi32>, vector<16xi1> -> vector<16xi32>
        %reduce_sum3A_1347 = vector.extract %reduce_sum3A_1346[15] : i32 from vector<16xi32>
        %add3A_1348 = arith.addi %scan3A_1330, %reduce_sum3A_1347 : i32
        scf.yield %add3A_1348 : i32
      }
      %scan3A_1324 = arith.constant 16 : i32
      %ge3A = arith.cmpi sge, %scan3A_1323, %scan3A_64 : i32
      %select_n3A_1325 = arith.select %ge3A, %shift_right_arithmetic3A_1317, %scan3A_1311 : i32
      %sub3A_1326 = arith.constant 1 : i32
      %sub3A_1327 = arith.subi %shift_right_arithmetic3A_1317, %sub3A_1326 : i32
      %select_n3A_1328 = arith.select %ge3A, %scan3A_1312, %sub3A_1327 : i32
      scf.yield %select_n3A_1325, %select_n3A_1328 : i32, i32
    }
    %scan3A_72 = arith.constant 8 : i32
    %add3A_73 = arith.constant 1 : i32
    %add3A_74 = arith.addi %scan3A_71#0, %add3A_73 : i32
    %scan3A_75 = arith.constant 0 : i32
    %scan3A_76 = arith.constant 0 : i32
    %scan3A_77 = arith.constant 16 : i32
    %scan3A_78 = arith.addi %scan3A_76, %scan3A_77 : i32
    %scan3A_79 = arith.constant 1 : i32
    %scan3A_80 = scf.for %scan3A_1310 = %scan3A_76 to %scan3A_78 step %scan3A_79 iter_args(%scan3A_1311 = %scan3A_75) -> (i32)  : i32 {
      %mul3A_1312 = arith.constant 16 : i32
      %mul3A_1313 = arith.muli %scan3A_1310, %mul3A_1312 : i32
      %get3A_1314 = arith.index_cast %mul3A_1313 : i32 to index
      %get3A_1315 = tpu.vector_load %arg11[%get3A_1314] {strides = array<i32>} : memref<256xi32, #tpu.memory_space<vmem>>, vector<16xi32>,
      %mul3A_1316 = arith.constant 16 : i32
      %mul3A_1317 = arith.muli %scan3A_1310, %mul3A_1316 : i32
      %add3A_1318 = vector.broadcast %mul3A_1317 : i32 to vector<16xi32>
      %add3A_1319 = arith.addi %add3A_1318, %iota3A : vector<16xi32>
      %ge3A = vector.broadcast %add3A_74 : i32 to vector<16xi32>
      %ge3A_1320 = arith.cmpi sge, %add3A_1319, %ge3A : vector<16xi32>
      %jit3A_1321 = arith.constant 0 : i32
      %broadcast_in_dim3A_1322 = vector.broadcast %jit3A_1321 : i32 to vector<16xi32>
      %select_n3A_1323 = arith.select %ge3A_1320, %get3A_1315, %broadcast_in_dim3A_1322 : vector<16xi1>, vector<16xi32>
      %reduce_sum3A_1324 = arith.constant true
      %reduce_sum3A_1325 = vector.broadcast %reduce_sum3A_1324 : i1 to vector<16xi1>
      %reduce_sum3A_1326 = tpu.scan <sum>, %select_n3A_1323 masked %reduce_sum3A_1325 : vector<16xi32>, vector<16xi1> -> vector<16xi32>
      %reduce_sum3A_1327 = vector.extract %reduce_sum3A_1326[15] : i32 from vector<16xi32>
      %add3A_1328 = arith.addi %scan3A_1311, %reduce_sum3A_1327 : i32
      scf.yield %add3A_1328 : i32
    }
    %scan3A_81 = arith.constant 16 : i32
    %add3A_82 = arith.constant 1 : i32
    %add3A_83 = arith.addi %scan3A_71#0, %add3A_82 : i32
    %scan3A_84 = arith.constant 0 : i32
    %scan3A_85 = arith.constant 0 : i32
    %scan3A_86 = arith.constant 16 : i32
    %scan3A_87 = arith.addi %scan3A_85, %scan3A_86 : i32
    %scan3A_88 = arith.constant 1 : i32
    %scan3A_89 = scf.for %scan3A_1310 = %scan3A_85 to %scan3A_87 step %scan3A_88 iter_args(%scan3A_1311 = %scan3A_84) -> (i32)  : i32 {
      %mul3A_1312 = arith.constant 16 : i32
      %mul3A_1313 = arith.muli %scan3A_1310, %mul3A_1312 : i32
      %get3A_1314 = arith.index_cast %mul3A_1313 : i32 to index
      %get3A_1315 = tpu.vector_load %arg12[%get3A_1314] {strides = array<i32>} : memref<256xi32, #tpu.memory_space<vmem>>, vector<16xi32>,
      %mul3A_1316 = arith.constant 16 : i32
      %mul3A_1317 = arith.muli %scan3A_1310, %mul3A_1316 : i32
      %add3A_1318 = vector.broadcast %mul3A_1317 : i32 to vector<16xi32>
      %add3A_1319 = arith.addi %add3A_1318, %iota3A : vector<16xi32>
      %ge3A = vector.broadcast %add3A_83 : i32 to vector<16xi32>
      %ge3A_1320 = arith.cmpi sge, %add3A_1319, %ge3A : vector<16xi32>
      %jit3A_1321 = arith.constant 0 : i32
      %broadcast_in_dim3A_1322 = vector.broadcast %jit3A_1321 : i32 to vector<16xi32>
      %select_n3A_1323 = arith.select %ge3A_1320, %get3A_1315, %broadcast_in_dim3A_1322 : vector<16xi1>, vector<16xi32>
      %reduce_sum3A_1324 = arith.constant true
      %reduce_sum3A_1325 = vector.broadcast %reduce_sum3A_1324 : i1 to vector<16xi1>
      %reduce_sum3A_1326 = tpu.scan <sum>, %select_n3A_1323 masked %reduce_sum3A_1325 : vector<16xi32>, vector<16xi1> -> vector<16xi32>
      %reduce_sum3A_1327 = vector.extract %reduce_sum3A_1326[15] : i32 from vector<16xi32>
      %add3A_1328 = arith.addi %scan3A_1311, %reduce_sum3A_1327 : i32
      scf.yield %add3A_1328 : i32
    }
    %scan3A_90 = arith.constant 16 : i32
    %scan3A_91 = arith.constant 0 : i32
    %scan3A_92 = arith.constant 0 : i32
    %scan3A_93 = arith.constant 16 : i32
    %scan3A_94 = arith.addi %scan3A_92, %scan3A_93 : i32
    %scan3A_95 = arith.constant 1 : i32
    %scan3A_96 = scf.for %scan3A_1310 = %scan3A_92 to %scan3A_94 step %scan3A_95 iter_args(%scan3A_1311 = %scan3A_91) -> (i32)  : i32 {
      %mul3A_1312 = arith.constant 16 : i32
      %mul3A_1313 = arith.muli %scan3A_1310, %mul3A_1312 : i32
      %get3A_1314 = arith.index_cast %mul3A_1313 : i32 to index
      %get3A_1315 = tpu.vector_load %arg12[%get3A_1314] {strides = array<i32>} : memref<256xi32, #tpu.memory_space<vmem>>, vector<16xi32>,
      %mul3A_1316 = arith.constant 16 : i32
      %mul3A_1317 = arith.muli %scan3A_1310, %mul3A_1316 : i32
      %add3A_1318 = vector.broadcast %mul3A_1317 : i32 to vector<16xi32>
      %add3A_1319 = arith.addi %add3A_1318, %iota3A : vector<16xi32>
      %ge3A = vector.broadcast %scan3A_71#0 : i32 to vector<16xi32>
      %ge3A_1320 = arith.cmpi sge, %add3A_1319, %ge3A : vector<16xi32>
      %jit3A_1321 = arith.constant 0 : i32
      %broadcast_in_dim3A_1322 = vector.broadcast %jit3A_1321 : i32 to vector<16xi32>
      %select_n3A_1323 = arith.select %ge3A_1320, %get3A_1315, %broadcast_in_dim3A_1322 : vector<16xi1>, vector<16xi32>
      %reduce_sum3A_1324 = arith.constant true
      %reduce_sum3A_1325 = vector.broadcast %reduce_sum3A_1324 : i1 to vector<16xi1>
      %reduce_sum3A_1326 = tpu.scan <sum>, %select_n3A_1323 masked %reduce_sum3A_1325 : vector<16xi32>, vector<16xi1> -> vector<16xi32>
      %reduce_sum3A_1327 = vector.extract %reduce_sum3A_1326[15] : i32 from vector<16xi32>
      %add3A_1328 = arith.addi %scan3A_1311, %reduce_sum3A_1327 : i32
      scf.yield %add3A_1328 : i32
    }
    %scan3A_97 = arith.constant 16 : i32
    %sub3A_98 = arith.subi %scan3A_96, %scan3A_89 : i32
    %sub3A_99 = arith.constant 10000 : i32
    %sub3A_100 = arith.subi %sub3A_99, %scan3A_80 : i32
    %scan3A_101 = arith.constant 0 : i32
    %scan3A_102 = arith.constant 0 : i32
    %scan3A_103 = arith.constant 256 : i32
    %scan3A_104 = arith.addi %scan3A_102, %scan3A_103 : i32
    %scan3A_105 = arith.constant 1 : i32
    scf.for %scan3A_1310 = %scan3A_102 to %scan3A_104 step %scan3A_105  : i32 {
      %broadcast_in_dim3A_1311 = arith.constant 0 : i32
      %broadcast_in_dim3A_1312 = vector.broadcast %broadcast_in_dim3A_1311 : i32 to vector<16xi32>
      %mul3A_1313 = arith.constant 16 : i32
      %mul3A_1314 = arith.muli %scan3A_1310, %mul3A_1313 : i32
      %swap3A_1315 = arith.index_cast %mul3A_1314 : i32 to index
      %swap3A_1316 = tpu.vector_load %arg9[%swap3A_1315] {strides = array<i32>} : memref<4096xi32, #tpu.memory_space<vmem>>, vector<16xi32>,
      tpu.vector_store %arg9[%swap3A_1315], %broadcast_in_dim3A_1312 {strides = array<i32>} : memref<4096xi32, #tpu.memory_space<vmem>>, vector<16xi32>,
    }
    %scan3A_106 = arith.constant 256 : i32
    %scan3A_107 = arith.constant 0 : i32
    %scan3A_108 = arith.constant 0 : i32
    %scan3A_109 = arith.constant 896 : i32
    %scan3A_110 = arith.addi %scan3A_108, %scan3A_109 : i32
    %scan3A_111 = arith.constant 1 : i32
    %scan3A_112 = scf.for %scan3A_1310 = %scan3A_108 to %scan3A_110 step %scan3A_111 iter_args(%scan3A_1311 = %scan3A_107) -> (i32)  : i32 {
      %mul3A_1312 = arith.constant 16 : i32
      %mul3A_1313 = arith.muli %scan3A_1310, %mul3A_1312 : i32
      %get3A_1314 = arith.index_cast %mul3A_1313 : i32 to index
      %get3A_1315 = tpu.vector_load %arg6[%get3A_1314] {strides = array<i32>} : memref<14336xf32, #tpu.memory_space<vmem>>, vector<16xf32>,
      %bitcast_convert_type3A = tpu.bitcast %get3A_1315 : vector<16xf32> -> vector<16xi32>
      %ge3A = arith.constant 0 : i32
      %ge3A_1316 = vector.broadcast %ge3A : i32 to vector<16xi32>
      %ge3A_1317 = arith.cmpi sge, %bitcast_convert_type3A, %ge3A_1316 : vector<16xi32>
      %xor3A_1318 = arith.constant 2147483647 : i32
      %xor3A_1319 = vector.broadcast %xor3A_1318 : i32 to vector<16xi32>
      %xor3A_1320 = arith.xori %bitcast_convert_type3A, %xor3A_1319 : vector<16xi32>
      %select_n3A_1321 = arith.select %ge3A_1317, %bitcast_convert_type3A, %xor3A_1320 : vector<16xi1>, vector<16xi32>
      %xor3A_1322 = arith.constant -2147483648 : i32
      %xor3A_1323 = vector.broadcast %xor3A_1322 : i32 to vector<16xi32>
      %xor3A_1324 = arith.xori %select_n3A_1321, %xor3A_1323 : vector<16xi32>
      %shift_right_logical3A = arith.constant 24 : i32
      %shift_right_logical3A_1325 = vector.broadcast %shift_right_logical3A : i32 to vector<16xi32>
      %shift_right_logical3A_1326 = arith.shrui %xor3A_1324, %shift_right_logical3A_1325 : vector<16xi32>
      %eq3A_1327 = vector.broadcast %scan3A_71#0 : i32 to vector<16xi32>
      %eq3A_1328 = arith.cmpi eq, %shift_right_logical3A_1326, %eq3A_1327 : vector<16xi32>
      %shift_right_logical3A_1329 = arith.constant 16 : i32
      %shift_right_logical3A_1330 = vector.broadcast %shift_right_logical3A_1329 : i32 to vector<16xi32>
      %shift_right_logical3A_1331 = arith.shrui %xor3A_1324, %shift_right_logical3A_1330 : vector<16xi32>
      %and3A_1332 = arith.constant 255 : i32
      %and3A_1333 = vector.broadcast %and3A_1332 : i32 to vector<16xi32>
      %and3A_1334 = arith.andi %shift_right_logical3A_1331, %and3A_1333 : vector<16xi32>
      %mul3A_1335 = arith.constant 256 : i32
      %mul3A_1336 = vector.broadcast %mul3A_1335 : i32 to vector<16xi32>
      %mul3A_1337 = arith.muli %iota3A, %mul3A_1336 : vector<16xi32>
      %add3A_1338 = arith.addi %mul3A_1337, %and3A_1334 : vector<16xi32>
      tpu.vector_store_idx %arg9[%add3A_1338], %broadcast_in_dim3A_33 masked %eq3A_1328 {add = true} : memref<4096xi32, #tpu.memory_space<vmem>>[vector<16xi32>], vector<16xi32>, vector<16xi1>
      %jit3A_1339 = arith.constant 1 : i32
      %jit3A_1340 = arith.constant 0 : i32
      %broadcast_in_dim3A_1341 = vector.broadcast %jit3A_1339 : i32 to vector<16xi32>
      %broadcast_in_dim3A_1342 = vector.broadcast %jit3A_1340 : i32 to vector<16xi32>
      %select_n3A_1343 = arith.select %eq3A_1328, %broadcast_in_dim3A_1341, %broadcast_in_dim3A_1342 : vector<16xi1>, vector<16xi32>
      %broadcast_in_dim3A_1344 = arith.constant true
      %broadcast_in_dim3A_1345 = vector.broadcast %broadcast_in_dim3A_1344 : i1 to vector<16xi1>
      %masked_cumsum3A = tpu.scan <sum>, %select_n3A_1343 masked %broadcast_in_dim3A_1345 : vector<16xi32>, vector<16xi1> -> vector<16xi32>
      %add3A_1346 = vector.broadcast %scan3A_1311 : i32 to vector<16xi32>
      %add3A_1347 = arith.addi %add3A_1346, %masked_cumsum3A : vector<16xi32>
      %sub3A_1348 = arith.subi %add3A_1347, %select_n3A_1343 : vector<16xi32>
      tpu.vector_store_idx %arg7[%sub3A_1348], %xor3A_1324 masked %eq3A_1328 : memref<14336xi32, #tpu.memory_space<vmem>>[vector<16xi32>], vector<16xi32>, vector<16xi1>
      %reduce_sum3A_1349 = arith.constant true
      %reduce_sum3A_1350 = vector.broadcast %reduce_sum3A_1349 : i1 to vector<16xi1>
      %reduce_sum3A_1351 = tpu.scan <sum>, %select_n3A_1343 masked %reduce_sum3A_1350 : vector<16xi32>, vector<16xi1> -> vector<16xi32>
      %reduce_sum3A_1352 = vector.extract %reduce_sum3A_1351[15] : i32 from vector<16xi32>
      %add3A_1353 = arith.addi %scan3A_1311, %reduce_sum3A_1352 : i32
      scf.yield %add3A_1353 : i32
    }
    %scan3A_113 = arith.constant 896 : i32
    %add3A_114 = arith.constant 15 : i32
    %add3A_115 = arith.addi %scan3A_112, %add3A_114 : i32
    %shift_right_arithmetic3A = arith.constant 4 : i32
    %shift_right_arithmetic3A_116 = arith.shrsi %add3A_115, %shift_right_arithmetic3A : i32
    %scan3A_117 = arith.constant 0 : i32
    %scan3A_118 = arith.constant 0 : i32
    %scan3A_119 = arith.constant 16 : i32
    %scan3A_120 = arith.addi %scan3A_118, %scan3A_119 : i32
    %scan3A_121 = arith.constant 1 : i32
    scf.for %scan3A_1310 = %scan3A_118 to %scan3A_120 step %scan3A_121  : i32 {
      %mul3A_1311 = arith.constant 16 : i32
      %mul3A_1312 = arith.muli %scan3A_1310, %mul3A_1311 : i32
      %get3A_1313 = arith.index_cast %mul3A_1312 : i32 to index
      %get3A_1314 = tpu.vector_load %arg9[%get3A_1313] {strides = array<i32>} : memref<4096xi32, #tpu.memory_space<vmem>>, vector<16xi32>,
      %mul3A_1315 = arith.constant 16 : i32
      %mul3A_1316 = arith.muli %scan3A_1310, %mul3A_1315 : i32
      %add3A_1317 = arith.constant 256 : i32
      %add3A_1318 = arith.addi %add3A_1317, %mul3A_1316 : i32
      %get3A_1319 = arith.index_cast %add3A_1318 : i32 to index
      %get3A_1320 = tpu.vector_load %arg9[%get3A_1319] {strides = array<i32>} : memref<4096xi32, #tpu.memory_space<vmem>>, vector<16xi32>,
      %add3A_1321 = arith.addi %get3A_1314, %get3A_1320 : vector<16xi32>
      %mul3A_1322 = arith.constant 16 : i32
      %mul3A_1323 = arith.muli %scan3A_1310, %mul3A_1322 : i32
      %add3A_1324 = arith.constant 512 : i32
      %add3A_1325 = arith.addi %add3A_1324, %mul3A_1323 : i32
      %get3A_1326 = arith.index_cast %add3A_1325 : i32 to index
      %get3A_1327 = tpu.vector_load %arg9[%get3A_1326] {strides = array<i32>} : memref<4096xi32, #tpu.memory_space<vmem>>, vector<16xi32>,
      %add3A_1328 = arith.addi %add3A_1321, %get3A_1327 : vector<16xi32>
      %mul3A_1329 = arith.constant 16 : i32
      %mul3A_1330 = arith.muli %scan3A_1310, %mul3A_1329 : i32
      %add3A_1331 = arith.constant 768 : i32
      %add3A_1332 = arith.addi %add3A_1331, %mul3A_1330 : i32
      %get3A_1333 = arith.index_cast %add3A_1332 : i32 to index
      %get3A_1334 = tpu.vector_load %arg9[%get3A_1333] {strides = array<i32>} : memref<4096xi32, #tpu.memory_space<vmem>>, vector<16xi32>,
      %add3A_1335 = arith.addi %add3A_1328, %get3A_1334 : vector<16xi32>
      %mul3A_1336 = arith.constant 16 : i32
      %mul3A_1337 = arith.muli %scan3A_1310, %mul3A_1336 : i32
      %add3A_1338 = arith.constant 1024 : i32
      %add3A_1339 = arith.addi %add3A_1338, %mul3A_1337 : i32
      %get3A_1340 = arith.index_cast %add3A_1339 : i32 to index
      %get3A_1341 = tpu.vector_load %arg9[%get3A_1340] {strides = array<i32>} : memref<4096xi32, #tpu.memory_space<vmem>>, vector<16xi32>,
      %add3A_1342 = arith.addi %add3A_1335, %get3A_1341 : vector<16xi32>
      %mul3A_1343 = arith.constant 16 : i32
      %mul3A_1344 = arith.muli %scan3A_1310, %mul3A_1343 : i32
      %add3A_1345 = arith.constant 1280 : i32
      %add3A_1346 = arith.addi %add3A_1345, %mul3A_1344 : i32
      %get3A_1347 = arith.index_cast %add3A_1346 : i32 to index
      %get3A_1348 = tpu.vector_load %arg9[%get3A_1347] {strides = array<i32>} : memref<4096xi32, #tpu.memory_space<vmem>>, vector<16xi32>,
      %add3A_1349 = arith.addi %add3A_1342, %get3A_1348 : vector<16xi32>
      %mul3A_1350 = arith.constant 16 : i32
      %mul3A_1351 = arith.muli %scan3A_1310, %mul3A_1350 : i32
      %add3A_1352 = arith.constant 1536 : i32
      %add3A_1353 = arith.addi %add3A_1352, %mul3A_1351 : i32
      %get3A_1354 = arith.index_cast %add3A_1353 : i32 to index
      %get3A_1355 = tpu.vector_load %arg9[%get3A_1354] {strides = array<i32>} : memref<4096xi32, #tpu.memory_space<vmem>>, vector<16xi32>,
      %add3A_1356 = arith.addi %add3A_1349, %get3A_1355 : vector<16xi32>
      %mul3A_1357 = arith.constant 16 : i32
      %mul3A_1358 = arith.muli %scan3A_1310, %mul3A_1357 : i32
      %add3A_1359 = arith.constant 1792 : i32
      %add3A_1360 = arith.addi %add3A_1359, %mul3A_1358 : i32
      %get3A_1361 = arith.index_cast %add3A_1360 : i32 to index
      %get3A_1362 = tpu.vector_load %arg9[%get3A_1361] {strides = array<i32>} : memref<4096xi32, #tpu.memory_space<vmem>>, vector<16xi32>,
      %add3A_1363 = arith.addi %add3A_1356, %get3A_1362 : vector<16xi32>
      %mul3A_1364 = arith.constant 16 : i32
      %mul3A_1365 = arith.muli %scan3A_1310, %mul3A_1364 : i32
      %add3A_1366 = arith.constant 2048 : i32
      %add3A_1367 = arith.addi %add3A_1366, %mul3A_1365 : i32
      %get3A_1368 = arith.index_cast %add3A_1367 : i32 to index
      %get3A_1369 = tpu.vector_load %arg9[%get3A_1368] {strides = array<i32>} : memref<4096xi32, #tpu.memory_space<vmem>>, vector<16xi32>,
      %add3A_1370 = arith.addi %add3A_1363, %get3A_1369 : vector<16xi32>
      %mul3A_1371 = arith.constant 16 : i32
      %mul3A_1372 = arith.muli %scan3A_1310, %mul3A_1371 : i32
      %add3A_1373 = arith.constant 2304 : i32
      %add3A_1374 = arith.addi %add3A_1373, %mul3A_1372 : i32
      %get3A_1375 = arith.index_cast %add3A_1374 : i32 to index
      %get3A_1376 = tpu.vector_load %arg9[%get3A_1375] {strides = array<i32>} : memref<4096xi32, #tpu.memory_space<vmem>>, vector<16xi32>,
      %add3A_1377 = arith.addi %add3A_1370, %get3A_1376 : vector<16xi32>
      %mul3A_1378 = arith.constant 16 : i32
      %mul3A_1379 = arith.muli %scan3A_1310, %mul3A_1378 : i32
      %add3A_1380 = arith.constant 2560 : i32
      %add3A_1381 = arith.addi %add3A_1380, %mul3A_1379 : i32
      %get3A_1382 = arith.index_cast %add3A_1381 : i32 to index
      %get3A_1383 = tpu.vector_load %arg9[%get3A_1382] {strides = array<i32>} : memref<4096xi32, #tpu.memory_space<vmem>>, vector<16xi32>,
      %add3A_1384 = arith.addi %add3A_1377, %get3A_1383 : vector<16xi32>
      %mul3A_1385 = arith.constant 16 : i32
      %mul3A_1386 = arith.muli %scan3A_1310, %mul3A_1385 : i32
      %add3A_1387 = arith.constant 2816 : i32
      %add3A_1388 = arith.addi %add3A_1387, %mul3A_1386 : i32
      %get3A_1389 = arith.index_cast %add3A_1388 : i32 to index
      %get3A_1390 = tpu.vector_load %arg9[%get3A_1389] {strides = array<i32>} : memref<4096xi32, #tpu.memory_space<vmem>>, vector<16xi32>,
      %add3A_1391 = arith.addi %add3A_1384, %get3A_1390 : vector<16xi32>
      %mul3A_1392 = arith.constant 16 : i32
      %mul3A_1393 = arith.muli %scan3A_1310, %mul3A_1392 : i32
      %add3A_1394 = arith.constant 3072 : i32
      %add3A_1395 = arith.addi %add3A_1394, %mul3A_1393 : i32
      %get3A_1396 = arith.index_cast %add3A_1395 : i32 to index
      %get3A_1397 = tpu.vector_load %arg9[%get3A_1396] {strides = array<i32>} : memref<4096xi32, #tpu.memory_space<vmem>>, vector<16xi32>,
      %add3A_1398 = arith.addi %add3A_1391, %get3A_1397 : vector<16xi32>
      %mul3A_1399 = arith.constant 16 : i32
      %mul3A_1400 = arith.muli %scan3A_1310, %mul3A_1399 : i32
      %add3A_1401 = arith.constant 3328 : i32
      %add3A_1402 = arith.addi %add3A_1401, %mul3A_1400 : i32
      %get3A_1403 = arith.index_cast %add3A_1402 : i32 to index
      %get3A_1404 = tpu.vector_load %arg9[%get3A_1403] {strides = array<i32>} : memref<4096xi32, #tpu.memory_space<vmem>>, vector<16xi32>,
      %add3A_1405 = arith.addi %add3A_1398, %get3A_1404 : vector<16xi32>
      %mul3A_1406 = arith.constant 16 : i32
      %mul3A_1407 = arith.muli %scan3A_1310, %mul3A_1406 : i32
      %add3A_1408 = arith.constant 3584 : i32
      %add3A_1409 = arith.addi %add3A_1408, %mul3A_1407 : i32
      %get3A_1410 = arith.index_cast %add3A_1409 : i32 to index
      %get3A_1411 = tpu.vector_load %arg9[%get3A_1410] {strides = array<i32>} : memref<4096xi32, #tpu.memory_space<vmem>>, vector<16xi32>,
      %add3A_1412 = arith.addi %add3A_1405, %get3A_1411 : vector<16xi32>
      %mul3A_1413 = arith.constant 16 : i32
      %mul3A_1414 = arith.muli %scan3A_1310, %mul3A_1413 : i32
      %add3A_1415 = arith.constant 3840 : i32
      %add3A_1416 = arith.addi %add3A_1415, %mul3A_1414 : i32
      %get3A_1417 = arith.index_cast %add3A_1416 : i32 to index
      %get3A_1418 = tpu.vector_load %arg9[%get3A_1417] {strides = array<i32>} : memref<4096xi32, #tpu.memory_space<vmem>>, vector<16xi32>,
      %add3A_1419 = arith.addi %add3A_1412, %get3A_1418 : vector<16xi32>
      %mul3A_1420 = arith.constant 16 : i32
      %mul3A_1421 = arith.muli %scan3A_1310, %mul3A_1420 : i32
      %swap3A_1422 = arith.index_cast %mul3A_1421 : i32 to index
      %swap3A_1423 = tpu.vector_load %arg12[%swap3A_1422] {strides = array<i32>} : memref<256xi32, #tpu.memory_space<vmem>>, vector<16xi32>,
      tpu.vector_store %arg12[%swap3A_1422], %add3A_1419 {strides = array<i32>} : memref<256xi32, #tpu.memory_space<vmem>>, vector<16xi32>,
    }
    %scan3A_122 = arith.constant 16 : i32
    %run_scoped3A_123 = arith.constant 1 : i32
    "tpu.region"() ({
      %run_scoped3A_1310 = tpu.sem_alloc : memref<!tpu.dma_semaphore, #tpu.memory_space<semaphore_mem>>
      %dma_start3A_1311 = arith.constant 0 : i32
      %dma_start3A_1312 = tpu.memref_slice %arg19[%run_scoped3A_123, %select_n3A, %select_n3A_28, %dma_start3A_1311] : memref<4x2x8x256xi32, #tpu.memory_space<vmem_shared>> -> memref<1x1x1x256xi32, #tpu.memory_space<vmem_shared>>
      %dma_start3A_1313 = tpu.memref_squeeze %dma_start3A_1312 : memref<1x1x1x256xi32, #tpu.memory_space<vmem_shared>> -> memref<256xi32, #tpu.memory_space<vmem_shared>>
      %dma_start3A_1314 = arith.constant 0 : i32
      %dma_start3A_1315 = tpu.memref_slice %arg19[%run_scoped3A_123, %select_n3A, %select_n3A_28, %dma_start3A_1314] : memref<4x2x8x256xi32, #tpu.memory_space<vmem_shared>> -> memref<1x1x1x256xi32, #tpu.memory_space<vmem_shared>>
      %dma_start3A_1316 = tpu.memref_squeeze %dma_start3A_1315 : memref<1x1x1x256xi32, #tpu.memory_space<vmem_shared>> -> memref<256xi32, #tpu.memory_space<vmem_shared>>
      tpu.enqueue_dma source(%arg12 : memref<256xi32, #tpu.memory_space<vmem>>) target(%dma_start3A_1316 : memref<256xi32, #tpu.memory_space<vmem_shared>>) target_semaphore(%run_scoped3A_1310 : memref<!tpu.dma_semaphore, #tpu.memory_space<semaphore_mem>>)
      %dma_wait3A_1317 = arith.constant 0 : i32
      %dma_wait3A_1318 = tpu.memref_slice %arg19[%run_scoped3A_123, %select_n3A, %select_n3A_28, %dma_wait3A_1317] : memref<4x2x8x256xi32, #tpu.memory_space<vmem_shared>> -> memref<1x1x1x256xi32, #tpu.memory_space<vmem_shared>>
      %dma_wait3A_1319 = tpu.memref_squeeze %dma_wait3A_1318 : memref<1x1x1x256xi32, #tpu.memory_space<vmem_shared>> -> memref<256xi32, #tpu.memory_space<vmem_shared>>
      %dma_wait3A_1320 = arith.constant 0 : i32
      %dma_wait3A_1321 = tpu.memref_slice %arg19[%run_scoped3A_123, %select_n3A, %select_n3A_28, %dma_wait3A_1320] : memref<4x2x8x256xi32, #tpu.memory_space<vmem_shared>> -> memref<1x1x1x256xi32, #tpu.memory_space<vmem_shared>>
      %dma_wait3A_1322 = tpu.memref_squeeze %dma_wait3A_1321 : memref<1x1x1x256xi32, #tpu.memory_space<vmem_shared>> -> memref<256xi32, #tpu.memory_space<vmem_shared>>
      tpu.wait_dma2 semaphore(%run_scoped3A_1310 : memref<!tpu.dma_semaphore, #tpu.memory_space<semaphore_mem>>) src(%arg12 : memref<256xi32, #tpu.memory_space<vmem>>) dst(%dma_wait3A_1322 : memref<256xi32, #tpu.memory_space<vmem_shared>>)
      tpu.yield
    }) : () -> ()
    %barrier3A_124 = arith.constant 0 : index
    tpu.barrier barrier_id(%barrier3A_124)
    %run_scoped3A_125 = arith.constant 1 : i32
    "tpu.region"() ({
      %run_scoped3A_1310 = tpu.sem_alloc : memref<!tpu.dma_semaphore, #tpu.memory_space<semaphore_mem>>
      %dma_start3A_1311 = arith.constant 0 : i32
      %dma_start3A_1312 = arith.constant 0 : i32
      %dma_start3A_1313 = tpu.memref_slice %arg19[%run_scoped3A_125, %select_n3A, %dma_start3A_1311, %dma_start3A_1312] : memref<4x2x8x256xi32, #tpu.memory_space<vmem_shared>> -> memref<1x1x8x256xi32, #tpu.memory_space<vmem_shared>>
      %dma_start3A_1314 = tpu.memref_squeeze %dma_start3A_1313 : memref<1x1x8x256xi32, #tpu.memory_space<vmem_shared>> -> memref<8x256xi32, #tpu.memory_space<vmem_shared>>
      %dma_start3A_1315 = arith.constant 0 : i32
      %dma_start3A_1316 = arith.constant 0 : i32
      %dma_start3A_1317 = tpu.memref_slice %arg19[%run_scoped3A_125, %select_n3A, %dma_start3A_1315, %dma_start3A_1316] : memref<4x2x8x256xi32, #tpu.memory_space<vmem_shared>> -> memref<1x1x8x256xi32, #tpu.memory_space<vmem_shared>>
      %dma_start3A_1318 = tpu.memref_squeeze %dma_start3A_1317 : memref<1x1x8x256xi32, #tpu.memory_space<vmem_shared>> -> memref<8x256xi32, #tpu.memory_space<vmem_shared>>
      tpu.enqueue_dma source(%dma_start3A_1318 : memref<8x256xi32, #tpu.memory_space<vmem_shared>>) target(%arg10 : memref<8x256xi32, #tpu.memory_space<vmem>>) target_semaphore(%run_scoped3A_1310 : memref<!tpu.dma_semaphore, #tpu.memory_space<semaphore_mem>>)
      %dma_wait3A_1319 = arith.constant 0 : i32
      %dma_wait3A_1320 = arith.constant 0 : i32
      %dma_wait3A_1321 = tpu.memref_slice %arg19[%run_scoped3A_125, %select_n3A, %dma_wait3A_1319, %dma_wait3A_1320] : memref<4x2x8x256xi32, #tpu.memory_space<vmem_shared>> -> memref<1x1x8x256xi32, #tpu.memory_space<vmem_shared>>
      %dma_wait3A_1322 = tpu.memref_squeeze %dma_wait3A_1321 : memref<1x1x8x256xi32, #tpu.memory_space<vmem_shared>> -> memref<8x256xi32, #tpu.memory_space<vmem_shared>>
      %dma_wait3A_1323 = arith.constant 0 : i32
      %dma_wait3A_1324 = arith.constant 0 : i32
      %dma_wait3A_1325 = tpu.memref_slice %arg19[%run_scoped3A_125, %select_n3A, %dma_wait3A_1323, %dma_wait3A_1324] : memref<4x2x8x256xi32, #tpu.memory_space<vmem_shared>> -> memref<1x1x8x256xi32, #tpu.memory_space<vmem_shared>>
      %dma_wait3A_1326 = tpu.memref_squeeze %dma_wait3A_1325 : memref<1x1x8x256xi32, #tpu.memory_space<vmem_shared>> -> memref<8x256xi32, #tpu.memory_space<vmem_shared>>
      tpu.wait_dma2 semaphore(%run_scoped3A_1310 : memref<!tpu.dma_semaphore, #tpu.memory_space<semaphore_mem>>) src(%dma_wait3A_1326 : memref<8x256xi32, #tpu.memory_space<vmem_shared>>) dst(%arg10 : memref<8x256xi32, #tpu.memory_space<vmem>>)
      tpu.yield
    }) : () -> ()
    %scan3A_126 = arith.constant 0 : i32
    %scan3A_127 = arith.constant 0 : i32
    %scan3A_128 = arith.constant 16 : i32
    %scan3A_129 = arith.addi %scan3A_127, %scan3A_128 : i32
    %scan3A_130 = arith.constant 1 : i32
    scf.for %scan3A_1310 = %scan3A_127 to %scan3A_129 step %scan3A_130  : i32 {
      %mul3A_1311 = arith.constant 16 : i32
      %mul3A_1312 = arith.muli %scan3A_1310, %mul3A_1311 : i32
      %get3A_1313 = arith.constant 0 : i32
      %get3A_1314 = arith.index_cast %get3A_1313 : i32 to index
      %get3A_1315 = arith.index_cast %mul3A_1312 : i32 to index
      %get3A_1316 = tpu.vector_load %arg10[%get3A_1314, %get3A_1315] {strides = array<i32>} : memref<8x256xi32, #tpu.memory_space<vmem>>, vector<16xi32>,
      %mul3A_1317 = arith.constant 16 : i32
      %mul3A_1318 = arith.muli %scan3A_1310, %mul3A_1317 : i32
      %get3A_1319 = arith.constant 1 : i32
      %get3A_1320 = arith.index_cast %get3A_1319 : i32 to index
      %get3A_1321 = arith.index_cast %mul3A_1318 : i32 to index
      %get3A_1322 = tpu.vector_load %arg10[%get3A_1320, %get3A_1321] {strides = array<i32>} : memref<8x256xi32, #tpu.memory_space<vmem>>, vector<16xi32>,
      %add3A_1323 = arith.addi %get3A_1316, %get3A_1322 : vector<16xi32>
      %mul3A_1324 = arith.constant 16 : i32
      %mul3A_1325 = arith.muli %scan3A_1310, %mul3A_1324 : i32
      %get3A_1326 = arith.constant 2 : i32
      %get3A_1327 = arith.index_cast %get3A_1326 : i32 to index
      %get3A_1328 = arith.index_cast %mul3A_1325 : i32 to index
      %get3A_1329 = tpu.vector_load %arg10[%get3A_1327, %get3A_1328] {strides = array<i32>} : memref<8x256xi32, #tpu.memory_space<vmem>>, vector<16xi32>,
      %add3A_1330 = arith.addi %add3A_1323, %get3A_1329 : vector<16xi32>
      %mul3A_1331 = arith.constant 16 : i32
      %mul3A_1332 = arith.muli %scan3A_1310, %mul3A_1331 : i32
      %get3A_1333 = arith.constant 3 : i32
      %get3A_1334 = arith.index_cast %get3A_1333 : i32 to index
      %get3A_1335 = arith.index_cast %mul3A_1332 : i32 to index
      %get3A_1336 = tpu.vector_load %arg10[%get3A_1334, %get3A_1335] {strides = array<i32>} : memref<8x256xi32, #tpu.memory_space<vmem>>, vector<16xi32>,
      %add3A_1337 = arith.addi %add3A_1330, %get3A_1336 : vector<16xi32>
      %mul3A_1338 = arith.constant 16 : i32
      %mul3A_1339 = arith.muli %scan3A_1310, %mul3A_1338 : i32
      %get3A_1340 = arith.constant 4 : i32
      %get3A_1341 = arith.index_cast %get3A_1340 : i32 to index
      %get3A_1342 = arith.index_cast %mul3A_1339 : i32 to index
      %get3A_1343 = tpu.vector_load %arg10[%get3A_1341, %get3A_1342] {strides = array<i32>} : memref<8x256xi32, #tpu.memory_space<vmem>>, vector<16xi32>,
      %add3A_1344 = arith.addi %add3A_1337, %get3A_1343 : vector<16xi32>
      %mul3A_1345 = arith.constant 16 : i32
      %mul3A_1346 = arith.muli %scan3A_1310, %mul3A_1345 : i32
      %get3A_1347 = arith.constant 5 : i32
      %get3A_1348 = arith.index_cast %get3A_1347 : i32 to index
      %get3A_1349 = arith.index_cast %mul3A_1346 : i32 to index
      %get3A_1350 = tpu.vector_load %arg10[%get3A_1348, %get3A_1349] {strides = array<i32>} : memref<8x256xi32, #tpu.memory_space<vmem>>, vector<16xi32>,
      %add3A_1351 = arith.addi %add3A_1344, %get3A_1350 : vector<16xi32>
      %mul3A_1352 = arith.constant 16 : i32
      %mul3A_1353 = arith.muli %scan3A_1310, %mul3A_1352 : i32
      %get3A_1354 = arith.constant 6 : i32
      %get3A_1355 = arith.index_cast %get3A_1354 : i32 to index
      %get3A_1356 = arith.index_cast %mul3A_1353 : i32 to index
      %get3A_1357 = tpu.vector_load %arg10[%get3A_1355, %get3A_1356] {strides = array<i32>} : memref<8x256xi32, #tpu.memory_space<vmem>>, vector<16xi32>,
      %add3A_1358 = arith.addi %add3A_1351, %get3A_1357 : vector<16xi32>
      %mul3A_1359 = arith.constant 16 : i32
      %mul3A_1360 = arith.muli %scan3A_1310, %mul3A_1359 : i32
      %get3A_1361 = arith.constant 7 : i32
      %get3A_1362 = arith.index_cast %get3A_1361 : i32 to index
      %get3A_1363 = arith.index_cast %mul3A_1360 : i32 to index
      %get3A_1364 = tpu.vector_load %arg10[%get3A_1362, %get3A_1363] {strides = array<i32>} : memref<8x256xi32, #tpu.memory_space<vmem>>, vector<16xi32>,
      %add3A_1365 = arith.addi %add3A_1358, %get3A_1364 : vector<16xi32>
      %mul3A_1366 = arith.constant 16 : i32
      %mul3A_1367 = arith.muli %scan3A_1310, %mul3A_1366 : i32
      %swap3A_1368 = arith.index_cast %mul3A_1367 : i32 to index
      %swap3A_1369 = tpu.vector_load %arg11[%swap3A_1368] {strides = array<i32>} : memref<256xi32, #tpu.memory_space<vmem>>, vector<16xi32>,
      tpu.vector_store %arg11[%swap3A_1368], %add3A_1365 {strides = array<i32>} : memref<256xi32, #tpu.memory_space<vmem>>, vector<16xi32>,
    }
    %scan3A_131 = arith.constant 16 : i32
    %scan3A_132 = arith.constant 0 : i32
    %scan3A_133 = arith.constant 255 : i32
    %scan3A_134 = arith.constant 0 : i32
    %scan3A_135 = arith.constant 8 : i32
    %scan3A_136 = arith.addi %scan3A_134, %scan3A_135 : i32
    %scan3A_137 = arith.constant 1 : i32
    %scan3A_138:2 = scf.for %scan3A_1310 = %scan3A_134 to %scan3A_136 step %scan3A_137 iter_args(%scan3A_1311 = %scan3A_132, %scan3A_1312 = %scan3A_133) -> (i32, i32)  : i32 {
      %add3A_1313 = arith.addi %scan3A_1311, %scan3A_1312 : i32
      %add3A_1314 = arith.constant 1 : i32
      %add3A_1315 = arith.addi %add3A_1313, %add3A_1314 : i32
      %shift_right_arithmetic3A_1316 = arith.constant 1 : i32
      %shift_right_arithmetic3A_1317 = arith.shrsi %add3A_1315, %shift_right_arithmetic3A_1316 : i32
      %scan3A_1318 = arith.constant 0 : i32
      %scan3A_1319 = arith.constant 0 : i32
      %scan3A_1320 = arith.constant 16 : i32
      %scan3A_1321 = arith.addi %scan3A_1319, %scan3A_1320 : i32
      %scan3A_1322 = arith.constant 1 : i32
      %scan3A_1323 = scf.for %scan3A_1329 = %scan3A_1319 to %scan3A_1321 step %scan3A_1322 iter_args(%scan3A_1330 = %scan3A_1318) -> (i32)  : i32 {
        %mul3A_1331 = arith.constant 16 : i32
        %mul3A_1332 = arith.muli %scan3A_1329, %mul3A_1331 : i32
        %get3A_1333 = arith.index_cast %mul3A_1332 : i32 to index
        %get3A_1334 = tpu.vector_load %arg11[%get3A_1333] {strides = array<i32>} : memref<256xi32, #tpu.memory_space<vmem>>, vector<16xi32>,
        %mul3A_1335 = arith.constant 16 : i32
        %mul3A_1336 = arith.muli %scan3A_1329, %mul3A_1335 : i32
        %add3A_1337 = vector.broadcast %mul3A_1336 : i32 to vector<16xi32>
        %add3A_1338 = arith.addi %add3A_1337, %iota3A : vector<16xi32>
        %ge3A_1339 = vector.broadcast %shift_right_arithmetic3A_1317 : i32 to vector<16xi32>
        %ge3A_1340 = arith.cmpi sge, %add3A_1338, %ge3A_1339 : vector<16xi32>
        %jit3A_1341 = arith.constant 0 : i32
        %broadcast_in_dim3A_1342 = vector.broadcast %jit3A_1341 : i32 to vector<16xi32>
        %select_n3A_1343 = arith.select %ge3A_1340, %get3A_1334, %broadcast_in_dim3A_1342 : vector<16xi1>, vector<16xi32>
        %reduce_sum3A_1344 = arith.constant true
        %reduce_sum3A_1345 = vector.broadcast %reduce_sum3A_1344 : i1 to vector<16xi1>
        %reduce_sum3A_1346 = tpu.scan <sum>, %select_n3A_1343 masked %reduce_sum3A_1345 : vector<16xi32>, vector<16xi1> -> vector<16xi32>
        %reduce_sum3A_1347 = vector.extract %reduce_sum3A_1346[15] : i32 from vector<16xi32>
        %add3A_1348 = arith.addi %scan3A_1330, %reduce_sum3A_1347 : i32
        scf.yield %add3A_1348 : i32
      }
      %scan3A_1324 = arith.constant 16 : i32
      %ge3A = arith.cmpi sge, %scan3A_1323, %sub3A_100 : i32
      %select_n3A_1325 = arith.select %ge3A, %shift_right_arithmetic3A_1317, %scan3A_1311 : i32
      %sub3A_1326 = arith.constant 1 : i32
      %sub3A_1327 = arith.subi %shift_right_arithmetic3A_1317, %sub3A_1326 : i32
      %select_n3A_1328 = arith.select %ge3A, %scan3A_1312, %sub3A_1327 : i32
      scf.yield %select_n3A_1325, %select_n3A_1328 : i32, i32
    }
    %scan3A_139 = arith.constant 8 : i32
    %add3A_140 = arith.constant 1 : i32
    %add3A_141 = arith.addi %scan3A_138#0, %add3A_140 : i32
    %scan3A_142 = arith.constant 0 : i32
    %scan3A_143 = arith.constant 0 : i32
    %scan3A_144 = arith.constant 16 : i32
    %scan3A_145 = arith.addi %scan3A_143, %scan3A_144 : i32
    %scan3A_146 = arith.constant 1 : i32
    %scan3A_147 = scf.for %scan3A_1310 = %scan3A_143 to %scan3A_145 step %scan3A_146 iter_args(%scan3A_1311 = %scan3A_142) -> (i32)  : i32 {
      %mul3A_1312 = arith.constant 16 : i32
      %mul3A_1313 = arith.muli %scan3A_1310, %mul3A_1312 : i32
      %get3A_1314 = arith.index_cast %mul3A_1313 : i32 to index
      %get3A_1315 = tpu.vector_load %arg11[%get3A_1314] {strides = array<i32>} : memref<256xi32, #tpu.memory_space<vmem>>, vector<16xi32>,
      %mul3A_1316 = arith.constant 16 : i32
      %mul3A_1317 = arith.muli %scan3A_1310, %mul3A_1316 : i32
      %add3A_1318 = vector.broadcast %mul3A_1317 : i32 to vector<16xi32>
      %add3A_1319 = arith.addi %add3A_1318, %iota3A : vector<16xi32>
      %ge3A = vector.broadcast %add3A_141 : i32 to vector<16xi32>
      %ge3A_1320 = arith.cmpi sge, %add3A_1319, %ge3A : vector<16xi32>
      %jit3A_1321 = arith.constant 0 : i32
      %broadcast_in_dim3A_1322 = vector.broadcast %jit3A_1321 : i32 to vector<16xi32>
      %select_n3A_1323 = arith.select %ge3A_1320, %get3A_1315, %broadcast_in_dim3A_1322 : vector<16xi1>, vector<16xi32>
      %reduce_sum3A_1324 = arith.constant true
      %reduce_sum3A_1325 = vector.broadcast %reduce_sum3A_1324 : i1 to vector<16xi1>
      %reduce_sum3A_1326 = tpu.scan <sum>, %select_n3A_1323 masked %reduce_sum3A_1325 : vector<16xi32>, vector<16xi1> -> vector<16xi32>
      %reduce_sum3A_1327 = vector.extract %reduce_sum3A_1326[15] : i32 from vector<16xi32>
      %add3A_1328 = arith.addi %scan3A_1311, %reduce_sum3A_1327 : i32
      scf.yield %add3A_1328 : i32
    }
    %scan3A_148 = arith.constant 16 : i32
    %add3A_149 = arith.constant 1 : i32
    %add3A_150 = arith.addi %scan3A_138#0, %add3A_149 : i32
    %scan3A_151 = arith.constant 0 : i32
    %scan3A_152 = arith.constant 0 : i32
    %scan3A_153 = arith.constant 16 : i32
    %scan3A_154 = arith.addi %scan3A_152, %scan3A_153 : i32
    %scan3A_155 = arith.constant 1 : i32
    %scan3A_156 = scf.for %scan3A_1310 = %scan3A_152 to %scan3A_154 step %scan3A_155 iter_args(%scan3A_1311 = %scan3A_151) -> (i32)  : i32 {
      %mul3A_1312 = arith.constant 16 : i32
      %mul3A_1313 = arith.muli %scan3A_1310, %mul3A_1312 : i32
      %get3A_1314 = arith.index_cast %mul3A_1313 : i32 to index
      %get3A_1315 = tpu.vector_load %arg12[%get3A_1314] {strides = array<i32>} : memref<256xi32, #tpu.memory_space<vmem>>, vector<16xi32>,
      %mul3A_1316 = arith.constant 16 : i32
      %mul3A_1317 = arith.muli %scan3A_1310, %mul3A_1316 : i32
      %add3A_1318 = vector.broadcast %mul3A_1317 : i32 to vector<16xi32>
      %add3A_1319 = arith.addi %add3A_1318, %iota3A : vector<16xi32>
      %ge3A = vector.broadcast %add3A_150 : i32 to vector<16xi32>
      %ge3A_1320 = arith.cmpi sge, %add3A_1319, %ge3A : vector<16xi32>
      %jit3A_1321 = arith.constant 0 : i32
      %broadcast_in_dim3A_1322 = vector.broadcast %jit3A_1321 : i32 to vector<16xi32>
      %select_n3A_1323 = arith.select %ge3A_1320, %get3A_1315, %broadcast_in_dim3A_1322 : vector<16xi1>, vector<16xi32>
      %reduce_sum3A_1324 = arith.constant true
      %reduce_sum3A_1325 = vector.broadcast %reduce_sum3A_1324 : i1 to vector<16xi1>
      %reduce_sum3A_1326 = tpu.scan <sum>, %select_n3A_1323 masked %reduce_sum3A_1325 : vector<16xi32>, vector<16xi1> -> vector<16xi32>
      %reduce_sum3A_1327 = vector.extract %reduce_sum3A_1326[15] : i32 from vector<16xi32>
      %add3A_1328 = arith.addi %scan3A_1311, %reduce_sum3A_1327 : i32
      scf.yield %add3A_1328 : i32
    }
    %scan3A_157 = arith.constant 16 : i32
    %scan3A_158 = arith.constant 0 : i32
    %scan3A_159 = arith.constant 0 : i32
    %scan3A_160 = arith.constant 16 : i32
    %scan3A_161 = arith.addi %scan3A_159, %scan3A_160 : i32
    %scan3A_162 = arith.constant 1 : i32
    %scan3A_163 = scf.for %scan3A_1310 = %scan3A_159 to %scan3A_161 step %scan3A_162 iter_args(%scan3A_1311 = %scan3A_158) -> (i32)  : i32 {
      %mul3A_1312 = arith.constant 16 : i32
      %mul3A_1313 = arith.muli %scan3A_1310, %mul3A_1312 : i32
      %get3A_1314 = arith.index_cast %mul3A_1313 : i32 to index
      %get3A_1315 = tpu.vector_load %arg12[%get3A_1314] {strides = array<i32>} : memref<256xi32, #tpu.memory_space<vmem>>, vector<16xi32>,
      %mul3A_1316 = arith.constant 16 : i32
      %mul3A_1317 = arith.muli %scan3A_1310, %mul3A_1316 : i32
      %add3A_1318 = vector.broadcast %mul3A_1317 : i32 to vector<16xi32>
      %add3A_1319 = arith.addi %add3A_1318, %iota3A : vector<16xi32>
      %ge3A = vector.broadcast %scan3A_138#0 : i32 to vector<16xi32>
      %ge3A_1320 = arith.cmpi sge, %add3A_1319, %ge3A : vector<16xi32>
      %jit3A_1321 = arith.constant 0 : i32
      %broadcast_in_dim3A_1322 = vector.broadcast %jit3A_1321 : i32 to vector<16xi32>
      %select_n3A_1323 = arith.select %ge3A_1320, %get3A_1315, %broadcast_in_dim3A_1322 : vector<16xi1>, vector<16xi32>
      %reduce_sum3A_1324 = arith.constant true
      %reduce_sum3A_1325 = vector.broadcast %reduce_sum3A_1324 : i1 to vector<16xi1>
      %reduce_sum3A_1326 = tpu.scan <sum>, %select_n3A_1323 masked %reduce_sum3A_1325 : vector<16xi32>, vector<16xi1> -> vector<16xi32>
      %reduce_sum3A_1327 = vector.extract %reduce_sum3A_1326[15] : i32 from vector<16xi32>
      %add3A_1328 = arith.addi %scan3A_1311, %reduce_sum3A_1327 : i32
      scf.yield %add3A_1328 : i32
    }
    %scan3A_164 = arith.constant 16 : i32
    %sub3A_165 = arith.subi %scan3A_163, %scan3A_156 : i32
    %sub3A_166 = arith.subi %sub3A_100, %scan3A_147 : i32
    %shift_left3A = arith.constant 8 : i32
    %shift_left3A_167 = arith.shli %scan3A_71#0, %shift_left3A : i32
    %or3A = arith.ori %shift_left3A_167, %scan3A_138#0 : i32
    %add3A_168 = arith.addi %scan3A_89, %scan3A_156 : i32
    %scan3A_169 = arith.constant 0 : i32
    %scan3A_170 = arith.constant 0 : i32
    %scan3A_171 = arith.constant 256 : i32
    %scan3A_172 = arith.addi %scan3A_170, %scan3A_171 : i32
    %scan3A_173 = arith.constant 1 : i32
    scf.for %scan3A_1310 = %scan3A_170 to %scan3A_172 step %scan3A_173  : i32 {
      %broadcast_in_dim3A_1311 = arith.constant 0 : i32
      %broadcast_in_dim3A_1312 = vector.broadcast %broadcast_in_dim3A_1311 : i32 to vector<16xi32>
      %mul3A_1313 = arith.constant 16 : i32
      %mul3A_1314 = arith.muli %scan3A_1310, %mul3A_1313 : i32
      %swap3A_1315 = arith.index_cast %mul3A_1314 : i32 to index
      %swap3A_1316 = tpu.vector_load %arg9[%swap3A_1315] {strides = array<i32>} : memref<4096xi32, #tpu.memory_space<vmem>>, vector<16xi32>,
      tpu.vector_store %arg9[%swap3A_1315], %broadcast_in_dim3A_1312 {strides = array<i32>} : memref<4096xi32, #tpu.memory_space<vmem>>, vector<16xi32>,
    }
    %scan3A_174 = arith.constant 256 : i32
    %while3A = arith.constant 0 : i32
    %while3A_175 = arith.constant 0 : i32
    %while3A_176 = arith.subi %shift_right_arithmetic3A_116, %while3A_175 : i32
    %while3A_177 = arith.addi %while3A_175, %while3A_176 : i32
    %while3A_178 = arith.constant 1 : i32
    %while3A_179 = arith.divsi %while3A_176, %while3A_178 : i32
    %while3A_180 = arith.muli %while3A_179, %while3A_178 : i32
    %while3A_181 = arith.addi %while3A_175, %while3A_180 : i32
    %while3A_182 = arith.constant 1 : i32
    scf.for %while3A_1310 = %while3A_175 to %while3A_181 step %while3A_182  : i32 {
      %mul3A_1311 = arith.constant 16 : i32
      %mul3A_1312 = arith.muli %while3A_1310, %mul3A_1311 : i32
      %get3A_1313 = arith.index_cast %mul3A_1312 : i32 to index
      %get3A_1314 = tpu.vector_load %arg7[%get3A_1313] {strides = array<i32>} : memref<14336xi32, #tpu.memory_space<vmem>>, vector<16xi32>,
      %mul3A_1315 = arith.constant 16 : i32
      %mul3A_1316 = arith.muli %while3A_1310, %mul3A_1315 : i32
      %add3A_1317 = vector.broadcast %mul3A_1316 : i32 to vector<16xi32>
      %add3A_1318 = arith.addi %add3A_1317, %iota3A : vector<16xi32>
      %lt3A_1319 = vector.broadcast %scan3A_112 : i32 to vector<16xi32>
      %lt3A_1320 = arith.cmpi slt, %add3A_1318, %lt3A_1319 : vector<16xi32>
      %shift_right_logical3A = arith.constant 16 : i32
      %shift_right_logical3A_1321 = vector.broadcast %shift_right_logical3A : i32 to vector<16xi32>
      %shift_right_logical3A_1322 = arith.shrui %get3A_1314, %shift_right_logical3A_1321 : vector<16xi32>
      %eq3A_1323 = vector.broadcast %or3A : i32 to vector<16xi32>
      %eq3A_1324 = arith.cmpi eq, %shift_right_logical3A_1322, %eq3A_1323 : vector<16xi32>
      %and3A_1325 = arith.andi %lt3A_1320, %eq3A_1324 : vector<16xi1>
      %shift_right_logical3A_1326 = arith.constant 8 : i32
      %shift_right_logical3A_1327 = vector.broadcast %shift_right_logical3A_1326 : i32 to vector<16xi32>
      %shift_right_logical3A_1328 = arith.shrui %get3A_1314, %shift_right_logical3A_1327 : vector<16xi32>
      %and3A_1329 = arith.constant 255 : i32
      %and3A_1330 = vector.broadcast %and3A_1329 : i32 to vector<16xi32>
      %and3A_1331 = arith.andi %shift_right_logical3A_1328, %and3A_1330 : vector<16xi32>
      %mul3A_1332 = arith.constant 256 : i32
      %mul3A_1333 = vector.broadcast %mul3A_1332 : i32 to vector<16xi32>
      %mul3A_1334 = arith.muli %iota3A, %mul3A_1333 : vector<16xi32>
      %add3A_1335 = arith.addi %mul3A_1334, %and3A_1331 : vector<16xi32>
      tpu.vector_store_idx %arg9[%add3A_1335], %broadcast_in_dim3A_33 masked %and3A_1325 {add = true} : memref<4096xi32, #tpu.memory_space<vmem>>[vector<16xi32>], vector<16xi32>, vector<16xi1>
    }
    %while3A_183 = arith.constant 1 : i32
    scf.for %while3A_1310 = %while3A_181 to %while3A_177 step %while3A_183  : i32 {
      %mul3A_1311 = arith.constant 16 : i32
      %mul3A_1312 = arith.muli %while3A_1310, %mul3A_1311 : i32
      %get3A_1313 = arith.index_cast %mul3A_1312 : i32 to index
      %get3A_1314 = tpu.vector_load %arg7[%get3A_1313] {strides = array<i32>} : memref<14336xi32, #tpu.memory_space<vmem>>, vector<16xi32>,
      %mul3A_1315 = arith.constant 16 : i32
      %mul3A_1316 = arith.muli %while3A_1310, %mul3A_1315 : i32
      %add3A_1317 = vector.broadcast %mul3A_1316 : i32 to vector<16xi32>
      %add3A_1318 = arith.addi %add3A_1317, %iota3A : vector<16xi32>
      %lt3A_1319 = vector.broadcast %scan3A_112 : i32 to vector<16xi32>
      %lt3A_1320 = arith.cmpi slt, %add3A_1318, %lt3A_1319 : vector<16xi32>
      %shift_right_logical3A = arith.constant 16 : i32
      %shift_right_logical3A_1321 = vector.broadcast %shift_right_logical3A : i32 to vector<16xi32>
      %shift_right_logical3A_1322 = arith.shrui %get3A_1314, %shift_right_logical3A_1321 : vector<16xi32>
      %eq3A_1323 = vector.broadcast %or3A : i32 to vector<16xi32>
      %eq3A_1324 = arith.cmpi eq, %shift_right_logical3A_1322, %eq3A_1323 : vector<16xi32>
      %and3A_1325 = arith.andi %lt3A_1320, %eq3A_1324 : vector<16xi1>
      %shift_right_logical3A_1326 = arith.constant 8 : i32
      %shift_right_logical3A_1327 = vector.broadcast %shift_right_logical3A_1326 : i32 to vector<16xi32>
      %shift_right_logical3A_1328 = arith.shrui %get3A_1314, %shift_right_logical3A_1327 : vector<16xi32>
      %and3A_1329 = arith.constant 255 : i32
      %and3A_1330 = vector.broadcast %and3A_1329 : i32 to vector<16xi32>
      %and3A_1331 = arith.andi %shift_right_logical3A_1328, %and3A_1330 : vector<16xi32>
      %mul3A_1332 = arith.constant 256 : i32
      %mul3A_1333 = vector.broadcast %mul3A_1332 : i32 to vector<16xi32>
      %mul3A_1334 = arith.muli %iota3A, %mul3A_1333 : vector<16xi32>
      %add3A_1335 = arith.addi %mul3A_1334, %and3A_1331 : vector<16xi32>
      tpu.vector_store_idx %arg9[%add3A_1335], %broadcast_in_dim3A_33 masked %and3A_1325 {add = true} : memref<4096xi32, #tpu.memory_space<vmem>>[vector<16xi32>], vector<16xi32>, vector<16xi1>
    }
    %scan3A_184 = arith.constant 0 : i32
    %scan3A_185 = arith.constant 0 : i32
    %scan3A_186 = arith.constant 16 : i32
    %scan3A_187 = arith.addi %scan3A_185, %scan3A_186 : i32
    %scan3A_188 = arith.constant 1 : i32
    scf.for %scan3A_1310 = %scan3A_185 to %scan3A_187 step %scan3A_188  : i32 {
      %mul3A_1311 = arith.constant 16 : i32
      %mul3A_1312 = arith.muli %scan3A_1310, %mul3A_1311 : i32
      %get3A_1313 = arith.index_cast %mul3A_1312 : i32 to index
      %get3A_1314 = tpu.vector_load %arg9[%get3A_1313] {strides = array<i32>} : memref<4096xi32, #tpu.memory_space<vmem>>, vector<16xi32>,
      %mul3A_1315 = arith.constant 16 : i32
      %mul3A_1316 = arith.muli %scan3A_1310, %mul3A_1315 : i32
      %add3A_1317 = arith.constant 256 : i32
      %add3A_1318 = arith.addi %add3A_1317, %mul3A_1316 : i32
      %get3A_1319 = arith.index_cast %add3A_1318 : i32 to index
      %get3A_1320 = tpu.vector_load %arg9[%get3A_1319] {strides = array<i32>} : memref<4096xi32, #tpu.memory_space<vmem>>, vector<16xi32>,
      %add3A_1321 = arith.addi %get3A_1314, %get3A_1320 : vector<16xi32>
      %mul3A_1322 = arith.constant 16 : i32
      %mul3A_1323 = arith.muli %scan3A_1310, %mul3A_1322 : i32
      %add3A_1324 = arith.constant 512 : i32
      %add3A_1325 = arith.addi %add3A_1324, %mul3A_1323 : i32
      %get3A_1326 = arith.index_cast %add3A_1325 : i32 to index
      %get3A_1327 = tpu.vector_load %arg9[%get3A_1326] {strides = array<i32>} : memref<4096xi32, #tpu.memory_space<vmem>>, vector<16xi32>,
      %add3A_1328 = arith.addi %add3A_1321, %get3A_1327 : vector<16xi32>
      %mul3A_1329 = arith.constant 16 : i32
      %mul3A_1330 = arith.muli %scan3A_1310, %mul3A_1329 : i32
      %add3A_1331 = arith.constant 768 : i32
      %add3A_1332 = arith.addi %add3A_1331, %mul3A_1330 : i32
      %get3A_1333 = arith.index_cast %add3A_1332 : i32 to index
      %get3A_1334 = tpu.vector_load %arg9[%get3A_1333] {strides = array<i32>} : memref<4096xi32, #tpu.memory_space<vmem>>, vector<16xi32>,
      %add3A_1335 = arith.addi %add3A_1328, %get3A_1334 : vector<16xi32>
      %mul3A_1336 = arith.constant 16 : i32
      %mul3A_1337 = arith.muli %scan3A_1310, %mul3A_1336 : i32
      %add3A_1338 = arith.constant 1024 : i32
      %add3A_1339 = arith.addi %add3A_1338, %mul3A_1337 : i32
      %get3A_1340 = arith.index_cast %add3A_1339 : i32 to index
      %get3A_1341 = tpu.vector_load %arg9[%get3A_1340] {strides = array<i32>} : memref<4096xi32, #tpu.memory_space<vmem>>, vector<16xi32>,
      %add3A_1342 = arith.addi %add3A_1335, %get3A_1341 : vector<16xi32>
      %mul3A_1343 = arith.constant 16 : i32
      %mul3A_1344 = arith.muli %scan3A_1310, %mul3A_1343 : i32
      %add3A_1345 = arith.constant 1280 : i32
      %add3A_1346 = arith.addi %add3A_1345, %mul3A_1344 : i32
      %get3A_1347 = arith.index_cast %add3A_1346 : i32 to index
      %get3A_1348 = tpu.vector_load %arg9[%get3A_1347] {strides = array<i32>} : memref<4096xi32, #tpu.memory_space<vmem>>, vector<16xi32>,
      %add3A_1349 = arith.addi %add3A_1342, %get3A_1348 : vector<16xi32>
      %mul3A_1350 = arith.constant 16 : i32
      %mul3A_1351 = arith.muli %scan3A_1310, %mul3A_1350 : i32
      %add3A_1352 = arith.constant 1536 : i32
      %add3A_1353 = arith.addi %add3A_1352, %mul3A_1351 : i32
      %get3A_1354 = arith.index_cast %add3A_1353 : i32 to index
      %get3A_1355 = tpu.vector_load %arg9[%get3A_1354] {strides = array<i32>} : memref<4096xi32, #tpu.memory_space<vmem>>, vector<16xi32>,
      %add3A_1356 = arith.addi %add3A_1349, %get3A_1355 : vector<16xi32>
      %mul3A_1357 = arith.constant 16 : i32
      %mul3A_1358 = arith.muli %scan3A_1310, %mul3A_1357 : i32
      %add3A_1359 = arith.constant 1792 : i32
      %add3A_1360 = arith.addi %add3A_1359, %mul3A_1358 : i32
      %get3A_1361 = arith.index_cast %add3A_1360 : i32 to index
      %get3A_1362 = tpu.vector_load %arg9[%get3A_1361] {strides = array<i32>} : memref<4096xi32, #tpu.memory_space<vmem>>, vector<16xi32>,
      %add3A_1363 = arith.addi %add3A_1356, %get3A_1362 : vector<16xi32>
      %mul3A_1364 = arith.constant 16 : i32
      %mul3A_1365 = arith.muli %scan3A_1310, %mul3A_1364 : i32
      %add3A_1366 = arith.constant 2048 : i32
      %add3A_1367 = arith.addi %add3A_1366, %mul3A_1365 : i32
      %get3A_1368 = arith.index_cast %add3A_1367 : i32 to index
      %get3A_1369 = tpu.vector_load %arg9[%get3A_1368] {strides = array<i32>} : memref<4096xi32, #tpu.memory_space<vmem>>, vector<16xi32>,
      %add3A_1370 = arith.addi %add3A_1363, %get3A_1369 : vector<16xi32>
      %mul3A_1371 = arith.constant 16 : i32
      %mul3A_1372 = arith.muli %scan3A_1310, %mul3A_1371 : i32
      %add3A_1373 = arith.constant 2304 : i32
      %add3A_1374 = arith.addi %add3A_1373, %mul3A_1372 : i32
      %get3A_1375 = arith.index_cast %add3A_1374 : i32 to index
      %get3A_1376 = tpu.vector_load %arg9[%get3A_1375] {strides = array<i32>} : memref<4096xi32, #tpu.memory_space<vmem>>, vector<16xi32>,
      %add3A_1377 = arith.addi %add3A_1370, %get3A_1376 : vector<16xi32>
      %mul3A_1378 = arith.constant 16 : i32
      %mul3A_1379 = arith.muli %scan3A_1310, %mul3A_1378 : i32
      %add3A_1380 = arith.constant 2560 : i32
      %add3A_1381 = arith.addi %add3A_1380, %mul3A_1379 : i32
      %get3A_1382 = arith.index_cast %add3A_1381 : i32 to index
      %get3A_1383 = tpu.vector_load %arg9[%get3A_1382] {strides = array<i32>} : memref<4096xi32, #tpu.memory_space<vmem>>, vector<16xi32>,
      %add3A_1384 = arith.addi %add3A_1377, %get3A_1383 : vector<16xi32>
      %mul3A_1385 = arith.constant 16 : i32
      %mul3A_1386 = arith.muli %scan3A_1310, %mul3A_1385 : i32
      %add3A_1387 = arith.constant 2816 : i32
      %add3A_1388 = arith.addi %add3A_1387, %mul3A_1386 : i32
      %get3A_1389 = arith.index_cast %add3A_1388 : i32 to index
      %get3A_1390 = tpu.vector_load %arg9[%get3A_1389] {strides = array<i32>} : memref<4096xi32, #tpu.memory_space<vmem>>, vector<16xi32>,
      %add3A_1391 = arith.addi %add3A_1384, %get3A_1390 : vector<16xi32>
      %mul3A_1392 = arith.constant 16 : i32
      %mul3A_1393 = arith.muli %scan3A_1310, %mul3A_1392 : i32
      %add3A_1394 = arith.constant 3072 : i32
      %add3A_1395 = arith.addi %add3A_1394, %mul3A_1393 : i32
      %get3A_1396 = arith.index_cast %add3A_1395 : i32 to index
      %get3A_1397 = tpu.vector_load %arg9[%get3A_1396] {strides = array<i32>} : memref<4096xi32, #tpu.memory_space<vmem>>, vector<16xi32>,
      %add3A_1398 = arith.addi %add3A_1391, %get3A_1397 : vector<16xi32>
      %mul3A_1399 = arith.constant 16 : i32
      %mul3A_1400 = arith.muli %scan3A_1310, %mul3A_1399 : i32
      %add3A_1401 = arith.constant 3328 : i32
      %add3A_1402 = arith.addi %add3A_1401, %mul3A_1400 : i32
      %get3A_1403 = arith.index_cast %add3A_1402 : i32 to index
      %get3A_1404 = tpu.vector_load %arg9[%get3A_1403] {strides = array<i32>} : memref<4096xi32, #tpu.memory_space<vmem>>, vector<16xi32>,
      %add3A_1405 = arith.addi %add3A_1398, %get3A_1404 : vector<16xi32>
      %mul3A_1406 = arith.constant 16 : i32
      %mul3A_1407 = arith.muli %scan3A_1310, %mul3A_1406 : i32
      %add3A_1408 = arith.constant 3584 : i32
      %add3A_1409 = arith.addi %add3A_1408, %mul3A_1407 : i32
      %get3A_1410 = arith.index_cast %add3A_1409 : i32 to index
      %get3A_1411 = tpu.vector_load %arg9[%get3A_1410] {strides = array<i32>} : memref<4096xi32, #tpu.memory_space<vmem>>, vector<16xi32>,
      %add3A_1412 = arith.addi %add3A_1405, %get3A_1411 : vector<16xi32>
      %mul3A_1413 = arith.constant 16 : i32
      %mul3A_1414 = arith.muli %scan3A_1310, %mul3A_1413 : i32
      %add3A_1415 = arith.constant 3840 : i32
      %add3A_1416 = arith.addi %add3A_1415, %mul3A_1414 : i32
      %get3A_1417 = arith.index_cast %add3A_1416 : i32 to index
      %get3A_1418 = tpu.vector_load %arg9[%get3A_1417] {strides = array<i32>} : memref<4096xi32, #tpu.memory_space<vmem>>, vector<16xi32>,
      %add3A_1419 = arith.addi %add3A_1412, %get3A_1418 : vector<16xi32>
      %mul3A_1420 = arith.constant 16 : i32
      %mul3A_1421 = arith.muli %scan3A_1310, %mul3A_1420 : i32
      %swap3A_1422 = arith.index_cast %mul3A_1421 : i32 to index
      %swap3A_1423 = tpu.vector_load %arg12[%swap3A_1422] {strides = array<i32>} : memref<256xi32, #tpu.memory_space<vmem>>, vector<16xi32>,
      tpu.vector_store %arg12[%swap3A_1422], %add3A_1419 {strides = array<i32>} : memref<256xi32, #tpu.memory_space<vmem>>, vector<16xi32>,
    }
    %scan3A_189 = arith.constant 16 : i32
    %run_scoped3A_190 = arith.constant 2 : i32
    "tpu.region"() ({
      %run_scoped3A_1310 = tpu.sem_alloc : memref<!tpu.dma_semaphore, #tpu.memory_space<semaphore_mem>>
      %dma_start3A_1311 = arith.constant 0 : i32
      %dma_start3A_1312 = tpu.memref_slice %arg19[%run_scoped3A_190, %select_n3A, %select_n3A_28, %dma_start3A_1311] : memref<4x2x8x256xi32, #tpu.memory_space<vmem_shared>> -> memref<1x1x1x256xi32, #tpu.memory_space<vmem_shared>>
      %dma_start3A_1313 = tpu.memref_squeeze %dma_start3A_1312 : memref<1x1x1x256xi32, #tpu.memory_space<vmem_shared>> -> memref<256xi32, #tpu.memory_space<vmem_shared>>
      %dma_start3A_1314 = arith.constant 0 : i32
      %dma_start3A_1315 = tpu.memref_slice %arg19[%run_scoped3A_190, %select_n3A, %select_n3A_28, %dma_start3A_1314] : memref<4x2x8x256xi32, #tpu.memory_space<vmem_shared>> -> memref<1x1x1x256xi32, #tpu.memory_space<vmem_shared>>
      %dma_start3A_1316 = tpu.memref_squeeze %dma_start3A_1315 : memref<1x1x1x256xi32, #tpu.memory_space<vmem_shared>> -> memref<256xi32, #tpu.memory_space<vmem_shared>>
      tpu.enqueue_dma source(%arg12 : memref<256xi32, #tpu.memory_space<vmem>>) target(%dma_start3A_1316 : memref<256xi32, #tpu.memory_space<vmem_shared>>) target_semaphore(%run_scoped3A_1310 : memref<!tpu.dma_semaphore, #tpu.memory_space<semaphore_mem>>)
      %dma_wait3A_1317 = arith.constant 0 : i32
      %dma_wait3A_1318 = tpu.memref_slice %arg19[%run_scoped3A_190, %select_n3A, %select_n3A_28, %dma_wait3A_1317] : memref<4x2x8x256xi32, #tpu.memory_space<vmem_shared>> -> memref<1x1x1x256xi32, #tpu.memory_space<vmem_shared>>
      %dma_wait3A_1319 = tpu.memref_squeeze %dma_wait3A_1318 : memref<1x1x1x256xi32, #tpu.memory_space<vmem_shared>> -> memref<256xi32, #tpu.memory_space<vmem_shared>>
      %dma_wait3A_1320 = arith.constant 0 : i32
      %dma_wait3A_1321 = tpu.memref_slice %arg19[%run_scoped3A_190, %select_n3A, %select_n3A_28, %dma_wait3A_1320] : memref<4x2x8x256xi32, #tpu.memory_space<vmem_shared>> -> memref<1x1x1x256xi32, #tpu.memory_space<vmem_shared>>
      %dma_wait3A_1322 = tpu.memref_squeeze %dma_wait3A_1321 : memref<1x1x1x256xi32, #tpu.memory_space<vmem_shared>> -> memref<256xi32, #tpu.memory_space<vmem_shared>>
      tpu.wait_dma2 semaphore(%run_scoped3A_1310 : memref<!tpu.dma_semaphore, #tpu.memory_space<semaphore_mem>>) src(%arg12 : memref<256xi32, #tpu.memory_space<vmem>>) dst(%dma_wait3A_1322 : memref<256xi32, #tpu.memory_space<vmem_shared>>)
      tpu.yield
    }) : () -> ()
    %barrier3A_191 = arith.constant 0 : index
    tpu.barrier barrier_id(%barrier3A_191)
    %run_scoped3A_192 = arith.constant 2 : i32
    "tpu.region"() ({
      %run_scoped3A_1310 = tpu.sem_alloc : memref<!tpu.dma_semaphore, #tpu.memory_space<semaphore_mem>>
      %dma_start3A_1311 = arith.constant 0 : i32
      %dma_start3A_1312 = arith.constant 0 : i32
      %dma_start3A_1313 = tpu.memref_slice %arg19[%run_scoped3A_192, %select_n3A, %dma_start3A_1311, %dma_start3A_1312] : memref<4x2x8x256xi32, #tpu.memory_space<vmem_shared>> -> memref<1x1x8x256xi32, #tpu.memory_space<vmem_shared>>
      %dma_start3A_1314 = tpu.memref_squeeze %dma_start3A_1313 : memref<1x1x8x256xi32, #tpu.memory_space<vmem_shared>> -> memref<8x256xi32, #tpu.memory_space<vmem_shared>>
      %dma_start3A_1315 = arith.constant 0 : i32
      %dma_start3A_1316 = arith.constant 0 : i32
      %dma_start3A_1317 = tpu.memref_slice %arg19[%run_scoped3A_192, %select_n3A, %dma_start3A_1315, %dma_start3A_1316] : memref<4x2x8x256xi32, #tpu.memory_space<vmem_shared>> -> memref<1x1x8x256xi32, #tpu.memory_space<vmem_shared>>
      %dma_start3A_1318 = tpu.memref_squeeze %dma_start3A_1317 : memref<1x1x8x256xi32, #tpu.memory_space<vmem_shared>> -> memref<8x256xi32, #tpu.memory_space<vmem_shared>>
      tpu.enqueue_dma source(%dma_start3A_1318 : memref<8x256xi32, #tpu.memory_space<vmem_shared>>) target(%arg10 : memref<8x256xi32, #tpu.memory_space<vmem>>) target_semaphore(%run_scoped3A_1310 : memref<!tpu.dma_semaphore, #tpu.memory_space<semaphore_mem>>)
      %dma_wait3A_1319 = arith.constant 0 : i32
      %dma_wait3A_1320 = arith.constant 0 : i32
      %dma_wait3A_1321 = tpu.memref_slice %arg19[%run_scoped3A_192, %select_n3A, %dma_wait3A_1319, %dma_wait3A_1320] : memref<4x2x8x256xi32, #tpu.memory_space<vmem_shared>> -> memref<1x1x8x256xi32, #tpu.memory_space<vmem_shared>>
      %dma_wait3A_1322 = tpu.memref_squeeze %dma_wait3A_1321 : memref<1x1x8x256xi32, #tpu.memory_space<vmem_shared>> -> memref<8x256xi32, #tpu.memory_space<vmem_shared>>
      %dma_wait3A_1323 = arith.constant 0 : i32
      %dma_wait3A_1324 = arith.constant 0 : i32
      %dma_wait3A_1325 = tpu.memref_slice %arg19[%run_scoped3A_192, %select_n3A, %dma_wait3A_1323, %dma_wait3A_1324] : memref<4x2x8x256xi32, #tpu.memory_space<vmem_shared>> -> memref<1x1x8x256xi32, #tpu.memory_space<vmem_shared>>
      %dma_wait3A_1326 = tpu.memref_squeeze %dma_wait3A_1325 : memref<1x1x8x256xi32, #tpu.memory_space<vmem_shared>> -> memref<8x256xi32, #tpu.memory_space<vmem_shared>>
      tpu.wait_dma2 semaphore(%run_scoped3A_1310 : memref<!tpu.dma_semaphore, #tpu.memory_space<semaphore_mem>>) src(%dma_wait3A_1326 : memref<8x256xi32, #tpu.memory_space<vmem_shared>>) dst(%arg10 : memref<8x256xi32, #tpu.memory_space<vmem>>)
      tpu.yield
    }) : () -> ()
    %scan3A_193 = arith.constant 0 : i32
    %scan3A_194 = arith.constant 0 : i32
    %scan3A_195 = arith.constant 16 : i32
    %scan3A_196 = arith.addi %scan3A_194, %scan3A_195 : i32
    %scan3A_197 = arith.constant 1 : i32
    scf.for %scan3A_1310 = %scan3A_194 to %scan3A_196 step %scan3A_197  : i32 {
      %mul3A_1311 = arith.constant 16 : i32
      %mul3A_1312 = arith.muli %scan3A_1310, %mul3A_1311 : i32
      %get3A_1313 = arith.constant 0 : i32
      %get3A_1314 = arith.index_cast %get3A_1313 : i32 to index
      %get3A_1315 = arith.index_cast %mul3A_1312 : i32 to index
      %get3A_1316 = tpu.vector_load %arg10[%get3A_1314, %get3A_1315] {strides = array<i32>} : memref<8x256xi32, #tpu.memory_space<vmem>>, vector<16xi32>,
      %mul3A_1317 = arith.constant 16 : i32
      %mul3A_1318 = arith.muli %scan3A_1310, %mul3A_1317 : i32
      %get3A_1319 = arith.constant 1 : i32
      %get3A_1320 = arith.index_cast %get3A_1319 : i32 to index
      %get3A_1321 = arith.index_cast %mul3A_1318 : i32 to index
      %get3A_1322 = tpu.vector_load %arg10[%get3A_1320, %get3A_1321] {strides = array<i32>} : memref<8x256xi32, #tpu.memory_space<vmem>>, vector<16xi32>,
      %add3A_1323 = arith.addi %get3A_1316, %get3A_1322 : vector<16xi32>
      %mul3A_1324 = arith.constant 16 : i32
      %mul3A_1325 = arith.muli %scan3A_1310, %mul3A_1324 : i32
      %get3A_1326 = arith.constant 2 : i32
      %get3A_1327 = arith.index_cast %get3A_1326 : i32 to index
      %get3A_1328 = arith.index_cast %mul3A_1325 : i32 to index
      %get3A_1329 = tpu.vector_load %arg10[%get3A_1327, %get3A_1328] {strides = array<i32>} : memref<8x256xi32, #tpu.memory_space<vmem>>, vector<16xi32>,
      %add3A_1330 = arith.addi %add3A_1323, %get3A_1329 : vector<16xi32>
      %mul3A_1331 = arith.constant 16 : i32
      %mul3A_1332 = arith.muli %scan3A_1310, %mul3A_1331 : i32
      %get3A_1333 = arith.constant 3 : i32
      %get3A_1334 = arith.index_cast %get3A_1333 : i32 to index
      %get3A_1335 = arith.index_cast %mul3A_1332 : i32 to index
      %get3A_1336 = tpu.vector_load %arg10[%get3A_1334, %get3A_1335] {strides = array<i32>} : memref<8x256xi32, #tpu.memory_space<vmem>>, vector<16xi32>,
      %add3A_1337 = arith.addi %add3A_1330, %get3A_1336 : vector<16xi32>
      %mul3A_1338 = arith.constant 16 : i32
      %mul3A_1339 = arith.muli %scan3A_1310, %mul3A_1338 : i32
      %get3A_1340 = arith.constant 4 : i32
      %get3A_1341 = arith.index_cast %get3A_1340 : i32 to index
      %get3A_1342 = arith.index_cast %mul3A_1339 : i32 to index
      %get3A_1343 = tpu.vector_load %arg10[%get3A_1341, %get3A_1342] {strides = array<i32>} : memref<8x256xi32, #tpu.memory_space<vmem>>, vector<16xi32>,
      %add3A_1344 = arith.addi %add3A_1337, %get3A_1343 : vector<16xi32>
      %mul3A_1345 = arith.constant 16 : i32
      %mul3A_1346 = arith.muli %scan3A_1310, %mul3A_1345 : i32
      %get3A_1347 = arith.constant 5 : i32
      %get3A_1348 = arith.index_cast %get3A_1347 : i32 to index
      %get3A_1349 = arith.index_cast %mul3A_1346 : i32 to index
      %get3A_1350 = tpu.vector_load %arg10[%get3A_1348, %get3A_1349] {strides = array<i32>} : memref<8x256xi32, #tpu.memory_space<vmem>>, vector<16xi32>,
      %add3A_1351 = arith.addi %add3A_1344, %get3A_1350 : vector<16xi32>
      %mul3A_1352 = arith.constant 16 : i32
      %mul3A_1353 = arith.muli %scan3A_1310, %mul3A_1352 : i32
      %get3A_1354 = arith.constant 6 : i32
      %get3A_1355 = arith.index_cast %get3A_1354 : i32 to index
      %get3A_1356 = arith.index_cast %mul3A_1353 : i32 to index
      %get3A_1357 = tpu.vector_load %arg10[%get3A_1355, %get3A_1356] {strides = array<i32>} : memref<8x256xi32, #tpu.memory_space<vmem>>, vector<16xi32>,
      %add3A_1358 = arith.addi %add3A_1351, %get3A_1357 : vector<16xi32>
      %mul3A_1359 = arith.constant 16 : i32
      %mul3A_1360 = arith.muli %scan3A_1310, %mul3A_1359 : i32
      %get3A_1361 = arith.constant 7 : i32
      %get3A_1362 = arith.index_cast %get3A_1361 : i32 to index
      %get3A_1363 = arith.index_cast %mul3A_1360 : i32 to index
      %get3A_1364 = tpu.vector_load %arg10[%get3A_1362, %get3A_1363] {strides = array<i32>} : memref<8x256xi32, #tpu.memory_space<vmem>>, vector<16xi32>,
      %add3A_1365 = arith.addi %add3A_1358, %get3A_1364 : vector<16xi32>
      %mul3A_1366 = arith.constant 16 : i32
      %mul3A_1367 = arith.muli %scan3A_1310, %mul3A_1366 : i32
      %swap3A_1368 = arith.index_cast %mul3A_1367 : i32 to index
      %swap3A_1369 = tpu.vector_load %arg11[%swap3A_1368] {strides = array<i32>} : memref<256xi32, #tpu.memory_space<vmem>>, vector<16xi32>,
      tpu.vector_store %arg11[%swap3A_1368], %add3A_1365 {strides = array<i32>} : memref<256xi32, #tpu.memory_space<vmem>>, vector<16xi32>,
    }
    %scan3A_198 = arith.constant 16 : i32
    %scan3A_199 = arith.constant 0 : i32
    %scan3A_200 = arith.constant 255 : i32
    %scan3A_201 = arith.constant 0 : i32
    %scan3A_202 = arith.constant 8 : i32
    %scan3A_203 = arith.addi %scan3A_201, %scan3A_202 : i32
    %scan3A_204 = arith.constant 1 : i32
    %scan3A_205:2 = scf.for %scan3A_1310 = %scan3A_201 to %scan3A_203 step %scan3A_204 iter_args(%scan3A_1311 = %scan3A_199, %scan3A_1312 = %scan3A_200) -> (i32, i32)  : i32 {
      %add3A_1313 = arith.addi %scan3A_1311, %scan3A_1312 : i32
      %add3A_1314 = arith.constant 1 : i32
      %add3A_1315 = arith.addi %add3A_1313, %add3A_1314 : i32
      %shift_right_arithmetic3A_1316 = arith.constant 1 : i32
      %shift_right_arithmetic3A_1317 = arith.shrsi %add3A_1315, %shift_right_arithmetic3A_1316 : i32
      %scan3A_1318 = arith.constant 0 : i32
      %scan3A_1319 = arith.constant 0 : i32
      %scan3A_1320 = arith.constant 16 : i32
      %scan3A_1321 = arith.addi %scan3A_1319, %scan3A_1320 : i32
      %scan3A_1322 = arith.constant 1 : i32
      %scan3A_1323 = scf.for %scan3A_1329 = %scan3A_1319 to %scan3A_1321 step %scan3A_1322 iter_args(%scan3A_1330 = %scan3A_1318) -> (i32)  : i32 {
        %mul3A_1331 = arith.constant 16 : i32
        %mul3A_1332 = arith.muli %scan3A_1329, %mul3A_1331 : i32
        %get3A_1333 = arith.index_cast %mul3A_1332 : i32 to index
        %get3A_1334 = tpu.vector_load %arg11[%get3A_1333] {strides = array<i32>} : memref<256xi32, #tpu.memory_space<vmem>>, vector<16xi32>,
        %mul3A_1335 = arith.constant 16 : i32
        %mul3A_1336 = arith.muli %scan3A_1329, %mul3A_1335 : i32
        %add3A_1337 = vector.broadcast %mul3A_1336 : i32 to vector<16xi32>
        %add3A_1338 = arith.addi %add3A_1337, %iota3A : vector<16xi32>
        %ge3A_1339 = vector.broadcast %shift_right_arithmetic3A_1317 : i32 to vector<16xi32>
        %ge3A_1340 = arith.cmpi sge, %add3A_1338, %ge3A_1339 : vector<16xi32>
        %jit3A_1341 = arith.constant 0 : i32
        %broadcast_in_dim3A_1342 = vector.broadcast %jit3A_1341 : i32 to vector<16xi32>
        %select_n3A_1343 = arith.select %ge3A_1340, %get3A_1334, %broadcast_in_dim3A_1342 : vector<16xi1>, vector<16xi32>
        %reduce_sum3A_1344 = arith.constant true
        %reduce_sum3A_1345 = vector.broadcast %reduce_sum3A_1344 : i1 to vector<16xi1>
        %reduce_sum3A_1346 = tpu.scan <sum>, %select_n3A_1343 masked %reduce_sum3A_1345 : vector<16xi32>, vector<16xi1> -> vector<16xi32>
        %reduce_sum3A_1347 = vector.extract %reduce_sum3A_1346[15] : i32 from vector<16xi32>
        %add3A_1348 = arith.addi %scan3A_1330, %reduce_sum3A_1347 : i32
        scf.yield %add3A_1348 : i32
      }
      %scan3A_1324 = arith.constant 16 : i32
      %ge3A = arith.cmpi sge, %scan3A_1323, %sub3A_166 : i32
      %select_n3A_1325 = arith.select %ge3A, %shift_right_arithmetic3A_1317, %scan3A_1311 : i32
      %sub3A_1326 = arith.constant 1 : i32
      %sub3A_1327 = arith.subi %shift_right_arithmetic3A_1317, %sub3A_1326 : i32
      %select_n3A_1328 = arith.select %ge3A, %scan3A_1312, %sub3A_1327 : i32
      scf.yield %select_n3A_1325, %select_n3A_1328 : i32, i32
    }
    %scan3A_206 = arith.constant 8 : i32
    %add3A_207 = arith.constant 1 : i32
    %add3A_208 = arith.addi %scan3A_205#0, %add3A_207 : i32
    %scan3A_209 = arith.constant 0 : i32
    %scan3A_210 = arith.constant 0 : i32
    %scan3A_211 = arith.constant 16 : i32
    %scan3A_212 = arith.addi %scan3A_210, %scan3A_211 : i32
    %scan3A_213 = arith.constant 1 : i32
    %scan3A_214 = scf.for %scan3A_1310 = %scan3A_210 to %scan3A_212 step %scan3A_213 iter_args(%scan3A_1311 = %scan3A_209) -> (i32)  : i32 {
      %mul3A_1312 = arith.constant 16 : i32
      %mul3A_1313 = arith.muli %scan3A_1310, %mul3A_1312 : i32
      %get3A_1314 = arith.index_cast %mul3A_1313 : i32 to index
      %get3A_1315 = tpu.vector_load %arg11[%get3A_1314] {strides = array<i32>} : memref<256xi32, #tpu.memory_space<vmem>>, vector<16xi32>,
      %mul3A_1316 = arith.constant 16 : i32
      %mul3A_1317 = arith.muli %scan3A_1310, %mul3A_1316 : i32
      %add3A_1318 = vector.broadcast %mul3A_1317 : i32 to vector<16xi32>
      %add3A_1319 = arith.addi %add3A_1318, %iota3A : vector<16xi32>
      %ge3A = vector.broadcast %add3A_208 : i32 to vector<16xi32>
      %ge3A_1320 = arith.cmpi sge, %add3A_1319, %ge3A : vector<16xi32>
      %jit3A_1321 = arith.constant 0 : i32
      %broadcast_in_dim3A_1322 = vector.broadcast %jit3A_1321 : i32 to vector<16xi32>
      %select_n3A_1323 = arith.select %ge3A_1320, %get3A_1315, %broadcast_in_dim3A_1322 : vector<16xi1>, vector<16xi32>
      %reduce_sum3A_1324 = arith.constant true
      %reduce_sum3A_1325 = vector.broadcast %reduce_sum3A_1324 : i1 to vector<16xi1>
      %reduce_sum3A_1326 = tpu.scan <sum>, %select_n3A_1323 masked %reduce_sum3A_1325 : vector<16xi32>, vector<16xi1> -> vector<16xi32>
      %reduce_sum3A_1327 = vector.extract %reduce_sum3A_1326[15] : i32 from vector<16xi32>
      %add3A_1328 = arith.addi %scan3A_1311, %reduce_sum3A_1327 : i32
      scf.yield %add3A_1328 : i32
    }
    %scan3A_215 = arith.constant 16 : i32
    %add3A_216 = arith.constant 1 : i32
    %add3A_217 = arith.addi %scan3A_205#0, %add3A_216 : i32
    %scan3A_218 = arith.constant 0 : i32
    %scan3A_219 = arith.constant 0 : i32
    %scan3A_220 = arith.constant 16 : i32
    %scan3A_221 = arith.addi %scan3A_219, %scan3A_220 : i32
    %scan3A_222 = arith.constant 1 : i32
    %scan3A_223 = scf.for %scan3A_1310 = %scan3A_219 to %scan3A_221 step %scan3A_222 iter_args(%scan3A_1311 = %scan3A_218) -> (i32)  : i32 {
      %mul3A_1312 = arith.constant 16 : i32
      %mul3A_1313 = arith.muli %scan3A_1310, %mul3A_1312 : i32
      %get3A_1314 = arith.index_cast %mul3A_1313 : i32 to index
      %get3A_1315 = tpu.vector_load %arg12[%get3A_1314] {strides = array<i32>} : memref<256xi32, #tpu.memory_space<vmem>>, vector<16xi32>,
      %mul3A_1316 = arith.constant 16 : i32
      %mul3A_1317 = arith.muli %scan3A_1310, %mul3A_1316 : i32
      %add3A_1318 = vector.broadcast %mul3A_1317 : i32 to vector<16xi32>
      %add3A_1319 = arith.addi %add3A_1318, %iota3A : vector<16xi32>
      %ge3A = vector.broadcast %add3A_217 : i32 to vector<16xi32>
      %ge3A_1320 = arith.cmpi sge, %add3A_1319, %ge3A : vector<16xi32>
      %jit3A_1321 = arith.constant 0 : i32
      %broadcast_in_dim3A_1322 = vector.broadcast %jit3A_1321 : i32 to vector<16xi32>
      %select_n3A_1323 = arith.select %ge3A_1320, %get3A_1315, %broadcast_in_dim3A_1322 : vector<16xi1>, vector<16xi32>
      %reduce_sum3A_1324 = arith.constant true
      %reduce_sum3A_1325 = vector.broadcast %reduce_sum3A_1324 : i1 to vector<16xi1>
      %reduce_sum3A_1326 = tpu.scan <sum>, %select_n3A_1323 masked %reduce_sum3A_1325 : vector<16xi32>, vector<16xi1> -> vector<16xi32>
      %reduce_sum3A_1327 = vector.extract %reduce_sum3A_1326[15] : i32 from vector<16xi32>
      %add3A_1328 = arith.addi %scan3A_1311, %reduce_sum3A_1327 : i32
      scf.yield %add3A_1328 : i32
    }
    %scan3A_224 = arith.constant 16 : i32
    %scan3A_225 = arith.constant 0 : i32
    %scan3A_226 = arith.constant 0 : i32
    %scan3A_227 = arith.constant 16 : i32
    %scan3A_228 = arith.addi %scan3A_226, %scan3A_227 : i32
    %scan3A_229 = arith.constant 1 : i32
    %scan3A_230 = scf.for %scan3A_1310 = %scan3A_226 to %scan3A_228 step %scan3A_229 iter_args(%scan3A_1311 = %scan3A_225) -> (i32)  : i32 {
      %mul3A_1312 = arith.constant 16 : i32
      %mul3A_1313 = arith.muli %scan3A_1310, %mul3A_1312 : i32
      %get3A_1314 = arith.index_cast %mul3A_1313 : i32 to index
      %get3A_1315 = tpu.vector_load %arg12[%get3A_1314] {strides = array<i32>} : memref<256xi32, #tpu.memory_space<vmem>>, vector<16xi32>,
      %mul3A_1316 = arith.constant 16 : i32
      %mul3A_1317 = arith.muli %scan3A_1310, %mul3A_1316 : i32
      %add3A_1318 = vector.broadcast %mul3A_1317 : i32 to vector<16xi32>
      %add3A_1319 = arith.addi %add3A_1318, %iota3A : vector<16xi32>
      %ge3A = vector.broadcast %scan3A_205#0 : i32 to vector<16xi32>
      %ge3A_1320 = arith.cmpi sge, %add3A_1319, %ge3A : vector<16xi32>
      %jit3A_1321 = arith.constant 0 : i32
      %broadcast_in_dim3A_1322 = vector.broadcast %jit3A_1321 : i32 to vector<16xi32>
      %select_n3A_1323 = arith.select %ge3A_1320, %get3A_1315, %broadcast_in_dim3A_1322 : vector<16xi1>, vector<16xi32>
      %reduce_sum3A_1324 = arith.constant true
      %reduce_sum3A_1325 = vector.broadcast %reduce_sum3A_1324 : i1 to vector<16xi1>
      %reduce_sum3A_1326 = tpu.scan <sum>, %select_n3A_1323 masked %reduce_sum3A_1325 : vector<16xi32>, vector<16xi1> -> vector<16xi32>
      %reduce_sum3A_1327 = vector.extract %reduce_sum3A_1326[15] : i32 from vector<16xi32>
      %add3A_1328 = arith.addi %scan3A_1311, %reduce_sum3A_1327 : i32
      scf.yield %add3A_1328 : i32
    }
    %scan3A_231 = arith.constant 16 : i32
    %sub3A_232 = arith.subi %scan3A_230, %scan3A_223 : i32
    %sub3A_233 = arith.subi %sub3A_166, %scan3A_214 : i32
    %shift_left3A_234 = arith.constant 8 : i32
    %shift_left3A_235 = arith.shli %or3A, %shift_left3A_234 : i32
    %or3A_236 = arith.ori %shift_left3A_235, %scan3A_205#0 : i32
    %add3A_237 = arith.addi %add3A_168, %scan3A_223 : i32
    %scan3A_238 = arith.constant 0 : i32
    %scan3A_239 = arith.constant 0 : i32
    %scan3A_240 = arith.constant 256 : i32
    %scan3A_241 = arith.addi %scan3A_239, %scan3A_240 : i32
    %scan3A_242 = arith.constant 1 : i32
    scf.for %scan3A_1310 = %scan3A_239 to %scan3A_241 step %scan3A_242  : i32 {
      %broadcast_in_dim3A_1311 = arith.constant 0 : i32
      %broadcast_in_dim3A_1312 = vector.broadcast %broadcast_in_dim3A_1311 : i32 to vector<16xi32>
      %mul3A_1313 = arith.constant 16 : i32
      %mul3A_1314 = arith.muli %scan3A_1310, %mul3A_1313 : i32
      %swap3A_1315 = arith.index_cast %mul3A_1314 : i32 to index
      %swap3A_1316 = tpu.vector_load %arg9[%swap3A_1315] {strides = array<i32>} : memref<4096xi32, #tpu.memory_space<vmem>>, vector<16xi32>,
      tpu.vector_store %arg9[%swap3A_1315], %broadcast_in_dim3A_1312 {strides = array<i32>} : memref<4096xi32, #tpu.memory_space<vmem>>, vector<16xi32>,
    }
    %scan3A_243 = arith.constant 256 : i32
    %while3A_244 = arith.constant 0 : i32
    %while3A_245 = arith.constant 0 : i32
    %while3A_246 = arith.subi %shift_right_arithmetic3A_116, %while3A_245 : i32
    %while3A_247 = arith.addi %while3A_245, %while3A_246 : i32
    %while3A_248 = arith.constant 1 : i32
    %while3A_249 = arith.divsi %while3A_246, %while3A_248 : i32
    %while3A_250 = arith.muli %while3A_249, %while3A_248 : i32
    %while3A_251 = arith.addi %while3A_245, %while3A_250 : i32
    %while3A_252 = arith.constant 1 : i32
    scf.for %while3A_1310 = %while3A_245 to %while3A_251 step %while3A_252  : i32 {
      %mul3A_1311 = arith.constant 16 : i32
      %mul3A_1312 = arith.muli %while3A_1310, %mul3A_1311 : i32
      %get3A_1313 = arith.index_cast %mul3A_1312 : i32 to index
      %get3A_1314 = tpu.vector_load %arg7[%get3A_1313] {strides = array<i32>} : memref<14336xi32, #tpu.memory_space<vmem>>, vector<16xi32>,
      %mul3A_1315 = arith.constant 16 : i32
      %mul3A_1316 = arith.muli %while3A_1310, %mul3A_1315 : i32
      %add3A_1317 = vector.broadcast %mul3A_1316 : i32 to vector<16xi32>
      %add3A_1318 = arith.addi %add3A_1317, %iota3A : vector<16xi32>
      %lt3A_1319 = vector.broadcast %scan3A_112 : i32 to vector<16xi32>
      %lt3A_1320 = arith.cmpi slt, %add3A_1318, %lt3A_1319 : vector<16xi32>
      %shift_right_logical3A = arith.constant 8 : i32
      %shift_right_logical3A_1321 = vector.broadcast %shift_right_logical3A : i32 to vector<16xi32>
      %shift_right_logical3A_1322 = arith.shrui %get3A_1314, %shift_right_logical3A_1321 : vector<16xi32>
      %eq3A_1323 = vector.broadcast %or3A_236 : i32 to vector<16xi32>
      %eq3A_1324 = arith.cmpi eq, %shift_right_logical3A_1322, %eq3A_1323 : vector<16xi32>
      %and3A_1325 = arith.andi %lt3A_1320, %eq3A_1324 : vector<16xi1>
      %and3A_1326 = arith.constant 255 : i32
      %and3A_1327 = vector.broadcast %and3A_1326 : i32 to vector<16xi32>
      %and3A_1328 = arith.andi %get3A_1314, %and3A_1327 : vector<16xi32>
      %mul3A_1329 = arith.constant 256 : i32
      %mul3A_1330 = vector.broadcast %mul3A_1329 : i32 to vector<16xi32>
      %mul3A_1331 = arith.muli %iota3A, %mul3A_1330 : vector<16xi32>
      %add3A_1332 = arith.addi %mul3A_1331, %and3A_1328 : vector<16xi32>
      tpu.vector_store_idx %arg9[%add3A_1332], %broadcast_in_dim3A_33 masked %and3A_1325 {add = true} : memref<4096xi32, #tpu.memory_space<vmem>>[vector<16xi32>], vector<16xi32>, vector<16xi1>
    }
    %while3A_253 = arith.constant 1 : i32
    scf.for %while3A_1310 = %while3A_251 to %while3A_247 step %while3A_253  : i32 {
      %mul3A_1311 = arith.constant 16 : i32
      %mul3A_1312 = arith.muli %while3A_1310, %mul3A_1311 : i32
      %get3A_1313 = arith.index_cast %mul3A_1312 : i32 to index
      %get3A_1314 = tpu.vector_load %arg7[%get3A_1313] {strides = array<i32>} : memref<14336xi32, #tpu.memory_space<vmem>>, vector<16xi32>,
      %mul3A_1315 = arith.constant 16 : i32
      %mul3A_1316 = arith.muli %while3A_1310, %mul3A_1315 : i32
      %add3A_1317 = vector.broadcast %mul3A_1316 : i32 to vector<16xi32>
      %add3A_1318 = arith.addi %add3A_1317, %iota3A : vector<16xi32>
      %lt3A_1319 = vector.broadcast %scan3A_112 : i32 to vector<16xi32>
      %lt3A_1320 = arith.cmpi slt, %add3A_1318, %lt3A_1319 : vector<16xi32>
      %shift_right_logical3A = arith.constant 8 : i32
      %shift_right_logical3A_1321 = vector.broadcast %shift_right_logical3A : i32 to vector<16xi32>
      %shift_right_logical3A_1322 = arith.shrui %get3A_1314, %shift_right_logical3A_1321 : vector<16xi32>
      %eq3A_1323 = vector.broadcast %or3A_236 : i32 to vector<16xi32>
      %eq3A_1324 = arith.cmpi eq, %shift_right_logical3A_1322, %eq3A_1323 : vector<16xi32>
      %and3A_1325 = arith.andi %lt3A_1320, %eq3A_1324 : vector<16xi1>
      %and3A_1326 = arith.constant 255 : i32
      %and3A_1327 = vector.broadcast %and3A_1326 : i32 to vector<16xi32>
      %and3A_1328 = arith.andi %get3A_1314, %and3A_1327 : vector<16xi32>
      %mul3A_1329 = arith.constant 256 : i32
      %mul3A_1330 = vector.broadcast %mul3A_1329 : i32 to vector<16xi32>
      %mul3A_1331 = arith.muli %iota3A, %mul3A_1330 : vector<16xi32>
      %add3A_1332 = arith.addi %mul3A_1331, %and3A_1328 : vector<16xi32>
      tpu.vector_store_idx %arg9[%add3A_1332], %broadcast_in_dim3A_33 masked %and3A_1325 {add = true} : memref<4096xi32, #tpu.memory_space<vmem>>[vector<16xi32>], vector<16xi32>, vector<16xi1>
    }
    %scan3A_254 = arith.constant 0 : i32
    %scan3A_255 = arith.constant 0 : i32
    %scan3A_256 = arith.constant 16 : i32
    %scan3A_257 = arith.addi %scan3A_255, %scan3A_256 : i32
    %scan3A_258 = arith.constant 1 : i32
    scf.for %scan3A_1310 = %scan3A_255 to %scan3A_257 step %scan3A_258  : i32 {
      %mul3A_1311 = arith.constant 16 : i32
      %mul3A_1312 = arith.muli %scan3A_1310, %mul3A_1311 : i32
      %get3A_1313 = arith.index_cast %mul3A_1312 : i32 to index
      %get3A_1314 = tpu.vector_load %arg9[%get3A_1313] {strides = array<i32>} : memref<4096xi32, #tpu.memory_space<vmem>>, vector<16xi32>,
      %mul3A_1315 = arith.constant 16 : i32
      %mul3A_1316 = arith.muli %scan3A_1310, %mul3A_1315 : i32
      %add3A_1317 = arith.constant 256 : i32
      %add3A_1318 = arith.addi %add3A_1317, %mul3A_1316 : i32
      %get3A_1319 = arith.index_cast %add3A_1318 : i32 to index
      %get3A_1320 = tpu.vector_load %arg9[%get3A_1319] {strides = array<i32>} : memref<4096xi32, #tpu.memory_space<vmem>>, vector<16xi32>,
      %add3A_1321 = arith.addi %get3A_1314, %get3A_1320 : vector<16xi32>
      %mul3A_1322 = arith.constant 16 : i32
      %mul3A_1323 = arith.muli %scan3A_1310, %mul3A_1322 : i32
      %add3A_1324 = arith.constant 512 : i32
      %add3A_1325 = arith.addi %add3A_1324, %mul3A_1323 : i32
      %get3A_1326 = arith.index_cast %add3A_1325 : i32 to index
      %get3A_1327 = tpu.vector_load %arg9[%get3A_1326] {strides = array<i32>} : memref<4096xi32, #tpu.memory_space<vmem>>, vector<16xi32>,
      %add3A_1328 = arith.addi %add3A_1321, %get3A_1327 : vector<16xi32>
      %mul3A_1329 = arith.constant 16 : i32
      %mul3A_1330 = arith.muli %scan3A_1310, %mul3A_1329 : i32
      %add3A_1331 = arith.constant 768 : i32
      %add3A_1332 = arith.addi %add3A_1331, %mul3A_1330 : i32
      %get3A_1333 = arith.index_cast %add3A_1332 : i32 to index
      %get3A_1334 = tpu.vector_load %arg9[%get3A_1333] {strides = array<i32>} : memref<4096xi32, #tpu.memory_space<vmem>>, vector<16xi32>,
      %add3A_1335 = arith.addi %add3A_1328, %get3A_1334 : vector<16xi32>
      %mul3A_1336 = arith.constant 16 : i32
      %mul3A_1337 = arith.muli %scan3A_1310, %mul3A_1336 : i32
      %add3A_1338 = arith.constant 1024 : i32
      %add3A_1339 = arith.addi %add3A_1338, %mul3A_1337 : i32
      %get3A_1340 = arith.index_cast %add3A_1339 : i32 to index
      %get3A_1341 = tpu.vector_load %arg9[%get3A_1340] {strides = array<i32>} : memref<4096xi32, #tpu.memory_space<vmem>>, vector<16xi32>,
      %add3A_1342 = arith.addi %add3A_1335, %get3A_1341 : vector<16xi32>
      %mul3A_1343 = arith.constant 16 : i32
      %mul3A_1344 = arith.muli %scan3A_1310, %mul3A_1343 : i32
      %add3A_1345 = arith.constant 1280 : i32
      %add3A_1346 = arith.addi %add3A_1345, %mul3A_1344 : i32
      %get3A_1347 = arith.index_cast %add3A_1346 : i32 to index
      %get3A_1348 = tpu.vector_load %arg9[%get3A_1347] {strides = array<i32>} : memref<4096xi32, #tpu.memory_space<vmem>>, vector<16xi32>,
      %add3A_1349 = arith.addi %add3A_1342, %get3A_1348 : vector<16xi32>
      %mul3A_1350 = arith.constant 16 : i32
      %mul3A_1351 = arith.muli %scan3A_1310, %mul3A_1350 : i32
      %add3A_1352 = arith.constant 1536 : i32
      %add3A_1353 = arith.addi %add3A_1352, %mul3A_1351 : i32
      %get3A_1354 = arith.index_cast %add3A_1353 : i32 to index
      %get3A_1355 = tpu.vector_load %arg9[%get3A_1354] {strides = array<i32>} : memref<4096xi32, #tpu.memory_space<vmem>>, vector<16xi32>,
      %add3A_1356 = arith.addi %add3A_1349, %get3A_1355 : vector<16xi32>
      %mul3A_1357 = arith.constant 16 : i32
      %mul3A_1358 = arith.muli %scan3A_1310, %mul3A_1357 : i32
      %add3A_1359 = arith.constant 1792 : i32
      %add3A_1360 = arith.addi %add3A_1359, %mul3A_1358 : i32
      %get3A_1361 = arith.index_cast %add3A_1360 : i32 to index
      %get3A_1362 = tpu.vector_load %arg9[%get3A_1361] {strides = array<i32>} : memref<4096xi32, #tpu.memory_space<vmem>>, vector<16xi32>,
      %add3A_1363 = arith.addi %add3A_1356, %get3A_1362 : vector<16xi32>
      %mul3A_1364 = arith.constant 16 : i32
      %mul3A_1365 = arith.muli %scan3A_1310, %mul3A_1364 : i32
      %add3A_1366 = arith.constant 2048 : i32
      %add3A_1367 = arith.addi %add3A_1366, %mul3A_1365 : i32
      %get3A_1368 = arith.index_cast %add3A_1367 : i32 to index
      %get3A_1369 = tpu.vector_load %arg9[%get3A_1368] {strides = array<i32>} : memref<4096xi32, #tpu.memory_space<vmem>>, vector<16xi32>,
      %add3A_1370 = arith.addi %add3A_1363, %get3A_1369 : vector<16xi32>
      %mul3A_1371 = arith.constant 16 : i32
      %mul3A_1372 = arith.muli %scan3A_1310, %mul3A_1371 : i32
      %add3A_1373 = arith.constant 2304 : i32
      %add3A_1374 = arith.addi %add3A_1373, %mul3A_1372 : i32
      %get3A_1375 = arith.index_cast %add3A_1374 : i32 to index
      %get3A_1376 = tpu.vector_load %arg9[%get3A_1375] {strides = array<i32>} : memref<4096xi32, #tpu.memory_space<vmem>>, vector<16xi32>,
      %add3A_1377 = arith.addi %add3A_1370, %get3A_1376 : vector<16xi32>
      %mul3A_1378 = arith.constant 16 : i32
      %mul3A_1379 = arith.muli %scan3A_1310, %mul3A_1378 : i32
      %add3A_1380 = arith.constant 2560 : i32
      %add3A_1381 = arith.addi %add3A_1380, %mul3A_1379 : i32
      %get3A_1382 = arith.index_cast %add3A_1381 : i32 to index
      %get3A_1383 = tpu.vector_load %arg9[%get3A_1382] {strides = array<i32>} : memref<4096xi32, #tpu.memory_space<vmem>>, vector<16xi32>,
      %add3A_1384 = arith.addi %add3A_1377, %get3A_1383 : vector<16xi32>
      %mul3A_1385 = arith.constant 16 : i32
      %mul3A_1386 = arith.muli %scan3A_1310, %mul3A_1385 : i32
      %add3A_1387 = arith.constant 2816 : i32
      %add3A_1388 = arith.addi %add3A_1387, %mul3A_1386 : i32
      %get3A_1389 = arith.index_cast %add3A_1388 : i32 to index
      %get3A_1390 = tpu.vector_load %arg9[%get3A_1389] {strides = array<i32>} : memref<4096xi32, #tpu.memory_space<vmem>>, vector<16xi32>,
      %add3A_1391 = arith.addi %add3A_1384, %get3A_1390 : vector<16xi32>
      %mul3A_1392 = arith.constant 16 : i32
      %mul3A_1393 = arith.muli %scan3A_1310, %mul3A_1392 : i32
      %add3A_1394 = arith.constant 3072 : i32
      %add3A_1395 = arith.addi %add3A_1394, %mul3A_1393 : i32
      %get3A_1396 = arith.index_cast %add3A_1395 : i32 to index
      %get3A_1397 = tpu.vector_load %arg9[%get3A_1396] {strides = array<i32>} : memref<4096xi32, #tpu.memory_space<vmem>>, vector<16xi32>,
      %add3A_1398 = arith.addi %add3A_1391, %get3A_1397 : vector<16xi32>
      %mul3A_1399 = arith.constant 16 : i32
      %mul3A_1400 = arith.muli %scan3A_1310, %mul3A_1399 : i32
      %add3A_1401 = arith.constant 3328 : i32
      %add3A_1402 = arith.addi %add3A_1401, %mul3A_1400 : i32
      %get3A_1403 = arith.index_cast %add3A_1402 : i32 to index
      %get3A_1404 = tpu.vector_load %arg9[%get3A_1403] {strides = array<i32>} : memref<4096xi32, #tpu.memory_space<vmem>>, vector<16xi32>,
      %add3A_1405 = arith.addi %add3A_1398, %get3A_1404 : vector<16xi32>
      %mul3A_1406 = arith.constant 16 : i32
      %mul3A_1407 = arith.muli %scan3A_1310, %mul3A_1406 : i32
      %add3A_1408 = arith.constant 3584 : i32
      %add3A_1409 = arith.addi %add3A_1408, %mul3A_1407 : i32
      %get3A_1410 = arith.index_cast %add3A_1409 : i32 to index
      %get3A_1411 = tpu.vector_load %arg9[%get3A_1410] {strides = array<i32>} : memref<4096xi32, #tpu.memory_space<vmem>>, vector<16xi32>,
      %add3A_1412 = arith.addi %add3A_1405, %get3A_1411 : vector<16xi32>
      %mul3A_1413 = arith.constant 16 : i32
      %mul3A_1414 = arith.muli %scan3A_1310, %mul3A_1413 : i32
      %add3A_1415 = arith.constant 3840 : i32
      %add3A_1416 = arith.addi %add3A_1415, %mul3A_1414 : i32
      %get3A_1417 = arith.index_cast %add3A_1416 : i32 to index
      %get3A_1418 = tpu.vector_load %arg9[%get3A_1417] {strides = array<i32>} : memref<4096xi32, #tpu.memory_space<vmem>>, vector<16xi32>,
      %add3A_1419 = arith.addi %add3A_1412, %get3A_1418 : vector<16xi32>
      %mul3A_1420 = arith.constant 16 : i32
      %mul3A_1421 = arith.muli %scan3A_1310, %mul3A_1420 : i32
      %swap3A_1422 = arith.index_cast %mul3A_1421 : i32 to index
      %swap3A_1423 = tpu.vector_load %arg12[%swap3A_1422] {strides = array<i32>} : memref<256xi32, #tpu.memory_space<vmem>>, vector<16xi32>,
      tpu.vector_store %arg12[%swap3A_1422], %add3A_1419 {strides = array<i32>} : memref<256xi32, #tpu.memory_space<vmem>>, vector<16xi32>,
    }
    %scan3A_259 = arith.constant 16 : i32
    %run_scoped3A_260 = arith.constant 3 : i32
    "tpu.region"() ({
      %run_scoped3A_1310 = tpu.sem_alloc : memref<!tpu.dma_semaphore, #tpu.memory_space<semaphore_mem>>
      %dma_start3A_1311 = arith.constant 0 : i32
      %dma_start3A_1312 = tpu.memref_slice %arg19[%run_scoped3A_260, %select_n3A, %select_n3A_28, %dma_start3A_1311] : memref<4x2x8x256xi32, #tpu.memory_space<vmem_shared>> -> memref<1x1x1x256xi32, #tpu.memory_space<vmem_shared>>
      %dma_start3A_1313 = tpu.memref_squeeze %dma_start3A_1312 : memref<1x1x1x256xi32, #tpu.memory_space<vmem_shared>> -> memref<256xi32, #tpu.memory_space<vmem_shared>>
      %dma_start3A_1314 = arith.constant 0 : i32
      %dma_start3A_1315 = tpu.memref_slice %arg19[%run_scoped3A_260, %select_n3A, %select_n3A_28, %dma_start3A_1314] : memref<4x2x8x256xi32, #tpu.memory_space<vmem_shared>> -> memref<1x1x1x256xi32, #tpu.memory_space<vmem_shared>>
      %dma_start3A_1316 = tpu.memref_squeeze %dma_start3A_1315 : memref<1x1x1x256xi32, #tpu.memory_space<vmem_shared>> -> memref<256xi32, #tpu.memory_space<vmem_shared>>
      tpu.enqueue_dma source(%arg12 : memref<256xi32, #tpu.memory_space<vmem>>) target(%dma_start3A_1316 : memref<256xi32, #tpu.memory_space<vmem_shared>>) target_semaphore(%run_scoped3A_1310 : memref<!tpu.dma_semaphore, #tpu.memory_space<semaphore_mem>>)
      %dma_wait3A_1317 = arith.constant 0 : i32
      %dma_wait3A_1318 = tpu.memref_slice %arg19[%run_scoped3A_260, %select_n3A, %select_n3A_28, %dma_wait3A_1317] : memref<4x2x8x256xi32, #tpu.memory_space<vmem_shared>> -> memref<1x1x1x256xi32, #tpu.memory_space<vmem_shared>>
      %dma_wait3A_1319 = tpu.memref_squeeze %dma_wait3A_1318 : memref<1x1x1x256xi32, #tpu.memory_space<vmem_shared>> -> memref<256xi32, #tpu.memory_space<vmem_shared>>
      %dma_wait3A_1320 = arith.constant 0 : i32
      %dma_wait3A_1321 = tpu.memref_slice %arg19[%run_scoped3A_260, %select_n3A, %select_n3A_28, %dma_wait3A_1320] : memref<4x2x8x256xi32, #tpu.memory_space<vmem_shared>> -> memref<1x1x1x256xi32, #tpu.memory_space<vmem_shared>>
      %dma_wait3A_1322 = tpu.memref_squeeze %dma_wait3A_1321 : memref<1x1x1x256xi32, #tpu.memory_space<vmem_shared>> -> memref<256xi32, #tpu.memory_space<vmem_shared>>
      tpu.wait_dma2 semaphore(%run_scoped3A_1310 : memref<!tpu.dma_semaphore, #tpu.memory_space<semaphore_mem>>) src(%arg12 : memref<256xi32, #tpu.memory_space<vmem>>) dst(%dma_wait3A_1322 : memref<256xi32, #tpu.memory_space<vmem_shared>>)
      tpu.yield
    }) : () -> ()
    %barrier3A_261 = arith.constant 0 : index
    tpu.barrier barrier_id(%barrier3A_261)
    %run_scoped3A_262 = arith.constant 3 : i32
    "tpu.region"() ({
      %run_scoped3A_1310 = tpu.sem_alloc : memref<!tpu.dma_semaphore, #tpu.memory_space<semaphore_mem>>
      %dma_start3A_1311 = arith.constant 0 : i32
      %dma_start3A_1312 = arith.constant 0 : i32
      %dma_start3A_1313 = tpu.memref_slice %arg19[%run_scoped3A_262, %select_n3A, %dma_start3A_1311, %dma_start3A_1312] : memref<4x2x8x256xi32, #tpu.memory_space<vmem_shared>> -> memref<1x1x8x256xi32, #tpu.memory_space<vmem_shared>>
      %dma_start3A_1314 = tpu.memref_squeeze %dma_start3A_1313 : memref<1x1x8x256xi32, #tpu.memory_space<vmem_shared>> -> memref<8x256xi32, #tpu.memory_space<vmem_shared>>
      %dma_start3A_1315 = arith.constant 0 : i32
      %dma_start3A_1316 = arith.constant 0 : i32
      %dma_start3A_1317 = tpu.memref_slice %arg19[%run_scoped3A_262, %select_n3A, %dma_start3A_1315, %dma_start3A_1316] : memref<4x2x8x256xi32, #tpu.memory_space<vmem_shared>> -> memref<1x1x8x256xi32, #tpu.memory_space<vmem_shared>>
      %dma_start3A_1318 = tpu.memref_squeeze %dma_start3A_1317 : memref<1x1x8x256xi32, #tpu.memory_space<vmem_shared>> -> memref<8x256xi32, #tpu.memory_space<vmem_shared>>
      tpu.enqueue_dma source(%dma_start3A_1318 : memref<8x256xi32, #tpu.memory_space<vmem_shared>>) target(%arg10 : memref<8x256xi32, #tpu.memory_space<vmem>>) target_semaphore(%run_scoped3A_1310 : memref<!tpu.dma_semaphore, #tpu.memory_space<semaphore_mem>>)
      %dma_wait3A_1319 = arith.constant 0 : i32
      %dma_wait3A_1320 = arith.constant 0 : i32
      %dma_wait3A_1321 = tpu.memref_slice %arg19[%run_scoped3A_262, %select_n3A, %dma_wait3A_1319, %dma_wait3A_1320] : memref<4x2x8x256xi32, #tpu.memory_space<vmem_shared>> -> memref<1x1x8x256xi32, #tpu.memory_space<vmem_shared>>
      %dma_wait3A_1322 = tpu.memref_squeeze %dma_wait3A_1321 : memref<1x1x8x256xi32, #tpu.memory_space<vmem_shared>> -> memref<8x256xi32, #tpu.memory_space<vmem_shared>>
      %dma_wait3A_1323 = arith.constant 0 : i32
      %dma_wait3A_1324 = arith.constant 0 : i32
      %dma_wait3A_1325 = tpu.memref_slice %arg19[%run_scoped3A_262, %select_n3A, %dma_wait3A_1323, %dma_wait3A_1324] : memref<4x2x8x256xi32, #tpu.memory_space<vmem_shared>> -> memref<1x1x8x256xi32, #tpu.memory_space<vmem_shared>>
      %dma_wait3A_1326 = tpu.memref_squeeze %dma_wait3A_1325 : memref<1x1x8x256xi32, #tpu.memory_space<vmem_shared>> -> memref<8x256xi32, #tpu.memory_space<vmem_shared>>
      tpu.wait_dma2 semaphore(%run_scoped3A_1310 : memref<!tpu.dma_semaphore, #tpu.memory_space<semaphore_mem>>) src(%dma_wait3A_1326 : memref<8x256xi32, #tpu.memory_space<vmem_shared>>) dst(%arg10 : memref<8x256xi32, #tpu.memory_space<vmem>>)
      tpu.yield
    }) : () -> ()
    %scan3A_263 = arith.constant 0 : i32
    %scan3A_264 = arith.constant 0 : i32
    %scan3A_265 = arith.constant 16 : i32
    %scan3A_266 = arith.addi %scan3A_264, %scan3A_265 : i32
    %scan3A_267 = arith.constant 1 : i32
    scf.for %scan3A_1310 = %scan3A_264 to %scan3A_266 step %scan3A_267  : i32 {
      %mul3A_1311 = arith.constant 16 : i32
      %mul3A_1312 = arith.muli %scan3A_1310, %mul3A_1311 : i32
      %get3A_1313 = arith.constant 0 : i32
      %get3A_1314 = arith.index_cast %get3A_1313 : i32 to index
      %get3A_1315 = arith.index_cast %mul3A_1312 : i32 to index
      %get3A_1316 = tpu.vector_load %arg10[%get3A_1314, %get3A_1315] {strides = array<i32>} : memref<8x256xi32, #tpu.memory_space<vmem>>, vector<16xi32>,
      %mul3A_1317 = arith.constant 16 : i32
      %mul3A_1318 = arith.muli %scan3A_1310, %mul3A_1317 : i32
      %get3A_1319 = arith.constant 1 : i32
      %get3A_1320 = arith.index_cast %get3A_1319 : i32 to index
      %get3A_1321 = arith.index_cast %mul3A_1318 : i32 to index
      %get3A_1322 = tpu.vector_load %arg10[%get3A_1320, %get3A_1321] {strides = array<i32>} : memref<8x256xi32, #tpu.memory_space<vmem>>, vector<16xi32>,
      %add3A_1323 = arith.addi %get3A_1316, %get3A_1322 : vector<16xi32>
      %mul3A_1324 = arith.constant 16 : i32
      %mul3A_1325 = arith.muli %scan3A_1310, %mul3A_1324 : i32
      %get3A_1326 = arith.constant 2 : i32
      %get3A_1327 = arith.index_cast %get3A_1326 : i32 to index
      %get3A_1328 = arith.index_cast %mul3A_1325 : i32 to index
      %get3A_1329 = tpu.vector_load %arg10[%get3A_1327, %get3A_1328] {strides = array<i32>} : memref<8x256xi32, #tpu.memory_space<vmem>>, vector<16xi32>,
      %add3A_1330 = arith.addi %add3A_1323, %get3A_1329 : vector<16xi32>
      %mul3A_1331 = arith.constant 16 : i32
      %mul3A_1332 = arith.muli %scan3A_1310, %mul3A_1331 : i32
      %get3A_1333 = arith.constant 3 : i32
      %get3A_1334 = arith.index_cast %get3A_1333 : i32 to index
      %get3A_1335 = arith.index_cast %mul3A_1332 : i32 to index
      %get3A_1336 = tpu.vector_load %arg10[%get3A_1334, %get3A_1335] {strides = array<i32>} : memref<8x256xi32, #tpu.memory_space<vmem>>, vector<16xi32>,
      %add3A_1337 = arith.addi %add3A_1330, %get3A_1336 : vector<16xi32>
      %mul3A_1338 = arith.constant 16 : i32
      %mul3A_1339 = arith.muli %scan3A_1310, %mul3A_1338 : i32
      %get3A_1340 = arith.constant 4 : i32
      %get3A_1341 = arith.index_cast %get3A_1340 : i32 to index
      %get3A_1342 = arith.index_cast %mul3A_1339 : i32 to index
      %get3A_1343 = tpu.vector_load %arg10[%get3A_1341, %get3A_1342] {strides = array<i32>} : memref<8x256xi32, #tpu.memory_space<vmem>>, vector<16xi32>,
      %add3A_1344 = arith.addi %add3A_1337, %get3A_1343 : vector<16xi32>
      %mul3A_1345 = arith.constant 16 : i32
      %mul3A_1346 = arith.muli %scan3A_1310, %mul3A_1345 : i32
      %get3A_1347 = arith.constant 5 : i32
      %get3A_1348 = arith.index_cast %get3A_1347 : i32 to index
      %get3A_1349 = arith.index_cast %mul3A_1346 : i32 to index
      %get3A_1350 = tpu.vector_load %arg10[%get3A_1348, %get3A_1349] {strides = array<i32>} : memref<8x256xi32, #tpu.memory_space<vmem>>, vector<16xi32>,
      %add3A_1351 = arith.addi %add3A_1344, %get3A_1350 : vector<16xi32>
      %mul3A_1352 = arith.constant 16 : i32
      %mul3A_1353 = arith.muli %scan3A_1310, %mul3A_1352 : i32
      %get3A_1354 = arith.constant 6 : i32
      %get3A_1355 = arith.index_cast %get3A_1354 : i32 to index
      %get3A_1356 = arith.index_cast %mul3A_1353 : i32 to index
      %get3A_1357 = tpu.vector_load %arg10[%get3A_1355, %get3A_1356] {strides = array<i32>} : memref<8x256xi32, #tpu.memory_space<vmem>>, vector<16xi32>,
      %add3A_1358 = arith.addi %add3A_1351, %get3A_1357 : vector<16xi32>
      %mul3A_1359 = arith.constant 16 : i32
      %mul3A_1360 = arith.muli %scan3A_1310, %mul3A_1359 : i32
      %get3A_1361 = arith.constant 7 : i32
      %get3A_1362 = arith.index_cast %get3A_1361 : i32 to index
      %get3A_1363 = arith.index_cast %mul3A_1360 : i32 to index
      %get3A_1364 = tpu.vector_load %arg10[%get3A_1362, %get3A_1363] {strides = array<i32>} : memref<8x256xi32, #tpu.memory_space<vmem>>, vector<16xi32>,
      %add3A_1365 = arith.addi %add3A_1358, %get3A_1364 : vector<16xi32>
      %mul3A_1366 = arith.constant 16 : i32
      %mul3A_1367 = arith.muli %scan3A_1310, %mul3A_1366 : i32
      %swap3A_1368 = arith.index_cast %mul3A_1367 : i32 to index
      %swap3A_1369 = tpu.vector_load %arg11[%swap3A_1368] {strides = array<i32>} : memref<256xi32, #tpu.memory_space<vmem>>, vector<16xi32>,
      tpu.vector_store %arg11[%swap3A_1368], %add3A_1365 {strides = array<i32>} : memref<256xi32, #tpu.memory_space<vmem>>, vector<16xi32>,
    }
    %scan3A_268 = arith.constant 16 : i32
    %scan3A_269 = arith.constant 0 : i32
    %scan3A_270 = arith.constant 255 : i32
    %scan3A_271 = arith.constant 0 : i32
    %scan3A_272 = arith.constant 8 : i32
    %scan3A_273 = arith.addi %scan3A_271, %scan3A_272 : i32
    %scan3A_274 = arith.constant 1 : i32
    %scan3A_275:2 = scf.for %scan3A_1310 = %scan3A_271 to %scan3A_273 step %scan3A_274 iter_args(%scan3A_1311 = %scan3A_269, %scan3A_1312 = %scan3A_270) -> (i32, i32)  : i32 {
      %add3A_1313 = arith.addi %scan3A_1311, %scan3A_1312 : i32
      %add3A_1314 = arith.constant 1 : i32
      %add3A_1315 = arith.addi %add3A_1313, %add3A_1314 : i32
      %shift_right_arithmetic3A_1316 = arith.constant 1 : i32
      %shift_right_arithmetic3A_1317 = arith.shrsi %add3A_1315, %shift_right_arithmetic3A_1316 : i32
      %scan3A_1318 = arith.constant 0 : i32
      %scan3A_1319 = arith.constant 0 : i32
      %scan3A_1320 = arith.constant 16 : i32
      %scan3A_1321 = arith.addi %scan3A_1319, %scan3A_1320 : i32
      %scan3A_1322 = arith.constant 1 : i32
      %scan3A_1323 = scf.for %scan3A_1329 = %scan3A_1319 to %scan3A_1321 step %scan3A_1322 iter_args(%scan3A_1330 = %scan3A_1318) -> (i32)  : i32 {
        %mul3A_1331 = arith.constant 16 : i32
        %mul3A_1332 = arith.muli %scan3A_1329, %mul3A_1331 : i32
        %get3A_1333 = arith.index_cast %mul3A_1332 : i32 to index
        %get3A_1334 = tpu.vector_load %arg11[%get3A_1333] {strides = array<i32>} : memref<256xi32, #tpu.memory_space<vmem>>, vector<16xi32>,
        %mul3A_1335 = arith.constant 16 : i32
        %mul3A_1336 = arith.muli %scan3A_1329, %mul3A_1335 : i32
        %add3A_1337 = vector.broadcast %mul3A_1336 : i32 to vector<16xi32>
        %add3A_1338 = arith.addi %add3A_1337, %iota3A : vector<16xi32>
        %ge3A_1339 = vector.broadcast %shift_right_arithmetic3A_1317 : i32 to vector<16xi32>
        %ge3A_1340 = arith.cmpi sge, %add3A_1338, %ge3A_1339 : vector<16xi32>
        %jit3A_1341 = arith.constant 0 : i32
        %broadcast_in_dim3A_1342 = vector.broadcast %jit3A_1341 : i32 to vector<16xi32>
        %select_n3A_1343 = arith.select %ge3A_1340, %get3A_1334, %broadcast_in_dim3A_1342 : vector<16xi1>, vector<16xi32>
        %reduce_sum3A_1344 = arith.constant true
        %reduce_sum3A_1345 = vector.broadcast %reduce_sum3A_1344 : i1 to vector<16xi1>
        %reduce_sum3A_1346 = tpu.scan <sum>, %select_n3A_1343 masked %reduce_sum3A_1345 : vector<16xi32>, vector<16xi1> -> vector<16xi32>
        %reduce_sum3A_1347 = vector.extract %reduce_sum3A_1346[15] : i32 from vector<16xi32>
        %add3A_1348 = arith.addi %scan3A_1330, %reduce_sum3A_1347 : i32
        scf.yield %add3A_1348 : i32
      }
      %scan3A_1324 = arith.constant 16 : i32
      %ge3A = arith.cmpi sge, %scan3A_1323, %sub3A_233 : i32
      %select_n3A_1325 = arith.select %ge3A, %shift_right_arithmetic3A_1317, %scan3A_1311 : i32
      %sub3A_1326 = arith.constant 1 : i32
      %sub3A_1327 = arith.subi %shift_right_arithmetic3A_1317, %sub3A_1326 : i32
      %select_n3A_1328 = arith.select %ge3A, %scan3A_1312, %sub3A_1327 : i32
      scf.yield %select_n3A_1325, %select_n3A_1328 : i32, i32
    }
    %scan3A_276 = arith.constant 8 : i32
    %add3A_277 = arith.constant 1 : i32
    %add3A_278 = arith.addi %scan3A_275#0, %add3A_277 : i32
    %scan3A_279 = arith.constant 0 : i32
    %scan3A_280 = arith.constant 0 : i32
    %scan3A_281 = arith.constant 16 : i32
    %scan3A_282 = arith.addi %scan3A_280, %scan3A_281 : i32
    %scan3A_283 = arith.constant 1 : i32
    %scan3A_284 = scf.for %scan3A_1310 = %scan3A_280 to %scan3A_282 step %scan3A_283 iter_args(%scan3A_1311 = %scan3A_279) -> (i32)  : i32 {
      %mul3A_1312 = arith.constant 16 : i32
      %mul3A_1313 = arith.muli %scan3A_1310, %mul3A_1312 : i32
      %get3A_1314 = arith.index_cast %mul3A_1313 : i32 to index
      %get3A_1315 = tpu.vector_load %arg11[%get3A_1314] {strides = array<i32>} : memref<256xi32, #tpu.memory_space<vmem>>, vector<16xi32>,
      %mul3A_1316 = arith.constant 16 : i32
      %mul3A_1317 = arith.muli %scan3A_1310, %mul3A_1316 : i32
      %add3A_1318 = vector.broadcast %mul3A_1317 : i32 to vector<16xi32>
      %add3A_1319 = arith.addi %add3A_1318, %iota3A : vector<16xi32>
      %ge3A = vector.broadcast %add3A_278 : i32 to vector<16xi32>
      %ge3A_1320 = arith.cmpi sge, %add3A_1319, %ge3A : vector<16xi32>
      %jit3A_1321 = arith.constant 0 : i32
      %broadcast_in_dim3A_1322 = vector.broadcast %jit3A_1321 : i32 to vector<16xi32>
      %select_n3A_1323 = arith.select %ge3A_1320, %get3A_1315, %broadcast_in_dim3A_1322 : vector<16xi1>, vector<16xi32>
      %reduce_sum3A_1324 = arith.constant true
      %reduce_sum3A_1325 = vector.broadcast %reduce_sum3A_1324 : i1 to vector<16xi1>
      %reduce_sum3A_1326 = tpu.scan <sum>, %select_n3A_1323 masked %reduce_sum3A_1325 : vector<16xi32>, vector<16xi1> -> vector<16xi32>
      %reduce_sum3A_1327 = vector.extract %reduce_sum3A_1326[15] : i32 from vector<16xi32>
      %add3A_1328 = arith.addi %scan3A_1311, %reduce_sum3A_1327 : i32
      scf.yield %add3A_1328 : i32
    }
    %scan3A_285 = arith.constant 16 : i32
    %add3A_286 = arith.constant 1 : i32
    %add3A_287 = arith.addi %scan3A_275#0, %add3A_286 : i32
    %scan3A_288 = arith.constant 0 : i32
    %scan3A_289 = arith.constant 0 : i32
    %scan3A_290 = arith.constant 16 : i32
    %scan3A_291 = arith.addi %scan3A_289, %scan3A_290 : i32
    %scan3A_292 = arith.constant 1 : i32
    %scan3A_293 = scf.for %scan3A_1310 = %scan3A_289 to %scan3A_291 step %scan3A_292 iter_args(%scan3A_1311 = %scan3A_288) -> (i32)  : i32 {
      %mul3A_1312 = arith.constant 16 : i32
      %mul3A_1313 = arith.muli %scan3A_1310, %mul3A_1312 : i32
      %get3A_1314 = arith.index_cast %mul3A_1313 : i32 to index
      %get3A_1315 = tpu.vector_load %arg12[%get3A_1314] {strides = array<i32>} : memref<256xi32, #tpu.memory_space<vmem>>, vector<16xi32>,
      %mul3A_1316 = arith.constant 16 : i32
      %mul3A_1317 = arith.muli %scan3A_1310, %mul3A_1316 : i32
      %add3A_1318 = vector.broadcast %mul3A_1317 : i32 to vector<16xi32>
      %add3A_1319 = arith.addi %add3A_1318, %iota3A : vector<16xi32>
      %ge3A = vector.broadcast %add3A_287 : i32 to vector<16xi32>
      %ge3A_1320 = arith.cmpi sge, %add3A_1319, %ge3A : vector<16xi32>
      %jit3A_1321 = arith.constant 0 : i32
      %broadcast_in_dim3A_1322 = vector.broadcast %jit3A_1321 : i32 to vector<16xi32>
      %select_n3A_1323 = arith.select %ge3A_1320, %get3A_1315, %broadcast_in_dim3A_1322 : vector<16xi1>, vector<16xi32>
      %reduce_sum3A_1324 = arith.constant true
      %reduce_sum3A_1325 = vector.broadcast %reduce_sum3A_1324 : i1 to vector<16xi1>
      %reduce_sum3A_1326 = tpu.scan <sum>, %select_n3A_1323 masked %reduce_sum3A_1325 : vector<16xi32>, vector<16xi1> -> vector<16xi32>
      %reduce_sum3A_1327 = vector.extract %reduce_sum3A_1326[15] : i32 from vector<16xi32>
      %add3A_1328 = arith.addi %scan3A_1311, %reduce_sum3A_1327 : i32
      scf.yield %add3A_1328 : i32
    }
    %scan3A_294 = arith.constant 16 : i32
    %scan3A_295 = arith.constant 0 : i32
    %scan3A_296 = arith.constant 0 : i32
    %scan3A_297 = arith.constant 16 : i32
    %scan3A_298 = arith.addi %scan3A_296, %scan3A_297 : i32
    %scan3A_299 = arith.constant 1 : i32
    %scan3A_300 = scf.for %scan3A_1310 = %scan3A_296 to %scan3A_298 step %scan3A_299 iter_args(%scan3A_1311 = %scan3A_295) -> (i32)  : i32 {
      %mul3A_1312 = arith.constant 16 : i32
      %mul3A_1313 = arith.muli %scan3A_1310, %mul3A_1312 : i32
      %get3A_1314 = arith.index_cast %mul3A_1313 : i32 to index
      %get3A_1315 = tpu.vector_load %arg12[%get3A_1314] {strides = array<i32>} : memref<256xi32, #tpu.memory_space<vmem>>, vector<16xi32>,
      %mul3A_1316 = arith.constant 16 : i32
      %mul3A_1317 = arith.muli %scan3A_1310, %mul3A_1316 : i32
      %add3A_1318 = vector.broadcast %mul3A_1317 : i32 to vector<16xi32>
      %add3A_1319 = arith.addi %add3A_1318, %iota3A : vector<16xi32>
      %ge3A = vector.broadcast %scan3A_275#0 : i32 to vector<16xi32>
      %ge3A_1320 = arith.cmpi sge, %add3A_1319, %ge3A : vector<16xi32>
      %jit3A_1321 = arith.constant 0 : i32
      %broadcast_in_dim3A_1322 = vector.broadcast %jit3A_1321 : i32 to vector<16xi32>
      %select_n3A_1323 = arith.select %ge3A_1320, %get3A_1315, %broadcast_in_dim3A_1322 : vector<16xi1>, vector<16xi32>
      %reduce_sum3A_1324 = arith.constant true
      %reduce_sum3A_1325 = vector.broadcast %reduce_sum3A_1324 : i1 to vector<16xi1>
      %reduce_sum3A_1326 = tpu.scan <sum>, %select_n3A_1323 masked %reduce_sum3A_1325 : vector<16xi32>, vector<16xi1> -> vector<16xi32>
      %reduce_sum3A_1327 = vector.extract %reduce_sum3A_1326[15] : i32 from vector<16xi32>
      %add3A_1328 = arith.addi %scan3A_1311, %reduce_sum3A_1327 : i32
      scf.yield %add3A_1328 : i32
    }
    %scan3A_301 = arith.constant 16 : i32
    %sub3A_302 = arith.subi %scan3A_300, %scan3A_293 : i32
    %sub3A_303 = arith.subi %sub3A_233, %scan3A_284 : i32
    %shift_left3A_304 = arith.constant 8 : i32
    %shift_left3A_305 = arith.shli %or3A_236, %shift_left3A_304 : i32
    %or3A_306 = arith.ori %shift_left3A_305, %scan3A_275#0 : i32
    %add3A_307 = arith.addi %add3A_237, %scan3A_293 : i32
    %xor3A = arith.constant -2147483648 : i32
    %xor3A_308 = arith.xori %or3A_306, %xor3A : i32
    %eq3A_309 = arith.constant 0 : i32
    %eq3A_310 = vector.broadcast %eq3A_309 : i32 to vector<16xi32>
    %eq3A_311 = arith.cmpi eq, %iota3A, %eq3A_310 : vector<16xi32>
    %jit3A_312 = arith.constant 0 : i32
    %broadcast_in_dim3A_313 = vector.broadcast %add3A_307 : i32 to vector<16xi32>
    %broadcast_in_dim3A_314 = vector.broadcast %jit3A_312 : i32 to vector<16xi32>
    %select_n3A_315 = arith.select %eq3A_311, %broadcast_in_dim3A_313, %broadcast_in_dim3A_314 : vector<16xi1>, vector<16xi32>
    %eq3A_316 = arith.constant 1 : i32
    %eq3A_317 = vector.broadcast %eq3A_316 : i32 to vector<16xi32>
    %eq3A_318 = arith.cmpi eq, %iota3A, %eq3A_317 : vector<16xi32>
    %jit3A_319 = arith.constant 0 : i32
    %broadcast_in_dim3A_320 = vector.broadcast %sub3A_302 : i32 to vector<16xi32>
    %broadcast_in_dim3A_321 = vector.broadcast %jit3A_319 : i32 to vector<16xi32>
    %select_n3A_322 = arith.select %eq3A_318, %broadcast_in_dim3A_320, %broadcast_in_dim3A_321 : vector<16xi1>, vector<16xi32>
    %add3A_323 = arith.addi %select_n3A_315, %select_n3A_322 : vector<16xi32>
    %swap3A = arith.constant 0 : index
    %swap3A_324 = tpu.vector_load %arg13[%swap3A] {strides = array<i32>} : memref<16xi32, #tpu.memory_space<vmem>>, vector<16xi32>,
    tpu.vector_store %arg13[%swap3A], %add3A_323 {strides = array<i32>} : memref<16xi32, #tpu.memory_space<vmem>>, vector<16xi32>,
    "tpu.region"() ({
      %run_scoped3A_1310 = tpu.sem_alloc : memref<!tpu.dma_semaphore, #tpu.memory_space<semaphore_mem>>
      %dma_start3A_1311 = arith.constant 0 : i32
      %dma_start3A_1312 = tpu.memref_slice %arg20[%select_n3A, %select_n3A_28, %dma_start3A_1311] : memref<2x8x16xi32, #tpu.memory_space<vmem_shared>> -> memref<1x1x16xi32, #tpu.memory_space<vmem_shared>>
      %dma_start3A_1313 = tpu.memref_squeeze %dma_start3A_1312 : memref<1x1x16xi32, #tpu.memory_space<vmem_shared>> -> memref<16xi32, #tpu.memory_space<vmem_shared>>
      %dma_start3A_1314 = arith.constant 0 : i32
      %dma_start3A_1315 = tpu.memref_slice %arg20[%select_n3A, %select_n3A_28, %dma_start3A_1314] : memref<2x8x16xi32, #tpu.memory_space<vmem_shared>> -> memref<1x1x16xi32, #tpu.memory_space<vmem_shared>>
      %dma_start3A_1316 = tpu.memref_squeeze %dma_start3A_1315 : memref<1x1x16xi32, #tpu.memory_space<vmem_shared>> -> memref<16xi32, #tpu.memory_space<vmem_shared>>
      tpu.enqueue_dma source(%arg13 : memref<16xi32, #tpu.memory_space<vmem>>) target(%dma_start3A_1316 : memref<16xi32, #tpu.memory_space<vmem_shared>>) target_semaphore(%run_scoped3A_1310 : memref<!tpu.dma_semaphore, #tpu.memory_space<semaphore_mem>>)
      %dma_wait3A_1317 = arith.constant 0 : i32
      %dma_wait3A_1318 = tpu.memref_slice %arg20[%select_n3A, %select_n3A_28, %dma_wait3A_1317] : memref<2x8x16xi32, #tpu.memory_space<vmem_shared>> -> memref<1x1x16xi32, #tpu.memory_space<vmem_shared>>
      %dma_wait3A_1319 = tpu.memref_squeeze %dma_wait3A_1318 : memref<1x1x16xi32, #tpu.memory_space<vmem_shared>> -> memref<16xi32, #tpu.memory_space<vmem_shared>>
      %dma_wait3A_1320 = arith.constant 0 : i32
      %dma_wait3A_1321 = tpu.memref_slice %arg20[%select_n3A, %select_n3A_28, %dma_wait3A_1320] : memref<2x8x16xi32, #tpu.memory_space<vmem_shared>> -> memref<1x1x16xi32, #tpu.memory_space<vmem_shared>>
      %dma_wait3A_1322 = tpu.memref_squeeze %dma_wait3A_1321 : memref<1x1x16xi32, #tpu.memory_space<vmem_shared>> -> memref<16xi32, #tpu.memory_space<vmem_shared>>
      tpu.wait_dma2 semaphore(%run_scoped3A_1310 : memref<!tpu.dma_semaphore, #tpu.memory_space<semaphore_mem>>) src(%arg13 : memref<16xi32, #tpu.memory_space<vmem>>) dst(%dma_wait3A_1322 : memref<16xi32, #tpu.memory_space<vmem_shared>>)
      tpu.yield
    }) : () -> ()
    %barrier3A_325 = arith.constant 0 : index
    tpu.barrier barrier_id(%barrier3A_325)
    %run_scoped3A_326 = arith.constant 0 : i32
    "tpu.region"() ({
      %run_scoped3A_1310 = tpu.sem_alloc : memref<!tpu.dma_semaphore, #tpu.memory_space<semaphore_mem>>
      %dma_start3A_1311 = arith.constant 0 : i32
      %dma_start3A_1312 = tpu.memref_slice %arg20[%select_n3A, %run_scoped3A_326, %dma_start3A_1311] : memref<2x8x16xi32, #tpu.memory_space<vmem_shared>> -> memref<1x1x16xi32, #tpu.memory_space<vmem_shared>>
      %dma_start3A_1313 = tpu.memref_squeeze %dma_start3A_1312 : memref<1x1x16xi32, #tpu.memory_space<vmem_shared>> -> memref<16xi32, #tpu.memory_space<vmem_shared>>
      %dma_start3A_1314 = arith.constant 0 : i32
      %dma_start3A_1315 = tpu.memref_slice %arg20[%select_n3A, %run_scoped3A_326, %dma_start3A_1314] : memref<2x8x16xi32, #tpu.memory_space<vmem_shared>> -> memref<1x1x16xi32, #tpu.memory_space<vmem_shared>>
      %dma_start3A_1316 = tpu.memref_squeeze %dma_start3A_1315 : memref<1x1x16xi32, #tpu.memory_space<vmem_shared>> -> memref<16xi32, #tpu.memory_space<vmem_shared>>
      tpu.enqueue_dma source(%dma_start3A_1316 : memref<16xi32, #tpu.memory_space<vmem_shared>>) target(%arg13 : memref<16xi32, #tpu.memory_space<vmem>>) target_semaphore(%run_scoped3A_1310 : memref<!tpu.dma_semaphore, #tpu.memory_space<semaphore_mem>>)
      %dma_wait3A_1317 = arith.constant 0 : i32
      %dma_wait3A_1318 = tpu.memref_slice %arg20[%select_n3A, %run_scoped3A_326, %dma_wait3A_1317] : memref<2x8x16xi32, #tpu.memory_space<vmem_shared>> -> memref<1x1x16xi32, #tpu.memory_space<vmem_shared>>
      %dma_wait3A_1319 = tpu.memref_squeeze %dma_wait3A_1318 : memref<1x1x16xi32, #tpu.memory_space<vmem_shared>> -> memref<16xi32, #tpu.memory_space<vmem_shared>>
      %dma_wait3A_1320 = arith.constant 0 : i32
      %dma_wait3A_1321 = tpu.memref_slice %arg20[%select_n3A, %run_scoped3A_326, %dma_wait3A_1320] : memref<2x8x16xi32, #tpu.memory_space<vmem_shared>> -> memref<1x1x16xi32, #tpu.memory_space<vmem_shared>>
      %dma_wait3A_1322 = tpu.memref_squeeze %dma_wait3A_1321 : memref<1x1x16xi32, #tpu.memory_space<vmem_shared>> -> memref<16xi32, #tpu.memory_space<vmem_shared>>
      tpu.wait_dma2 semaphore(%run_scoped3A_1310 : memref<!tpu.dma_semaphore, #tpu.memory_space<semaphore_mem>>) src(%dma_wait3A_1322 : memref<16xi32, #tpu.memory_space<vmem_shared>>) dst(%arg13 : memref<16xi32, #tpu.memory_space<vmem>>)
      tpu.yield
    }) : () -> ()
    %get3A = arith.constant 0 : index
    %get3A_327 = tpu.vector_load %arg13[%get3A] {strides = array<i32>} : memref<16xi32, #tpu.memory_space<vmem>>, vector<16xi32>,
    %eq3A_328 = arith.constant 0 : i32
    %eq3A_329 = vector.broadcast %eq3A_328 : i32 to vector<16xi32>
    %eq3A_330 = arith.cmpi eq, %iota3A, %eq3A_329 : vector<16xi32>
    %jit3A_331 = arith.constant 0 : i32
    %broadcast_in_dim3A_332 = vector.broadcast %jit3A_331 : i32 to vector<16xi32>
    %select_n3A_333 = arith.select %eq3A_330, %get3A_327, %broadcast_in_dim3A_332 : vector<16xi1>, vector<16xi32>
    %reduce_sum3A = arith.constant true
    %reduce_sum3A_334 = vector.broadcast %reduce_sum3A : i1 to vector<16xi1>
    %reduce_sum3A_335 = tpu.scan <sum>, %select_n3A_333 masked %reduce_sum3A_334 : vector<16xi32>, vector<16xi1> -> vector<16xi32>
    %reduce_sum3A_336 = vector.extract %reduce_sum3A_335[15] : i32 from vector<16xi32>
    %eq3A_337 = arith.constant 1 : i32
    %eq3A_338 = vector.broadcast %eq3A_337 : i32 to vector<16xi32>
    %eq3A_339 = arith.cmpi eq, %iota3A, %eq3A_338 : vector<16xi32>
    %jit3A_340 = arith.constant 0 : i32
    %broadcast_in_dim3A_341 = vector.broadcast %jit3A_340 : i32 to vector<16xi32>
    %select_n3A_342 = arith.select %eq3A_339, %get3A_327, %broadcast_in_dim3A_341 : vector<16xi1>, vector<16xi32>
    %reduce_sum3A_343 = arith.constant true
    %reduce_sum3A_344 = vector.broadcast %reduce_sum3A_343 : i1 to vector<16xi1>
    %reduce_sum3A_345 = tpu.scan <sum>, %select_n3A_342 masked %reduce_sum3A_344 : vector<16xi32>, vector<16xi1> -> vector<16xi32>
    %reduce_sum3A_346 = vector.extract %reduce_sum3A_345[15] : i32 from vector<16xi32>
    %run_scoped3A_347 = arith.constant 1 : i32
    "tpu.region"() ({
      %run_scoped3A_1310 = tpu.sem_alloc : memref<!tpu.dma_semaphore, #tpu.memory_space<semaphore_mem>>
      %dma_start3A_1311 = arith.constant 0 : i32
      %dma_start3A_1312 = tpu.memref_slice %arg20[%select_n3A, %run_scoped3A_347, %dma_start3A_1311] : memref<2x8x16xi32, #tpu.memory_space<vmem_shared>> -> memref<1x1x16xi32, #tpu.memory_space<vmem_shared>>
      %dma_start3A_1313 = tpu.memref_squeeze %dma_start3A_1312 : memref<1x1x16xi32, #tpu.memory_space<vmem_shared>> -> memref<16xi32, #tpu.memory_space<vmem_shared>>
      %dma_start3A_1314 = arith.constant 0 : i32
      %dma_start3A_1315 = tpu.memref_slice %arg20[%select_n3A, %run_scoped3A_347, %dma_start3A_1314] : memref<2x8x16xi32, #tpu.memory_space<vmem_shared>> -> memref<1x1x16xi32, #tpu.memory_space<vmem_shared>>
      %dma_start3A_1316 = tpu.memref_squeeze %dma_start3A_1315 : memref<1x1x16xi32, #tpu.memory_space<vmem_shared>> -> memref<16xi32, #tpu.memory_space<vmem_shared>>
      tpu.enqueue_dma source(%dma_start3A_1316 : memref<16xi32, #tpu.memory_space<vmem_shared>>) target(%arg13 : memref<16xi32, #tpu.memory_space<vmem>>) target_semaphore(%run_scoped3A_1310 : memref<!tpu.dma_semaphore, #tpu.memory_space<semaphore_mem>>)
      %dma_wait3A_1317 = arith.constant 0 : i32
      %dma_wait3A_1318 = tpu.memref_slice %arg20[%select_n3A, %run_scoped3A_347, %dma_wait3A_1317] : memref<2x8x16xi32, #tpu.memory_space<vmem_shared>> -> memref<1x1x16xi32, #tpu.memory_space<vmem_shared>>
      %dma_wait3A_1319 = tpu.memref_squeeze %dma_wait3A_1318 : memref<1x1x16xi32, #tpu.memory_space<vmem_shared>> -> memref<16xi32, #tpu.memory_space<vmem_shared>>
      %dma_wait3A_1320 = arith.constant 0 : i32
      %dma_wait3A_1321 = tpu.memref_slice %arg20[%select_n3A, %run_scoped3A_347, %dma_wait3A_1320] : memref<2x8x16xi32, #tpu.memory_space<vmem_shared>> -> memref<1x1x16xi32, #tpu.memory_space<vmem_shared>>
      %dma_wait3A_1322 = tpu.memref_squeeze %dma_wait3A_1321 : memref<1x1x16xi32, #tpu.memory_space<vmem_shared>> -> memref<16xi32, #tpu.memory_space<vmem_shared>>
      tpu.wait_dma2 semaphore(%run_scoped3A_1310 : memref<!tpu.dma_semaphore, #tpu.memory_space<semaphore_mem>>) src(%dma_wait3A_1322 : memref<16xi32, #tpu.memory_space<vmem_shared>>) dst(%arg13 : memref<16xi32, #tpu.memory_space<vmem>>)
      tpu.yield
    }) : () -> ()
    %get3A_348 = arith.constant 0 : index
    %get3A_349 = tpu.vector_load %arg13[%get3A_348] {strides = array<i32>} : memref<16xi32, #tpu.memory_space<vmem>>, vector<16xi32>,
    %eq3A_350 = arith.constant 0 : i32
    %eq3A_351 = vector.broadcast %eq3A_350 : i32 to vector<16xi32>
    %eq3A_352 = arith.cmpi eq, %iota3A, %eq3A_351 : vector<16xi32>
    %jit3A_353 = arith.constant 0 : i32
    %broadcast_in_dim3A_354 = vector.broadcast %jit3A_353 : i32 to vector<16xi32>
    %select_n3A_355 = arith.select %eq3A_352, %get3A_349, %broadcast_in_dim3A_354 : vector<16xi1>, vector<16xi32>
    %reduce_sum3A_356 = arith.constant true
    %reduce_sum3A_357 = vector.broadcast %reduce_sum3A_356 : i1 to vector<16xi1>
    %reduce_sum3A_358 = tpu.scan <sum>, %select_n3A_355 masked %reduce_sum3A_357 : vector<16xi32>, vector<16xi1> -> vector<16xi32>
    %reduce_sum3A_359 = vector.extract %reduce_sum3A_358[15] : i32 from vector<16xi32>
    %eq3A_360 = arith.constant 1 : i32
    %eq3A_361 = vector.broadcast %eq3A_360 : i32 to vector<16xi32>
    %eq3A_362 = arith.cmpi eq, %iota3A, %eq3A_361 : vector<16xi32>
    %jit3A_363 = arith.constant 0 : i32
    %broadcast_in_dim3A_364 = vector.broadcast %jit3A_363 : i32 to vector<16xi32>
    %select_n3A_365 = arith.select %eq3A_362, %get3A_349, %broadcast_in_dim3A_364 : vector<16xi1>, vector<16xi32>
    %reduce_sum3A_366 = arith.constant true
    %reduce_sum3A_367 = vector.broadcast %reduce_sum3A_366 : i1 to vector<16xi1>
    %reduce_sum3A_368 = tpu.scan <sum>, %select_n3A_365 masked %reduce_sum3A_367 : vector<16xi32>, vector<16xi1> -> vector<16xi32>
    %reduce_sum3A_369 = vector.extract %reduce_sum3A_368[15] : i32 from vector<16xi32>
    %run_scoped3A_370 = arith.constant 2 : i32
    "tpu.region"() ({
      %run_scoped3A_1310 = tpu.sem_alloc : memref<!tpu.dma_semaphore, #tpu.memory_space<semaphore_mem>>
      %dma_start3A_1311 = arith.constant 0 : i32
      %dma_start3A_1312 = tpu.memref_slice %arg20[%select_n3A, %run_scoped3A_370, %dma_start3A_1311] : memref<2x8x16xi32, #tpu.memory_space<vmem_shared>> -> memref<1x1x16xi32, #tpu.memory_space<vmem_shared>>
      %dma_start3A_1313 = tpu.memref_squeeze %dma_start3A_1312 : memref<1x1x16xi32, #tpu.memory_space<vmem_shared>> -> memref<16xi32, #tpu.memory_space<vmem_shared>>
      %dma_start3A_1314 = arith.constant 0 : i32
      %dma_start3A_1315 = tpu.memref_slice %arg20[%select_n3A, %run_scoped3A_370, %dma_start3A_1314] : memref<2x8x16xi32, #tpu.memory_space<vmem_shared>> -> memref<1x1x16xi32, #tpu.memory_space<vmem_shared>>
      %dma_start3A_1316 = tpu.memref_squeeze %dma_start3A_1315 : memref<1x1x16xi32, #tpu.memory_space<vmem_shared>> -> memref<16xi32, #tpu.memory_space<vmem_shared>>
      tpu.enqueue_dma source(%dma_start3A_1316 : memref<16xi32, #tpu.memory_space<vmem_shared>>) target(%arg13 : memref<16xi32, #tpu.memory_space<vmem>>) target_semaphore(%run_scoped3A_1310 : memref<!tpu.dma_semaphore, #tpu.memory_space<semaphore_mem>>)
      %dma_wait3A_1317 = arith.constant 0 : i32
      %dma_wait3A_1318 = tpu.memref_slice %arg20[%select_n3A, %run_scoped3A_370, %dma_wait3A_1317] : memref<2x8x16xi32, #tpu.memory_space<vmem_shared>> -> memref<1x1x16xi32, #tpu.memory_space<vmem_shared>>
      %dma_wait3A_1319 = tpu.memref_squeeze %dma_wait3A_1318 : memref<1x1x16xi32, #tpu.memory_space<vmem_shared>> -> memref<16xi32, #tpu.memory_space<vmem_shared>>
      %dma_wait3A_1320 = arith.constant 0 : i32
      %dma_wait3A_1321 = tpu.memref_slice %arg20[%select_n3A, %run_scoped3A_370, %dma_wait3A_1320] : memref<2x8x16xi32, #tpu.memory_space<vmem_shared>> -> memref<1x1x16xi32, #tpu.memory_space<vmem_shared>>
      %dma_wait3A_1322 = tpu.memref_squeeze %dma_wait3A_1321 : memref<1x1x16xi32, #tpu.memory_space<vmem_shared>> -> memref<16xi32, #tpu.memory_space<vmem_shared>>
      tpu.wait_dma2 semaphore(%run_scoped3A_1310 : memref<!tpu.dma_semaphore, #tpu.memory_space<semaphore_mem>>) src(%dma_wait3A_1322 : memref<16xi32, #tpu.memory_space<vmem_shared>>) dst(%arg13 : memref<16xi32, #tpu.memory_space<vmem>>)
      tpu.yield
    }) : () -> ()
    %get3A_371 = arith.constant 0 : index
    %get3A_372 = tpu.vector_load %arg13[%get3A_371] {strides = array<i32>} : memref<16xi32, #tpu.memory_space<vmem>>, vector<16xi32>,
    %eq3A_373 = arith.constant 0 : i32
    %eq3A_374 = vector.broadcast %eq3A_373 : i32 to vector<16xi32>
    %eq3A_375 = arith.cmpi eq, %iota3A, %eq3A_374 : vector<16xi32>
    %jit3A_376 = arith.constant 0 : i32
    %broadcast_in_dim3A_377 = vector.broadcast %jit3A_376 : i32 to vector<16xi32>
    %select_n3A_378 = arith.select %eq3A_375, %get3A_372, %broadcast_in_dim3A_377 : vector<16xi1>, vector<16xi32>
    %reduce_sum3A_379 = arith.constant true
    %reduce_sum3A_380 = vector.broadcast %reduce_sum3A_379 : i1 to vector<16xi1>
    %reduce_sum3A_381 = tpu.scan <sum>, %select_n3A_378 masked %reduce_sum3A_380 : vector<16xi32>, vector<16xi1> -> vector<16xi32>
    %reduce_sum3A_382 = vector.extract %reduce_sum3A_381[15] : i32 from vector<16xi32>
    %eq3A_383 = arith.constant 1 : i32
    %eq3A_384 = vector.broadcast %eq3A_383 : i32 to vector<16xi32>
    %eq3A_385 = arith.cmpi eq, %iota3A, %eq3A_384 : vector<16xi32>
    %jit3A_386 = arith.constant 0 : i32
    %broadcast_in_dim3A_387 = vector.broadcast %jit3A_386 : i32 to vector<16xi32>
    %select_n3A_388 = arith.select %eq3A_385, %get3A_372, %broadcast_in_dim3A_387 : vector<16xi1>, vector<16xi32>
    %reduce_sum3A_389 = arith.constant true
    %reduce_sum3A_390 = vector.broadcast %reduce_sum3A_389 : i1 to vector<16xi1>
    %reduce_sum3A_391 = tpu.scan <sum>, %select_n3A_388 masked %reduce_sum3A_390 : vector<16xi32>, vector<16xi1> -> vector<16xi32>
    %reduce_sum3A_392 = vector.extract %reduce_sum3A_391[15] : i32 from vector<16xi32>
    %run_scoped3A_393 = arith.constant 3 : i32
    "tpu.region"() ({
      %run_scoped3A_1310 = tpu.sem_alloc : memref<!tpu.dma_semaphore, #tpu.memory_space<semaphore_mem>>
      %dma_start3A_1311 = arith.constant 0 : i32
      %dma_start3A_1312 = tpu.memref_slice %arg20[%select_n3A, %run_scoped3A_393, %dma_start3A_1311] : memref<2x8x16xi32, #tpu.memory_space<vmem_shared>> -> memref<1x1x16xi32, #tpu.memory_space<vmem_shared>>
      %dma_start3A_1313 = tpu.memref_squeeze %dma_start3A_1312 : memref<1x1x16xi32, #tpu.memory_space<vmem_shared>> -> memref<16xi32, #tpu.memory_space<vmem_shared>>
      %dma_start3A_1314 = arith.constant 0 : i32
      %dma_start3A_1315 = tpu.memref_slice %arg20[%select_n3A, %run_scoped3A_393, %dma_start3A_1314] : memref<2x8x16xi32, #tpu.memory_space<vmem_shared>> -> memref<1x1x16xi32, #tpu.memory_space<vmem_shared>>
      %dma_start3A_1316 = tpu.memref_squeeze %dma_start3A_1315 : memref<1x1x16xi32, #tpu.memory_space<vmem_shared>> -> memref<16xi32, #tpu.memory_space<vmem_shared>>
      tpu.enqueue_dma source(%dma_start3A_1316 : memref<16xi32, #tpu.memory_space<vmem_shared>>) target(%arg13 : memref<16xi32, #tpu.memory_space<vmem>>) target_semaphore(%run_scoped3A_1310 : memref<!tpu.dma_semaphore, #tpu.memory_space<semaphore_mem>>)
      %dma_wait3A_1317 = arith.constant 0 : i32
      %dma_wait3A_1318 = tpu.memref_slice %arg20[%select_n3A, %run_scoped3A_393, %dma_wait3A_1317] : memref<2x8x16xi32, #tpu.memory_space<vmem_shared>> -> memref<1x1x16xi32, #tpu.memory_space<vmem_shared>>
      %dma_wait3A_1319 = tpu.memref_squeeze %dma_wait3A_1318 : memref<1x1x16xi32, #tpu.memory_space<vmem_shared>> -> memref<16xi32, #tpu.memory_space<vmem_shared>>
      %dma_wait3A_1320 = arith.constant 0 : i32
      %dma_wait3A_1321 = tpu.memref_slice %arg20[%select_n3A, %run_scoped3A_393, %dma_wait3A_1320] : memref<2x8x16xi32, #tpu.memory_space<vmem_shared>> -> memref<1x1x16xi32, #tpu.memory_space<vmem_shared>>
      %dma_wait3A_1322 = tpu.memref_squeeze %dma_wait3A_1321 : memref<1x1x16xi32, #tpu.memory_space<vmem_shared>> -> memref<16xi32, #tpu.memory_space<vmem_shared>>
      tpu.wait_dma2 semaphore(%run_scoped3A_1310 : memref<!tpu.dma_semaphore, #tpu.memory_space<semaphore_mem>>) src(%dma_wait3A_1322 : memref<16xi32, #tpu.memory_space<vmem_shared>>) dst(%arg13 : memref<16xi32, #tpu.memory_space<vmem>>)
      tpu.yield
    }) : () -> ()
    %get3A_394 = arith.constant 0 : index
    %get3A_395 = tpu.vector_load %arg13[%get3A_394] {strides = array<i32>} : memref<16xi32, #tpu.memory_space<vmem>>, vector<16xi32>,
    %eq3A_396 = arith.constant 0 : i32
    %eq3A_397 = vector.broadcast %eq3A_396 : i32 to vector<16xi32>
    %eq3A_398 = arith.cmpi eq, %iota3A, %eq3A_397 : vector<16xi32>
    %jit3A_399 = arith.constant 0 : i32
    %broadcast_in_dim3A_400 = vector.broadcast %jit3A_399 : i32 to vector<16xi32>
    %select_n3A_401 = arith.select %eq3A_398, %get3A_395, %broadcast_in_dim3A_400 : vector<16xi1>, vector<16xi32>
    %reduce_sum3A_402 = arith.constant true
    %reduce_sum3A_403 = vector.broadcast %reduce_sum3A_402 : i1 to vector<16xi1>
    %reduce_sum3A_404 = tpu.scan <sum>, %select_n3A_401 masked %reduce_sum3A_403 : vector<16xi32>, vector<16xi1> -> vector<16xi32>
    %reduce_sum3A_405 = vector.extract %reduce_sum3A_404[15] : i32 from vector<16xi32>
    %eq3A_406 = arith.constant 1 : i32
    %eq3A_407 = vector.broadcast %eq3A_406 : i32 to vector<16xi32>
    %eq3A_408 = arith.cmpi eq, %iota3A, %eq3A_407 : vector<16xi32>
    %jit3A_409 = arith.constant 0 : i32
    %broadcast_in_dim3A_410 = vector.broadcast %jit3A_409 : i32 to vector<16xi32>
    %select_n3A_411 = arith.select %eq3A_408, %get3A_395, %broadcast_in_dim3A_410 : vector<16xi1>, vector<16xi32>
    %reduce_sum3A_412 = arith.constant true
    %reduce_sum3A_413 = vector.broadcast %reduce_sum3A_412 : i1 to vector<16xi1>
    %reduce_sum3A_414 = tpu.scan <sum>, %select_n3A_411 masked %reduce_sum3A_413 : vector<16xi32>, vector<16xi1> -> vector<16xi32>
    %reduce_sum3A_415 = vector.extract %reduce_sum3A_414[15] : i32 from vector<16xi32>
    %run_scoped3A_416 = arith.constant 4 : i32
    "tpu.region"() ({
      %run_scoped3A_1310 = tpu.sem_alloc : memref<!tpu.dma_semaphore, #tpu.memory_space<semaphore_mem>>
      %dma_start3A_1311 = arith.constant 0 : i32
      %dma_start3A_1312 = tpu.memref_slice %arg20[%select_n3A, %run_scoped3A_416, %dma_start3A_1311] : memref<2x8x16xi32, #tpu.memory_space<vmem_shared>> -> memref<1x1x16xi32, #tpu.memory_space<vmem_shared>>
      %dma_start3A_1313 = tpu.memref_squeeze %dma_start3A_1312 : memref<1x1x16xi32, #tpu.memory_space<vmem_shared>> -> memref<16xi32, #tpu.memory_space<vmem_shared>>
      %dma_start3A_1314 = arith.constant 0 : i32
      %dma_start3A_1315 = tpu.memref_slice %arg20[%select_n3A, %run_scoped3A_416, %dma_start3A_1314] : memref<2x8x16xi32, #tpu.memory_space<vmem_shared>> -> memref<1x1x16xi32, #tpu.memory_space<vmem_shared>>
      %dma_start3A_1316 = tpu.memref_squeeze %dma_start3A_1315 : memref<1x1x16xi32, #tpu.memory_space<vmem_shared>> -> memref<16xi32, #tpu.memory_space<vmem_shared>>
      tpu.enqueue_dma source(%dma_start3A_1316 : memref<16xi32, #tpu.memory_space<vmem_shared>>) target(%arg13 : memref<16xi32, #tpu.memory_space<vmem>>) target_semaphore(%run_scoped3A_1310 : memref<!tpu.dma_semaphore, #tpu.memory_space<semaphore_mem>>)
      %dma_wait3A_1317 = arith.constant 0 : i32
      %dma_wait3A_1318 = tpu.memref_slice %arg20[%select_n3A, %run_scoped3A_416, %dma_wait3A_1317] : memref<2x8x16xi32, #tpu.memory_space<vmem_shared>> -> memref<1x1x16xi32, #tpu.memory_space<vmem_shared>>
      %dma_wait3A_1319 = tpu.memref_squeeze %dma_wait3A_1318 : memref<1x1x16xi32, #tpu.memory_space<vmem_shared>> -> memref<16xi32, #tpu.memory_space<vmem_shared>>
      %dma_wait3A_1320 = arith.constant 0 : i32
      %dma_wait3A_1321 = tpu.memref_slice %arg20[%select_n3A, %run_scoped3A_416, %dma_wait3A_1320] : memref<2x8x16xi32, #tpu.memory_space<vmem_shared>> -> memref<1x1x16xi32, #tpu.memory_space<vmem_shared>>
      %dma_wait3A_1322 = tpu.memref_squeeze %dma_wait3A_1321 : memref<1x1x16xi32, #tpu.memory_space<vmem_shared>> -> memref<16xi32, #tpu.memory_space<vmem_shared>>
      tpu.wait_dma2 semaphore(%run_scoped3A_1310 : memref<!tpu.dma_semaphore, #tpu.memory_space<semaphore_mem>>) src(%dma_wait3A_1322 : memref<16xi32, #tpu.memory_space<vmem_shared>>) dst(%arg13 : memref<16xi32, #tpu.memory_space<vmem>>)
      tpu.yield
    }) : () -> ()
    %get3A_417 = arith.constant 0 : index
    %get3A_418 = tpu.vector_load %arg13[%get3A_417] {strides = array<i32>} : memref<16xi32, #tpu.memory_space<vmem>>, vector<16xi32>,
    %eq3A_419 = arith.constant 0 : i32
    %eq3A_420 = vector.broadcast %eq3A_419 : i32 to vector<16xi32>
    %eq3A_421 = arith.cmpi eq, %iota3A, %eq3A_420 : vector<16xi32>
    %jit3A_422 = arith.constant 0 : i32
    %broadcast_in_dim3A_423 = vector.broadcast %jit3A_422 : i32 to vector<16xi32>
    %select_n3A_424 = arith.select %eq3A_421, %get3A_418, %broadcast_in_dim3A_423 : vector<16xi1>, vector<16xi32>
    %reduce_sum3A_425 = arith.constant true
    %reduce_sum3A_426 = vector.broadcast %reduce_sum3A_425 : i1 to vector<16xi1>
    %reduce_sum3A_427 = tpu.scan <sum>, %select_n3A_424 masked %reduce_sum3A_426 : vector<16xi32>, vector<16xi1> -> vector<16xi32>
    %reduce_sum3A_428 = vector.extract %reduce_sum3A_427[15] : i32 from vector<16xi32>
    %eq3A_429 = arith.constant 1 : i32
    %eq3A_430 = vector.broadcast %eq3A_429 : i32 to vector<16xi32>
    %eq3A_431 = arith.cmpi eq, %iota3A, %eq3A_430 : vector<16xi32>
    %jit3A_432 = arith.constant 0 : i32
    %broadcast_in_dim3A_433 = vector.broadcast %jit3A_432 : i32 to vector<16xi32>
    %select_n3A_434 = arith.select %eq3A_431, %get3A_418, %broadcast_in_dim3A_433 : vector<16xi1>, vector<16xi32>
    %reduce_sum3A_435 = arith.constant true
    %reduce_sum3A_436 = vector.broadcast %reduce_sum3A_435 : i1 to vector<16xi1>
    %reduce_sum3A_437 = tpu.scan <sum>, %select_n3A_434 masked %reduce_sum3A_436 : vector<16xi32>, vector<16xi1> -> vector<16xi32>
    %reduce_sum3A_438 = vector.extract %reduce_sum3A_437[15] : i32 from vector<16xi32>
    %run_scoped3A_439 = arith.constant 5 : i32
    "tpu.region"() ({
      %run_scoped3A_1310 = tpu.sem_alloc : memref<!tpu.dma_semaphore, #tpu.memory_space<semaphore_mem>>
      %dma_start3A_1311 = arith.constant 0 : i32
      %dma_start3A_1312 = tpu.memref_slice %arg20[%select_n3A, %run_scoped3A_439, %dma_start3A_1311] : memref<2x8x16xi32, #tpu.memory_space<vmem_shared>> -> memref<1x1x16xi32, #tpu.memory_space<vmem_shared>>
      %dma_start3A_1313 = tpu.memref_squeeze %dma_start3A_1312 : memref<1x1x16xi32, #tpu.memory_space<vmem_shared>> -> memref<16xi32, #tpu.memory_space<vmem_shared>>
      %dma_start3A_1314 = arith.constant 0 : i32
      %dma_start3A_1315 = tpu.memref_slice %arg20[%select_n3A, %run_scoped3A_439, %dma_start3A_1314] : memref<2x8x16xi32, #tpu.memory_space<vmem_shared>> -> memref<1x1x16xi32, #tpu.memory_space<vmem_shared>>
      %dma_start3A_1316 = tpu.memref_squeeze %dma_start3A_1315 : memref<1x1x16xi32, #tpu.memory_space<vmem_shared>> -> memref<16xi32, #tpu.memory_space<vmem_shared>>
      tpu.enqueue_dma source(%dma_start3A_1316 : memref<16xi32, #tpu.memory_space<vmem_shared>>) target(%arg13 : memref<16xi32, #tpu.memory_space<vmem>>) target_semaphore(%run_scoped3A_1310 : memref<!tpu.dma_semaphore, #tpu.memory_space<semaphore_mem>>)
      %dma_wait3A_1317 = arith.constant 0 : i32
      %dma_wait3A_1318 = tpu.memref_slice %arg20[%select_n3A, %run_scoped3A_439, %dma_wait3A_1317] : memref<2x8x16xi32, #tpu.memory_space<vmem_shared>> -> memref<1x1x16xi32, #tpu.memory_space<vmem_shared>>
      %dma_wait3A_1319 = tpu.memref_squeeze %dma_wait3A_1318 : memref<1x1x16xi32, #tpu.memory_space<vmem_shared>> -> memref<16xi32, #tpu.memory_space<vmem_shared>>
      %dma_wait3A_1320 = arith.constant 0 : i32
      %dma_wait3A_1321 = tpu.memref_slice %arg20[%select_n3A, %run_scoped3A_439, %dma_wait3A_1320] : memref<2x8x16xi32, #tpu.memory_space<vmem_shared>> -> memref<1x1x16xi32, #tpu.memory_space<vmem_shared>>
      %dma_wait3A_1322 = tpu.memref_squeeze %dma_wait3A_1321 : memref<1x1x16xi32, #tpu.memory_space<vmem_shared>> -> memref<16xi32, #tpu.memory_space<vmem_shared>>
      tpu.wait_dma2 semaphore(%run_scoped3A_1310 : memref<!tpu.dma_semaphore, #tpu.memory_space<semaphore_mem>>) src(%dma_wait3A_1322 : memref<16xi32, #tpu.memory_space<vmem_shared>>) dst(%arg13 : memref<16xi32, #tpu.memory_space<vmem>>)
      tpu.yield
    }) : () -> ()
    %get3A_440 = arith.constant 0 : index
    %get3A_441 = tpu.vector_load %arg13[%get3A_440] {strides = array<i32>} : memref<16xi32, #tpu.memory_space<vmem>>, vector<16xi32>,
    %eq3A_442 = arith.constant 0 : i32
    %eq3A_443 = vector.broadcast %eq3A_442 : i32 to vector<16xi32>
    %eq3A_444 = arith.cmpi eq, %iota3A, %eq3A_443 : vector<16xi32>
    %jit3A_445 = arith.constant 0 : i32
    %broadcast_in_dim3A_446 = vector.broadcast %jit3A_445 : i32 to vector<16xi32>
    %select_n3A_447 = arith.select %eq3A_444, %get3A_441, %broadcast_in_dim3A_446 : vector<16xi1>, vector<16xi32>
    %reduce_sum3A_448 = arith.constant true
    %reduce_sum3A_449 = vector.broadcast %reduce_sum3A_448 : i1 to vector<16xi1>
    %reduce_sum3A_450 = tpu.scan <sum>, %select_n3A_447 masked %reduce_sum3A_449 : vector<16xi32>, vector<16xi1> -> vector<16xi32>
    %reduce_sum3A_451 = vector.extract %reduce_sum3A_450[15] : i32 from vector<16xi32>
    %eq3A_452 = arith.constant 1 : i32
    %eq3A_453 = vector.broadcast %eq3A_452 : i32 to vector<16xi32>
    %eq3A_454 = arith.cmpi eq, %iota3A, %eq3A_453 : vector<16xi32>
    %jit3A_455 = arith.constant 0 : i32
    %broadcast_in_dim3A_456 = vector.broadcast %jit3A_455 : i32 to vector<16xi32>
    %select_n3A_457 = arith.select %eq3A_454, %get3A_441, %broadcast_in_dim3A_456 : vector<16xi1>, vector<16xi32>
    %reduce_sum3A_458 = arith.constant true
    %reduce_sum3A_459 = vector.broadcast %reduce_sum3A_458 : i1 to vector<16xi1>
    %reduce_sum3A_460 = tpu.scan <sum>, %select_n3A_457 masked %reduce_sum3A_459 : vector<16xi32>, vector<16xi1> -> vector<16xi32>
    %reduce_sum3A_461 = vector.extract %reduce_sum3A_460[15] : i32 from vector<16xi32>
    %run_scoped3A_462 = arith.constant 6 : i32
    "tpu.region"() ({
      %run_scoped3A_1310 = tpu.sem_alloc : memref<!tpu.dma_semaphore, #tpu.memory_space<semaphore_mem>>
      %dma_start3A_1311 = arith.constant 0 : i32
      %dma_start3A_1312 = tpu.memref_slice %arg20[%select_n3A, %run_scoped3A_462, %dma_start3A_1311] : memref<2x8x16xi32, #tpu.memory_space<vmem_shared>> -> memref<1x1x16xi32, #tpu.memory_space<vmem_shared>>
      %dma_start3A_1313 = tpu.memref_squeeze %dma_start3A_1312 : memref<1x1x16xi32, #tpu.memory_space<vmem_shared>> -> memref<16xi32, #tpu.memory_space<vmem_shared>>
      %dma_start3A_1314 = arith.constant 0 : i32
      %dma_start3A_1315 = tpu.memref_slice %arg20[%select_n3A, %run_scoped3A_462, %dma_start3A_1314] : memref<2x8x16xi32, #tpu.memory_space<vmem_shared>> -> memref<1x1x16xi32, #tpu.memory_space<vmem_shared>>
      %dma_start3A_1316 = tpu.memref_squeeze %dma_start3A_1315 : memref<1x1x16xi32, #tpu.memory_space<vmem_shared>> -> memref<16xi32, #tpu.memory_space<vmem_shared>>
      tpu.enqueue_dma source(%dma_start3A_1316 : memref<16xi32, #tpu.memory_space<vmem_shared>>) target(%arg13 : memref<16xi32, #tpu.memory_space<vmem>>) target_semaphore(%run_scoped3A_1310 : memref<!tpu.dma_semaphore, #tpu.memory_space<semaphore_mem>>)
      %dma_wait3A_1317 = arith.constant 0 : i32
      %dma_wait3A_1318 = tpu.memref_slice %arg20[%select_n3A, %run_scoped3A_462, %dma_wait3A_1317] : memref<2x8x16xi32, #tpu.memory_space<vmem_shared>> -> memref<1x1x16xi32, #tpu.memory_space<vmem_shared>>
      %dma_wait3A_1319 = tpu.memref_squeeze %dma_wait3A_1318 : memref<1x1x16xi32, #tpu.memory_space<vmem_shared>> -> memref<16xi32, #tpu.memory_space<vmem_shared>>
      %dma_wait3A_1320 = arith.constant 0 : i32
      %dma_wait3A_1321 = tpu.memref_slice %arg20[%select_n3A, %run_scoped3A_462, %dma_wait3A_1320] : memref<2x8x16xi32, #tpu.memory_space<vmem_shared>> -> memref<1x1x16xi32, #tpu.memory_space<vmem_shared>>
      %dma_wait3A_1322 = tpu.memref_squeeze %dma_wait3A_1321 : memref<1x1x16xi32, #tpu.memory_space<vmem_shared>> -> memref<16xi32, #tpu.memory_space<vmem_shared>>
      tpu.wait_dma2 semaphore(%run_scoped3A_1310 : memref<!tpu.dma_semaphore, #tpu.memory_space<semaphore_mem>>) src(%dma_wait3A_1322 : memref<16xi32, #tpu.memory_space<vmem_shared>>) dst(%arg13 : memref<16xi32, #tpu.memory_space<vmem>>)
      tpu.yield
    }) : () -> ()
    %get3A_463 = arith.constant 0 : index
    %get3A_464 = tpu.vector_load %arg13[%get3A_463] {strides = array<i32>} : memref<16xi32, #tpu.memory_space<vmem>>, vector<16xi32>,
    %eq3A_465 = arith.constant 0 : i32
    %eq3A_466 = vector.broadcast %eq3A_465 : i32 to vector<16xi32>
    %eq3A_467 = arith.cmpi eq, %iota3A, %eq3A_466 : vector<16xi32>
    %jit3A_468 = arith.constant 0 : i32
    %broadcast_in_dim3A_469 = vector.broadcast %jit3A_468 : i32 to vector<16xi32>
    %select_n3A_470 = arith.select %eq3A_467, %get3A_464, %broadcast_in_dim3A_469 : vector<16xi1>, vector<16xi32>
    %reduce_sum3A_471 = arith.constant true
    %reduce_sum3A_472 = vector.broadcast %reduce_sum3A_471 : i1 to vector<16xi1>
    %reduce_sum3A_473 = tpu.scan <sum>, %select_n3A_470 masked %reduce_sum3A_472 : vector<16xi32>, vector<16xi1> -> vector<16xi32>
    %reduce_sum3A_474 = vector.extract %reduce_sum3A_473[15] : i32 from vector<16xi32>
    %eq3A_475 = arith.constant 1 : i32
    %eq3A_476 = vector.broadcast %eq3A_475 : i32 to vector<16xi32>
    %eq3A_477 = arith.cmpi eq, %iota3A, %eq3A_476 : vector<16xi32>
    %jit3A_478 = arith.constant 0 : i32
    %broadcast_in_dim3A_479 = vector.broadcast %jit3A_478 : i32 to vector<16xi32>
    %select_n3A_480 = arith.select %eq3A_477, %get3A_464, %broadcast_in_dim3A_479 : vector<16xi1>, vector<16xi32>
    %reduce_sum3A_481 = arith.constant true
    %reduce_sum3A_482 = vector.broadcast %reduce_sum3A_481 : i1 to vector<16xi1>
    %reduce_sum3A_483 = tpu.scan <sum>, %select_n3A_480 masked %reduce_sum3A_482 : vector<16xi32>, vector<16xi1> -> vector<16xi32>
    %reduce_sum3A_484 = vector.extract %reduce_sum3A_483[15] : i32 from vector<16xi32>
    %run_scoped3A_485 = arith.constant 7 : i32
    "tpu.region"() ({
      %run_scoped3A_1310 = tpu.sem_alloc : memref<!tpu.dma_semaphore, #tpu.memory_space<semaphore_mem>>
      %dma_start3A_1311 = arith.constant 0 : i32
      %dma_start3A_1312 = tpu.memref_slice %arg20[%select_n3A, %run_scoped3A_485, %dma_start3A_1311] : memref<2x8x16xi32, #tpu.memory_space<vmem_shared>> -> memref<1x1x16xi32, #tpu.memory_space<vmem_shared>>
      %dma_start3A_1313 = tpu.memref_squeeze %dma_start3A_1312 : memref<1x1x16xi32, #tpu.memory_space<vmem_shared>> -> memref<16xi32, #tpu.memory_space<vmem_shared>>
      %dma_start3A_1314 = arith.constant 0 : i32
      %dma_start3A_1315 = tpu.memref_slice %arg20[%select_n3A, %run_scoped3A_485, %dma_start3A_1314] : memref<2x8x16xi32, #tpu.memory_space<vmem_shared>> -> memref<1x1x16xi32, #tpu.memory_space<vmem_shared>>
      %dma_start3A_1316 = tpu.memref_squeeze %dma_start3A_1315 : memref<1x1x16xi32, #tpu.memory_space<vmem_shared>> -> memref<16xi32, #tpu.memory_space<vmem_shared>>
      tpu.enqueue_dma source(%dma_start3A_1316 : memref<16xi32, #tpu.memory_space<vmem_shared>>) target(%arg13 : memref<16xi32, #tpu.memory_space<vmem>>) target_semaphore(%run_scoped3A_1310 : memref<!tpu.dma_semaphore, #tpu.memory_space<semaphore_mem>>)
      %dma_wait3A_1317 = arith.constant 0 : i32
      %dma_wait3A_1318 = tpu.memref_slice %arg20[%select_n3A, %run_scoped3A_485, %dma_wait3A_1317] : memref<2x8x16xi32, #tpu.memory_space<vmem_shared>> -> memref<1x1x16xi32, #tpu.memory_space<vmem_shared>>
      %dma_wait3A_1319 = tpu.memref_squeeze %dma_wait3A_1318 : memref<1x1x16xi32, #tpu.memory_space<vmem_shared>> -> memref<16xi32, #tpu.memory_space<vmem_shared>>
      %dma_wait3A_1320 = arith.constant 0 : i32
      %dma_wait3A_1321 = tpu.memref_slice %arg20[%select_n3A, %run_scoped3A_485, %dma_wait3A_1320] : memref<2x8x16xi32, #tpu.memory_space<vmem_shared>> -> memref<1x1x16xi32, #tpu.memory_space<vmem_shared>>
      %dma_wait3A_1322 = tpu.memref_squeeze %dma_wait3A_1321 : memref<1x1x16xi32, #tpu.memory_space<vmem_shared>> -> memref<16xi32, #tpu.memory_space<vmem_shared>>
      tpu.wait_dma2 semaphore(%run_scoped3A_1310 : memref<!tpu.dma_semaphore, #tpu.memory_space<semaphore_mem>>) src(%dma_wait3A_1322 : memref<16xi32, #tpu.memory_space<vmem_shared>>) dst(%arg13 : memref<16xi32, #tpu.memory_space<vmem>>)
      tpu.yield
    }) : () -> ()
    %get3A_486 = arith.constant 0 : index
    %get3A_487 = tpu.vector_load %arg13[%get3A_486] {strides = array<i32>} : memref<16xi32, #tpu.memory_space<vmem>>, vector<16xi32>,
    %eq3A_488 = arith.constant 0 : i32
    %eq3A_489 = vector.broadcast %eq3A_488 : i32 to vector<16xi32>
    %eq3A_490 = arith.cmpi eq, %iota3A, %eq3A_489 : vector<16xi32>
    %jit3A_491 = arith.constant 0 : i32
    %broadcast_in_dim3A_492 = vector.broadcast %jit3A_491 : i32 to vector<16xi32>
    %select_n3A_493 = arith.select %eq3A_490, %get3A_487, %broadcast_in_dim3A_492 : vector<16xi1>, vector<16xi32>
    %reduce_sum3A_494 = arith.constant true
    %reduce_sum3A_495 = vector.broadcast %reduce_sum3A_494 : i1 to vector<16xi1>
    %reduce_sum3A_496 = tpu.scan <sum>, %select_n3A_493 masked %reduce_sum3A_495 : vector<16xi32>, vector<16xi1> -> vector<16xi32>
    %reduce_sum3A_497 = vector.extract %reduce_sum3A_496[15] : i32 from vector<16xi32>
    %eq3A_498 = arith.constant 1 : i32
    %eq3A_499 = vector.broadcast %eq3A_498 : i32 to vector<16xi32>
    %eq3A_500 = arith.cmpi eq, %iota3A, %eq3A_499 : vector<16xi32>
    %jit3A_501 = arith.constant 0 : i32
    %broadcast_in_dim3A_502 = vector.broadcast %jit3A_501 : i32 to vector<16xi32>
    %select_n3A_503 = arith.select %eq3A_500, %get3A_487, %broadcast_in_dim3A_502 : vector<16xi1>, vector<16xi32>
    %reduce_sum3A_504 = arith.constant true
    %reduce_sum3A_505 = vector.broadcast %reduce_sum3A_504 : i1 to vector<16xi1>
    %reduce_sum3A_506 = tpu.scan <sum>, %select_n3A_503 masked %reduce_sum3A_505 : vector<16xi32>, vector<16xi1> -> vector<16xi32>
    %reduce_sum3A_507 = vector.extract %reduce_sum3A_506[15] : i32 from vector<16xi32>
    %sub3A_508 = arith.constant 0 : i32
    %sub3A_509 = arith.subi %sub3A_303, %sub3A_508 : i32
    %jit3A_510 = arith.constant 0 : i32
    %max3A = arith.maxsi %jit3A_510, %sub3A_509 : i32
    %min3A = arith.minsi %reduce_sum3A_346, %max3A : i32
    %add3A_511 = arith.addi %reduce_sum3A_336, %min3A : i32
    %add3A_512 = arith.constant 0 : i32
    %add3A_513 = arith.addi %add3A_512, %reduce_sum3A_346 : i32
    %add3A_514 = arith.constant 0 : i32
    %add3A_515 = arith.addi %add3A_514, %add3A_511 : i32
    %sub3A_516 = arith.subi %sub3A_303, %add3A_513 : i32
    %jit3A_517 = arith.constant 0 : i32
    %max3A_518 = arith.maxsi %jit3A_517, %sub3A_516 : i32
    %min3A_519 = arith.minsi %reduce_sum3A_369, %max3A_518 : i32
    %add3A_520 = arith.addi %reduce_sum3A_359, %min3A_519 : i32
    %add3A_521 = arith.addi %add3A_513, %reduce_sum3A_369 : i32
    %add3A_522 = arith.addi %add3A_515, %add3A_520 : i32
    %sub3A_523 = arith.subi %sub3A_303, %add3A_521 : i32
    %jit3A_524 = arith.constant 0 : i32
    %max3A_525 = arith.maxsi %jit3A_524, %sub3A_523 : i32
    %min3A_526 = arith.minsi %reduce_sum3A_392, %max3A_525 : i32
    %add3A_527 = arith.addi %reduce_sum3A_382, %min3A_526 : i32
    %add3A_528 = arith.addi %add3A_521, %reduce_sum3A_392 : i32
    %add3A_529 = arith.addi %add3A_522, %add3A_527 : i32
    %sub3A_530 = arith.subi %sub3A_303, %add3A_528 : i32
    %jit3A_531 = arith.constant 0 : i32
    %max3A_532 = arith.maxsi %jit3A_531, %sub3A_530 : i32
    %min3A_533 = arith.minsi %reduce_sum3A_415, %max3A_532 : i32
    %add3A_534 = arith.addi %reduce_sum3A_405, %min3A_533 : i32
    %add3A_535 = arith.addi %add3A_528, %reduce_sum3A_415 : i32
    %add3A_536 = arith.addi %add3A_529, %add3A_534 : i32
    %sub3A_537 = arith.subi %sub3A_303, %add3A_535 : i32
    %jit3A_538 = arith.constant 0 : i32
    %max3A_539 = arith.maxsi %jit3A_538, %sub3A_537 : i32
    %min3A_540 = arith.minsi %reduce_sum3A_438, %max3A_539 : i32
    %add3A_541 = arith.addi %reduce_sum3A_428, %min3A_540 : i32
    %add3A_542 = arith.addi %add3A_535, %reduce_sum3A_438 : i32
    %add3A_543 = arith.addi %add3A_536, %add3A_541 : i32
    %sub3A_544 = arith.subi %sub3A_303, %add3A_542 : i32
    %jit3A_545 = arith.constant 0 : i32
    %max3A_546 = arith.maxsi %jit3A_545, %sub3A_544 : i32
    %min3A_547 = arith.minsi %reduce_sum3A_461, %max3A_546 : i32
    %add3A_548 = arith.addi %reduce_sum3A_451, %min3A_547 : i32
    %add3A_549 = arith.addi %add3A_542, %reduce_sum3A_461 : i32
    %add3A_550 = arith.addi %add3A_543, %add3A_548 : i32
    %sub3A_551 = arith.subi %sub3A_303, %add3A_549 : i32
    %jit3A_552 = arith.constant 0 : i32
    %max3A_553 = arith.maxsi %jit3A_552, %sub3A_551 : i32
    %min3A_554 = arith.minsi %reduce_sum3A_484, %max3A_553 : i32
    %add3A_555 = arith.addi %reduce_sum3A_474, %min3A_554 : i32
    %add3A_556 = arith.addi %add3A_549, %reduce_sum3A_484 : i32
    %add3A_557 = arith.addi %add3A_550, %add3A_555 : i32
    %sub3A_558 = arith.subi %sub3A_303, %add3A_556 : i32
    %jit3A_559 = arith.constant 0 : i32
    %max3A_560 = arith.maxsi %jit3A_559, %sub3A_558 : i32
    %min3A_561 = arith.minsi %reduce_sum3A_507, %max3A_560 : i32
    %add3A_562 = arith.addi %reduce_sum3A_497, %min3A_561 : i32
    %add3A_563 = arith.addi %add3A_556, %reduce_sum3A_507 : i32
    %add3A_564 = arith.addi %add3A_557, %add3A_562 : i32
    %gt3A = arith.constant 0 : i32
    %gt3A_565 = arith.cmpi sgt, %select_n3A_28, %gt3A : i32
    %jit3A_566 = arith.constant 0 : i32
    %select_n3A_567 = arith.select %gt3A_565, %reduce_sum3A_346, %jit3A_566 : i32
    %add3A_568 = arith.constant 0 : i32
    %add3A_569 = arith.addi %add3A_568, %select_n3A_567 : i32
    %gt3A_570 = arith.constant 1 : i32
    %gt3A_571 = arith.cmpi sgt, %select_n3A_28, %gt3A_570 : i32
    %jit3A_572 = arith.constant 0 : i32
    %select_n3A_573 = arith.select %gt3A_571, %reduce_sum3A_369, %jit3A_572 : i32
    %add3A_574 = arith.addi %add3A_569, %select_n3A_573 : i32
    %gt3A_575 = arith.constant 2 : i32
    %gt3A_576 = arith.cmpi sgt, %select_n3A_28, %gt3A_575 : i32
    %jit3A_577 = arith.constant 0 : i32
    %select_n3A_578 = arith.select %gt3A_576, %reduce_sum3A_392, %jit3A_577 : i32
    %add3A_579 = arith.addi %add3A_574, %select_n3A_578 : i32
    %gt3A_580 = arith.constant 3 : i32
    %gt3A_581 = arith.cmpi sgt, %select_n3A_28, %gt3A_580 : i32
    %jit3A_582 = arith.constant 0 : i32
    %select_n3A_583 = arith.select %gt3A_581, %reduce_sum3A_415, %jit3A_582 : i32
    %add3A_584 = arith.addi %add3A_579, %select_n3A_583 : i32
    %gt3A_585 = arith.constant 4 : i32
    %gt3A_586 = arith.cmpi sgt, %select_n3A_28, %gt3A_585 : i32
    %jit3A_587 = arith.constant 0 : i32
    %select_n3A_588 = arith.select %gt3A_586, %reduce_sum3A_438, %jit3A_587 : i32
    %add3A_589 = arith.addi %add3A_584, %select_n3A_588 : i32
    %gt3A_590 = arith.constant 5 : i32
    %gt3A_591 = arith.cmpi sgt, %select_n3A_28, %gt3A_590 : i32
    %jit3A_592 = arith.constant 0 : i32
    %select_n3A_593 = arith.select %gt3A_591, %reduce_sum3A_461, %jit3A_592 : i32
    %add3A_594 = arith.addi %add3A_589, %select_n3A_593 : i32
    %gt3A_595 = arith.constant 6 : i32
    %gt3A_596 = arith.cmpi sgt, %select_n3A_28, %gt3A_595 : i32
    %jit3A_597 = arith.constant 0 : i32
    %select_n3A_598 = arith.select %gt3A_596, %reduce_sum3A_484, %jit3A_597 : i32
    %add3A_599 = arith.addi %add3A_594, %select_n3A_598 : i32
    %gt3A_600 = arith.constant 7 : i32
    %gt3A_601 = arith.cmpi sgt, %select_n3A_28, %gt3A_600 : i32
    %jit3A_602 = arith.constant 0 : i32
    %select_n3A_603 = arith.select %gt3A_601, %reduce_sum3A_507, %jit3A_602 : i32
    %add3A_604 = arith.addi %add3A_599, %select_n3A_603 : i32
    %scan3A_605 = arith.constant 0 : i32
    %scan3A_606 = arith.constant 0 : i32
    %scan3A_607 = arith.constant 0 : i32
    %scan3A_608 = arith.constant 896 : i32
    %scan3A_609 = arith.addi %scan3A_607, %scan3A_608 : i32
    %scan3A_610 = arith.constant 1 : i32
    %scan3A_611:2 = scf.for %scan3A_1310 = %scan3A_607 to %scan3A_609 step %scan3A_610 iter_args(%scan3A_1311 = %scan3A_605, %scan3A_1312 = %scan3A_606) -> (i32, i32)  : i32 {
      %mul3A_1313 = arith.constant 16 : i32
      %mul3A_1314 = arith.muli %scan3A_1310, %mul3A_1313 : i32
      %get3A_1315 = arith.index_cast %mul3A_1314 : i32 to index
      %get3A_1316 = tpu.vector_load %arg6[%get3A_1315] {strides = array<i32>} : memref<14336xf32, #tpu.memory_space<vmem>>, vector<16xf32>,
      %bitcast_convert_type3A = tpu.bitcast %get3A_1316 : vector<16xf32> -> vector<16xi32>
      %ge3A = arith.constant 0 : i32
      %ge3A_1317 = vector.broadcast %ge3A : i32 to vector<16xi32>
      %ge3A_1318 = arith.cmpi sge, %bitcast_convert_type3A, %ge3A_1317 : vector<16xi32>
      %xor3A_1319 = arith.constant 2147483647 : i32
      %xor3A_1320 = vector.broadcast %xor3A_1319 : i32 to vector<16xi32>
      %xor3A_1321 = arith.xori %bitcast_convert_type3A, %xor3A_1320 : vector<16xi32>
      %select_n3A_1322 = arith.select %ge3A_1318, %bitcast_convert_type3A, %xor3A_1321 : vector<16xi1>, vector<16xi32>
      %gt3A_1323 = vector.broadcast %xor3A_308 : i32 to vector<16xi32>
      %gt3A_1324 = arith.cmpi sgt, %select_n3A_1322, %gt3A_1323 : vector<16xi32>
      %eq3A_1325 = vector.broadcast %xor3A_308 : i32 to vector<16xi32>
      %eq3A_1326 = arith.cmpi eq, %select_n3A_1322, %eq3A_1325 : vector<16xi32>
      %jit3A_1327 = arith.constant 1 : i32
      %jit3A_1328 = arith.constant 0 : i32
      %broadcast_in_dim3A_1329 = vector.broadcast %jit3A_1327 : i32 to vector<16xi32>
      %broadcast_in_dim3A_1330 = vector.broadcast %jit3A_1328 : i32 to vector<16xi32>
      %select_n3A_1331 = arith.select %eq3A_1326, %broadcast_in_dim3A_1329, %broadcast_in_dim3A_1330 : vector<16xi1>, vector<16xi32>
      %add3A_1332 = arith.addi %add3A_604, %scan3A_1312 : i32
      %broadcast_in_dim3A_1333 = arith.constant true
      %broadcast_in_dim3A_1334 = vector.broadcast %broadcast_in_dim3A_1333 : i1 to vector<16xi1>
      %masked_cumsum3A = tpu.scan <sum>, %select_n3A_1331 masked %broadcast_in_dim3A_1334 : vector<16xi32>, vector<16xi1> -> vector<16xi32>
      %add3A_1335 = vector.broadcast %add3A_1332 : i32 to vector<16xi32>
      %add3A_1336 = arith.addi %add3A_1335, %masked_cumsum3A : vector<16xi32>
      %sub3A_1337 = arith.subi %add3A_1336, %select_n3A_1331 : vector<16xi32>
      %lt3A_1338 = vector.broadcast %sub3A_303 : i32 to vector<16xi32>
      %lt3A_1339 = arith.cmpi slt, %sub3A_1337, %lt3A_1338 : vector<16xi32>
      %and3A_1340 = arith.andi %eq3A_1326, %lt3A_1339 : vector<16xi1>
      %or3A_1341 = arith.ori %gt3A_1324, %and3A_1340 : vector<16xi1>
      %jit3A_1342 = arith.constant 1 : i32
      %jit3A_1343 = arith.constant 0 : i32
      %broadcast_in_dim3A_1344 = vector.broadcast %jit3A_1342 : i32 to vector<16xi32>
      %broadcast_in_dim3A_1345 = vector.broadcast %jit3A_1343 : i32 to vector<16xi32>
      %select_n3A_1346 = arith.select %or3A_1341, %broadcast_in_dim3A_1344, %broadcast_in_dim3A_1345 : vector<16xi1>, vector<16xi32>
      %broadcast_in_dim3A_1347 = arith.constant true
      %broadcast_in_dim3A_1348 = vector.broadcast %broadcast_in_dim3A_1347 : i1 to vector<16xi1>
      %masked_cumsum3A_1349 = tpu.scan <sum>, %select_n3A_1346 masked %broadcast_in_dim3A_1348 : vector<16xi32>, vector<16xi1> -> vector<16xi32>
      %add3A_1350 = vector.broadcast %scan3A_1311 : i32 to vector<16xi32>
      %add3A_1351 = arith.addi %add3A_1350, %masked_cumsum3A_1349 : vector<16xi32>
      %sub3A_1352 = arith.subi %add3A_1351, %select_n3A_1346 : vector<16xi32>
      %mul3A_1353 = arith.constant 16 : i32
      %mul3A_1354 = arith.muli %scan3A_1310, %mul3A_1353 : i32
      %add3A_1355 = arith.addi %mul3A_32, %mul3A_1354 : i32
      %add3A_1356 = vector.broadcast %add3A_1355 : i32 to vector<16xi32>
      %add3A_1357 = arith.addi %add3A_1356, %iota3A : vector<16xi32>
      tpu.vector_store_idx %arg8[%sub3A_1352], %add3A_1357 masked %or3A_1341 : memref<10240xi32, #tpu.memory_space<vmem>>[vector<16xi32>], vector<16xi32>, vector<16xi1>
      %reduce_sum3A_1358 = arith.constant true
      %reduce_sum3A_1359 = vector.broadcast %reduce_sum3A_1358 : i1 to vector<16xi1>
      %reduce_sum3A_1360 = tpu.scan <sum>, %select_n3A_1346 masked %reduce_sum3A_1359 : vector<16xi32>, vector<16xi1> -> vector<16xi32>
      %reduce_sum3A_1361 = vector.extract %reduce_sum3A_1360[15] : i32 from vector<16xi32>
      %add3A_1362 = arith.addi %scan3A_1311, %reduce_sum3A_1361 : i32
      %reduce_sum3A_1363 = arith.constant true
      %reduce_sum3A_1364 = vector.broadcast %reduce_sum3A_1363 : i1 to vector<16xi1>
      %reduce_sum3A_1365 = tpu.scan <sum>, %select_n3A_1331 masked %reduce_sum3A_1364 : vector<16xi32>, vector<16xi1> -> vector<16xi32>
      %reduce_sum3A_1366 = vector.extract %reduce_sum3A_1365[15] : i32 from vector<16xi32>
      %add3A_1367 = arith.addi %scan3A_1312, %reduce_sum3A_1366 : i32
      scf.yield %add3A_1362, %add3A_1367 : i32, i32
    }
    %scan3A_612 = arith.constant 896 : i32
    "tpu.region"() ({
      %run_scoped3A_1310 = tpu.sem_alloc : memref<!tpu.dma_semaphore, #tpu.memory_space<semaphore_mem>>
      %dma_start3A_1311 = arith.constant 0 : i32
      %dma_start3A_1312 = tpu.memref_slice %arg21[%select_n3A, %select_n3A_28, %dma_start3A_1311] : memref<2x8x10240xi32, #tpu.memory_space<vmem_shared>> -> memref<1x1x10240xi32, #tpu.memory_space<vmem_shared>>
      %dma_start3A_1313 = tpu.memref_squeeze %dma_start3A_1312 : memref<1x1x10240xi32, #tpu.memory_space<vmem_shared>> -> memref<10240xi32, #tpu.memory_space<vmem_shared>>
      %dma_start3A_1314 = arith.constant 0 : i32
      %dma_start3A_1315 = tpu.memref_slice %arg21[%select_n3A, %select_n3A_28, %dma_start3A_1314] : memref<2x8x10240xi32, #tpu.memory_space<vmem_shared>> -> memref<1x1x10240xi32, #tpu.memory_space<vmem_shared>>
      %dma_start3A_1316 = tpu.memref_squeeze %dma_start3A_1315 : memref<1x1x10240xi32, #tpu.memory_space<vmem_shared>> -> memref<10240xi32, #tpu.memory_space<vmem_shared>>
      tpu.enqueue_dma source(%arg8 : memref<10240xi32, #tpu.memory_space<vmem>>) target(%dma_start3A_1316 : memref<10240xi32, #tpu.memory_space<vmem_shared>>) target_semaphore(%run_scoped3A_1310 : memref<!tpu.dma_semaphore, #tpu.memory_space<semaphore_mem>>)
      %dma_wait3A_1317 = arith.constant 0 : i32
      %dma_wait3A_1318 = tpu.memref_slice %arg21[%select_n3A, %select_n3A_28, %dma_wait3A_1317] : memref<2x8x10240xi32, #tpu.memory_space<vmem_shared>> -> memref<1x1x10240xi32, #tpu.memory_space<vmem_shared>>
      %dma_wait3A_1319 = tpu.memref_squeeze %dma_wait3A_1318 : memref<1x1x10240xi32, #tpu.memory_space<vmem_shared>> -> memref<10240xi32, #tpu.memory_space<vmem_shared>>
      %dma_wait3A_1320 = arith.constant 0 : i32
      %dma_wait3A_1321 = tpu.memref_slice %arg21[%select_n3A, %select_n3A_28, %dma_wait3A_1320] : memref<2x8x10240xi32, #tpu.memory_space<vmem_shared>> -> memref<1x1x10240xi32, #tpu.memory_space<vmem_shared>>
      %dma_wait3A_1322 = tpu.memref_squeeze %dma_wait3A_1321 : memref<1x1x10240xi32, #tpu.memory_space<vmem_shared>> -> memref<10240xi32, #tpu.memory_space<vmem_shared>>
      tpu.wait_dma2 semaphore(%run_scoped3A_1310 : memref<!tpu.dma_semaphore, #tpu.memory_space<semaphore_mem>>) src(%arg8 : memref<10240xi32, #tpu.memory_space<vmem>>) dst(%dma_wait3A_1322 : memref<10240xi32, #tpu.memory_space<vmem_shared>>)
      tpu.yield
    }) : () -> ()
    %barrier3A_613 = arith.constant 0 : index
    tpu.barrier barrier_id(%barrier3A_613)
    %eq3A_614 = arith.constant 0 : i32
    %eq3A_615 = arith.cmpi eq, %select_n3A_28, %eq3A_614 : i32
    %convert_element_type3A = arith.extui %eq3A_615 : i1 to i32
    %cond3A = arith.constant 0 : i32
    %cond3A_616 = arith.constant 0 : i32
    %cond3A_617 = arith.cmpi ne, %convert_element_type3A, %cond3A_616 : i32
    scf.if %cond3A_617 {
      %add3A_1310 = arith.constant 15 : i32
      %add3A_1311 = arith.addi %add3A_511, %add3A_1310 : i32
      %shift_right_arithmetic3A_1312 = arith.constant 4 : i32
      %shift_right_arithmetic3A_1313 = arith.shrsi %add3A_1311, %shift_right_arithmetic3A_1312 : i32
      %run_scoped3A_1314 = arith.constant 0 : i32
      "tpu.region"() ({
        %run_scoped3A_1432 = tpu.sem_alloc : memref<!tpu.dma_semaphore, #tpu.memory_space<semaphore_mem>>
        %dma_start3A_1433 = arith.constant 0 : i32
        %dma_start3A_1434 = tpu.memref_slice %arg21[%select_n3A, %run_scoped3A_1314, %dma_start3A_1433] : memref<2x8x10240xi32, #tpu.memory_space<vmem_shared>> -> memref<1x1x10240xi32, #tpu.memory_space<vmem_shared>>
        %dma_start3A_1435 = tpu.memref_squeeze %dma_start3A_1434 : memref<1x1x10240xi32, #tpu.memory_space<vmem_shared>> -> memref<10240xi32, #tpu.memory_space<vmem_shared>>
        %dma_start3A_1436 = arith.constant 0 : i32
        %dma_start3A_1437 = tpu.memref_slice %arg21[%select_n3A, %run_scoped3A_1314, %dma_start3A_1436] : memref<2x8x10240xi32, #tpu.memory_space<vmem_shared>> -> memref<1x1x10240xi32, #tpu.memory_space<vmem_shared>>
        %dma_start3A_1438 = tpu.memref_squeeze %dma_start3A_1437 : memref<1x1x10240xi32, #tpu.memory_space<vmem_shared>> -> memref<10240xi32, #tpu.memory_space<vmem_shared>>
        tpu.enqueue_dma source(%dma_start3A_1438 : memref<10240xi32, #tpu.memory_space<vmem_shared>>) target(%arg14 : memref<10240xi32, #tpu.memory_space<vmem>>) target_semaphore(%run_scoped3A_1432 : memref<!tpu.dma_semaphore, #tpu.memory_space<semaphore_mem>>)
        %dma_wait3A_1439 = arith.constant 0 : i32
        %dma_wait3A_1440 = tpu.memref_slice %arg21[%select_n3A, %run_scoped3A_1314, %dma_wait3A_1439] : memref<2x8x10240xi32, #tpu.memory_space<vmem_shared>> -> memref<1x1x10240xi32, #tpu.memory_space<vmem_shared>>
        %dma_wait3A_1441 = tpu.memref_squeeze %dma_wait3A_1440 : memref<1x1x10240xi32, #tpu.memory_space<vmem_shared>> -> memref<10240xi32, #tpu.memory_space<vmem_shared>>
        %dma_wait3A_1442 = arith.constant 0 : i32
        %dma_wait3A_1443 = tpu.memref_slice %arg21[%select_n3A, %run_scoped3A_1314, %dma_wait3A_1442] : memref<2x8x10240xi32, #tpu.memory_space<vmem_shared>> -> memref<1x1x10240xi32, #tpu.memory_space<vmem_shared>>
        %dma_wait3A_1444 = tpu.memref_squeeze %dma_wait3A_1443 : memref<1x1x10240xi32, #tpu.memory_space<vmem_shared>> -> memref<10240xi32, #tpu.memory_space<vmem_shared>>
        tpu.wait_dma2 semaphore(%run_scoped3A_1432 : memref<!tpu.dma_semaphore, #tpu.memory_space<semaphore_mem>>) src(%dma_wait3A_1444 : memref<10240xi32, #tpu.memory_space<vmem_shared>>) dst(%arg14 : memref<10240xi32, #tpu.memory_space<vmem>>)
        tpu.yield
      }) : () -> ()
      %while3A_1315 = arith.constant 0 : i32
      %while3A_1316 = arith.constant 0 : i32
      %while3A_1317 = arith.subi %shift_right_arithmetic3A_1313, %while3A_1316 : i32
      %while3A_1318 = arith.addi %while3A_1316, %while3A_1317 : i32
      %while3A_1319 = arith.constant 1 : i32
      %while3A_1320 = arith.divsi %while3A_1317, %while3A_1319 : i32
      %while3A_1321 = arith.muli %while3A_1320, %while3A_1319 : i32
      %while3A_1322 = arith.addi %while3A_1316, %while3A_1321 : i32
      %while3A_1323 = arith.constant 1 : i32
      scf.for %while3A_1432 = %while3A_1316 to %while3A_1322 step %while3A_1323  : i32 {
        %mul3A_1433 = arith.constant 16 : i32
        %mul3A_1434 = arith.muli %while3A_1432, %mul3A_1433 : i32
        %get3A_1435 = arith.index_cast %mul3A_1434 : i32 to index
        %get3A_1436 = tpu.vector_load %arg14[%get3A_1435] {strides = array<i32>} : memref<10240xi32, #tpu.memory_space<vmem>>, vector<16xi32>,
        %mul3A_1437 = arith.constant 16 : i32
        %mul3A_1438 = arith.muli %while3A_1432, %mul3A_1437 : i32
        %add3A_1439 = arith.addi %cond3A, %mul3A_1438 : i32
        %add3A_1440 = vector.broadcast %add3A_1439 : i32 to vector<16xi32>
        %add3A_1441 = arith.addi %add3A_1440, %iota3A : vector<16xi32>
        tpu.vector_store_idx %arg15[%add3A_1441], %get3A_1436 masked %lt3A_36 : memref<11072xi32, #tpu.memory_space<vmem>>[vector<16xi32>], vector<16xi32>, vector<16xi1>
      }
      %while3A_1324 = arith.constant 1 : i32
      scf.for %while3A_1432 = %while3A_1322 to %while3A_1318 step %while3A_1324  : i32 {
        %mul3A_1433 = arith.constant 16 : i32
        %mul3A_1434 = arith.muli %while3A_1432, %mul3A_1433 : i32
        %get3A_1435 = arith.index_cast %mul3A_1434 : i32 to index
        %get3A_1436 = tpu.vector_load %arg14[%get3A_1435] {strides = array<i32>} : memref<10240xi32, #tpu.memory_space<vmem>>, vector<16xi32>,
        %mul3A_1437 = arith.constant 16 : i32
        %mul3A_1438 = arith.muli %while3A_1432, %mul3A_1437 : i32
        %add3A_1439 = arith.addi %cond3A, %mul3A_1438 : i32
        %add3A_1440 = vector.broadcast %add3A_1439 : i32 to vector<16xi32>
        %add3A_1441 = arith.addi %add3A_1440, %iota3A : vector<16xi32>
        tpu.vector_store_idx %arg15[%add3A_1441], %get3A_1436 masked %lt3A_36 : memref<11072xi32, #tpu.memory_space<vmem>>[vector<16xi32>], vector<16xi32>, vector<16xi1>
      }
      %add3A_1325 = arith.constant 15 : i32
      %add3A_1326 = arith.addi %add3A_520, %add3A_1325 : i32
      %shift_right_arithmetic3A_1327 = arith.constant 4 : i32
      %shift_right_arithmetic3A_1328 = arith.shrsi %add3A_1326, %shift_right_arithmetic3A_1327 : i32
      %run_scoped3A_1329 = arith.constant 1 : i32
      "tpu.region"() ({
        %run_scoped3A_1432 = tpu.sem_alloc : memref<!tpu.dma_semaphore, #tpu.memory_space<semaphore_mem>>
        %dma_start3A_1433 = arith.constant 0 : i32
        %dma_start3A_1434 = tpu.memref_slice %arg21[%select_n3A, %run_scoped3A_1329, %dma_start3A_1433] : memref<2x8x10240xi32, #tpu.memory_space<vmem_shared>> -> memref<1x1x10240xi32, #tpu.memory_space<vmem_shared>>
        %dma_start3A_1435 = tpu.memref_squeeze %dma_start3A_1434 : memref<1x1x10240xi32, #tpu.memory_space<vmem_shared>> -> memref<10240xi32, #tpu.memory_space<vmem_shared>>
        %dma_start3A_1436 = arith.constant 0 : i32
        %dma_start3A_1437 = tpu.memref_slice %arg21[%select_n3A, %run_scoped3A_1329, %dma_start3A_1436] : memref<2x8x10240xi32, #tpu.memory_space<vmem_shared>> -> memref<1x1x10240xi32, #tpu.memory_space<vmem_shared>>
        %dma_start3A_1438 = tpu.memref_squeeze %dma_start3A_1437 : memref<1x1x10240xi32, #tpu.memory_space<vmem_shared>> -> memref<10240xi32, #tpu.memory_space<vmem_shared>>
        tpu.enqueue_dma source(%dma_start3A_1438 : memref<10240xi32, #tpu.memory_space<vmem_shared>>) target(%arg14 : memref<10240xi32, #tpu.memory_space<vmem>>) target_semaphore(%run_scoped3A_1432 : memref<!tpu.dma_semaphore, #tpu.memory_space<semaphore_mem>>)
        %dma_wait3A_1439 = arith.constant 0 : i32
        %dma_wait3A_1440 = tpu.memref_slice %arg21[%select_n3A, %run_scoped3A_1329, %dma_wait3A_1439] : memref<2x8x10240xi32, #tpu.memory_space<vmem_shared>> -> memref<1x1x10240xi32, #tpu.memory_space<vmem_shared>>
        %dma_wait3A_1441 = tpu.memref_squeeze %dma_wait3A_1440 : memref<1x1x10240xi32, #tpu.memory_space<vmem_shared>> -> memref<10240xi32, #tpu.memory_space<vmem_shared>>
        %dma_wait3A_1442 = arith.constant 0 : i32
        %dma_wait3A_1443 = tpu.memref_slice %arg21[%select_n3A, %run_scoped3A_1329, %dma_wait3A_1442] : memref<2x8x10240xi32, #tpu.memory_space<vmem_shared>> -> memref<1x1x10240xi32, #tpu.memory_space<vmem_shared>>
        %dma_wait3A_1444 = tpu.memref_squeeze %dma_wait3A_1443 : memref<1x1x10240xi32, #tpu.memory_space<vmem_shared>> -> memref<10240xi32, #tpu.memory_space<vmem_shared>>
        tpu.wait_dma2 semaphore(%run_scoped3A_1432 : memref<!tpu.dma_semaphore, #tpu.memory_space<semaphore_mem>>) src(%dma_wait3A_1444 : memref<10240xi32, #tpu.memory_space<vmem_shared>>) dst(%arg14 : memref<10240xi32, #tpu.memory_space<vmem>>)
        tpu.yield
      }) : () -> ()
      %while3A_1330 = arith.constant 0 : i32
      %while3A_1331 = arith.constant 0 : i32
      %while3A_1332 = arith.subi %shift_right_arithmetic3A_1328, %while3A_1331 : i32
      %while3A_1333 = arith.addi %while3A_1331, %while3A_1332 : i32
      %while3A_1334 = arith.constant 1 : i32
      %while3A_1335 = arith.divsi %while3A_1332, %while3A_1334 : i32
      %while3A_1336 = arith.muli %while3A_1335, %while3A_1334 : i32
      %while3A_1337 = arith.addi %while3A_1331, %while3A_1336 : i32
      %while3A_1338 = arith.constant 1 : i32
      scf.for %while3A_1432 = %while3A_1331 to %while3A_1337 step %while3A_1338  : i32 {
        %mul3A_1433 = arith.constant 16 : i32
        %mul3A_1434 = arith.muli %while3A_1432, %mul3A_1433 : i32
        %get3A_1435 = arith.index_cast %mul3A_1434 : i32 to index
        %get3A_1436 = tpu.vector_load %arg14[%get3A_1435] {strides = array<i32>} : memref<10240xi32, #tpu.memory_space<vmem>>, vector<16xi32>,
        %mul3A_1437 = arith.constant 16 : i32
        %mul3A_1438 = arith.muli %while3A_1432, %mul3A_1437 : i32
        %add3A_1439 = arith.addi %add3A_515, %mul3A_1438 : i32
        %add3A_1440 = vector.broadcast %add3A_1439 : i32 to vector<16xi32>
        %add3A_1441 = arith.addi %add3A_1440, %iota3A : vector<16xi32>
        tpu.vector_store_idx %arg15[%add3A_1441], %get3A_1436 masked %lt3A_36 : memref<11072xi32, #tpu.memory_space<vmem>>[vector<16xi32>], vector<16xi32>, vector<16xi1>
      }
      %while3A_1339 = arith.constant 1 : i32
      scf.for %while3A_1432 = %while3A_1337 to %while3A_1333 step %while3A_1339  : i32 {
        %mul3A_1433 = arith.constant 16 : i32
        %mul3A_1434 = arith.muli %while3A_1432, %mul3A_1433 : i32
        %get3A_1435 = arith.index_cast %mul3A_1434 : i32 to index
        %get3A_1436 = tpu.vector_load %arg14[%get3A_1435] {strides = array<i32>} : memref<10240xi32, #tpu.memory_space<vmem>>, vector<16xi32>,
        %mul3A_1437 = arith.constant 16 : i32
        %mul3A_1438 = arith.muli %while3A_1432, %mul3A_1437 : i32
        %add3A_1439 = arith.addi %add3A_515, %mul3A_1438 : i32
        %add3A_1440 = vector.broadcast %add3A_1439 : i32 to vector<16xi32>
        %add3A_1441 = arith.addi %add3A_1440, %iota3A : vector<16xi32>
        tpu.vector_store_idx %arg15[%add3A_1441], %get3A_1436 masked %lt3A_36 : memref<11072xi32, #tpu.memory_space<vmem>>[vector<16xi32>], vector<16xi32>, vector<16xi1>
      }
      %add3A_1340 = arith.constant 15 : i32
      %add3A_1341 = arith.addi %add3A_527, %add3A_1340 : i32
      %shift_right_arithmetic3A_1342 = arith.constant 4 : i32
      %shift_right_arithmetic3A_1343 = arith.shrsi %add3A_1341, %shift_right_arithmetic3A_1342 : i32
      %run_scoped3A_1344 = arith.constant 2 : i32
      "tpu.region"() ({
        %run_scoped3A_1432 = tpu.sem_alloc : memref<!tpu.dma_semaphore, #tpu.memory_space<semaphore_mem>>
        %dma_start3A_1433 = arith.constant 0 : i32
        %dma_start3A_1434 = tpu.memref_slice %arg21[%select_n3A, %run_scoped3A_1344, %dma_start3A_1433] : memref<2x8x10240xi32, #tpu.memory_space<vmem_shared>> -> memref<1x1x10240xi32, #tpu.memory_space<vmem_shared>>
        %dma_start3A_1435 = tpu.memref_squeeze %dma_start3A_1434 : memref<1x1x10240xi32, #tpu.memory_space<vmem_shared>> -> memref<10240xi32, #tpu.memory_space<vmem_shared>>
        %dma_start3A_1436 = arith.constant 0 : i32
        %dma_start3A_1437 = tpu.memref_slice %arg21[%select_n3A, %run_scoped3A_1344, %dma_start3A_1436] : memref<2x8x10240xi32, #tpu.memory_space<vmem_shared>> -> memref<1x1x10240xi32, #tpu.memory_space<vmem_shared>>
        %dma_start3A_1438 = tpu.memref_squeeze %dma_start3A_1437 : memref<1x1x10240xi32, #tpu.memory_space<vmem_shared>> -> memref<10240xi32, #tpu.memory_space<vmem_shared>>
        tpu.enqueue_dma source(%dma_start3A_1438 : memref<10240xi32, #tpu.memory_space<vmem_shared>>) target(%arg14 : memref<10240xi32, #tpu.memory_space<vmem>>) target_semaphore(%run_scoped3A_1432 : memref<!tpu.dma_semaphore, #tpu.memory_space<semaphore_mem>>)
        %dma_wait3A_1439 = arith.constant 0 : i32
        %dma_wait3A_1440 = tpu.memref_slice %arg21[%select_n3A, %run_scoped3A_1344, %dma_wait3A_1439] : memref<2x8x10240xi32, #tpu.memory_space<vmem_shared>> -> memref<1x1x10240xi32, #tpu.memory_space<vmem_shared>>
        %dma_wait3A_1441 = tpu.memref_squeeze %dma_wait3A_1440 : memref<1x1x10240xi32, #tpu.memory_space<vmem_shared>> -> memref<10240xi32, #tpu.memory_space<vmem_shared>>
        %dma_wait3A_1442 = arith.constant 0 : i32
        %dma_wait3A_1443 = tpu.memref_slice %arg21[%select_n3A, %run_scoped3A_1344, %dma_wait3A_1442] : memref<2x8x10240xi32, #tpu.memory_space<vmem_shared>> -> memref<1x1x10240xi32, #tpu.memory_space<vmem_shared>>
        %dma_wait3A_1444 = tpu.memref_squeeze %dma_wait3A_1443 : memref<1x1x10240xi32, #tpu.memory_space<vmem_shared>> -> memref<10240xi32, #tpu.memory_space<vmem_shared>>
        tpu.wait_dma2 semaphore(%run_scoped3A_1432 : memref<!tpu.dma_semaphore, #tpu.memory_space<semaphore_mem>>) src(%dma_wait3A_1444 : memref<10240xi32, #tpu.memory_space<vmem_shared>>) dst(%arg14 : memref<10240xi32, #tpu.memory_space<vmem>>)
        tpu.yield
      }) : () -> ()
      %while3A_1345 = arith.constant 0 : i32
      %while3A_1346 = arith.constant 0 : i32
      %while3A_1347 = arith.subi %shift_right_arithmetic3A_1343, %while3A_1346 : i32
      %while3A_1348 = arith.addi %while3A_1346, %while3A_1347 : i32
      %while3A_1349 = arith.constant 1 : i32
      %while3A_1350 = arith.divsi %while3A_1347, %while3A_1349 : i32
      %while3A_1351 = arith.muli %while3A_1350, %while3A_1349 : i32
      %while3A_1352 = arith.addi %while3A_1346, %while3A_1351 : i32
      %while3A_1353 = arith.constant 1 : i32
      scf.for %while3A_1432 = %while3A_1346 to %while3A_1352 step %while3A_1353  : i32 {
        %mul3A_1433 = arith.constant 16 : i32
        %mul3A_1434 = arith.muli %while3A_1432, %mul3A_1433 : i32
        %get3A_1435 = arith.index_cast %mul3A_1434 : i32 to index
        %get3A_1436 = tpu.vector_load %arg14[%get3A_1435] {strides = array<i32>} : memref<10240xi32, #tpu.memory_space<vmem>>, vector<16xi32>,
        %mul3A_1437 = arith.constant 16 : i32
        %mul3A_1438 = arith.muli %while3A_1432, %mul3A_1437 : i32
        %add3A_1439 = arith.addi %add3A_522, %mul3A_1438 : i32
        %add3A_1440 = vector.broadcast %add3A_1439 : i32 to vector<16xi32>
        %add3A_1441 = arith.addi %add3A_1440, %iota3A : vector<16xi32>
        tpu.vector_store_idx %arg15[%add3A_1441], %get3A_1436 masked %lt3A_36 : memref<11072xi32, #tpu.memory_space<vmem>>[vector<16xi32>], vector<16xi32>, vector<16xi1>
      }
      %while3A_1354 = arith.constant 1 : i32
      scf.for %while3A_1432 = %while3A_1352 to %while3A_1348 step %while3A_1354  : i32 {
        %mul3A_1433 = arith.constant 16 : i32
        %mul3A_1434 = arith.muli %while3A_1432, %mul3A_1433 : i32
        %get3A_1435 = arith.index_cast %mul3A_1434 : i32 to index
        %get3A_1436 = tpu.vector_load %arg14[%get3A_1435] {strides = array<i32>} : memref<10240xi32, #tpu.memory_space<vmem>>, vector<16xi32>,
        %mul3A_1437 = arith.constant 16 : i32
        %mul3A_1438 = arith.muli %while3A_1432, %mul3A_1437 : i32
        %add3A_1439 = arith.addi %add3A_522, %mul3A_1438 : i32
        %add3A_1440 = vector.broadcast %add3A_1439 : i32 to vector<16xi32>
        %add3A_1441 = arith.addi %add3A_1440, %iota3A : vector<16xi32>
        tpu.vector_store_idx %arg15[%add3A_1441], %get3A_1436 masked %lt3A_36 : memref<11072xi32, #tpu.memory_space<vmem>>[vector<16xi32>], vector<16xi32>, vector<16xi1>
      }
      %add3A_1355 = arith.constant 15 : i32
      %add3A_1356 = arith.addi %add3A_534, %add3A_1355 : i32
      %shift_right_arithmetic3A_1357 = arith.constant 4 : i32
      %shift_right_arithmetic3A_1358 = arith.shrsi %add3A_1356, %shift_right_arithmetic3A_1357 : i32
      %run_scoped3A_1359 = arith.constant 3 : i32
      "tpu.region"() ({
        %run_scoped3A_1432 = tpu.sem_alloc : memref<!tpu.dma_semaphore, #tpu.memory_space<semaphore_mem>>
        %dma_start3A_1433 = arith.constant 0 : i32
        %dma_start3A_1434 = tpu.memref_slice %arg21[%select_n3A, %run_scoped3A_1359, %dma_start3A_1433] : memref<2x8x10240xi32, #tpu.memory_space<vmem_shared>> -> memref<1x1x10240xi32, #tpu.memory_space<vmem_shared>>
        %dma_start3A_1435 = tpu.memref_squeeze %dma_start3A_1434 : memref<1x1x10240xi32, #tpu.memory_space<vmem_shared>> -> memref<10240xi32, #tpu.memory_space<vmem_shared>>
        %dma_start3A_1436 = arith.constant 0 : i32
        %dma_start3A_1437 = tpu.memref_slice %arg21[%select_n3A, %run_scoped3A_1359, %dma_start3A_1436] : memref<2x8x10240xi32, #tpu.memory_space<vmem_shared>> -> memref<1x1x10240xi32, #tpu.memory_space<vmem_shared>>
        %dma_start3A_1438 = tpu.memref_squeeze %dma_start3A_1437 : memref<1x1x10240xi32, #tpu.memory_space<vmem_shared>> -> memref<10240xi32, #tpu.memory_space<vmem_shared>>
        tpu.enqueue_dma source(%dma_start3A_1438 : memref<10240xi32, #tpu.memory_space<vmem_shared>>) target(%arg14 : memref<10240xi32, #tpu.memory_space<vmem>>) target_semaphore(%run_scoped3A_1432 : memref<!tpu.dma_semaphore, #tpu.memory_space<semaphore_mem>>)
        %dma_wait3A_1439 = arith.constant 0 : i32
        %dma_wait3A_1440 = tpu.memref_slice %arg21[%select_n3A, %run_scoped3A_1359, %dma_wait3A_1439] : memref<2x8x10240xi32, #tpu.memory_space<vmem_shared>> -> memref<1x1x10240xi32, #tpu.memory_space<vmem_shared>>
        %dma_wait3A_1441 = tpu.memref_squeeze %dma_wait3A_1440 : memref<1x1x10240xi32, #tpu.memory_space<vmem_shared>> -> memref<10240xi32, #tpu.memory_space<vmem_shared>>
        %dma_wait3A_1442 = arith.constant 0 : i32
        %dma_wait3A_1443 = tpu.memref_slice %arg21[%select_n3A, %run_scoped3A_1359, %dma_wait3A_1442] : memref<2x8x10240xi32, #tpu.memory_space<vmem_shared>> -> memref<1x1x10240xi32, #tpu.memory_space<vmem_shared>>
        %dma_wait3A_1444 = tpu.memref_squeeze %dma_wait3A_1443 : memref<1x1x10240xi32, #tpu.memory_space<vmem_shared>> -> memref<10240xi32, #tpu.memory_space<vmem_shared>>
        tpu.wait_dma2 semaphore(%run_scoped3A_1432 : memref<!tpu.dma_semaphore, #tpu.memory_space<semaphore_mem>>) src(%dma_wait3A_1444 : memref<10240xi32, #tpu.memory_space<vmem_shared>>) dst(%arg14 : memref<10240xi32, #tpu.memory_space<vmem>>)
        tpu.yield
      }) : () -> ()
      %while3A_1360 = arith.constant 0 : i32
      %while3A_1361 = arith.constant 0 : i32
      %while3A_1362 = arith.subi %shift_right_arithmetic3A_1358, %while3A_1361 : i32
      %while3A_1363 = arith.addi %while3A_1361, %while3A_1362 : i32
      %while3A_1364 = arith.constant 1 : i32
      %while3A_1365 = arith.divsi %while3A_1362, %while3A_1364 : i32
      %while3A_1366 = arith.muli %while3A_1365, %while3A_1364 : i32
      %while3A_1367 = arith.addi %while3A_1361, %while3A_1366 : i32
      %while3A_1368 = arith.constant 1 : i32
      scf.for %while3A_1432 = %while3A_1361 to %while3A_1367 step %while3A_1368  : i32 {
        %mul3A_1433 = arith.constant 16 : i32
        %mul3A_1434 = arith.muli %while3A_1432, %mul3A_1433 : i32
        %get3A_1435 = arith.index_cast %mul3A_1434 : i32 to index
        %get3A_1436 = tpu.vector_load %arg14[%get3A_1435] {strides = array<i32>} : memref<10240xi32, #tpu.memory_space<vmem>>, vector<16xi32>,
        %mul3A_1437 = arith.constant 16 : i32
        %mul3A_1438 = arith.muli %while3A_1432, %mul3A_1437 : i32
        %add3A_1439 = arith.addi %add3A_529, %mul3A_1438 : i32
        %add3A_1440 = vector.broadcast %add3A_1439 : i32 to vector<16xi32>
        %add3A_1441 = arith.addi %add3A_1440, %iota3A : vector<16xi32>
        tpu.vector_store_idx %arg15[%add3A_1441], %get3A_1436 masked %lt3A_36 : memref<11072xi32, #tpu.memory_space<vmem>>[vector<16xi32>], vector<16xi32>, vector<16xi1>
      }
      %while3A_1369 = arith.constant 1 : i32
      scf.for %while3A_1432 = %while3A_1367 to %while3A_1363 step %while3A_1369  : i32 {
        %mul3A_1433 = arith.constant 16 : i32
        %mul3A_1434 = arith.muli %while3A_1432, %mul3A_1433 : i32
        %get3A_1435 = arith.index_cast %mul3A_1434 : i32 to index
        %get3A_1436 = tpu.vector_load %arg14[%get3A_1435] {strides = array<i32>} : memref<10240xi32, #tpu.memory_space<vmem>>, vector<16xi32>,
        %mul3A_1437 = arith.constant 16 : i32
        %mul3A_1438 = arith.muli %while3A_1432, %mul3A_1437 : i32
        %add3A_1439 = arith.addi %add3A_529, %mul3A_1438 : i32
        %add3A_1440 = vector.broadcast %add3A_1439 : i32 to vector<16xi32>
        %add3A_1441 = arith.addi %add3A_1440, %iota3A : vector<16xi32>
        tpu.vector_store_idx %arg15[%add3A_1441], %get3A_1436 masked %lt3A_36 : memref<11072xi32, #tpu.memory_space<vmem>>[vector<16xi32>], vector<16xi32>, vector<16xi1>
      }
      %add3A_1370 = arith.constant 15 : i32
      %add3A_1371 = arith.addi %add3A_541, %add3A_1370 : i32
      %shift_right_arithmetic3A_1372 = arith.constant 4 : i32
      %shift_right_arithmetic3A_1373 = arith.shrsi %add3A_1371, %shift_right_arithmetic3A_1372 : i32
      %run_scoped3A_1374 = arith.constant 4 : i32
      "tpu.region"() ({
        %run_scoped3A_1432 = tpu.sem_alloc : memref<!tpu.dma_semaphore, #tpu.memory_space<semaphore_mem>>
        %dma_start3A_1433 = arith.constant 0 : i32
        %dma_start3A_1434 = tpu.memref_slice %arg21[%select_n3A, %run_scoped3A_1374, %dma_start3A_1433] : memref<2x8x10240xi32, #tpu.memory_space<vmem_shared>> -> memref<1x1x10240xi32, #tpu.memory_space<vmem_shared>>
        %dma_start3A_1435 = tpu.memref_squeeze %dma_start3A_1434 : memref<1x1x10240xi32, #tpu.memory_space<vmem_shared>> -> memref<10240xi32, #tpu.memory_space<vmem_shared>>
        %dma_start3A_1436 = arith.constant 0 : i32
        %dma_start3A_1437 = tpu.memref_slice %arg21[%select_n3A, %run_scoped3A_1374, %dma_start3A_1436] : memref<2x8x10240xi32, #tpu.memory_space<vmem_shared>> -> memref<1x1x10240xi32, #tpu.memory_space<vmem_shared>>
        %dma_start3A_1438 = tpu.memref_squeeze %dma_start3A_1437 : memref<1x1x10240xi32, #tpu.memory_space<vmem_shared>> -> memref<10240xi32, #tpu.memory_space<vmem_shared>>
        tpu.enqueue_dma source(%dma_start3A_1438 : memref<10240xi32, #tpu.memory_space<vmem_shared>>) target(%arg14 : memref<10240xi32, #tpu.memory_space<vmem>>) target_semaphore(%run_scoped3A_1432 : memref<!tpu.dma_semaphore, #tpu.memory_space<semaphore_mem>>)
        %dma_wait3A_1439 = arith.constant 0 : i32
        %dma_wait3A_1440 = tpu.memref_slice %arg21[%select_n3A, %run_scoped3A_1374, %dma_wait3A_1439] : memref<2x8x10240xi32, #tpu.memory_space<vmem_shared>> -> memref<1x1x10240xi32, #tpu.memory_space<vmem_shared>>
        %dma_wait3A_1441 = tpu.memref_squeeze %dma_wait3A_1440 : memref<1x1x10240xi32, #tpu.memory_space<vmem_shared>> -> memref<10240xi32, #tpu.memory_space<vmem_shared>>
        %dma_wait3A_1442 = arith.constant 0 : i32
        %dma_wait3A_1443 = tpu.memref_slice %arg21[%select_n3A, %run_scoped3A_1374, %dma_wait3A_1442] : memref<2x8x10240xi32, #tpu.memory_space<vmem_shared>> -> memref<1x1x10240xi32, #tpu.memory_space<vmem_shared>>
        %dma_wait3A_1444 = tpu.memref_squeeze %dma_wait3A_1443 : memref<1x1x10240xi32, #tpu.memory_space<vmem_shared>> -> memref<10240xi32, #tpu.memory_space<vmem_shared>>
        tpu.wait_dma2 semaphore(%run_scoped3A_1432 : memref<!tpu.dma_semaphore, #tpu.memory_space<semaphore_mem>>) src(%dma_wait3A_1444 : memref<10240xi32, #tpu.memory_space<vmem_shared>>) dst(%arg14 : memref<10240xi32, #tpu.memory_space<vmem>>)
        tpu.yield
      }) : () -> ()
      %while3A_1375 = arith.constant 0 : i32
      %while3A_1376 = arith.constant 0 : i32
      %while3A_1377 = arith.subi %shift_right_arithmetic3A_1373, %while3A_1376 : i32
      %while3A_1378 = arith.addi %while3A_1376, %while3A_1377 : i32
      %while3A_1379 = arith.constant 1 : i32
      %while3A_1380 = arith.divsi %while3A_1377, %while3A_1379 : i32
      %while3A_1381 = arith.muli %while3A_1380, %while3A_1379 : i32
      %while3A_1382 = arith.addi %while3A_1376, %while3A_1381 : i32
      %while3A_1383 = arith.constant 1 : i32
      scf.for %while3A_1432 = %while3A_1376 to %while3A_1382 step %while3A_1383  : i32 {
        %mul3A_1433 = arith.constant 16 : i32
        %mul3A_1434 = arith.muli %while3A_1432, %mul3A_1433 : i32
        %get3A_1435 = arith.index_cast %mul3A_1434 : i32 to index
        %get3A_1436 = tpu.vector_load %arg14[%get3A_1435] {strides = array<i32>} : memref<10240xi32, #tpu.memory_space<vmem>>, vector<16xi32>,
        %mul3A_1437 = arith.constant 16 : i32
        %mul3A_1438 = arith.muli %while3A_1432, %mul3A_1437 : i32
        %add3A_1439 = arith.addi %add3A_536, %mul3A_1438 : i32
        %add3A_1440 = vector.broadcast %add3A_1439 : i32 to vector<16xi32>
        %add3A_1441 = arith.addi %add3A_1440, %iota3A : vector<16xi32>
        tpu.vector_store_idx %arg15[%add3A_1441], %get3A_1436 masked %lt3A_36 : memref<11072xi32, #tpu.memory_space<vmem>>[vector<16xi32>], vector<16xi32>, vector<16xi1>
      }
      %while3A_1384 = arith.constant 1 : i32
      scf.for %while3A_1432 = %while3A_1382 to %while3A_1378 step %while3A_1384  : i32 {
        %mul3A_1433 = arith.constant 16 : i32
        %mul3A_1434 = arith.muli %while3A_1432, %mul3A_1433 : i32
        %get3A_1435 = arith.index_cast %mul3A_1434 : i32 to index
        %get3A_1436 = tpu.vector_load %arg14[%get3A_1435] {strides = array<i32>} : memref<10240xi32, #tpu.memory_space<vmem>>, vector<16xi32>,
        %mul3A_1437 = arith.constant 16 : i32
        %mul3A_1438 = arith.muli %while3A_1432, %mul3A_1437 : i32
        %add3A_1439 = arith.addi %add3A_536, %mul3A_1438 : i32
        %add3A_1440 = vector.broadcast %add3A_1439 : i32 to vector<16xi32>
        %add3A_1441 = arith.addi %add3A_1440, %iota3A : vector<16xi32>
        tpu.vector_store_idx %arg15[%add3A_1441], %get3A_1436 masked %lt3A_36 : memref<11072xi32, #tpu.memory_space<vmem>>[vector<16xi32>], vector<16xi32>, vector<16xi1>
      }
      %add3A_1385 = arith.constant 15 : i32
      %add3A_1386 = arith.addi %add3A_548, %add3A_1385 : i32
      %shift_right_arithmetic3A_1387 = arith.constant 4 : i32
      %shift_right_arithmetic3A_1388 = arith.shrsi %add3A_1386, %shift_right_arithmetic3A_1387 : i32
      %run_scoped3A_1389 = arith.constant 5 : i32
      "tpu.region"() ({
        %run_scoped3A_1432 = tpu.sem_alloc : memref<!tpu.dma_semaphore, #tpu.memory_space<semaphore_mem>>
        %dma_start3A_1433 = arith.constant 0 : i32
        %dma_start3A_1434 = tpu.memref_slice %arg21[%select_n3A, %run_scoped3A_1389, %dma_start3A_1433] : memref<2x8x10240xi32, #tpu.memory_space<vmem_shared>> -> memref<1x1x10240xi32, #tpu.memory_space<vmem_shared>>
        %dma_start3A_1435 = tpu.memref_squeeze %dma_start3A_1434 : memref<1x1x10240xi32, #tpu.memory_space<vmem_shared>> -> memref<10240xi32, #tpu.memory_space<vmem_shared>>
        %dma_start3A_1436 = arith.constant 0 : i32
        %dma_start3A_1437 = tpu.memref_slice %arg21[%select_n3A, %run_scoped3A_1389, %dma_start3A_1436] : memref<2x8x10240xi32, #tpu.memory_space<vmem_shared>> -> memref<1x1x10240xi32, #tpu.memory_space<vmem_shared>>
        %dma_start3A_1438 = tpu.memref_squeeze %dma_start3A_1437 : memref<1x1x10240xi32, #tpu.memory_space<vmem_shared>> -> memref<10240xi32, #tpu.memory_space<vmem_shared>>
        tpu.enqueue_dma source(%dma_start3A_1438 : memref<10240xi32, #tpu.memory_space<vmem_shared>>) target(%arg14 : memref<10240xi32, #tpu.memory_space<vmem>>) target_semaphore(%run_scoped3A_1432 : memref<!tpu.dma_semaphore, #tpu.memory_space<semaphore_mem>>)
        %dma_wait3A_1439 = arith.constant 0 : i32
        %dma_wait3A_1440 = tpu.memref_slice %arg21[%select_n3A, %run_scoped3A_1389, %dma_wait3A_1439] : memref<2x8x10240xi32, #tpu.memory_space<vmem_shared>> -> memref<1x1x10240xi32, #tpu.memory_space<vmem_shared>>
        %dma_wait3A_1441 = tpu.memref_squeeze %dma_wait3A_1440 : memref<1x1x10240xi32, #tpu.memory_space<vmem_shared>> -> memref<10240xi32, #tpu.memory_space<vmem_shared>>
        %dma_wait3A_1442 = arith.constant 0 : i32
        %dma_wait3A_1443 = tpu.memref_slice %arg21[%select_n3A, %run_scoped3A_1389, %dma_wait3A_1442] : memref<2x8x10240xi32, #tpu.memory_space<vmem_shared>> -> memref<1x1x10240xi32, #tpu.memory_space<vmem_shared>>
        %dma_wait3A_1444 = tpu.memref_squeeze %dma_wait3A_1443 : memref<1x1x10240xi32, #tpu.memory_space<vmem_shared>> -> memref<10240xi32, #tpu.memory_space<vmem_shared>>
        tpu.wait_dma2 semaphore(%run_scoped3A_1432 : memref<!tpu.dma_semaphore, #tpu.memory_space<semaphore_mem>>) src(%dma_wait3A_1444 : memref<10240xi32, #tpu.memory_space<vmem_shared>>) dst(%arg14 : memref<10240xi32, #tpu.memory_space<vmem>>)
        tpu.yield
      }) : () -> ()
      %while3A_1390 = arith.constant 0 : i32
      %while3A_1391 = arith.constant 0 : i32
      %while3A_1392 = arith.subi %shift_right_arithmetic3A_1388, %while3A_1391 : i32
      %while3A_1393 = arith.addi %while3A_1391, %while3A_1392 : i32
      %while3A_1394 = arith.constant 1 : i32
      %while3A_1395 = arith.divsi %while3A_1392, %while3A_1394 : i32
      %while3A_1396 = arith.muli %while3A_1395, %while3A_1394 : i32
      %while3A_1397 = arith.addi %while3A_1391, %while3A_1396 : i32
      %while3A_1398 = arith.constant 1 : i32
      scf.for %while3A_1432 = %while3A_1391 to %while3A_1397 step %while3A_1398  : i32 {
        %mul3A_1433 = arith.constant 16 : i32
        %mul3A_1434 = arith.muli %while3A_1432, %mul3A_1433 : i32
        %get3A_1435 = arith.index_cast %mul3A_1434 : i32 to index
        %get3A_1436 = tpu.vector_load %arg14[%get3A_1435] {strides = array<i32>} : memref<10240xi32, #tpu.memory_space<vmem>>, vector<16xi32>,
        %mul3A_1437 = arith.constant 16 : i32
        %mul3A_1438 = arith.muli %while3A_1432, %mul3A_1437 : i32
        %add3A_1439 = arith.addi %add3A_543, %mul3A_1438 : i32
        %add3A_1440 = vector.broadcast %add3A_1439 : i32 to vector<16xi32>
        %add3A_1441 = arith.addi %add3A_1440, %iota3A : vector<16xi32>
        tpu.vector_store_idx %arg15[%add3A_1441], %get3A_1436 masked %lt3A_36 : memref<11072xi32, #tpu.memory_space<vmem>>[vector<16xi32>], vector<16xi32>, vector<16xi1>
      }
      %while3A_1399 = arith.constant 1 : i32
      scf.for %while3A_1432 = %while3A_1397 to %while3A_1393 step %while3A_1399  : i32 {
        %mul3A_1433 = arith.constant 16 : i32
        %mul3A_1434 = arith.muli %while3A_1432, %mul3A_1433 : i32
        %get3A_1435 = arith.index_cast %mul3A_1434 : i32 to index
        %get3A_1436 = tpu.vector_load %arg14[%get3A_1435] {strides = array<i32>} : memref<10240xi32, #tpu.memory_space<vmem>>, vector<16xi32>,
        %mul3A_1437 = arith.constant 16 : i32
        %mul3A_1438 = arith.muli %while3A_1432, %mul3A_1437 : i32
        %add3A_1439 = arith.addi %add3A_543, %mul3A_1438 : i32
        %add3A_1440 = vector.broadcast %add3A_1439 : i32 to vector<16xi32>
        %add3A_1441 = arith.addi %add3A_1440, %iota3A : vector<16xi32>
        tpu.vector_store_idx %arg15[%add3A_1441], %get3A_1436 masked %lt3A_36 : memref<11072xi32, #tpu.memory_space<vmem>>[vector<16xi32>], vector<16xi32>, vector<16xi1>
      }
      %add3A_1400 = arith.constant 15 : i32
      %add3A_1401 = arith.addi %add3A_555, %add3A_1400 : i32
      %shift_right_arithmetic3A_1402 = arith.constant 4 : i32
      %shift_right_arithmetic3A_1403 = arith.shrsi %add3A_1401, %shift_right_arithmetic3A_1402 : i32
      %run_scoped3A_1404 = arith.constant 6 : i32
      "tpu.region"() ({
        %run_scoped3A_1432 = tpu.sem_alloc : memref<!tpu.dma_semaphore, #tpu.memory_space<semaphore_mem>>
        %dma_start3A_1433 = arith.constant 0 : i32
        %dma_start3A_1434 = tpu.memref_slice %arg21[%select_n3A, %run_scoped3A_1404, %dma_start3A_1433] : memref<2x8x10240xi32, #tpu.memory_space<vmem_shared>> -> memref<1x1x10240xi32, #tpu.memory_space<vmem_shared>>
        %dma_start3A_1435 = tpu.memref_squeeze %dma_start3A_1434 : memref<1x1x10240xi32, #tpu.memory_space<vmem_shared>> -> memref<10240xi32, #tpu.memory_space<vmem_shared>>
        %dma_start3A_1436 = arith.constant 0 : i32
        %dma_start3A_1437 = tpu.memref_slice %arg21[%select_n3A, %run_scoped3A_1404, %dma_start3A_1436] : memref<2x8x10240xi32, #tpu.memory_space<vmem_shared>> -> memref<1x1x10240xi32, #tpu.memory_space<vmem_shared>>
        %dma_start3A_1438 = tpu.memref_squeeze %dma_start3A_1437 : memref<1x1x10240xi32, #tpu.memory_space<vmem_shared>> -> memref<10240xi32, #tpu.memory_space<vmem_shared>>
        tpu.enqueue_dma source(%dma_start3A_1438 : memref<10240xi32, #tpu.memory_space<vmem_shared>>) target(%arg14 : memref<10240xi32, #tpu.memory_space<vmem>>) target_semaphore(%run_scoped3A_1432 : memref<!tpu.dma_semaphore, #tpu.memory_space<semaphore_mem>>)
        %dma_wait3A_1439 = arith.constant 0 : i32
        %dma_wait3A_1440 = tpu.memref_slice %arg21[%select_n3A, %run_scoped3A_1404, %dma_wait3A_1439] : memref<2x8x10240xi32, #tpu.memory_space<vmem_shared>> -> memref<1x1x10240xi32, #tpu.memory_space<vmem_shared>>
        %dma_wait3A_1441 = tpu.memref_squeeze %dma_wait3A_1440 : memref<1x1x10240xi32, #tpu.memory_space<vmem_shared>> -> memref<10240xi32, #tpu.memory_space<vmem_shared>>
        %dma_wait3A_1442 = arith.constant 0 : i32
        %dma_wait3A_1443 = tpu.memref_slice %arg21[%select_n3A, %run_scoped3A_1404, %dma_wait3A_1442] : memref<2x8x10240xi32, #tpu.memory_space<vmem_shared>> -> memref<1x1x10240xi32, #tpu.memory_space<vmem_shared>>
        %dma_wait3A_1444 = tpu.memref_squeeze %dma_wait3A_1443 : memref<1x1x10240xi32, #tpu.memory_space<vmem_shared>> -> memref<10240xi32, #tpu.memory_space<vmem_shared>>
        tpu.wait_dma2 semaphore(%run_scoped3A_1432 : memref<!tpu.dma_semaphore, #tpu.memory_space<semaphore_mem>>) src(%dma_wait3A_1444 : memref<10240xi32, #tpu.memory_space<vmem_shared>>) dst(%arg14 : memref<10240xi32, #tpu.memory_space<vmem>>)
        tpu.yield
      }) : () -> ()
      %while3A_1405 = arith.constant 0 : i32
      %while3A_1406 = arith.constant 0 : i32
      %while3A_1407 = arith.subi %shift_right_arithmetic3A_1403, %while3A_1406 : i32
      %while3A_1408 = arith.addi %while3A_1406, %while3A_1407 : i32
      %while3A_1409 = arith.constant 1 : i32
      %while3A_1410 = arith.divsi %while3A_1407, %while3A_1409 : i32
      %while3A_1411 = arith.muli %while3A_1410, %while3A_1409 : i32
      %while3A_1412 = arith.addi %while3A_1406, %while3A_1411 : i32
      %while3A_1413 = arith.constant 1 : i32
      scf.for %while3A_1432 = %while3A_1406 to %while3A_1412 step %while3A_1413  : i32 {
        %mul3A_1433 = arith.constant 16 : i32
        %mul3A_1434 = arith.muli %while3A_1432, %mul3A_1433 : i32
        %get3A_1435 = arith.index_cast %mul3A_1434 : i32 to index
        %get3A_1436 = tpu.vector_load %arg14[%get3A_1435] {strides = array<i32>} : memref<10240xi32, #tpu.memory_space<vmem>>, vector<16xi32>,
        %mul3A_1437 = arith.constant 16 : i32
        %mul3A_1438 = arith.muli %while3A_1432, %mul3A_1437 : i32
        %add3A_1439 = arith.addi %add3A_550, %mul3A_1438 : i32
        %add3A_1440 = vector.broadcast %add3A_1439 : i32 to vector<16xi32>
        %add3A_1441 = arith.addi %add3A_1440, %iota3A : vector<16xi32>
        tpu.vector_store_idx %arg15[%add3A_1441], %get3A_1436 masked %lt3A_36 : memref<11072xi32, #tpu.memory_space<vmem>>[vector<16xi32>], vector<16xi32>, vector<16xi1>
      }
      %while3A_1414 = arith.constant 1 : i32
      scf.for %while3A_1432 = %while3A_1412 to %while3A_1408 step %while3A_1414  : i32 {
        %mul3A_1433 = arith.constant 16 : i32
        %mul3A_1434 = arith.muli %while3A_1432, %mul3A_1433 : i32
        %get3A_1435 = arith.index_cast %mul3A_1434 : i32 to index
        %get3A_1436 = tpu.vector_load %arg14[%get3A_1435] {strides = array<i32>} : memref<10240xi32, #tpu.memory_space<vmem>>, vector<16xi32>,
        %mul3A_1437 = arith.constant 16 : i32
        %mul3A_1438 = arith.muli %while3A_1432, %mul3A_1437 : i32
        %add3A_1439 = arith.addi %add3A_550, %mul3A_1438 : i32
        %add3A_1440 = vector.broadcast %add3A_1439 : i32 to vector<16xi32>
        %add3A_1441 = arith.addi %add3A_1440, %iota3A : vector<16xi32>
        tpu.vector_store_idx %arg15[%add3A_1441], %get3A_1436 masked %lt3A_36 : memref<11072xi32, #tpu.memory_space<vmem>>[vector<16xi32>], vector<16xi32>, vector<16xi1>
      }
      %add3A_1415 = arith.constant 15 : i32
      %add3A_1416 = arith.addi %add3A_562, %add3A_1415 : i32
      %shift_right_arithmetic3A_1417 = arith.constant 4 : i32
      %shift_right_arithmetic3A_1418 = arith.shrsi %add3A_1416, %shift_right_arithmetic3A_1417 : i32
      %run_scoped3A_1419 = arith.constant 7 : i32
      "tpu.region"() ({
        %run_scoped3A_1432 = tpu.sem_alloc : memref<!tpu.dma_semaphore, #tpu.memory_space<semaphore_mem>>
        %dma_start3A_1433 = arith.constant 0 : i32
        %dma_start3A_1434 = tpu.memref_slice %arg21[%select_n3A, %run_scoped3A_1419, %dma_start3A_1433] : memref<2x8x10240xi32, #tpu.memory_space<vmem_shared>> -> memref<1x1x10240xi32, #tpu.memory_space<vmem_shared>>
        %dma_start3A_1435 = tpu.memref_squeeze %dma_start3A_1434 : memref<1x1x10240xi32, #tpu.memory_space<vmem_shared>> -> memref<10240xi32, #tpu.memory_space<vmem_shared>>
        %dma_start3A_1436 = arith.constant 0 : i32
        %dma_start3A_1437 = tpu.memref_slice %arg21[%select_n3A, %run_scoped3A_1419, %dma_start3A_1436] : memref<2x8x10240xi32, #tpu.memory_space<vmem_shared>> -> memref<1x1x10240xi32, #tpu.memory_space<vmem_shared>>
        %dma_start3A_1438 = tpu.memref_squeeze %dma_start3A_1437 : memref<1x1x10240xi32, #tpu.memory_space<vmem_shared>> -> memref<10240xi32, #tpu.memory_space<vmem_shared>>
        tpu.enqueue_dma source(%dma_start3A_1438 : memref<10240xi32, #tpu.memory_space<vmem_shared>>) target(%arg14 : memref<10240xi32, #tpu.memory_space<vmem>>) target_semaphore(%run_scoped3A_1432 : memref<!tpu.dma_semaphore, #tpu.memory_space<semaphore_mem>>)
        %dma_wait3A_1439 = arith.constant 0 : i32
        %dma_wait3A_1440 = tpu.memref_slice %arg21[%select_n3A, %run_scoped3A_1419, %dma_wait3A_1439] : memref<2x8x10240xi32, #tpu.memory_space<vmem_shared>> -> memref<1x1x10240xi32, #tpu.memory_space<vmem_shared>>
        %dma_wait3A_1441 = tpu.memref_squeeze %dma_wait3A_1440 : memref<1x1x10240xi32, #tpu.memory_space<vmem_shared>> -> memref<10240xi32, #tpu.memory_space<vmem_shared>>
        %dma_wait3A_1442 = arith.constant 0 : i32
        %dma_wait3A_1443 = tpu.memref_slice %arg21[%select_n3A, %run_scoped3A_1419, %dma_wait3A_1442] : memref<2x8x10240xi32, #tpu.memory_space<vmem_shared>> -> memref<1x1x10240xi32, #tpu.memory_space<vmem_shared>>
        %dma_wait3A_1444 = tpu.memref_squeeze %dma_wait3A_1443 : memref<1x1x10240xi32, #tpu.memory_space<vmem_shared>> -> memref<10240xi32, #tpu.memory_space<vmem_shared>>
        tpu.wait_dma2 semaphore(%run_scoped3A_1432 : memref<!tpu.dma_semaphore, #tpu.memory_space<semaphore_mem>>) src(%dma_wait3A_1444 : memref<10240xi32, #tpu.memory_space<vmem_shared>>) dst(%arg14 : memref<10240xi32, #tpu.memory_space<vmem>>)
        tpu.yield
      }) : () -> ()
      %while3A_1420 = arith.constant 0 : i32
      %while3A_1421 = arith.constant 0 : i32
      %while3A_1422 = arith.subi %shift_right_arithmetic3A_1418, %while3A_1421 : i32
      %while3A_1423 = arith.addi %while3A_1421, %while3A_1422 : i32
      %while3A_1424 = arith.constant 1 : i32
      %while3A_1425 = arith.divsi %while3A_1422, %while3A_1424 : i32
      %while3A_1426 = arith.muli %while3A_1425, %while3A_1424 : i32
      %while3A_1427 = arith.addi %while3A_1421, %while3A_1426 : i32
      %while3A_1428 = arith.constant 1 : i32
      scf.for %while3A_1432 = %while3A_1421 to %while3A_1427 step %while3A_1428  : i32 {
        %mul3A_1433 = arith.constant 16 : i32
        %mul3A_1434 = arith.muli %while3A_1432, %mul3A_1433 : i32
        %get3A_1435 = arith.index_cast %mul3A_1434 : i32 to index
        %get3A_1436 = tpu.vector_load %arg14[%get3A_1435] {strides = array<i32>} : memref<10240xi32, #tpu.memory_space<vmem>>, vector<16xi32>,
        %mul3A_1437 = arith.constant 16 : i32
        %mul3A_1438 = arith.muli %while3A_1432, %mul3A_1437 : i32
        %add3A_1439 = arith.addi %add3A_557, %mul3A_1438 : i32
        %add3A_1440 = vector.broadcast %add3A_1439 : i32 to vector<16xi32>
        %add3A_1441 = arith.addi %add3A_1440, %iota3A : vector<16xi32>
        tpu.vector_store_idx %arg15[%add3A_1441], %get3A_1436 masked %lt3A_36 : memref<11072xi32, #tpu.memory_space<vmem>>[vector<16xi32>], vector<16xi32>, vector<16xi1>
      }
      %while3A_1429 = arith.constant 1 : i32
      scf.for %while3A_1432 = %while3A_1427 to %while3A_1423 step %while3A_1429  : i32 {
        %mul3A_1433 = arith.constant 16 : i32
        %mul3A_1434 = arith.muli %while3A_1432, %mul3A_1433 : i32
        %get3A_1435 = arith.index_cast %mul3A_1434 : i32 to index
        %get3A_1436 = tpu.vector_load %arg14[%get3A_1435] {strides = array<i32>} : memref<10240xi32, #tpu.memory_space<vmem>>, vector<16xi32>,
        %mul3A_1437 = arith.constant 16 : i32
        %mul3A_1438 = arith.muli %while3A_1432, %mul3A_1437 : i32
        %add3A_1439 = arith.addi %add3A_557, %mul3A_1438 : i32
        %add3A_1440 = vector.broadcast %add3A_1439 : i32 to vector<16xi32>
        %add3A_1441 = arith.addi %add3A_1440, %iota3A : vector<16xi32>
        tpu.vector_store_idx %arg15[%add3A_1441], %get3A_1436 masked %lt3A_36 : memref<11072xi32, #tpu.memory_space<vmem>>[vector<16xi32>], vector<16xi32>, vector<16xi1>
      }
      %mul3A_1430 = arith.constant 10000 : i32
      %mul3A_1431 = arith.muli %add3A_30, %mul3A_1430 : i32
      "tpu.region"() ({
        %run_scoped3A_1432 = tpu.sem_alloc : memref<!tpu.dma_semaphore, #tpu.memory_space<semaphore_mem>>
        %dma_start3A_1433 = arith.constant 0 : i32
        %dma_start3A_1434 = tpu.memref_slice %arg15[%dma_start3A_1433] : memref<11072xi32, #tpu.memory_space<vmem>> -> memref<10000xi32, #tpu.memory_space<vmem>>
        %dma_start3A_1435 = tpu.memref_slice %arg5[%mul3A_1431] : memref<40000xi32, #tpu.memory_space<hbm>> -> memref<10000xi32, #tpu.memory_space<hbm>>
        %dma_start3A_1436 = tpu.memref_slice %arg5[%mul3A_1431] : memref<40000xi32, #tpu.memory_space<hbm>> -> memref<10000xi32, #tpu.memory_space<hbm>>
        %dma_start3A_1437 = arith.constant 0 : i32
        %dma_start3A_1438 = tpu.memref_slice %arg15[%dma_start3A_1437] : memref<11072xi32, #tpu.memory_space<vmem>> -> memref<10000xi32, #tpu.memory_space<vmem>>
        tpu.enqueue_dma source(%dma_start3A_1438 : memref<10000xi32, #tpu.memory_space<vmem>>) target(%dma_start3A_1436 : memref<10000xi32, #tpu.memory_space<hbm>>) target_semaphore(%run_scoped3A_1432 : memref<!tpu.dma_semaphore, #tpu.memory_space<semaphore_mem>>)
        %dma_wait3A_1439 = arith.constant 0 : i32
        %dma_wait3A_1440 = tpu.memref_slice %arg15[%dma_wait3A_1439] : memref<11072xi32, #tpu.memory_space<vmem>> -> memref<10000xi32, #tpu.memory_space<vmem>>
        %dma_wait3A_1441 = tpu.memref_slice %arg5[%mul3A_1431] : memref<40000xi32, #tpu.memory_space<hbm>> -> memref<10000xi32, #tpu.memory_space<hbm>>
        %dma_wait3A_1442 = tpu.memref_slice %arg5[%mul3A_1431] : memref<40000xi32, #tpu.memory_space<hbm>> -> memref<10000xi32, #tpu.memory_space<hbm>>
        %dma_wait3A_1443 = arith.constant 0 : i32
        %dma_wait3A_1444 = tpu.memref_slice %arg15[%dma_wait3A_1443] : memref<11072xi32, #tpu.memory_space<vmem>> -> memref<10000xi32, #tpu.memory_space<vmem>>
        tpu.wait_dma2 semaphore(%run_scoped3A_1432 : memref<!tpu.dma_semaphore, #tpu.memory_space<semaphore_mem>>) src(%dma_wait3A_1444 : memref<10000xi32, #tpu.memory_space<vmem>>) dst(%dma_wait3A_1442 : memref<10000xi32, #tpu.memory_space<hbm>>)
        tpu.yield
      }) : () -> ()
    } else {
    }
    %barrier3A_618 = arith.constant 0 : index
    tpu.barrier barrier_id(%barrier3A_618)
    %mul3A_619 = arith.constant 1264 : i32
    %mul3A_620 = arith.muli %select_n3A_28, %mul3A_619 : i32
    %min3A_621 = arith.constant 8736 : i32
    %min3A_622 = arith.minsi %mul3A_620, %min3A_621 : i32
    %mul3A_623 = arith.constant 10000 : i32
    %mul3A_624 = arith.muli %add3A_30, %mul3A_623 : i32
    %add3A_625 = arith.addi %mul3A_624, %min3A_622 : i32
    "tpu.region"() ({
      %run_scoped3A_1310 = tpu.sem_alloc : memref<!tpu.dma_semaphore, #tpu.memory_space<semaphore_mem>>
      %dma_start3A_1311 = tpu.memref_slice %arg5[%add3A_625] : memref<40000xi32, #tpu.memory_space<hbm>> -> memref<1264xi32, #tpu.memory_space<hbm>>
      %dma_start3A_1312 = tpu.memref_slice %arg5[%add3A_625] : memref<40000xi32, #tpu.memory_space<hbm>> -> memref<1264xi32, #tpu.memory_space<hbm>>
      tpu.enqueue_dma source(%dma_start3A_1312 : memref<1264xi32, #tpu.memory_space<hbm>>) target(%arg16 : memref<1264xi32, #tpu.memory_space<vmem>>) target_semaphore(%run_scoped3A_1310 : memref<!tpu.dma_semaphore, #tpu.memory_space<semaphore_mem>>)
      %dma_wait3A_1313 = tpu.memref_slice %arg5[%add3A_625] : memref<40000xi32, #tpu.memory_space<hbm>> -> memref<1264xi32, #tpu.memory_space<hbm>>
      %dma_wait3A_1314 = tpu.memref_slice %arg5[%add3A_625] : memref<40000xi32, #tpu.memory_space<hbm>> -> memref<1264xi32, #tpu.memory_space<hbm>>
      tpu.wait_dma2 semaphore(%run_scoped3A_1310 : memref<!tpu.dma_semaphore, #tpu.memory_space<semaphore_mem>>) src(%dma_wait3A_1314 : memref<1264xi32, #tpu.memory_space<hbm>>) dst(%arg16 : memref<1264xi32, #tpu.memory_space<vmem>>)
      tpu.yield
    }) : () -> ()
    %mul3A_626 = arith.constant 100000 : i32
    %mul3A_627 = arith.muli %add3A_30, %mul3A_626 : i32
    %get3A_628 = arith.constant 0 : index
    %get3A_629 = tpu.vector_load %arg16[%get3A_628] {strides = array<i32>} : memref<1264xi32, #tpu.memory_space<vmem>>, vector<16xi32>,
    %add3A_630 = vector.broadcast %mul3A_627 : i32 to vector<16xi32>
    %add3A_631 = arith.addi %get3A_629, %add3A_630 : vector<16xi32>
    %swap3A_632 = arith.constant 0 : index
    %swap3A_633 = tpu.vector_load %arg16[%swap3A_632] {strides = array<i32>} : memref<1264xi32, #tpu.memory_space<vmem>>, vector<16xi32>,
    tpu.vector_store %arg16[%swap3A_632], %add3A_631 {strides = array<i32>} : memref<1264xi32, #tpu.memory_space<vmem>>, vector<16xi32>,
    %get3A_634 = arith.constant 16 : index
    %get3A_635 = tpu.vector_load %arg16[%get3A_634] {strides = array<i32>} : memref<1264xi32, #tpu.memory_space<vmem>>, vector<16xi32>,
    %add3A_636 = vector.broadcast %mul3A_627 : i32 to vector<16xi32>
    %add3A_637 = arith.addi %get3A_635, %add3A_636 : vector<16xi32>
    %swap3A_638 = arith.constant 16 : index
    %swap3A_639 = tpu.vector_load %arg16[%swap3A_638] {strides = array<i32>} : memref<1264xi32, #tpu.memory_space<vmem>>, vector<16xi32>,
    tpu.vector_store %arg16[%swap3A_638], %add3A_637 {strides = array<i32>} : memref<1264xi32, #tpu.memory_space<vmem>>, vector<16xi32>,
    %get3A_640 = arith.constant 32 : index
    %get3A_641 = tpu.vector_load %arg16[%get3A_640] {strides = array<i32>} : memref<1264xi32, #tpu.memory_space<vmem>>, vector<16xi32>,
    %add3A_642 = vector.broadcast %mul3A_627 : i32 to vector<16xi32>
    %add3A_643 = arith.addi %get3A_641, %add3A_642 : vector<16xi32>
    %swap3A_644 = arith.constant 32 : index
    %swap3A_645 = tpu.vector_load %arg16[%swap3A_644] {strides = array<i32>} : memref<1264xi32, #tpu.memory_space<vmem>>, vector<16xi32>,
    tpu.vector_store %arg16[%swap3A_644], %add3A_643 {strides = array<i32>} : memref<1264xi32, #tpu.memory_space<vmem>>, vector<16xi32>,
    %get3A_646 = arith.constant 48 : index
    %get3A_647 = tpu.vector_load %arg16[%get3A_646] {strides = array<i32>} : memref<1264xi32, #tpu.memory_space<vmem>>, vector<16xi32>,
    %add3A_648 = vector.broadcast %mul3A_627 : i32 to vector<16xi32>
    %add3A_649 = arith.addi %get3A_647, %add3A_648 : vector<16xi32>
    %swap3A_650 = arith.constant 48 : index
    %swap3A_651 = tpu.vector_load %arg16[%swap3A_650] {strides = array<i32>} : memref<1264xi32, #tpu.memory_space<vmem>>, vector<16xi32>,
    tpu.vector_store %arg16[%swap3A_650], %add3A_649 {strides = array<i32>} : memref<1264xi32, #tpu.memory_space<vmem>>, vector<16xi32>,
    %get3A_652 = arith.constant 64 : index
    %get3A_653 = tpu.vector_load %arg16[%get3A_652] {strides = array<i32>} : memref<1264xi32, #tpu.memory_space<vmem>>, vector<16xi32>,
    %add3A_654 = vector.broadcast %mul3A_627 : i32 to vector<16xi32>
    %add3A_655 = arith.addi %get3A_653, %add3A_654 : vector<16xi32>
    %swap3A_656 = arith.constant 64 : index
    %swap3A_657 = tpu.vector_load %arg16[%swap3A_656] {strides = array<i32>} : memref<1264xi32, #tpu.memory_space<vmem>>, vector<16xi32>,
    tpu.vector_store %arg16[%swap3A_656], %add3A_655 {strides = array<i32>} : memref<1264xi32, #tpu.memory_space<vmem>>, vector<16xi32>,
    %get3A_658 = arith.constant 80 : index
    %get3A_659 = tpu.vector_load %arg16[%get3A_658] {strides = array<i32>} : memref<1264xi32, #tpu.memory_space<vmem>>, vector<16xi32>,
    %add3A_660 = vector.broadcast %mul3A_627 : i32 to vector<16xi32>
    %add3A_661 = arith.addi %get3A_659, %add3A_660 : vector<16xi32>
    %swap3A_662 = arith.constant 80 : index
    %swap3A_663 = tpu.vector_load %arg16[%swap3A_662] {strides = array<i32>} : memref<1264xi32, #tpu.memory_space<vmem>>, vector<16xi32>,
    tpu.vector_store %arg16[%swap3A_662], %add3A_661 {strides = array<i32>} : memref<1264xi32, #tpu.memory_space<vmem>>, vector<16xi32>,
    %get3A_664 = arith.constant 96 : index
    %get3A_665 = tpu.vector_load %arg16[%get3A_664] {strides = array<i32>} : memref<1264xi32, #tpu.memory_space<vmem>>, vector<16xi32>,
    %add3A_666 = vector.broadcast %mul3A_627 : i32 to vector<16xi32>
    %add3A_667 = arith.addi %get3A_665, %add3A_666 : vector<16xi32>
    %swap3A_668 = arith.constant 96 : index
    %swap3A_669 = tpu.vector_load %arg16[%swap3A_668] {strides = array<i32>} : memref<1264xi32, #tpu.memory_space<vmem>>, vector<16xi32>,
    tpu.vector_store %arg16[%swap3A_668], %add3A_667 {strides = array<i32>} : memref<1264xi32, #tpu.memory_space<vmem>>, vector<16xi32>,
    %get3A_670 = arith.constant 112 : index
    %get3A_671 = tpu.vector_load %arg16[%get3A_670] {strides = array<i32>} : memref<1264xi32, #tpu.memory_space<vmem>>, vector<16xi32>,
    %add3A_672 = vector.broadcast %mul3A_627 : i32 to vector<16xi32>
    %add3A_673 = arith.addi %get3A_671, %add3A_672 : vector<16xi32>
    %swap3A_674 = arith.constant 112 : index
    %swap3A_675 = tpu.vector_load %arg16[%swap3A_674] {strides = array<i32>} : memref<1264xi32, #tpu.memory_space<vmem>>, vector<16xi32>,
    tpu.vector_store %arg16[%swap3A_674], %add3A_673 {strides = array<i32>} : memref<1264xi32, #tpu.memory_space<vmem>>, vector<16xi32>,
    %get3A_676 = arith.constant 128 : index
    %get3A_677 = tpu.vector_load %arg16[%get3A_676] {strides = array<i32>} : memref<1264xi32, #tpu.memory_space<vmem>>, vector<16xi32>,
    %add3A_678 = vector.broadcast %mul3A_627 : i32 to vector<16xi32>
    %add3A_679 = arith.addi %get3A_677, %add3A_678 : vector<16xi32>
    %swap3A_680 = arith.constant 128 : index
    %swap3A_681 = tpu.vector_load %arg16[%swap3A_680] {strides = array<i32>} : memref<1264xi32, #tpu.memory_space<vmem>>, vector<16xi32>,
    tpu.vector_store %arg16[%swap3A_680], %add3A_679 {strides = array<i32>} : memref<1264xi32, #tpu.memory_space<vmem>>, vector<16xi32>,
    %get3A_682 = arith.constant 144 : index
    %get3A_683 = tpu.vector_load %arg16[%get3A_682] {strides = array<i32>} : memref<1264xi32, #tpu.memory_space<vmem>>, vector<16xi32>,
    %add3A_684 = vector.broadcast %mul3A_627 : i32 to vector<16xi32>
    %add3A_685 = arith.addi %get3A_683, %add3A_684 : vector<16xi32>
    %swap3A_686 = arith.constant 144 : index
    %swap3A_687 = tpu.vector_load %arg16[%swap3A_686] {strides = array<i32>} : memref<1264xi32, #tpu.memory_space<vmem>>, vector<16xi32>,
    tpu.vector_store %arg16[%swap3A_686], %add3A_685 {strides = array<i32>} : memref<1264xi32, #tpu.memory_space<vmem>>, vector<16xi32>,
    %get3A_688 = arith.constant 160 : index
    %get3A_689 = tpu.vector_load %arg16[%get3A_688] {strides = array<i32>} : memref<1264xi32, #tpu.memory_space<vmem>>, vector<16xi32>,
    %add3A_690 = vector.broadcast %mul3A_627 : i32 to vector<16xi32>
    %add3A_691 = arith.addi %get3A_689, %add3A_690 : vector<16xi32>
    %swap3A_692 = arith.constant 160 : index
    %swap3A_693 = tpu.vector_load %arg16[%swap3A_692] {strides = array<i32>} : memref<1264xi32, #tpu.memory_space<vmem>>, vector<16xi32>,
    tpu.vector_store %arg16[%swap3A_692], %add3A_691 {strides = array<i32>} : memref<1264xi32, #tpu.memory_space<vmem>>, vector<16xi32>,
    %get3A_694 = arith.constant 176 : index
    %get3A_695 = tpu.vector_load %arg16[%get3A_694] {strides = array<i32>} : memref<1264xi32, #tpu.memory_space<vmem>>, vector<16xi32>,
    %add3A_696 = vector.broadcast %mul3A_627 : i32 to vector<16xi32>
    %add3A_697 = arith.addi %get3A_695, %add3A_696 : vector<16xi32>
    %swap3A_698 = arith.constant 176 : index
    %swap3A_699 = tpu.vector_load %arg16[%swap3A_698] {strides = array<i32>} : memref<1264xi32, #tpu.memory_space<vmem>>, vector<16xi32>,
    tpu.vector_store %arg16[%swap3A_698], %add3A_697 {strides = array<i32>} : memref<1264xi32, #tpu.memory_space<vmem>>, vector<16xi32>,
    %get3A_700 = arith.constant 192 : index
    %get3A_701 = tpu.vector_load %arg16[%get3A_700] {strides = array<i32>} : memref<1264xi32, #tpu.memory_space<vmem>>, vector<16xi32>,
    %add3A_702 = vector.broadcast %mul3A_627 : i32 to vector<16xi32>
    %add3A_703 = arith.addi %get3A_701, %add3A_702 : vector<16xi32>
    %swap3A_704 = arith.constant 192 : index
    %swap3A_705 = tpu.vector_load %arg16[%swap3A_704] {strides = array<i32>} : memref<1264xi32, #tpu.memory_space<vmem>>, vector<16xi32>,
    tpu.vector_store %arg16[%swap3A_704], %add3A_703 {strides = array<i32>} : memref<1264xi32, #tpu.memory_space<vmem>>, vector<16xi32>,
    %get3A_706 = arith.constant 208 : index
    %get3A_707 = tpu.vector_load %arg16[%get3A_706] {strides = array<i32>} : memref<1264xi32, #tpu.memory_space<vmem>>, vector<16xi32>,
    %add3A_708 = vector.broadcast %mul3A_627 : i32 to vector<16xi32>
    %add3A_709 = arith.addi %get3A_707, %add3A_708 : vector<16xi32>
    %swap3A_710 = arith.constant 208 : index
    %swap3A_711 = tpu.vector_load %arg16[%swap3A_710] {strides = array<i32>} : memref<1264xi32, #tpu.memory_space<vmem>>, vector<16xi32>,
    tpu.vector_store %arg16[%swap3A_710], %add3A_709 {strides = array<i32>} : memref<1264xi32, #tpu.memory_space<vmem>>, vector<16xi32>,
    %get3A_712 = arith.constant 224 : index
    %get3A_713 = tpu.vector_load %arg16[%get3A_712] {strides = array<i32>} : memref<1264xi32, #tpu.memory_space<vmem>>, vector<16xi32>,
    %add3A_714 = vector.broadcast %mul3A_627 : i32 to vector<16xi32>
    %add3A_715 = arith.addi %get3A_713, %add3A_714 : vector<16xi32>
    %swap3A_716 = arith.constant 224 : index
    %swap3A_717 = tpu.vector_load %arg16[%swap3A_716] {strides = array<i32>} : memref<1264xi32, #tpu.memory_space<vmem>>, vector<16xi32>,
    tpu.vector_store %arg16[%swap3A_716], %add3A_715 {strides = array<i32>} : memref<1264xi32, #tpu.memory_space<vmem>>, vector<16xi32>,
    %get3A_718 = arith.constant 240 : index
    %get3A_719 = tpu.vector_load %arg16[%get3A_718] {strides = array<i32>} : memref<1264xi32, #tpu.memory_space<vmem>>, vector<16xi32>,
    %add3A_720 = vector.broadcast %mul3A_627 : i32 to vector<16xi32>
    %add3A_721 = arith.addi %get3A_719, %add3A_720 : vector<16xi32>
    %swap3A_722 = arith.constant 240 : index
    %swap3A_723 = tpu.vector_load %arg16[%swap3A_722] {strides = array<i32>} : memref<1264xi32, #tpu.memory_space<vmem>>, vector<16xi32>,
    tpu.vector_store %arg16[%swap3A_722], %add3A_721 {strides = array<i32>} : memref<1264xi32, #tpu.memory_space<vmem>>, vector<16xi32>,
    %get3A_724 = arith.constant 256 : index
    %get3A_725 = tpu.vector_load %arg16[%get3A_724] {strides = array<i32>} : memref<1264xi32, #tpu.memory_space<vmem>>, vector<16xi32>,
    %add3A_726 = vector.broadcast %mul3A_627 : i32 to vector<16xi32>
    %add3A_727 = arith.addi %get3A_725, %add3A_726 : vector<16xi32>
    %swap3A_728 = arith.constant 256 : index
    %swap3A_729 = tpu.vector_load %arg16[%swap3A_728] {strides = array<i32>} : memref<1264xi32, #tpu.memory_space<vmem>>, vector<16xi32>,
    tpu.vector_store %arg16[%swap3A_728], %add3A_727 {strides = array<i32>} : memref<1264xi32, #tpu.memory_space<vmem>>, vector<16xi32>,
    %get3A_730 = arith.constant 272 : index
    %get3A_731 = tpu.vector_load %arg16[%get3A_730] {strides = array<i32>} : memref<1264xi32, #tpu.memory_space<vmem>>, vector<16xi32>,
    %add3A_732 = vector.broadcast %mul3A_627 : i32 to vector<16xi32>
    %add3A_733 = arith.addi %get3A_731, %add3A_732 : vector<16xi32>
    %swap3A_734 = arith.constant 272 : index
    %swap3A_735 = tpu.vector_load %arg16[%swap3A_734] {strides = array<i32>} : memref<1264xi32, #tpu.memory_space<vmem>>, vector<16xi32>,
    tpu.vector_store %arg16[%swap3A_734], %add3A_733 {strides = array<i32>} : memref<1264xi32, #tpu.memory_space<vmem>>, vector<16xi32>,
    %get3A_736 = arith.constant 288 : index
    %get3A_737 = tpu.vector_load %arg16[%get3A_736] {strides = array<i32>} : memref<1264xi32, #tpu.memory_space<vmem>>, vector<16xi32>,
    %add3A_738 = vector.broadcast %mul3A_627 : i32 to vector<16xi32>
    %add3A_739 = arith.addi %get3A_737, %add3A_738 : vector<16xi32>
    %swap3A_740 = arith.constant 288 : index
    %swap3A_741 = tpu.vector_load %arg16[%swap3A_740] {strides = array<i32>} : memref<1264xi32, #tpu.memory_space<vmem>>, vector<16xi32>,
    tpu.vector_store %arg16[%swap3A_740], %add3A_739 {strides = array<i32>} : memref<1264xi32, #tpu.memory_space<vmem>>, vector<16xi32>,
    %get3A_742 = arith.constant 304 : index
    %get3A_743 = tpu.vector_load %arg16[%get3A_742] {strides = array<i32>} : memref<1264xi32, #tpu.memory_space<vmem>>, vector<16xi32>,
    %add3A_744 = vector.broadcast %mul3A_627 : i32 to vector<16xi32>
    %add3A_745 = arith.addi %get3A_743, %add3A_744 : vector<16xi32>
    %swap3A_746 = arith.constant 304 : index
    %swap3A_747 = tpu.vector_load %arg16[%swap3A_746] {strides = array<i32>} : memref<1264xi32, #tpu.memory_space<vmem>>, vector<16xi32>,
    tpu.vector_store %arg16[%swap3A_746], %add3A_745 {strides = array<i32>} : memref<1264xi32, #tpu.memory_space<vmem>>, vector<16xi32>,
    %get3A_748 = arith.constant 320 : index
    %get3A_749 = tpu.vector_load %arg16[%get3A_748] {strides = array<i32>} : memref<1264xi32, #tpu.memory_space<vmem>>, vector<16xi32>,
    %add3A_750 = vector.broadcast %mul3A_627 : i32 to vector<16xi32>
    %add3A_751 = arith.addi %get3A_749, %add3A_750 : vector<16xi32>
    %swap3A_752 = arith.constant 320 : index
    %swap3A_753 = tpu.vector_load %arg16[%swap3A_752] {strides = array<i32>} : memref<1264xi32, #tpu.memory_space<vmem>>, vector<16xi32>,
    tpu.vector_store %arg16[%swap3A_752], %add3A_751 {strides = array<i32>} : memref<1264xi32, #tpu.memory_space<vmem>>, vector<16xi32>,
    %get3A_754 = arith.constant 336 : index
    %get3A_755 = tpu.vector_load %arg16[%get3A_754] {strides = array<i32>} : memref<1264xi32, #tpu.memory_space<vmem>>, vector<16xi32>,
    %add3A_756 = vector.broadcast %mul3A_627 : i32 to vector<16xi32>
    %add3A_757 = arith.addi %get3A_755, %add3A_756 : vector<16xi32>
    %swap3A_758 = arith.constant 336 : index
    %swap3A_759 = tpu.vector_load %arg16[%swap3A_758] {strides = array<i32>} : memref<1264xi32, #tpu.memory_space<vmem>>, vector<16xi32>,
    tpu.vector_store %arg16[%swap3A_758], %add3A_757 {strides = array<i32>} : memref<1264xi32, #tpu.memory_space<vmem>>, vector<16xi32>,
    %get3A_760 = arith.constant 352 : index
    %get3A_761 = tpu.vector_load %arg16[%get3A_760] {strides = array<i32>} : memref<1264xi32, #tpu.memory_space<vmem>>, vector<16xi32>,
    %add3A_762 = vector.broadcast %mul3A_627 : i32 to vector<16xi32>
    %add3A_763 = arith.addi %get3A_761, %add3A_762 : vector<16xi32>
    %swap3A_764 = arith.constant 352 : index
    %swap3A_765 = tpu.vector_load %arg16[%swap3A_764] {strides = array<i32>} : memref<1264xi32, #tpu.memory_space<vmem>>, vector<16xi32>,
    tpu.vector_store %arg16[%swap3A_764], %add3A_763 {strides = array<i32>} : memref<1264xi32, #tpu.memory_space<vmem>>, vector<16xi32>,
    %get3A_766 = arith.constant 368 : index
    %get3A_767 = tpu.vector_load %arg16[%get3A_766] {strides = array<i32>} : memref<1264xi32, #tpu.memory_space<vmem>>, vector<16xi32>,
    %add3A_768 = vector.broadcast %mul3A_627 : i32 to vector<16xi32>
    %add3A_769 = arith.addi %get3A_767, %add3A_768 : vector<16xi32>
    %swap3A_770 = arith.constant 368 : index
    %swap3A_771 = tpu.vector_load %arg16[%swap3A_770] {strides = array<i32>} : memref<1264xi32, #tpu.memory_space<vmem>>, vector<16xi32>,
    tpu.vector_store %arg16[%swap3A_770], %add3A_769 {strides = array<i32>} : memref<1264xi32, #tpu.memory_space<vmem>>, vector<16xi32>,
    %get3A_772 = arith.constant 384 : index
    %get3A_773 = tpu.vector_load %arg16[%get3A_772] {strides = array<i32>} : memref<1264xi32, #tpu.memory_space<vmem>>, vector<16xi32>,
    %add3A_774 = vector.broadcast %mul3A_627 : i32 to vector<16xi32>
    %add3A_775 = arith.addi %get3A_773, %add3A_774 : vector<16xi32>
    %swap3A_776 = arith.constant 384 : index
    %swap3A_777 = tpu.vector_load %arg16[%swap3A_776] {strides = array<i32>} : memref<1264xi32, #tpu.memory_space<vmem>>, vector<16xi32>,
    tpu.vector_store %arg16[%swap3A_776], %add3A_775 {strides = array<i32>} : memref<1264xi32, #tpu.memory_space<vmem>>, vector<16xi32>,
    %get3A_778 = arith.constant 400 : index
    %get3A_779 = tpu.vector_load %arg16[%get3A_778] {strides = array<i32>} : memref<1264xi32, #tpu.memory_space<vmem>>, vector<16xi32>,
    %add3A_780 = vector.broadcast %mul3A_627 : i32 to vector<16xi32>
    %add3A_781 = arith.addi %get3A_779, %add3A_780 : vector<16xi32>
    %swap3A_782 = arith.constant 400 : index
    %swap3A_783 = tpu.vector_load %arg16[%swap3A_782] {strides = array<i32>} : memref<1264xi32, #tpu.memory_space<vmem>>, vector<16xi32>,
    tpu.vector_store %arg16[%swap3A_782], %add3A_781 {strides = array<i32>} : memref<1264xi32, #tpu.memory_space<vmem>>, vector<16xi32>,
    %get3A_784 = arith.constant 416 : index
    %get3A_785 = tpu.vector_load %arg16[%get3A_784] {strides = array<i32>} : memref<1264xi32, #tpu.memory_space<vmem>>, vector<16xi32>,
    %add3A_786 = vector.broadcast %mul3A_627 : i32 to vector<16xi32>
    %add3A_787 = arith.addi %get3A_785, %add3A_786 : vector<16xi32>
    %swap3A_788 = arith.constant 416 : index
    %swap3A_789 = tpu.vector_load %arg16[%swap3A_788] {strides = array<i32>} : memref<1264xi32, #tpu.memory_space<vmem>>, vector<16xi32>,
    tpu.vector_store %arg16[%swap3A_788], %add3A_787 {strides = array<i32>} : memref<1264xi32, #tpu.memory_space<vmem>>, vector<16xi32>,
    %get3A_790 = arith.constant 432 : index
    %get3A_791 = tpu.vector_load %arg16[%get3A_790] {strides = array<i32>} : memref<1264xi32, #tpu.memory_space<vmem>>, vector<16xi32>,
    %add3A_792 = vector.broadcast %mul3A_627 : i32 to vector<16xi32>
    %add3A_793 = arith.addi %get3A_791, %add3A_792 : vector<16xi32>
    %swap3A_794 = arith.constant 432 : index
    %swap3A_795 = tpu.vector_load %arg16[%swap3A_794] {strides = array<i32>} : memref<1264xi32, #tpu.memory_space<vmem>>, vector<16xi32>,
    tpu.vector_store %arg16[%swap3A_794], %add3A_793 {strides = array<i32>} : memref<1264xi32, #tpu.memory_space<vmem>>, vector<16xi32>,
    %get3A_796 = arith.constant 448 : index
    %get3A_797 = tpu.vector_load %arg16[%get3A_796] {strides = array<i32>} : memref<1264xi32, #tpu.memory_space<vmem>>, vector<16xi32>,
    %add3A_798 = vector.broadcast %mul3A_627 : i32 to vector<16xi32>
    %add3A_799 = arith.addi %get3A_797, %add3A_798 : vector<16xi32>
    %swap3A_800 = arith.constant 448 : index
    %swap3A_801 = tpu.vector_load %arg16[%swap3A_800] {strides = array<i32>} : memref<1264xi32, #tpu.memory_space<vmem>>, vector<16xi32>,
    tpu.vector_store %arg16[%swap3A_800], %add3A_799 {strides = array<i32>} : memref<1264xi32, #tpu.memory_space<vmem>>, vector<16xi32>,
    %get3A_802 = arith.constant 464 : index
    %get3A_803 = tpu.vector_load %arg16[%get3A_802] {strides = array<i32>} : memref<1264xi32, #tpu.memory_space<vmem>>, vector<16xi32>,
    %add3A_804 = vector.broadcast %mul3A_627 : i32 to vector<16xi32>
    %add3A_805 = arith.addi %get3A_803, %add3A_804 : vector<16xi32>
    %swap3A_806 = arith.constant 464 : index
    %swap3A_807 = tpu.vector_load %arg16[%swap3A_806] {strides = array<i32>} : memref<1264xi32, #tpu.memory_space<vmem>>, vector<16xi32>,
    tpu.vector_store %arg16[%swap3A_806], %add3A_805 {strides = array<i32>} : memref<1264xi32, #tpu.memory_space<vmem>>, vector<16xi32>,
    %get3A_808 = arith.constant 480 : index
    %get3A_809 = tpu.vector_load %arg16[%get3A_808] {strides = array<i32>} : memref<1264xi32, #tpu.memory_space<vmem>>, vector<16xi32>,
    %add3A_810 = vector.broadcast %mul3A_627 : i32 to vector<16xi32>
    %add3A_811 = arith.addi %get3A_809, %add3A_810 : vector<16xi32>
    %swap3A_812 = arith.constant 480 : index
    %swap3A_813 = tpu.vector_load %arg16[%swap3A_812] {strides = array<i32>} : memref<1264xi32, #tpu.memory_space<vmem>>, vector<16xi32>,
    tpu.vector_store %arg16[%swap3A_812], %add3A_811 {strides = array<i32>} : memref<1264xi32, #tpu.memory_space<vmem>>, vector<16xi32>,
    %get3A_814 = arith.constant 496 : index
    %get3A_815 = tpu.vector_load %arg16[%get3A_814] {strides = array<i32>} : memref<1264xi32, #tpu.memory_space<vmem>>, vector<16xi32>,
    %add3A_816 = vector.broadcast %mul3A_627 : i32 to vector<16xi32>
    %add3A_817 = arith.addi %get3A_815, %add3A_816 : vector<16xi32>
    %swap3A_818 = arith.constant 496 : index
    %swap3A_819 = tpu.vector_load %arg16[%swap3A_818] {strides = array<i32>} : memref<1264xi32, #tpu.memory_space<vmem>>, vector<16xi32>,
    tpu.vector_store %arg16[%swap3A_818], %add3A_817 {strides = array<i32>} : memref<1264xi32, #tpu.memory_space<vmem>>, vector<16xi32>,
    %get3A_820 = arith.constant 512 : index
    %get3A_821 = tpu.vector_load %arg16[%get3A_820] {strides = array<i32>} : memref<1264xi32, #tpu.memory_space<vmem>>, vector<16xi32>,
    %add3A_822 = vector.broadcast %mul3A_627 : i32 to vector<16xi32>
    %add3A_823 = arith.addi %get3A_821, %add3A_822 : vector<16xi32>
    %swap3A_824 = arith.constant 512 : index
    %swap3A_825 = tpu.vector_load %arg16[%swap3A_824] {strides = array<i32>} : memref<1264xi32, #tpu.memory_space<vmem>>, vector<16xi32>,
    tpu.vector_store %arg16[%swap3A_824], %add3A_823 {strides = array<i32>} : memref<1264xi32, #tpu.memory_space<vmem>>, vector<16xi32>,
    %get3A_826 = arith.constant 528 : index
    %get3A_827 = tpu.vector_load %arg16[%get3A_826] {strides = array<i32>} : memref<1264xi32, #tpu.memory_space<vmem>>, vector<16xi32>,
    %add3A_828 = vector.broadcast %mul3A_627 : i32 to vector<16xi32>
    %add3A_829 = arith.addi %get3A_827, %add3A_828 : vector<16xi32>
    %swap3A_830 = arith.constant 528 : index
    %swap3A_831 = tpu.vector_load %arg16[%swap3A_830] {strides = array<i32>} : memref<1264xi32, #tpu.memory_space<vmem>>, vector<16xi32>,
    tpu.vector_store %arg16[%swap3A_830], %add3A_829 {strides = array<i32>} : memref<1264xi32, #tpu.memory_space<vmem>>, vector<16xi32>,
    %get3A_832 = arith.constant 544 : index
    %get3A_833 = tpu.vector_load %arg16[%get3A_832] {strides = array<i32>} : memref<1264xi32, #tpu.memory_space<vmem>>, vector<16xi32>,
    %add3A_834 = vector.broadcast %mul3A_627 : i32 to vector<16xi32>
    %add3A_835 = arith.addi %get3A_833, %add3A_834 : vector<16xi32>
    %swap3A_836 = arith.constant 544 : index
    %swap3A_837 = tpu.vector_load %arg16[%swap3A_836] {strides = array<i32>} : memref<1264xi32, #tpu.memory_space<vmem>>, vector<16xi32>,
    tpu.vector_store %arg16[%swap3A_836], %add3A_835 {strides = array<i32>} : memref<1264xi32, #tpu.memory_space<vmem>>, vector<16xi32>,
    %get3A_838 = arith.constant 560 : index
    %get3A_839 = tpu.vector_load %arg16[%get3A_838] {strides = array<i32>} : memref<1264xi32, #tpu.memory_space<vmem>>, vector<16xi32>,
    %add3A_840 = vector.broadcast %mul3A_627 : i32 to vector<16xi32>
    %add3A_841 = arith.addi %get3A_839, %add3A_840 : vector<16xi32>
    %swap3A_842 = arith.constant 560 : index
    %swap3A_843 = tpu.vector_load %arg16[%swap3A_842] {strides = array<i32>} : memref<1264xi32, #tpu.memory_space<vmem>>, vector<16xi32>,
    tpu.vector_store %arg16[%swap3A_842], %add3A_841 {strides = array<i32>} : memref<1264xi32, #tpu.memory_space<vmem>>, vector<16xi32>,
    %get3A_844 = arith.constant 576 : index
    %get3A_845 = tpu.vector_load %arg16[%get3A_844] {strides = array<i32>} : memref<1264xi32, #tpu.memory_space<vmem>>, vector<16xi32>,
    %add3A_846 = vector.broadcast %mul3A_627 : i32 to vector<16xi32>
    %add3A_847 = arith.addi %get3A_845, %add3A_846 : vector<16xi32>
    %swap3A_848 = arith.constant 576 : index
    %swap3A_849 = tpu.vector_load %arg16[%swap3A_848] {strides = array<i32>} : memref<1264xi32, #tpu.memory_space<vmem>>, vector<16xi32>,
    tpu.vector_store %arg16[%swap3A_848], %add3A_847 {strides = array<i32>} : memref<1264xi32, #tpu.memory_space<vmem>>, vector<16xi32>,
    %get3A_850 = arith.constant 592 : index
    %get3A_851 = tpu.vector_load %arg16[%get3A_850] {strides = array<i32>} : memref<1264xi32, #tpu.memory_space<vmem>>, vector<16xi32>,
    %add3A_852 = vector.broadcast %mul3A_627 : i32 to vector<16xi32>
    %add3A_853 = arith.addi %get3A_851, %add3A_852 : vector<16xi32>
    %swap3A_854 = arith.constant 592 : index
    %swap3A_855 = tpu.vector_load %arg16[%swap3A_854] {strides = array<i32>} : memref<1264xi32, #tpu.memory_space<vmem>>, vector<16xi32>,
    tpu.vector_store %arg16[%swap3A_854], %add3A_853 {strides = array<i32>} : memref<1264xi32, #tpu.memory_space<vmem>>, vector<16xi32>,
    %get3A_856 = arith.constant 608 : index
    %get3A_857 = tpu.vector_load %arg16[%get3A_856] {strides = array<i32>} : memref<1264xi32, #tpu.memory_space<vmem>>, vector<16xi32>,
    %add3A_858 = vector.broadcast %mul3A_627 : i32 to vector<16xi32>
    %add3A_859 = arith.addi %get3A_857, %add3A_858 : vector<16xi32>
    %swap3A_860 = arith.constant 608 : index
    %swap3A_861 = tpu.vector_load %arg16[%swap3A_860] {strides = array<i32>} : memref<1264xi32, #tpu.memory_space<vmem>>, vector<16xi32>,
    tpu.vector_store %arg16[%swap3A_860], %add3A_859 {strides = array<i32>} : memref<1264xi32, #tpu.memory_space<vmem>>, vector<16xi32>,
    %get3A_862 = arith.constant 624 : index
    %get3A_863 = tpu.vector_load %arg16[%get3A_862] {strides = array<i32>} : memref<1264xi32, #tpu.memory_space<vmem>>, vector<16xi32>,
    %add3A_864 = vector.broadcast %mul3A_627 : i32 to vector<16xi32>
    %add3A_865 = arith.addi %get3A_863, %add3A_864 : vector<16xi32>
    %swap3A_866 = arith.constant 624 : index
    %swap3A_867 = tpu.vector_load %arg16[%swap3A_866] {strides = array<i32>} : memref<1264xi32, #tpu.memory_space<vmem>>, vector<16xi32>,
    tpu.vector_store %arg16[%swap3A_866], %add3A_865 {strides = array<i32>} : memref<1264xi32, #tpu.memory_space<vmem>>, vector<16xi32>,
    %get3A_868 = arith.constant 640 : index
    %get3A_869 = tpu.vector_load %arg16[%get3A_868] {strides = array<i32>} : memref<1264xi32, #tpu.memory_space<vmem>>, vector<16xi32>,
    %add3A_870 = vector.broadcast %mul3A_627 : i32 to vector<16xi32>
    %add3A_871 = arith.addi %get3A_869, %add3A_870 : vector<16xi32>
    %swap3A_872 = arith.constant 640 : index
    %swap3A_873 = tpu.vector_load %arg16[%swap3A_872] {strides = array<i32>} : memref<1264xi32, #tpu.memory_space<vmem>>, vector<16xi32>,
    tpu.vector_store %arg16[%swap3A_872], %add3A_871 {strides = array<i32>} : memref<1264xi32, #tpu.memory_space<vmem>>, vector<16xi32>,
    %get3A_874 = arith.constant 656 : index
    %get3A_875 = tpu.vector_load %arg16[%get3A_874] {strides = array<i32>} : memref<1264xi32, #tpu.memory_space<vmem>>, vector<16xi32>,
    %add3A_876 = vector.broadcast %mul3A_627 : i32 to vector<16xi32>
    %add3A_877 = arith.addi %get3A_875, %add3A_876 : vector<16xi32>
    %swap3A_878 = arith.constant 656 : index
    %swap3A_879 = tpu.vector_load %arg16[%swap3A_878] {strides = array<i32>} : memref<1264xi32, #tpu.memory_space<vmem>>, vector<16xi32>,
    tpu.vector_store %arg16[%swap3A_878], %add3A_877 {strides = array<i32>} : memref<1264xi32, #tpu.memory_space<vmem>>, vector<16xi32>,
    %get3A_880 = arith.constant 672 : index
    %get3A_881 = tpu.vector_load %arg16[%get3A_880] {strides = array<i32>} : memref<1264xi32, #tpu.memory_space<vmem>>, vector<16xi32>,
    %add3A_882 = vector.broadcast %mul3A_627 : i32 to vector<16xi32>
    %add3A_883 = arith.addi %get3A_881, %add3A_882 : vector<16xi32>
    %swap3A_884 = arith.constant 672 : index
    %swap3A_885 = tpu.vector_load %arg16[%swap3A_884] {strides = array<i32>} : memref<1264xi32, #tpu.memory_space<vmem>>, vector<16xi32>,
    tpu.vector_store %arg16[%swap3A_884], %add3A_883 {strides = array<i32>} : memref<1264xi32, #tpu.memory_space<vmem>>, vector<16xi32>,
    %get3A_886 = arith.constant 688 : index
    %get3A_887 = tpu.vector_load %arg16[%get3A_886] {strides = array<i32>} : memref<1264xi32, #tpu.memory_space<vmem>>, vector<16xi32>,
    %add3A_888 = vector.broadcast %mul3A_627 : i32 to vector<16xi32>
    %add3A_889 = arith.addi %get3A_887, %add3A_888 : vector<16xi32>
    %swap3A_890 = arith.constant 688 : index
    %swap3A_891 = tpu.vector_load %arg16[%swap3A_890] {strides = array<i32>} : memref<1264xi32, #tpu.memory_space<vmem>>, vector<16xi32>,
    tpu.vector_store %arg16[%swap3A_890], %add3A_889 {strides = array<i32>} : memref<1264xi32, #tpu.memory_space<vmem>>, vector<16xi32>,
    %get3A_892 = arith.constant 704 : index
    %get3A_893 = tpu.vector_load %arg16[%get3A_892] {strides = array<i32>} : memref<1264xi32, #tpu.memory_space<vmem>>, vector<16xi32>,
    %add3A_894 = vector.broadcast %mul3A_627 : i32 to vector<16xi32>
    %add3A_895 = arith.addi %get3A_893, %add3A_894 : vector<16xi32>
    %swap3A_896 = arith.constant 704 : index
    %swap3A_897 = tpu.vector_load %arg16[%swap3A_896] {strides = array<i32>} : memref<1264xi32, #tpu.memory_space<vmem>>, vector<16xi32>,
    tpu.vector_store %arg16[%swap3A_896], %add3A_895 {strides = array<i32>} : memref<1264xi32, #tpu.memory_space<vmem>>, vector<16xi32>,
    %get3A_898 = arith.constant 720 : index
    %get3A_899 = tpu.vector_load %arg16[%get3A_898] {strides = array<i32>} : memref<1264xi32, #tpu.memory_space<vmem>>, vector<16xi32>,
    %add3A_900 = vector.broadcast %mul3A_627 : i32 to vector<16xi32>
    %add3A_901 = arith.addi %get3A_899, %add3A_900 : vector<16xi32>
    %swap3A_902 = arith.constant 720 : index
    %swap3A_903 = tpu.vector_load %arg16[%swap3A_902] {strides = array<i32>} : memref<1264xi32, #tpu.memory_space<vmem>>, vector<16xi32>,
    tpu.vector_store %arg16[%swap3A_902], %add3A_901 {strides = array<i32>} : memref<1264xi32, #tpu.memory_space<vmem>>, vector<16xi32>,
    %get3A_904 = arith.constant 736 : index
    %get3A_905 = tpu.vector_load %arg16[%get3A_904] {strides = array<i32>} : memref<1264xi32, #tpu.memory_space<vmem>>, vector<16xi32>,
    %add3A_906 = vector.broadcast %mul3A_627 : i32 to vector<16xi32>
    %add3A_907 = arith.addi %get3A_905, %add3A_906 : vector<16xi32>
    %swap3A_908 = arith.constant 736 : index
    %swap3A_909 = tpu.vector_load %arg16[%swap3A_908] {strides = array<i32>} : memref<1264xi32, #tpu.memory_space<vmem>>, vector<16xi32>,
    tpu.vector_store %arg16[%swap3A_908], %add3A_907 {strides = array<i32>} : memref<1264xi32, #tpu.memory_space<vmem>>, vector<16xi32>,
    %get3A_910 = arith.constant 752 : index
    %get3A_911 = tpu.vector_load %arg16[%get3A_910] {strides = array<i32>} : memref<1264xi32, #tpu.memory_space<vmem>>, vector<16xi32>,
    %add3A_912 = vector.broadcast %mul3A_627 : i32 to vector<16xi32>
    %add3A_913 = arith.addi %get3A_911, %add3A_912 : vector<16xi32>
    %swap3A_914 = arith.constant 752 : index
    %swap3A_915 = tpu.vector_load %arg16[%swap3A_914] {strides = array<i32>} : memref<1264xi32, #tpu.memory_space<vmem>>, vector<16xi32>,
    tpu.vector_store %arg16[%swap3A_914], %add3A_913 {strides = array<i32>} : memref<1264xi32, #tpu.memory_space<vmem>>, vector<16xi32>,
    %get3A_916 = arith.constant 768 : index
    %get3A_917 = tpu.vector_load %arg16[%get3A_916] {strides = array<i32>} : memref<1264xi32, #tpu.memory_space<vmem>>, vector<16xi32>,
    %add3A_918 = vector.broadcast %mul3A_627 : i32 to vector<16xi32>
    %add3A_919 = arith.addi %get3A_917, %add3A_918 : vector<16xi32>
    %swap3A_920 = arith.constant 768 : index
    %swap3A_921 = tpu.vector_load %arg16[%swap3A_920] {strides = array<i32>} : memref<1264xi32, #tpu.memory_space<vmem>>, vector<16xi32>,
    tpu.vector_store %arg16[%swap3A_920], %add3A_919 {strides = array<i32>} : memref<1264xi32, #tpu.memory_space<vmem>>, vector<16xi32>,
    %get3A_922 = arith.constant 784 : index
    %get3A_923 = tpu.vector_load %arg16[%get3A_922] {strides = array<i32>} : memref<1264xi32, #tpu.memory_space<vmem>>, vector<16xi32>,
    %add3A_924 = vector.broadcast %mul3A_627 : i32 to vector<16xi32>
    %add3A_925 = arith.addi %get3A_923, %add3A_924 : vector<16xi32>
    %swap3A_926 = arith.constant 784 : index
    %swap3A_927 = tpu.vector_load %arg16[%swap3A_926] {strides = array<i32>} : memref<1264xi32, #tpu.memory_space<vmem>>, vector<16xi32>,
    tpu.vector_store %arg16[%swap3A_926], %add3A_925 {strides = array<i32>} : memref<1264xi32, #tpu.memory_space<vmem>>, vector<16xi32>,
    %get3A_928 = arith.constant 800 : index
    %get3A_929 = tpu.vector_load %arg16[%get3A_928] {strides = array<i32>} : memref<1264xi32, #tpu.memory_space<vmem>>, vector<16xi32>,
    %add3A_930 = vector.broadcast %mul3A_627 : i32 to vector<16xi32>
    %add3A_931 = arith.addi %get3A_929, %add3A_930 : vector<16xi32>
    %swap3A_932 = arith.constant 800 : index
    %swap3A_933 = tpu.vector_load %arg16[%swap3A_932] {strides = array<i32>} : memref<1264xi32, #tpu.memory_space<vmem>>, vector<16xi32>,
    tpu.vector_store %arg16[%swap3A_932], %add3A_931 {strides = array<i32>} : memref<1264xi32, #tpu.memory_space<vmem>>, vector<16xi32>,
    %get3A_934 = arith.constant 816 : index
    %get3A_935 = tpu.vector_load %arg16[%get3A_934] {strides = array<i32>} : memref<1264xi32, #tpu.memory_space<vmem>>, vector<16xi32>,
    %add3A_936 = vector.broadcast %mul3A_627 : i32 to vector<16xi32>
    %add3A_937 = arith.addi %get3A_935, %add3A_936 : vector<16xi32>
    %swap3A_938 = arith.constant 816 : index
    %swap3A_939 = tpu.vector_load %arg16[%swap3A_938] {strides = array<i32>} : memref<1264xi32, #tpu.memory_space<vmem>>, vector<16xi32>,
    tpu.vector_store %arg16[%swap3A_938], %add3A_937 {strides = array<i32>} : memref<1264xi32, #tpu.memory_space<vmem>>, vector<16xi32>,
    %get3A_940 = arith.constant 832 : index
    %get3A_941 = tpu.vector_load %arg16[%get3A_940] {strides = array<i32>} : memref<1264xi32, #tpu.memory_space<vmem>>, vector<16xi32>,
    %add3A_942 = vector.broadcast %mul3A_627 : i32 to vector<16xi32>
    %add3A_943 = arith.addi %get3A_941, %add3A_942 : vector<16xi32>
    %swap3A_944 = arith.constant 832 : index
    %swap3A_945 = tpu.vector_load %arg16[%swap3A_944] {strides = array<i32>} : memref<1264xi32, #tpu.memory_space<vmem>>, vector<16xi32>,
    tpu.vector_store %arg16[%swap3A_944], %add3A_943 {strides = array<i32>} : memref<1264xi32, #tpu.memory_space<vmem>>, vector<16xi32>,
    %get3A_946 = arith.constant 848 : index
    %get3A_947 = tpu.vector_load %arg16[%get3A_946] {strides = array<i32>} : memref<1264xi32, #tpu.memory_space<vmem>>, vector<16xi32>,
    %add3A_948 = vector.broadcast %mul3A_627 : i32 to vector<16xi32>
    %add3A_949 = arith.addi %get3A_947, %add3A_948 : vector<16xi32>
    %swap3A_950 = arith.constant 848 : index
    %swap3A_951 = tpu.vector_load %arg16[%swap3A_950] {strides = array<i32>} : memref<1264xi32, #tpu.memory_space<vmem>>, vector<16xi32>,
    tpu.vector_store %arg16[%swap3A_950], %add3A_949 {strides = array<i32>} : memref<1264xi32, #tpu.memory_space<vmem>>, vector<16xi32>,
    %get3A_952 = arith.constant 864 : index
    %get3A_953 = tpu.vector_load %arg16[%get3A_952] {strides = array<i32>} : memref<1264xi32, #tpu.memory_space<vmem>>, vector<16xi32>,
    %add3A_954 = vector.broadcast %mul3A_627 : i32 to vector<16xi32>
    %add3A_955 = arith.addi %get3A_953, %add3A_954 : vector<16xi32>
    %swap3A_956 = arith.constant 864 : index
    %swap3A_957 = tpu.vector_load %arg16[%swap3A_956] {strides = array<i32>} : memref<1264xi32, #tpu.memory_space<vmem>>, vector<16xi32>,
    tpu.vector_store %arg16[%swap3A_956], %add3A_955 {strides = array<i32>} : memref<1264xi32, #tpu.memory_space<vmem>>, vector<16xi32>,
    %get3A_958 = arith.constant 880 : index
    %get3A_959 = tpu.vector_load %arg16[%get3A_958] {strides = array<i32>} : memref<1264xi32, #tpu.memory_space<vmem>>, vector<16xi32>,
    %add3A_960 = vector.broadcast %mul3A_627 : i32 to vector<16xi32>
    %add3A_961 = arith.addi %get3A_959, %add3A_960 : vector<16xi32>
    %swap3A_962 = arith.constant 880 : index
    %swap3A_963 = tpu.vector_load %arg16[%swap3A_962] {strides = array<i32>} : memref<1264xi32, #tpu.memory_space<vmem>>, vector<16xi32>,
    tpu.vector_store %arg16[%swap3A_962], %add3A_961 {strides = array<i32>} : memref<1264xi32, #tpu.memory_space<vmem>>, vector<16xi32>,
    %get3A_964 = arith.constant 896 : index
    %get3A_965 = tpu.vector_load %arg16[%get3A_964] {strides = array<i32>} : memref<1264xi32, #tpu.memory_space<vmem>>, vector<16xi32>,
    %add3A_966 = vector.broadcast %mul3A_627 : i32 to vector<16xi32>
    %add3A_967 = arith.addi %get3A_965, %add3A_966 : vector<16xi32>
    %swap3A_968 = arith.constant 896 : index
    %swap3A_969 = tpu.vector_load %arg16[%swap3A_968] {strides = array<i32>} : memref<1264xi32, #tpu.memory_space<vmem>>, vector<16xi32>,
    tpu.vector_store %arg16[%swap3A_968], %add3A_967 {strides = array<i32>} : memref<1264xi32, #tpu.memory_space<vmem>>, vector<16xi32>,
    %get3A_970 = arith.constant 912 : index
    %get3A_971 = tpu.vector_load %arg16[%get3A_970] {strides = array<i32>} : memref<1264xi32, #tpu.memory_space<vmem>>, vector<16xi32>,
    %add3A_972 = vector.broadcast %mul3A_627 : i32 to vector<16xi32>
    %add3A_973 = arith.addi %get3A_971, %add3A_972 : vector<16xi32>
    %swap3A_974 = arith.constant 912 : index
    %swap3A_975 = tpu.vector_load %arg16[%swap3A_974] {strides = array<i32>} : memref<1264xi32, #tpu.memory_space<vmem>>, vector<16xi32>,
    tpu.vector_store %arg16[%swap3A_974], %add3A_973 {strides = array<i32>} : memref<1264xi32, #tpu.memory_space<vmem>>, vector<16xi32>,
    %get3A_976 = arith.constant 928 : index
    %get3A_977 = tpu.vector_load %arg16[%get3A_976] {strides = array<i32>} : memref<1264xi32, #tpu.memory_space<vmem>>, vector<16xi32>,
    %add3A_978 = vector.broadcast %mul3A_627 : i32 to vector<16xi32>
    %add3A_979 = arith.addi %get3A_977, %add3A_978 : vector<16xi32>
    %swap3A_980 = arith.constant 928 : index
    %swap3A_981 = tpu.vector_load %arg16[%swap3A_980] {strides = array<i32>} : memref<1264xi32, #tpu.memory_space<vmem>>, vector<16xi32>,
    tpu.vector_store %arg16[%swap3A_980], %add3A_979 {strides = array<i32>} : memref<1264xi32, #tpu.memory_space<vmem>>, vector<16xi32>,
    %get3A_982 = arith.constant 944 : index
    %get3A_983 = tpu.vector_load %arg16[%get3A_982] {strides = array<i32>} : memref<1264xi32, #tpu.memory_space<vmem>>, vector<16xi32>,
    %add3A_984 = vector.broadcast %mul3A_627 : i32 to vector<16xi32>
    %add3A_985 = arith.addi %get3A_983, %add3A_984 : vector<16xi32>
    %swap3A_986 = arith.constant 944 : index
    %swap3A_987 = tpu.vector_load %arg16[%swap3A_986] {strides = array<i32>} : memref<1264xi32, #tpu.memory_space<vmem>>, vector<16xi32>,
    tpu.vector_store %arg16[%swap3A_986], %add3A_985 {strides = array<i32>} : memref<1264xi32, #tpu.memory_space<vmem>>, vector<16xi32>,
    %get3A_988 = arith.constant 960 : index
    %get3A_989 = tpu.vector_load %arg16[%get3A_988] {strides = array<i32>} : memref<1264xi32, #tpu.memory_space<vmem>>, vector<16xi32>,
    %add3A_990 = vector.broadcast %mul3A_627 : i32 to vector<16xi32>
    %add3A_991 = arith.addi %get3A_989, %add3A_990 : vector<16xi32>
    %swap3A_992 = arith.constant 960 : index
    %swap3A_993 = tpu.vector_load %arg16[%swap3A_992] {strides = array<i32>} : memref<1264xi32, #tpu.memory_space<vmem>>, vector<16xi32>,
    tpu.vector_store %arg16[%swap3A_992], %add3A_991 {strides = array<i32>} : memref<1264xi32, #tpu.memory_space<vmem>>, vector<16xi32>,
    %get3A_994 = arith.constant 976 : index
    %get3A_995 = tpu.vector_load %arg16[%get3A_994] {strides = array<i32>} : memref<1264xi32, #tpu.memory_space<vmem>>, vector<16xi32>,
    %add3A_996 = vector.broadcast %mul3A_627 : i32 to vector<16xi32>
    %add3A_997 = arith.addi %get3A_995, %add3A_996 : vector<16xi32>
    %swap3A_998 = arith.constant 976 : index
    %swap3A_999 = tpu.vector_load %arg16[%swap3A_998] {strides = array<i32>} : memref<1264xi32, #tpu.memory_space<vmem>>, vector<16xi32>,
    tpu.vector_store %arg16[%swap3A_998], %add3A_997 {strides = array<i32>} : memref<1264xi32, #tpu.memory_space<vmem>>, vector<16xi32>,
    %get3A_1000 = arith.constant 992 : index
    %get3A_1001 = tpu.vector_load %arg16[%get3A_1000] {strides = array<i32>} : memref<1264xi32, #tpu.memory_space<vmem>>, vector<16xi32>,
    %add3A_1002 = vector.broadcast %mul3A_627 : i32 to vector<16xi32>
    %add3A_1003 = arith.addi %get3A_1001, %add3A_1002 : vector<16xi32>
    %swap3A_1004 = arith.constant 992 : index
    %swap3A_1005 = tpu.vector_load %arg16[%swap3A_1004] {strides = array<i32>} : memref<1264xi32, #tpu.memory_space<vmem>>, vector<16xi32>,
    tpu.vector_store %arg16[%swap3A_1004], %add3A_1003 {strides = array<i32>} : memref<1264xi32, #tpu.memory_space<vmem>>, vector<16xi32>,
    %get3A_1006 = arith.constant 1008 : index
    %get3A_1007 = tpu.vector_load %arg16[%get3A_1006] {strides = array<i32>} : memref<1264xi32, #tpu.memory_space<vmem>>, vector<16xi32>,
    %add3A_1008 = vector.broadcast %mul3A_627 : i32 to vector<16xi32>
    %add3A_1009 = arith.addi %get3A_1007, %add3A_1008 : vector<16xi32>
    %swap3A_1010 = arith.constant 1008 : index
    %swap3A_1011 = tpu.vector_load %arg16[%swap3A_1010] {strides = array<i32>} : memref<1264xi32, #tpu.memory_space<vmem>>, vector<16xi32>,
    tpu.vector_store %arg16[%swap3A_1010], %add3A_1009 {strides = array<i32>} : memref<1264xi32, #tpu.memory_space<vmem>>, vector<16xi32>,
    %get3A_1012 = arith.constant 1024 : index
    %get3A_1013 = tpu.vector_load %arg16[%get3A_1012] {strides = array<i32>} : memref<1264xi32, #tpu.memory_space<vmem>>, vector<16xi32>,
    %add3A_1014 = vector.broadcast %mul3A_627 : i32 to vector<16xi32>
    %add3A_1015 = arith.addi %get3A_1013, %add3A_1014 : vector<16xi32>
    %swap3A_1016 = arith.constant 1024 : index
    %swap3A_1017 = tpu.vector_load %arg16[%swap3A_1016] {strides = array<i32>} : memref<1264xi32, #tpu.memory_space<vmem>>, vector<16xi32>,
    tpu.vector_store %arg16[%swap3A_1016], %add3A_1015 {strides = array<i32>} : memref<1264xi32, #tpu.memory_space<vmem>>, vector<16xi32>,
    %get3A_1018 = arith.constant 1040 : index
    %get3A_1019 = tpu.vector_load %arg16[%get3A_1018] {strides = array<i32>} : memref<1264xi32, #tpu.memory_space<vmem>>, vector<16xi32>,
    %add3A_1020 = vector.broadcast %mul3A_627 : i32 to vector<16xi32>
    %add3A_1021 = arith.addi %get3A_1019, %add3A_1020 : vector<16xi32>
    %swap3A_1022 = arith.constant 1040 : index
    %swap3A_1023 = tpu.vector_load %arg16[%swap3A_1022] {strides = array<i32>} : memref<1264xi32, #tpu.memory_space<vmem>>, vector<16xi32>,
    tpu.vector_store %arg16[%swap3A_1022], %add3A_1021 {strides = array<i32>} : memref<1264xi32, #tpu.memory_space<vmem>>, vector<16xi32>,
    %get3A_1024 = arith.constant 1056 : index
    %get3A_1025 = tpu.vector_load %arg16[%get3A_1024] {strides = array<i32>} : memref<1264xi32, #tpu.memory_space<vmem>>, vector<16xi32>,
    %add3A_1026 = vector.broadcast %mul3A_627 : i32 to vector<16xi32>
    %add3A_1027 = arith.addi %get3A_1025, %add3A_1026 : vector<16xi32>
    %swap3A_1028 = arith.constant 1056 : index
    %swap3A_1029 = tpu.vector_load %arg16[%swap3A_1028] {strides = array<i32>} : memref<1264xi32, #tpu.memory_space<vmem>>, vector<16xi32>,
    tpu.vector_store %arg16[%swap3A_1028], %add3A_1027 {strides = array<i32>} : memref<1264xi32, #tpu.memory_space<vmem>>, vector<16xi32>,
    %get3A_1030 = arith.constant 1072 : index
    %get3A_1031 = tpu.vector_load %arg16[%get3A_1030] {strides = array<i32>} : memref<1264xi32, #tpu.memory_space<vmem>>, vector<16xi32>,
    %add3A_1032 = vector.broadcast %mul3A_627 : i32 to vector<16xi32>
    %add3A_1033 = arith.addi %get3A_1031, %add3A_1032 : vector<16xi32>
    %swap3A_1034 = arith.constant 1072 : index
    %swap3A_1035 = tpu.vector_load %arg16[%swap3A_1034] {strides = array<i32>} : memref<1264xi32, #tpu.memory_space<vmem>>, vector<16xi32>,
    tpu.vector_store %arg16[%swap3A_1034], %add3A_1033 {strides = array<i32>} : memref<1264xi32, #tpu.memory_space<vmem>>, vector<16xi32>,
    %get3A_1036 = arith.constant 1088 : index
    %get3A_1037 = tpu.vector_load %arg16[%get3A_1036] {strides = array<i32>} : memref<1264xi32, #tpu.memory_space<vmem>>, vector<16xi32>,
    %add3A_1038 = vector.broadcast %mul3A_627 : i32 to vector<16xi32>
    %add3A_1039 = arith.addi %get3A_1037, %add3A_1038 : vector<16xi32>
    %swap3A_1040 = arith.constant 1088 : index
    %swap3A_1041 = tpu.vector_load %arg16[%swap3A_1040] {strides = array<i32>} : memref<1264xi32, #tpu.memory_space<vmem>>, vector<16xi32>,
    tpu.vector_store %arg16[%swap3A_1040], %add3A_1039 {strides = array<i32>} : memref<1264xi32, #tpu.memory_space<vmem>>, vector<16xi32>,
    %get3A_1042 = arith.constant 1104 : index
    %get3A_1043 = tpu.vector_load %arg16[%get3A_1042] {strides = array<i32>} : memref<1264xi32, #tpu.memory_space<vmem>>, vector<16xi32>,
    %add3A_1044 = vector.broadcast %mul3A_627 : i32 to vector<16xi32>
    %add3A_1045 = arith.addi %get3A_1043, %add3A_1044 : vector<16xi32>
    %swap3A_1046 = arith.constant 1104 : index
    %swap3A_1047 = tpu.vector_load %arg16[%swap3A_1046] {strides = array<i32>} : memref<1264xi32, #tpu.memory_space<vmem>>, vector<16xi32>,
    tpu.vector_store %arg16[%swap3A_1046], %add3A_1045 {strides = array<i32>} : memref<1264xi32, #tpu.memory_space<vmem>>, vector<16xi32>,
    %get3A_1048 = arith.constant 1120 : index
    %get3A_1049 = tpu.vector_load %arg16[%get3A_1048] {strides = array<i32>} : memref<1264xi32, #tpu.memory_space<vmem>>, vector<16xi32>,
    %add3A_1050 = vector.broadcast %mul3A_627 : i32 to vector<16xi32>
    %add3A_1051 = arith.addi %get3A_1049, %add3A_1050 : vector<16xi32>
    %swap3A_1052 = arith.constant 1120 : index
    %swap3A_1053 = tpu.vector_load %arg16[%swap3A_1052] {strides = array<i32>} : memref<1264xi32, #tpu.memory_space<vmem>>, vector<16xi32>,
    tpu.vector_store %arg16[%swap3A_1052], %add3A_1051 {strides = array<i32>} : memref<1264xi32, #tpu.memory_space<vmem>>, vector<16xi32>,
    %get3A_1054 = arith.constant 1136 : index
    %get3A_1055 = tpu.vector_load %arg16[%get3A_1054] {strides = array<i32>} : memref<1264xi32, #tpu.memory_space<vmem>>, vector<16xi32>,
    %add3A_1056 = vector.broadcast %mul3A_627 : i32 to vector<16xi32>
    %add3A_1057 = arith.addi %get3A_1055, %add3A_1056 : vector<16xi32>
    %swap3A_1058 = arith.constant 1136 : index
    %swap3A_1059 = tpu.vector_load %arg16[%swap3A_1058] {strides = array<i32>} : memref<1264xi32, #tpu.memory_space<vmem>>, vector<16xi32>,
    tpu.vector_store %arg16[%swap3A_1058], %add3A_1057 {strides = array<i32>} : memref<1264xi32, #tpu.memory_space<vmem>>, vector<16xi32>,
    %get3A_1060 = arith.constant 1152 : index
    %get3A_1061 = tpu.vector_load %arg16[%get3A_1060] {strides = array<i32>} : memref<1264xi32, #tpu.memory_space<vmem>>, vector<16xi32>,
    %add3A_1062 = vector.broadcast %mul3A_627 : i32 to vector<16xi32>
    %add3A_1063 = arith.addi %get3A_1061, %add3A_1062 : vector<16xi32>
    %swap3A_1064 = arith.constant 1152 : index
    %swap3A_1065 = tpu.vector_load %arg16[%swap3A_1064] {strides = array<i32>} : memref<1264xi32, #tpu.memory_space<vmem>>, vector<16xi32>,
    tpu.vector_store %arg16[%swap3A_1064], %add3A_1063 {strides = array<i32>} : memref<1264xi32, #tpu.memory_space<vmem>>, vector<16xi32>,
    %get3A_1066 = arith.constant 1168 : index
    %get3A_1067 = tpu.vector_load %arg16[%get3A_1066] {strides = array<i32>} : memref<1264xi32, #tpu.memory_space<vmem>>, vector<16xi32>,
    %add3A_1068 = vector.broadcast %mul3A_627 : i32 to vector<16xi32>
    %add3A_1069 = arith.addi %get3A_1067, %add3A_1068 : vector<16xi32>
    %swap3A_1070 = arith.constant 1168 : index
    %swap3A_1071 = tpu.vector_load %arg16[%swap3A_1070] {strides = array<i32>} : memref<1264xi32, #tpu.memory_space<vmem>>, vector<16xi32>,
    tpu.vector_store %arg16[%swap3A_1070], %add3A_1069 {strides = array<i32>} : memref<1264xi32, #tpu.memory_space<vmem>>, vector<16xi32>,
    %get3A_1072 = arith.constant 1184 : index
    %get3A_1073 = tpu.vector_load %arg16[%get3A_1072] {strides = array<i32>} : memref<1264xi32, #tpu.memory_space<vmem>>, vector<16xi32>,
    %add3A_1074 = vector.broadcast %mul3A_627 : i32 to vector<16xi32>
    %add3A_1075 = arith.addi %get3A_1073, %add3A_1074 : vector<16xi32>
    %swap3A_1076 = arith.constant 1184 : index
    %swap3A_1077 = tpu.vector_load %arg16[%swap3A_1076] {strides = array<i32>} : memref<1264xi32, #tpu.memory_space<vmem>>, vector<16xi32>,
    tpu.vector_store %arg16[%swap3A_1076], %add3A_1075 {strides = array<i32>} : memref<1264xi32, #tpu.memory_space<vmem>>, vector<16xi32>,
    %get3A_1078 = arith.constant 1200 : index
    %get3A_1079 = tpu.vector_load %arg16[%get3A_1078] {strides = array<i32>} : memref<1264xi32, #tpu.memory_space<vmem>>, vector<16xi32>,
    %add3A_1080 = vector.broadcast %mul3A_627 : i32 to vector<16xi32>
    %add3A_1081 = arith.addi %get3A_1079, %add3A_1080 : vector<16xi32>
    %swap3A_1082 = arith.constant 1200 : index
    %swap3A_1083 = tpu.vector_load %arg16[%swap3A_1082] {strides = array<i32>} : memref<1264xi32, #tpu.memory_space<vmem>>, vector<16xi32>,
    tpu.vector_store %arg16[%swap3A_1082], %add3A_1081 {strides = array<i32>} : memref<1264xi32, #tpu.memory_space<vmem>>, vector<16xi32>,
    %get3A_1084 = arith.constant 1216 : index
    %get3A_1085 = tpu.vector_load %arg16[%get3A_1084] {strides = array<i32>} : memref<1264xi32, #tpu.memory_space<vmem>>, vector<16xi32>,
    %add3A_1086 = vector.broadcast %mul3A_627 : i32 to vector<16xi32>
    %add3A_1087 = arith.addi %get3A_1085, %add3A_1086 : vector<16xi32>
    %swap3A_1088 = arith.constant 1216 : index
    %swap3A_1089 = tpu.vector_load %arg16[%swap3A_1088] {strides = array<i32>} : memref<1264xi32, #tpu.memory_space<vmem>>, vector<16xi32>,
    tpu.vector_store %arg16[%swap3A_1088], %add3A_1087 {strides = array<i32>} : memref<1264xi32, #tpu.memory_space<vmem>>, vector<16xi32>,
    %get3A_1090 = arith.constant 1232 : index
    %get3A_1091 = tpu.vector_load %arg16[%get3A_1090] {strides = array<i32>} : memref<1264xi32, #tpu.memory_space<vmem>>, vector<16xi32>,
    %add3A_1092 = vector.broadcast %mul3A_627 : i32 to vector<16xi32>
    %add3A_1093 = arith.addi %get3A_1091, %add3A_1092 : vector<16xi32>
    %swap3A_1094 = arith.constant 1232 : index
    %swap3A_1095 = tpu.vector_load %arg16[%swap3A_1094] {strides = array<i32>} : memref<1264xi32, #tpu.memory_space<vmem>>, vector<16xi32>,
    tpu.vector_store %arg16[%swap3A_1094], %add3A_1093 {strides = array<i32>} : memref<1264xi32, #tpu.memory_space<vmem>>, vector<16xi32>,
    %get3A_1096 = arith.constant 1248 : index
    %get3A_1097 = tpu.vector_load %arg16[%get3A_1096] {strides = array<i32>} : memref<1264xi32, #tpu.memory_space<vmem>>, vector<16xi32>,
    %add3A_1098 = vector.broadcast %mul3A_627 : i32 to vector<16xi32>
    %add3A_1099 = arith.addi %get3A_1097, %add3A_1098 : vector<16xi32>
    %swap3A_1100 = arith.constant 1248 : index
    %swap3A_1101 = tpu.vector_load %arg16[%swap3A_1100] {strides = array<i32>} : memref<1264xi32, #tpu.memory_space<vmem>>, vector<16xi32>,
    tpu.vector_store %arg16[%swap3A_1100], %add3A_1099 {strides = array<i32>} : memref<1264xi32, #tpu.memory_space<vmem>>, vector<16xi32>,
    %dma_start3A = arith.constant 0 : i32
    %dma_start3A_1102 = arith.constant 0 : i32
    %dma_start3A_1103 = tpu.memref_slice %arg17[%dma_start3A, %dma_start3A_1102] : memref<128x128xf32, #tpu.memory_space<vmem>> -> memref<128x128xf32, #tpu.memory_space<vmem>>
    %dma_start3A_1104 = arith.constant 0 : i32
    %dma_start3A_1105 = tpu.memref_slice %arg16[%dma_start3A_1104] : memref<1264xi32, #tpu.memory_space<vmem>> -> memref<128xi32, #tpu.memory_space<vmem>>
    %dma_start3A_1106 = arith.constant 0 : i32
    %dma_start3A_1107 = arith.constant 0 : i32
    %dma_start3A_1108 = tpu.memref_slice %arg3[%dma_start3A_1106, %dma_start3A_1107] : memref<400000x128xf32, #tpu.memory_space<hbm>> -> memref<400000x128xf32, #tpu.memory_space<hbm>>
    tpu.enqueue_indirect_dma source(%dma_start3A_1108 : memref<400000x128xf32, #tpu.memory_space<hbm>>) target(%dma_start3A_1103 : memref<128x128xf32, #tpu.memory_space<vmem>>) offsets(%dma_start3A_1105 : memref<128xi32, #tpu.memory_space<vmem>>) semaphore(%arg22 : memref<!tpu.dma_semaphore, #tpu.memory_space<semaphore_mem>>)
    %dma_start3A_1109 = arith.constant 0 : i32
    %dma_start3A_1110 = arith.constant 0 : i32
    %dma_start3A_1111 = tpu.memref_slice %arg18[%dma_start3A_1109, %dma_start3A_1110] : memref<128x128xf32, #tpu.memory_space<vmem>> -> memref<128x128xf32, #tpu.memory_space<vmem>>
    %dma_start3A_1112 = arith.constant 128 : i32
    %dma_start3A_1113 = tpu.memref_slice %arg16[%dma_start3A_1112] : memref<1264xi32, #tpu.memory_space<vmem>> -> memref<128xi32, #tpu.memory_space<vmem>>
    %dma_start3A_1114 = arith.constant 0 : i32
    %dma_start3A_1115 = arith.constant 0 : i32
    %dma_start3A_1116 = tpu.memref_slice %arg3[%dma_start3A_1114, %dma_start3A_1115] : memref<400000x128xf32, #tpu.memory_space<hbm>> -> memref<400000x128xf32, #tpu.memory_space<hbm>>
    tpu.enqueue_indirect_dma source(%dma_start3A_1116 : memref<400000x128xf32, #tpu.memory_space<hbm>>) target(%dma_start3A_1111 : memref<128x128xf32, #tpu.memory_space<vmem>>) offsets(%dma_start3A_1113 : memref<128xi32, #tpu.memory_space<vmem>>) semaphore(%arg23 : memref<!tpu.dma_semaphore, #tpu.memory_space<semaphore_mem>>)
    %dma_wait3A = arith.constant 0 : i32
    %dma_wait3A_1117 = arith.constant 0 : i32
    %dma_wait3A_1118 = tpu.memref_slice %arg17[%dma_wait3A, %dma_wait3A_1117] : memref<128x128xf32, #tpu.memory_space<vmem>> -> memref<128x128xf32, #tpu.memory_space<vmem>>
    %dma_wait3A_1119 = arith.constant 0 : i32
    %dma_wait3A_1120 = tpu.memref_slice %arg16[%dma_wait3A_1119] : memref<1264xi32, #tpu.memory_space<vmem>> -> memref<128xi32, #tpu.memory_space<vmem>>
    %dma_wait3A_1121 = arith.constant 0 : i32
    %dma_wait3A_1122 = arith.constant 0 : i32
    %dma_wait3A_1123 = tpu.memref_slice %arg3[%dma_wait3A_1121, %dma_wait3A_1122] : memref<400000x128xf32, #tpu.memory_space<hbm>> -> memref<400000x128xf32, #tpu.memory_space<hbm>>
    tpu.wait_indirect_dma semaphore(%arg22 : memref<!tpu.dma_semaphore, #tpu.memory_space<semaphore_mem>>) src(%dma_wait3A_1123 : memref<400000x128xf32, #tpu.memory_space<hbm>>) dst(%dma_wait3A_1118 : memref<128x128xf32, #tpu.memory_space<vmem>>)
    %mul3A_1124 = arith.constant 10000 : i32
    %mul3A_1125 = arith.muli %add3A_30, %mul3A_1124 : i32
    %add3A_1126 = arith.addi %mul3A_1125, %min3A_622 : i32
    %add3A_1127 = arith.constant 0 : i32
    %add3A_1128 = arith.addi %add3A_1126, %add3A_1127 : i32
    "tpu.region"() ({
      %run_scoped3A_1310 = tpu.sem_alloc : memref<!tpu.dma_semaphore, #tpu.memory_space<semaphore_mem>>
      %dma_start3A_1311 = arith.constant 0 : i32
      %dma_start3A_1312 = arith.constant 0 : i32
      %dma_start3A_1313 = tpu.memref_slice %arg17[%dma_start3A_1311, %dma_start3A_1312] : memref<128x128xf32, #tpu.memory_space<vmem>> -> memref<128x128xf32, #tpu.memory_space<vmem>>
      %dma_start3A_1314 = arith.constant 0 : i32
      %dma_start3A_1315 = tpu.memref_slice %arg4[%add3A_1128, %dma_start3A_1314] : memref<40000x128xf32, #tpu.memory_space<hbm>> -> memref<128x128xf32, #tpu.memory_space<hbm>>
      %dma_start3A_1316 = arith.constant 0 : i32
      %dma_start3A_1317 = tpu.memref_slice %arg4[%add3A_1128, %dma_start3A_1316] : memref<40000x128xf32, #tpu.memory_space<hbm>> -> memref<128x128xf32, #tpu.memory_space<hbm>>
      %dma_start3A_1318 = arith.constant 0 : i32
      %dma_start3A_1319 = arith.constant 0 : i32
      %dma_start3A_1320 = tpu.memref_slice %arg17[%dma_start3A_1318, %dma_start3A_1319] : memref<128x128xf32, #tpu.memory_space<vmem>> -> memref<128x128xf32, #tpu.memory_space<vmem>>
      tpu.enqueue_dma source(%dma_start3A_1320 : memref<128x128xf32, #tpu.memory_space<vmem>>) target(%dma_start3A_1317 : memref<128x128xf32, #tpu.memory_space<hbm>>) target_semaphore(%run_scoped3A_1310 : memref<!tpu.dma_semaphore, #tpu.memory_space<semaphore_mem>>)
      %dma_wait3A_1321 = arith.constant 0 : i32
      %dma_wait3A_1322 = arith.constant 0 : i32
      %dma_wait3A_1323 = tpu.memref_slice %arg17[%dma_wait3A_1321, %dma_wait3A_1322] : memref<128x128xf32, #tpu.memory_space<vmem>> -> memref<128x128xf32, #tpu.memory_space<vmem>>
      %dma_wait3A_1324 = arith.constant 0 : i32
      %dma_wait3A_1325 = tpu.memref_slice %arg4[%add3A_1128, %dma_wait3A_1324] : memref<40000x128xf32, #tpu.memory_space<hbm>> -> memref<128x128xf32, #tpu.memory_space<hbm>>
      %dma_wait3A_1326 = arith.constant 0 : i32
      %dma_wait3A_1327 = tpu.memref_slice %arg4[%add3A_1128, %dma_wait3A_1326] : memref<40000x128xf32, #tpu.memory_space<hbm>> -> memref<128x128xf32, #tpu.memory_space<hbm>>
      %dma_wait3A_1328 = arith.constant 0 : i32
      %dma_wait3A_1329 = arith.constant 0 : i32
      %dma_wait3A_1330 = tpu.memref_slice %arg17[%dma_wait3A_1328, %dma_wait3A_1329] : memref<128x128xf32, #tpu.memory_space<vmem>> -> memref<128x128xf32, #tpu.memory_space<vmem>>
      tpu.wait_dma2 semaphore(%run_scoped3A_1310 : memref<!tpu.dma_semaphore, #tpu.memory_space<semaphore_mem>>) src(%dma_wait3A_1330 : memref<128x128xf32, #tpu.memory_space<vmem>>) dst(%dma_wait3A_1327 : memref<128x128xf32, #tpu.memory_space<hbm>>)
      tpu.yield
    }) : () -> ()
    %dma_start3A_1129 = arith.constant 0 : i32
    %dma_start3A_1130 = arith.constant 0 : i32
    %dma_start3A_1131 = tpu.memref_slice %arg17[%dma_start3A_1129, %dma_start3A_1130] : memref<128x128xf32, #tpu.memory_space<vmem>> -> memref<128x128xf32, #tpu.memory_space<vmem>>
    %dma_start3A_1132 = arith.constant 256 : i32
    %dma_start3A_1133 = tpu.memref_slice %arg16[%dma_start3A_1132] : memref<1264xi32, #tpu.memory_space<vmem>> -> memref<128xi32, #tpu.memory_space<vmem>>
    %dma_start3A_1134 = arith.constant 0 : i32
    %dma_start3A_1135 = arith.constant 0 : i32
    %dma_start3A_1136 = tpu.memref_slice %arg3[%dma_start3A_1134, %dma_start3A_1135] : memref<400000x128xf32, #tpu.memory_space<hbm>> -> memref<400000x128xf32, #tpu.memory_space<hbm>>
    tpu.enqueue_indirect_dma source(%dma_start3A_1136 : memref<400000x128xf32, #tpu.memory_space<hbm>>) target(%dma_start3A_1131 : memref<128x128xf32, #tpu.memory_space<vmem>>) offsets(%dma_start3A_1133 : memref<128xi32, #tpu.memory_space<vmem>>) semaphore(%arg22 : memref<!tpu.dma_semaphore, #tpu.memory_space<semaphore_mem>>)
    %dma_wait3A_1137 = arith.constant 0 : i32
    %dma_wait3A_1138 = arith.constant 0 : i32
    %dma_wait3A_1139 = tpu.memref_slice %arg18[%dma_wait3A_1137, %dma_wait3A_1138] : memref<128x128xf32, #tpu.memory_space<vmem>> -> memref<128x128xf32, #tpu.memory_space<vmem>>
    %dma_wait3A_1140 = arith.constant 128 : i32
    %dma_wait3A_1141 = tpu.memref_slice %arg16[%dma_wait3A_1140] : memref<1264xi32, #tpu.memory_space<vmem>> -> memref<128xi32, #tpu.memory_space<vmem>>
    %dma_wait3A_1142 = arith.constant 0 : i32
    %dma_wait3A_1143 = arith.constant 0 : i32
    %dma_wait3A_1144 = tpu.memref_slice %arg3[%dma_wait3A_1142, %dma_wait3A_1143] : memref<400000x128xf32, #tpu.memory_space<hbm>> -> memref<400000x128xf32, #tpu.memory_space<hbm>>
    tpu.wait_indirect_dma semaphore(%arg23 : memref<!tpu.dma_semaphore, #tpu.memory_space<semaphore_mem>>) src(%dma_wait3A_1144 : memref<400000x128xf32, #tpu.memory_space<hbm>>) dst(%dma_wait3A_1139 : memref<128x128xf32, #tpu.memory_space<vmem>>)
    %mul3A_1145 = arith.constant 10000 : i32
    %mul3A_1146 = arith.muli %add3A_30, %mul3A_1145 : i32
    %add3A_1147 = arith.addi %mul3A_1146, %min3A_622 : i32
    %add3A_1148 = arith.constant 128 : i32
    %add3A_1149 = arith.addi %add3A_1147, %add3A_1148 : i32
    "tpu.region"() ({
      %run_scoped3A_1310 = tpu.sem_alloc : memref<!tpu.dma_semaphore, #tpu.memory_space<semaphore_mem>>
      %dma_start3A_1311 = arith.constant 0 : i32
      %dma_start3A_1312 = arith.constant 0 : i32
      %dma_start3A_1313 = tpu.memref_slice %arg18[%dma_start3A_1311, %dma_start3A_1312] : memref<128x128xf32, #tpu.memory_space<vmem>> -> memref<128x128xf32, #tpu.memory_space<vmem>>
      %dma_start3A_1314 = arith.constant 0 : i32
      %dma_start3A_1315 = tpu.memref_slice %arg4[%add3A_1149, %dma_start3A_1314] : memref<40000x128xf32, #tpu.memory_space<hbm>> -> memref<128x128xf32, #tpu.memory_space<hbm>>
      %dma_start3A_1316 = arith.constant 0 : i32
      %dma_start3A_1317 = tpu.memref_slice %arg4[%add3A_1149, %dma_start3A_1316] : memref<40000x128xf32, #tpu.memory_space<hbm>> -> memref<128x128xf32, #tpu.memory_space<hbm>>
      %dma_start3A_1318 = arith.constant 0 : i32
      %dma_start3A_1319 = arith.constant 0 : i32
      %dma_start3A_1320 = tpu.memref_slice %arg18[%dma_start3A_1318, %dma_start3A_1319] : memref<128x128xf32, #tpu.memory_space<vmem>> -> memref<128x128xf32, #tpu.memory_space<vmem>>
      tpu.enqueue_dma source(%dma_start3A_1320 : memref<128x128xf32, #tpu.memory_space<vmem>>) target(%dma_start3A_1317 : memref<128x128xf32, #tpu.memory_space<hbm>>) target_semaphore(%run_scoped3A_1310 : memref<!tpu.dma_semaphore, #tpu.memory_space<semaphore_mem>>)
      %dma_wait3A_1321 = arith.constant 0 : i32
      %dma_wait3A_1322 = arith.constant 0 : i32
      %dma_wait3A_1323 = tpu.memref_slice %arg18[%dma_wait3A_1321, %dma_wait3A_1322] : memref<128x128xf32, #tpu.memory_space<vmem>> -> memref<128x128xf32, #tpu.memory_space<vmem>>
      %dma_wait3A_1324 = arith.constant 0 : i32
      %dma_wait3A_1325 = tpu.memref_slice %arg4[%add3A_1149, %dma_wait3A_1324] : memref<40000x128xf32, #tpu.memory_space<hbm>> -> memref<128x128xf32, #tpu.memory_space<hbm>>
      %dma_wait3A_1326 = arith.constant 0 : i32
      %dma_wait3A_1327 = tpu.memref_slice %arg4[%add3A_1149, %dma_wait3A_1326] : memref<40000x128xf32, #tpu.memory_space<hbm>> -> memref<128x128xf32, #tpu.memory_space<hbm>>
      %dma_wait3A_1328 = arith.constant 0 : i32
      %dma_wait3A_1329 = arith.constant 0 : i32
      %dma_wait3A_1330 = tpu.memref_slice %arg18[%dma_wait3A_1328, %dma_wait3A_1329] : memref<128x128xf32, #tpu.memory_space<vmem>> -> memref<128x128xf32, #tpu.memory_space<vmem>>
      tpu.wait_dma2 semaphore(%run_scoped3A_1310 : memref<!tpu.dma_semaphore, #tpu.memory_space<semaphore_mem>>) src(%dma_wait3A_1330 : memref<128x128xf32, #tpu.memory_space<vmem>>) dst(%dma_wait3A_1327 : memref<128x128xf32, #tpu.memory_space<hbm>>)
      tpu.yield
    }) : () -> ()
    %dma_start3A_1150 = arith.constant 0 : i32
    %dma_start3A_1151 = arith.constant 0 : i32
    %dma_start3A_1152 = tpu.memref_slice %arg18[%dma_start3A_1150, %dma_start3A_1151] : memref<128x128xf32, #tpu.memory_space<vmem>> -> memref<128x128xf32, #tpu.memory_space<vmem>>
    %dma_start3A_1153 = arith.constant 384 : i32
    %dma_start3A_1154 = tpu.memref_slice %arg16[%dma_start3A_1153] : memref<1264xi32, #tpu.memory_space<vmem>> -> memref<128xi32, #tpu.memory_space<vmem>>
    %dma_start3A_1155 = arith.constant 0 : i32
    %dma_start3A_1156 = arith.constant 0 : i32
    %dma_start3A_1157 = tpu.memref_slice %arg3[%dma_start3A_1155, %dma_start3A_1156] : memref<400000x128xf32, #tpu.memory_space<hbm>> -> memref<400000x128xf32, #tpu.memory_space<hbm>>
    tpu.enqueue_indirect_dma source(%dma_start3A_1157 : memref<400000x128xf32, #tpu.memory_space<hbm>>) target(%dma_start3A_1152 : memref<128x128xf32, #tpu.memory_space<vmem>>) offsets(%dma_start3A_1154 : memref<128xi32, #tpu.memory_space<vmem>>) semaphore(%arg23 : memref<!tpu.dma_semaphore, #tpu.memory_space<semaphore_mem>>)
    %dma_wait3A_1158 = arith.constant 0 : i32
    %dma_wait3A_1159 = arith.constant 0 : i32
    %dma_wait3A_1160 = tpu.memref_slice %arg17[%dma_wait3A_1158, %dma_wait3A_1159] : memref<128x128xf32, #tpu.memory_space<vmem>> -> memref<128x128xf32, #tpu.memory_space<vmem>>
    %dma_wait3A_1161 = arith.constant 256 : i32
    %dma_wait3A_1162 = tpu.memref_slice %arg16[%dma_wait3A_1161] : memref<1264xi32, #tpu.memory_space<vmem>> -> memref<128xi32, #tpu.memory_space<vmem>>
    %dma_wait3A_1163 = arith.constant 0 : i32
    %dma_wait3A_1164 = arith.constant 0 : i32
    %dma_wait3A_1165 = tpu.memref_slice %arg3[%dma_wait3A_1163, %dma_wait3A_1164] : memref<400000x128xf32, #tpu.memory_space<hbm>> -> memref<400000x128xf32, #tpu.memory_space<hbm>>
    tpu.wait_indirect_dma semaphore(%arg22 : memref<!tpu.dma_semaphore, #tpu.memory_space<semaphore_mem>>) src(%dma_wait3A_1165 : memref<400000x128xf32, #tpu.memory_space<hbm>>) dst(%dma_wait3A_1160 : memref<128x128xf32, #tpu.memory_space<vmem>>)
    %mul3A_1166 = arith.constant 10000 : i32
    %mul3A_1167 = arith.muli %add3A_30, %mul3A_1166 : i32
    %add3A_1168 = arith.addi %mul3A_1167, %min3A_622 : i32
    %add3A_1169 = arith.constant 256 : i32
    %add3A_1170 = arith.addi %add3A_1168, %add3A_1169 : i32
    "tpu.region"() ({
      %run_scoped3A_1310 = tpu.sem_alloc : memref<!tpu.dma_semaphore, #tpu.memory_space<semaphore_mem>>
      %dma_start3A_1311 = arith.constant 0 : i32
      %dma_start3A_1312 = arith.constant 0 : i32
      %dma_start3A_1313 = tpu.memref_slice %arg17[%dma_start3A_1311, %dma_start3A_1312] : memref<128x128xf32, #tpu.memory_space<vmem>> -> memref<128x128xf32, #tpu.memory_space<vmem>>
      %dma_start3A_1314 = arith.constant 0 : i32
      %dma_start3A_1315 = tpu.memref_slice %arg4[%add3A_1170, %dma_start3A_1314] : memref<40000x128xf32, #tpu.memory_space<hbm>> -> memref<128x128xf32, #tpu.memory_space<hbm>>
      %dma_start3A_1316 = arith.constant 0 : i32
      %dma_start3A_1317 = tpu.memref_slice %arg4[%add3A_1170, %dma_start3A_1316] : memref<40000x128xf32, #tpu.memory_space<hbm>> -> memref<128x128xf32, #tpu.memory_space<hbm>>
      %dma_start3A_1318 = arith.constant 0 : i32
      %dma_start3A_1319 = arith.constant 0 : i32
      %dma_start3A_1320 = tpu.memref_slice %arg17[%dma_start3A_1318, %dma_start3A_1319] : memref<128x128xf32, #tpu.memory_space<vmem>> -> memref<128x128xf32, #tpu.memory_space<vmem>>
      tpu.enqueue_dma source(%dma_start3A_1320 : memref<128x128xf32, #tpu.memory_space<vmem>>) target(%dma_start3A_1317 : memref<128x128xf32, #tpu.memory_space<hbm>>) target_semaphore(%run_scoped3A_1310 : memref<!tpu.dma_semaphore, #tpu.memory_space<semaphore_mem>>)
      %dma_wait3A_1321 = arith.constant 0 : i32
      %dma_wait3A_1322 = arith.constant 0 : i32
      %dma_wait3A_1323 = tpu.memref_slice %arg17[%dma_wait3A_1321, %dma_wait3A_1322] : memref<128x128xf32, #tpu.memory_space<vmem>> -> memref<128x128xf32, #tpu.memory_space<vmem>>
      %dma_wait3A_1324 = arith.constant 0 : i32
      %dma_wait3A_1325 = tpu.memref_slice %arg4[%add3A_1170, %dma_wait3A_1324] : memref<40000x128xf32, #tpu.memory_space<hbm>> -> memref<128x128xf32, #tpu.memory_space<hbm>>
      %dma_wait3A_1326 = arith.constant 0 : i32
      %dma_wait3A_1327 = tpu.memref_slice %arg4[%add3A_1170, %dma_wait3A_1326] : memref<40000x128xf32, #tpu.memory_space<hbm>> -> memref<128x128xf32, #tpu.memory_space<hbm>>
      %dma_wait3A_1328 = arith.constant 0 : i32
      %dma_wait3A_1329 = arith.constant 0 : i32
      %dma_wait3A_1330 = tpu.memref_slice %arg17[%dma_wait3A_1328, %dma_wait3A_1329] : memref<128x128xf32, #tpu.memory_space<vmem>> -> memref<128x128xf32, #tpu.memory_space<vmem>>
      tpu.wait_dma2 semaphore(%run_scoped3A_1310 : memref<!tpu.dma_semaphore, #tpu.memory_space<semaphore_mem>>) src(%dma_wait3A_1330 : memref<128x128xf32, #tpu.memory_space<vmem>>) dst(%dma_wait3A_1327 : memref<128x128xf32, #tpu.memory_space<hbm>>)
      tpu.yield
    }) : () -> ()
    %dma_start3A_1171 = arith.constant 0 : i32
    %dma_start3A_1172 = arith.constant 0 : i32
    %dma_start3A_1173 = tpu.memref_slice %arg17[%dma_start3A_1171, %dma_start3A_1172] : memref<128x128xf32, #tpu.memory_space<vmem>> -> memref<128x128xf32, #tpu.memory_space<vmem>>
    %dma_start3A_1174 = arith.constant 512 : i32
    %dma_start3A_1175 = tpu.memref_slice %arg16[%dma_start3A_1174] : memref<1264xi32, #tpu.memory_space<vmem>> -> memref<128xi32, #tpu.memory_space<vmem>>
    %dma_start3A_1176 = arith.constant 0 : i32
    %dma_start3A_1177 = arith.constant 0 : i32
    %dma_start3A_1178 = tpu.memref_slice %arg3[%dma_start3A_1176, %dma_start3A_1177] : memref<400000x128xf32, #tpu.memory_space<hbm>> -> memref<400000x128xf32, #tpu.memory_space<hbm>>
    tpu.enqueue_indirect_dma source(%dma_start3A_1178 : memref<400000x128xf32, #tpu.memory_space<hbm>>) target(%dma_start3A_1173 : memref<128x128xf32, #tpu.memory_space<vmem>>) offsets(%dma_start3A_1175 : memref<128xi32, #tpu.memory_space<vmem>>) semaphore(%arg22 : memref<!tpu.dma_semaphore, #tpu.memory_space<semaphore_mem>>)
    %dma_wait3A_1179 = arith.constant 0 : i32
    %dma_wait3A_1180 = arith.constant 0 : i32
    %dma_wait3A_1181 = tpu.memref_slice %arg18[%dma_wait3A_1179, %dma_wait3A_1180] : memref<128x128xf32, #tpu.memory_space<vmem>> -> memref<128x128xf32, #tpu.memory_space<vmem>>
    %dma_wait3A_1182 = arith.constant 384 : i32
    %dma_wait3A_1183 = tpu.memref_slice %arg16[%dma_wait3A_1182] : memref<1264xi32, #tpu.memory_space<vmem>> -> memref<128xi32, #tpu.memory_space<vmem>>
    %dma_wait3A_1184 = arith.constant 0 : i32
    %dma_wait3A_1185 = arith.constant 0 : i32
    %dma_wait3A_1186 = tpu.memref_slice %arg3[%dma_wait3A_1184, %dma_wait3A_1185] : memref<400000x128xf32, #tpu.memory_space<hbm>> -> memref<400000x128xf32, #tpu.memory_space<hbm>>
    tpu.wait_indirect_dma semaphore(%arg23 : memref<!tpu.dma_semaphore, #tpu.memory_space<semaphore_mem>>) src(%dma_wait3A_1186 : memref<400000x128xf32, #tpu.memory_space<hbm>>) dst(%dma_wait3A_1181 : memref<128x128xf32, #tpu.memory_space<vmem>>)
    %mul3A_1187 = arith.constant 10000 : i32
    %mul3A_1188 = arith.muli %add3A_30, %mul3A_1187 : i32
    %add3A_1189 = arith.addi %mul3A_1188, %min3A_622 : i32
    %add3A_1190 = arith.constant 384 : i32
    %add3A_1191 = arith.addi %add3A_1189, %add3A_1190 : i32
    "tpu.region"() ({
      %run_scoped3A_1310 = tpu.sem_alloc : memref<!tpu.dma_semaphore, #tpu.memory_space<semaphore_mem>>
      %dma_start3A_1311 = arith.constant 0 : i32
      %dma_start3A_1312 = arith.constant 0 : i32
      %dma_start3A_1313 = tpu.memref_slice %arg18[%dma_start3A_1311, %dma_start3A_1312] : memref<128x128xf32, #tpu.memory_space<vmem>> -> memref<128x128xf32, #tpu.memory_space<vmem>>
      %dma_start3A_1314 = arith.constant 0 : i32
      %dma_start3A_1315 = tpu.memref_slice %arg4[%add3A_1191, %dma_start3A_1314] : memref<40000x128xf32, #tpu.memory_space<hbm>> -> memref<128x128xf32, #tpu.memory_space<hbm>>
      %dma_start3A_1316 = arith.constant 0 : i32
      %dma_start3A_1317 = tpu.memref_slice %arg4[%add3A_1191, %dma_start3A_1316] : memref<40000x128xf32, #tpu.memory_space<hbm>> -> memref<128x128xf32, #tpu.memory_space<hbm>>
      %dma_start3A_1318 = arith.constant 0 : i32
      %dma_start3A_1319 = arith.constant 0 : i32
      %dma_start3A_1320 = tpu.memref_slice %arg18[%dma_start3A_1318, %dma_start3A_1319] : memref<128x128xf32, #tpu.memory_space<vmem>> -> memref<128x128xf32, #tpu.memory_space<vmem>>
      tpu.enqueue_dma source(%dma_start3A_1320 : memref<128x128xf32, #tpu.memory_space<vmem>>) target(%dma_start3A_1317 : memref<128x128xf32, #tpu.memory_space<hbm>>) target_semaphore(%run_scoped3A_1310 : memref<!tpu.dma_semaphore, #tpu.memory_space<semaphore_mem>>)
      %dma_wait3A_1321 = arith.constant 0 : i32
      %dma_wait3A_1322 = arith.constant 0 : i32
      %dma_wait3A_1323 = tpu.memref_slice %arg18[%dma_wait3A_1321, %dma_wait3A_1322] : memref<128x128xf32, #tpu.memory_space<vmem>> -> memref<128x128xf32, #tpu.memory_space<vmem>>
      %dma_wait3A_1324 = arith.constant 0 : i32
      %dma_wait3A_1325 = tpu.memref_slice %arg4[%add3A_1191, %dma_wait3A_1324] : memref<40000x128xf32, #tpu.memory_space<hbm>> -> memref<128x128xf32, #tpu.memory_space<hbm>>
      %dma_wait3A_1326 = arith.constant 0 : i32
      %dma_wait3A_1327 = tpu.memref_slice %arg4[%add3A_1191, %dma_wait3A_1326] : memref<40000x128xf32, #tpu.memory_space<hbm>> -> memref<128x128xf32, #tpu.memory_space<hbm>>
      %dma_wait3A_1328 = arith.constant 0 : i32
      %dma_wait3A_1329 = arith.constant 0 : i32
      %dma_wait3A_1330 = tpu.memref_slice %arg18[%dma_wait3A_1328, %dma_wait3A_1329] : memref<128x128xf32, #tpu.memory_space<vmem>> -> memref<128x128xf32, #tpu.memory_space<vmem>>
      tpu.wait_dma2 semaphore(%run_scoped3A_1310 : memref<!tpu.dma_semaphore, #tpu.memory_space<semaphore_mem>>) src(%dma_wait3A_1330 : memref<128x128xf32, #tpu.memory_space<vmem>>) dst(%dma_wait3A_1327 : memref<128x128xf32, #tpu.memory_space<hbm>>)
      tpu.yield
    }) : () -> ()
    %dma_start3A_1192 = arith.constant 0 : i32
    %dma_start3A_1193 = arith.constant 0 : i32
    %dma_start3A_1194 = tpu.memref_slice %arg18[%dma_start3A_1192, %dma_start3A_1193] : memref<128x128xf32, #tpu.memory_space<vmem>> -> memref<128x128xf32, #tpu.memory_space<vmem>>
    %dma_start3A_1195 = arith.constant 640 : i32
    %dma_start3A_1196 = tpu.memref_slice %arg16[%dma_start3A_1195] : memref<1264xi32, #tpu.memory_space<vmem>> -> memref<128xi32, #tpu.memory_space<vmem>>
    %dma_start3A_1197 = arith.constant 0 : i32
    %dma_start3A_1198 = arith.constant 0 : i32
    %dma_start3A_1199 = tpu.memref_slice %arg3[%dma_start3A_1197, %dma_start3A_1198] : memref<400000x128xf32, #tpu.memory_space<hbm>> -> memref<400000x128xf32, #tpu.memory_space<hbm>>
    tpu.enqueue_indirect_dma source(%dma_start3A_1199 : memref<400000x128xf32, #tpu.memory_space<hbm>>) target(%dma_start3A_1194 : memref<128x128xf32, #tpu.memory_space<vmem>>) offsets(%dma_start3A_1196 : memref<128xi32, #tpu.memory_space<vmem>>) semaphore(%arg23 : memref<!tpu.dma_semaphore, #tpu.memory_space<semaphore_mem>>)
    %dma_wait3A_1200 = arith.constant 0 : i32
    %dma_wait3A_1201 = arith.constant 0 : i32
    %dma_wait3A_1202 = tpu.memref_slice %arg17[%dma_wait3A_1200, %dma_wait3A_1201] : memref<128x128xf32, #tpu.memory_space<vmem>> -> memref<128x128xf32, #tpu.memory_space<vmem>>
    %dma_wait3A_1203 = arith.constant 512 : i32
    %dma_wait3A_1204 = tpu.memref_slice %arg16[%dma_wait3A_1203] : memref<1264xi32, #tpu.memory_space<vmem>> -> memref<128xi32, #tpu.memory_space<vmem>>
    %dma_wait3A_1205 = arith.constant 0 : i32
    %dma_wait3A_1206 = arith.constant 0 : i32
    %dma_wait3A_1207 = tpu.memref_slice %arg3[%dma_wait3A_1205, %dma_wait3A_1206] : memref<400000x128xf32, #tpu.memory_space<hbm>> -> memref<400000x128xf32, #tpu.memory_space<hbm>>
    tpu.wait_indirect_dma semaphore(%arg22 : memref<!tpu.dma_semaphore, #tpu.memory_space<semaphore_mem>>) src(%dma_wait3A_1207 : memref<400000x128xf32, #tpu.memory_space<hbm>>) dst(%dma_wait3A_1202 : memref<128x128xf32, #tpu.memory_space<vmem>>)
    %mul3A_1208 = arith.constant 10000 : i32
    %mul3A_1209 = arith.muli %add3A_30, %mul3A_1208 : i32
    %add3A_1210 = arith.addi %mul3A_1209, %min3A_622 : i32
    %add3A_1211 = arith.constant 512 : i32
    %add3A_1212 = arith.addi %add3A_1210, %add3A_1211 : i32
    "tpu.region"() ({
      %run_scoped3A_1310 = tpu.sem_alloc : memref<!tpu.dma_semaphore, #tpu.memory_space<semaphore_mem>>
      %dma_start3A_1311 = arith.constant 0 : i32
      %dma_start3A_1312 = arith.constant 0 : i32
      %dma_start3A_1313 = tpu.memref_slice %arg17[%dma_start3A_1311, %dma_start3A_1312] : memref<128x128xf32, #tpu.memory_space<vmem>> -> memref<128x128xf32, #tpu.memory_space<vmem>>
      %dma_start3A_1314 = arith.constant 0 : i32
      %dma_start3A_1315 = tpu.memref_slice %arg4[%add3A_1212, %dma_start3A_1314] : memref<40000x128xf32, #tpu.memory_space<hbm>> -> memref<128x128xf32, #tpu.memory_space<hbm>>
      %dma_start3A_1316 = arith.constant 0 : i32
      %dma_start3A_1317 = tpu.memref_slice %arg4[%add3A_1212, %dma_start3A_1316] : memref<40000x128xf32, #tpu.memory_space<hbm>> -> memref<128x128xf32, #tpu.memory_space<hbm>>
      %dma_start3A_1318 = arith.constant 0 : i32
      %dma_start3A_1319 = arith.constant 0 : i32
      %dma_start3A_1320 = tpu.memref_slice %arg17[%dma_start3A_1318, %dma_start3A_1319] : memref<128x128xf32, #tpu.memory_space<vmem>> -> memref<128x128xf32, #tpu.memory_space<vmem>>
      tpu.enqueue_dma source(%dma_start3A_1320 : memref<128x128xf32, #tpu.memory_space<vmem>>) target(%dma_start3A_1317 : memref<128x128xf32, #tpu.memory_space<hbm>>) target_semaphore(%run_scoped3A_1310 : memref<!tpu.dma_semaphore, #tpu.memory_space<semaphore_mem>>)
      %dma_wait3A_1321 = arith.constant 0 : i32
      %dma_wait3A_1322 = arith.constant 0 : i32
      %dma_wait3A_1323 = tpu.memref_slice %arg17[%dma_wait3A_1321, %dma_wait3A_1322] : memref<128x128xf32, #tpu.memory_space<vmem>> -> memref<128x128xf32, #tpu.memory_space<vmem>>
      %dma_wait3A_1324 = arith.constant 0 : i32
      %dma_wait3A_1325 = tpu.memref_slice %arg4[%add3A_1212, %dma_wait3A_1324] : memref<40000x128xf32, #tpu.memory_space<hbm>> -> memref<128x128xf32, #tpu.memory_space<hbm>>
      %dma_wait3A_1326 = arith.constant 0 : i32
      %dma_wait3A_1327 = tpu.memref_slice %arg4[%add3A_1212, %dma_wait3A_1326] : memref<40000x128xf32, #tpu.memory_space<hbm>> -> memref<128x128xf32, #tpu.memory_space<hbm>>
      %dma_wait3A_1328 = arith.constant 0 : i32
      %dma_wait3A_1329 = arith.constant 0 : i32
      %dma_wait3A_1330 = tpu.memref_slice %arg17[%dma_wait3A_1328, %dma_wait3A_1329] : memref<128x128xf32, #tpu.memory_space<vmem>> -> memref<128x128xf32, #tpu.memory_space<vmem>>
      tpu.wait_dma2 semaphore(%run_scoped3A_1310 : memref<!tpu.dma_semaphore, #tpu.memory_space<semaphore_mem>>) src(%dma_wait3A_1330 : memref<128x128xf32, #tpu.memory_space<vmem>>) dst(%dma_wait3A_1327 : memref<128x128xf32, #tpu.memory_space<hbm>>)
      tpu.yield
    }) : () -> ()
    %dma_start3A_1213 = arith.constant 0 : i32
    %dma_start3A_1214 = arith.constant 0 : i32
    %dma_start3A_1215 = tpu.memref_slice %arg17[%dma_start3A_1213, %dma_start3A_1214] : memref<128x128xf32, #tpu.memory_space<vmem>> -> memref<128x128xf32, #tpu.memory_space<vmem>>
    %dma_start3A_1216 = arith.constant 768 : i32
    %dma_start3A_1217 = tpu.memref_slice %arg16[%dma_start3A_1216] : memref<1264xi32, #tpu.memory_space<vmem>> -> memref<128xi32, #tpu.memory_space<vmem>>
    %dma_start3A_1218 = arith.constant 0 : i32
    %dma_start3A_1219 = arith.constant 0 : i32
    %dma_start3A_1220 = tpu.memref_slice %arg3[%dma_start3A_1218, %dma_start3A_1219] : memref<400000x128xf32, #tpu.memory_space<hbm>> -> memref<400000x128xf32, #tpu.memory_space<hbm>>
    tpu.enqueue_indirect_dma source(%dma_start3A_1220 : memref<400000x128xf32, #tpu.memory_space<hbm>>) target(%dma_start3A_1215 : memref<128x128xf32, #tpu.memory_space<vmem>>) offsets(%dma_start3A_1217 : memref<128xi32, #tpu.memory_space<vmem>>) semaphore(%arg22 : memref<!tpu.dma_semaphore, #tpu.memory_space<semaphore_mem>>)
    %dma_wait3A_1221 = arith.constant 0 : i32
    %dma_wait3A_1222 = arith.constant 0 : i32
    %dma_wait3A_1223 = tpu.memref_slice %arg18[%dma_wait3A_1221, %dma_wait3A_1222] : memref<128x128xf32, #tpu.memory_space<vmem>> -> memref<128x128xf32, #tpu.memory_space<vmem>>
    %dma_wait3A_1224 = arith.constant 640 : i32
    %dma_wait3A_1225 = tpu.memref_slice %arg16[%dma_wait3A_1224] : memref<1264xi32, #tpu.memory_space<vmem>> -> memref<128xi32, #tpu.memory_space<vmem>>
    %dma_wait3A_1226 = arith.constant 0 : i32
    %dma_wait3A_1227 = arith.constant 0 : i32
    %dma_wait3A_1228 = tpu.memref_slice %arg3[%dma_wait3A_1226, %dma_wait3A_1227] : memref<400000x128xf32, #tpu.memory_space<hbm>> -> memref<400000x128xf32, #tpu.memory_space<hbm>>
    tpu.wait_indirect_dma semaphore(%arg23 : memref<!tpu.dma_semaphore, #tpu.memory_space<semaphore_mem>>) src(%dma_wait3A_1228 : memref<400000x128xf32, #tpu.memory_space<hbm>>) dst(%dma_wait3A_1223 : memref<128x128xf32, #tpu.memory_space<vmem>>)
    %mul3A_1229 = arith.constant 10000 : i32
    %mul3A_1230 = arith.muli %add3A_30, %mul3A_1229 : i32
    %add3A_1231 = arith.addi %mul3A_1230, %min3A_622 : i32
    %add3A_1232 = arith.constant 640 : i32
    %add3A_1233 = arith.addi %add3A_1231, %add3A_1232 : i32
    "tpu.region"() ({
      %run_scoped3A_1310 = tpu.sem_alloc : memref<!tpu.dma_semaphore, #tpu.memory_space<semaphore_mem>>
      %dma_start3A_1311 = arith.constant 0 : i32
      %dma_start3A_1312 = arith.constant 0 : i32
      %dma_start3A_1313 = tpu.memref_slice %arg18[%dma_start3A_1311, %dma_start3A_1312] : memref<128x128xf32, #tpu.memory_space<vmem>> -> memref<128x128xf32, #tpu.memory_space<vmem>>
      %dma_start3A_1314 = arith.constant 0 : i32
      %dma_start3A_1315 = tpu.memref_slice %arg4[%add3A_1233, %dma_start3A_1314] : memref<40000x128xf32, #tpu.memory_space<hbm>> -> memref<128x128xf32, #tpu.memory_space<hbm>>
      %dma_start3A_1316 = arith.constant 0 : i32
      %dma_start3A_1317 = tpu.memref_slice %arg4[%add3A_1233, %dma_start3A_1316] : memref<40000x128xf32, #tpu.memory_space<hbm>> -> memref<128x128xf32, #tpu.memory_space<hbm>>
      %dma_start3A_1318 = arith.constant 0 : i32
      %dma_start3A_1319 = arith.constant 0 : i32
      %dma_start3A_1320 = tpu.memref_slice %arg18[%dma_start3A_1318, %dma_start3A_1319] : memref<128x128xf32, #tpu.memory_space<vmem>> -> memref<128x128xf32, #tpu.memory_space<vmem>>
      tpu.enqueue_dma source(%dma_start3A_1320 : memref<128x128xf32, #tpu.memory_space<vmem>>) target(%dma_start3A_1317 : memref<128x128xf32, #tpu.memory_space<hbm>>) target_semaphore(%run_scoped3A_1310 : memref<!tpu.dma_semaphore, #tpu.memory_space<semaphore_mem>>)
      %dma_wait3A_1321 = arith.constant 0 : i32
      %dma_wait3A_1322 = arith.constant 0 : i32
      %dma_wait3A_1323 = tpu.memref_slice %arg18[%dma_wait3A_1321, %dma_wait3A_1322] : memref<128x128xf32, #tpu.memory_space<vmem>> -> memref<128x128xf32, #tpu.memory_space<vmem>>
      %dma_wait3A_1324 = arith.constant 0 : i32
      %dma_wait3A_1325 = tpu.memref_slice %arg4[%add3A_1233, %dma_wait3A_1324] : memref<40000x128xf32, #tpu.memory_space<hbm>> -> memref<128x128xf32, #tpu.memory_space<hbm>>
      %dma_wait3A_1326 = arith.constant 0 : i32
      %dma_wait3A_1327 = tpu.memref_slice %arg4[%add3A_1233, %dma_wait3A_1326] : memref<40000x128xf32, #tpu.memory_space<hbm>> -> memref<128x128xf32, #tpu.memory_space<hbm>>
      %dma_wait3A_1328 = arith.constant 0 : i32
      %dma_wait3A_1329 = arith.constant 0 : i32
      %dma_wait3A_1330 = tpu.memref_slice %arg18[%dma_wait3A_1328, %dma_wait3A_1329] : memref<128x128xf32, #tpu.memory_space<vmem>> -> memref<128x128xf32, #tpu.memory_space<vmem>>
      tpu.wait_dma2 semaphore(%run_scoped3A_1310 : memref<!tpu.dma_semaphore, #tpu.memory_space<semaphore_mem>>) src(%dma_wait3A_1330 : memref<128x128xf32, #tpu.memory_space<vmem>>) dst(%dma_wait3A_1327 : memref<128x128xf32, #tpu.memory_space<hbm>>)
      tpu.yield
    }) : () -> ()
    %dma_start3A_1234 = arith.constant 0 : i32
    %dma_start3A_1235 = arith.constant 0 : i32
    %dma_start3A_1236 = tpu.memref_slice %arg18[%dma_start3A_1234, %dma_start3A_1235] : memref<128x128xf32, #tpu.memory_space<vmem>> -> memref<128x128xf32, #tpu.memory_space<vmem>>
    %dma_start3A_1237 = arith.constant 896 : i32
    %dma_start3A_1238 = tpu.memref_slice %arg16[%dma_start3A_1237] : memref<1264xi32, #tpu.memory_space<vmem>> -> memref<128xi32, #tpu.memory_space<vmem>>
    %dma_start3A_1239 = arith.constant 0 : i32
    %dma_start3A_1240 = arith.constant 0 : i32
    %dma_start3A_1241 = tpu.memref_slice %arg3[%dma_start3A_1239, %dma_start3A_1240] : memref<400000x128xf32, #tpu.memory_space<hbm>> -> memref<400000x128xf32, #tpu.memory_space<hbm>>
    tpu.enqueue_indirect_dma source(%dma_start3A_1241 : memref<400000x128xf32, #tpu.memory_space<hbm>>) target(%dma_start3A_1236 : memref<128x128xf32, #tpu.memory_space<vmem>>) offsets(%dma_start3A_1238 : memref<128xi32, #tpu.memory_space<vmem>>) semaphore(%arg23 : memref<!tpu.dma_semaphore, #tpu.memory_space<semaphore_mem>>)
    %dma_wait3A_1242 = arith.constant 0 : i32
    %dma_wait3A_1243 = arith.constant 0 : i32
    %dma_wait3A_1244 = tpu.memref_slice %arg17[%dma_wait3A_1242, %dma_wait3A_1243] : memref<128x128xf32, #tpu.memory_space<vmem>> -> memref<128x128xf32, #tpu.memory_space<vmem>>
    %dma_wait3A_1245 = arith.constant 768 : i32
    %dma_wait3A_1246 = tpu.memref_slice %arg16[%dma_wait3A_1245] : memref<1264xi32, #tpu.memory_space<vmem>> -> memref<128xi32, #tpu.memory_space<vmem>>
    %dma_wait3A_1247 = arith.constant 0 : i32
    %dma_wait3A_1248 = arith.constant 0 : i32
    %dma_wait3A_1249 = tpu.memref_slice %arg3[%dma_wait3A_1247, %dma_wait3A_1248] : memref<400000x128xf32, #tpu.memory_space<hbm>> -> memref<400000x128xf32, #tpu.memory_space<hbm>>
    tpu.wait_indirect_dma semaphore(%arg22 : memref<!tpu.dma_semaphore, #tpu.memory_space<semaphore_mem>>) src(%dma_wait3A_1249 : memref<400000x128xf32, #tpu.memory_space<hbm>>) dst(%dma_wait3A_1244 : memref<128x128xf32, #tpu.memory_space<vmem>>)
    %mul3A_1250 = arith.constant 10000 : i32
    %mul3A_1251 = arith.muli %add3A_30, %mul3A_1250 : i32
    %add3A_1252 = arith.addi %mul3A_1251, %min3A_622 : i32
    %add3A_1253 = arith.constant 768 : i32
    %add3A_1254 = arith.addi %add3A_1252, %add3A_1253 : i32
    "tpu.region"() ({
      %run_scoped3A_1310 = tpu.sem_alloc : memref<!tpu.dma_semaphore, #tpu.memory_space<semaphore_mem>>
      %dma_start3A_1311 = arith.constant 0 : i32
      %dma_start3A_1312 = arith.constant 0 : i32
      %dma_start3A_1313 = tpu.memref_slice %arg17[%dma_start3A_1311, %dma_start3A_1312] : memref<128x128xf32, #tpu.memory_space<vmem>> -> memref<128x128xf32, #tpu.memory_space<vmem>>
      %dma_start3A_1314 = arith.constant 0 : i32
      %dma_start3A_1315 = tpu.memref_slice %arg4[%add3A_1254, %dma_start3A_1314] : memref<40000x128xf32, #tpu.memory_space<hbm>> -> memref<128x128xf32, #tpu.memory_space<hbm>>
      %dma_start3A_1316 = arith.constant 0 : i32
      %dma_start3A_1317 = tpu.memref_slice %arg4[%add3A_1254, %dma_start3A_1316] : memref<40000x128xf32, #tpu.memory_space<hbm>> -> memref<128x128xf32, #tpu.memory_space<hbm>>
      %dma_start3A_1318 = arith.constant 0 : i32
      %dma_start3A_1319 = arith.constant 0 : i32
      %dma_start3A_1320 = tpu.memref_slice %arg17[%dma_start3A_1318, %dma_start3A_1319] : memref<128x128xf32, #tpu.memory_space<vmem>> -> memref<128x128xf32, #tpu.memory_space<vmem>>
      tpu.enqueue_dma source(%dma_start3A_1320 : memref<128x128xf32, #tpu.memory_space<vmem>>) target(%dma_start3A_1317 : memref<128x128xf32, #tpu.memory_space<hbm>>) target_semaphore(%run_scoped3A_1310 : memref<!tpu.dma_semaphore, #tpu.memory_space<semaphore_mem>>)
      %dma_wait3A_1321 = arith.constant 0 : i32
      %dma_wait3A_1322 = arith.constant 0 : i32
      %dma_wait3A_1323 = tpu.memref_slice %arg17[%dma_wait3A_1321, %dma_wait3A_1322] : memref<128x128xf32, #tpu.memory_space<vmem>> -> memref<128x128xf32, #tpu.memory_space<vmem>>
      %dma_wait3A_1324 = arith.constant 0 : i32
      %dma_wait3A_1325 = tpu.memref_slice %arg4[%add3A_1254, %dma_wait3A_1324] : memref<40000x128xf32, #tpu.memory_space<hbm>> -> memref<128x128xf32, #tpu.memory_space<hbm>>
      %dma_wait3A_1326 = arith.constant 0 : i32
      %dma_wait3A_1327 = tpu.memref_slice %arg4[%add3A_1254, %dma_wait3A_1326] : memref<40000x128xf32, #tpu.memory_space<hbm>> -> memref<128x128xf32, #tpu.memory_space<hbm>>
      %dma_wait3A_1328 = arith.constant 0 : i32
      %dma_wait3A_1329 = arith.constant 0 : i32
      %dma_wait3A_1330 = tpu.memref_slice %arg17[%dma_wait3A_1328, %dma_wait3A_1329] : memref<128x128xf32, #tpu.memory_space<vmem>> -> memref<128x128xf32, #tpu.memory_space<vmem>>
      tpu.wait_dma2 semaphore(%run_scoped3A_1310 : memref<!tpu.dma_semaphore, #tpu.memory_space<semaphore_mem>>) src(%dma_wait3A_1330 : memref<128x128xf32, #tpu.memory_space<vmem>>) dst(%dma_wait3A_1327 : memref<128x128xf32, #tpu.memory_space<hbm>>)
      tpu.yield
    }) : () -> ()
    %dma_start3A_1255 = arith.constant 0 : i32
    %dma_start3A_1256 = arith.constant 0 : i32
    %dma_start3A_1257 = tpu.memref_slice %arg17[%dma_start3A_1255, %dma_start3A_1256] : memref<128x128xf32, #tpu.memory_space<vmem>> -> memref<128x128xf32, #tpu.memory_space<vmem>>
    %dma_start3A_1258 = arith.constant 1024 : i32
    %dma_start3A_1259 = tpu.memref_slice %arg16[%dma_start3A_1258] : memref<1264xi32, #tpu.memory_space<vmem>> -> memref<128xi32, #tpu.memory_space<vmem>>
    %dma_start3A_1260 = arith.constant 0 : i32
    %dma_start3A_1261 = arith.constant 0 : i32
    %dma_start3A_1262 = tpu.memref_slice %arg3[%dma_start3A_1260, %dma_start3A_1261] : memref<400000x128xf32, #tpu.memory_space<hbm>> -> memref<400000x128xf32, #tpu.memory_space<hbm>>
    tpu.enqueue_indirect_dma source(%dma_start3A_1262 : memref<400000x128xf32, #tpu.memory_space<hbm>>) target(%dma_start3A_1257 : memref<128x128xf32, #tpu.memory_space<vmem>>) offsets(%dma_start3A_1259 : memref<128xi32, #tpu.memory_space<vmem>>) semaphore(%arg22 : memref<!tpu.dma_semaphore, #tpu.memory_space<semaphore_mem>>)
    %dma_wait3A_1263 = arith.constant 0 : i32
    %dma_wait3A_1264 = arith.constant 0 : i32
    %dma_wait3A_1265 = tpu.memref_slice %arg18[%dma_wait3A_1263, %dma_wait3A_1264] : memref<128x128xf32, #tpu.memory_space<vmem>> -> memref<128x128xf32, #tpu.memory_space<vmem>>
    %dma_wait3A_1266 = arith.constant 896 : i32
    %dma_wait3A_1267 = tpu.memref_slice %arg16[%dma_wait3A_1266] : memref<1264xi32, #tpu.memory_space<vmem>> -> memref<128xi32, #tpu.memory_space<vmem>>
    %dma_wait3A_1268 = arith.constant 0 : i32
    %dma_wait3A_1269 = arith.constant 0 : i32
    %dma_wait3A_1270 = tpu.memref_slice %arg3[%dma_wait3A_1268, %dma_wait3A_1269] : memref<400000x128xf32, #tpu.memory_space<hbm>> -> memref<400000x128xf32, #tpu.memory_space<hbm>>
    tpu.wait_indirect_dma semaphore(%arg23 : memref<!tpu.dma_semaphore, #tpu.memory_space<semaphore_mem>>) src(%dma_wait3A_1270 : memref<400000x128xf32, #tpu.memory_space<hbm>>) dst(%dma_wait3A_1265 : memref<128x128xf32, #tpu.memory_space<vmem>>)
    %mul3A_1271 = arith.constant 10000 : i32
    %mul3A_1272 = arith.muli %add3A_30, %mul3A_1271 : i32
    %add3A_1273 = arith.addi %mul3A_1272, %min3A_622 : i32
    %add3A_1274 = arith.constant 896 : i32
    %add3A_1275 = arith.addi %add3A_1273, %add3A_1274 : i32
    "tpu.region"() ({
      %run_scoped3A_1310 = tpu.sem_alloc : memref<!tpu.dma_semaphore, #tpu.memory_space<semaphore_mem>>
      %dma_start3A_1311 = arith.constant 0 : i32
      %dma_start3A_1312 = arith.constant 0 : i32
      %dma_start3A_1313 = tpu.memref_slice %arg18[%dma_start3A_1311, %dma_start3A_1312] : memref<128x128xf32, #tpu.memory_space<vmem>> -> memref<128x128xf32, #tpu.memory_space<vmem>>
      %dma_start3A_1314 = arith.constant 0 : i32
      %dma_start3A_1315 = tpu.memref_slice %arg4[%add3A_1275, %dma_start3A_1314] : memref<40000x128xf32, #tpu.memory_space<hbm>> -> memref<128x128xf32, #tpu.memory_space<hbm>>
      %dma_start3A_1316 = arith.constant 0 : i32
      %dma_start3A_1317 = tpu.memref_slice %arg4[%add3A_1275, %dma_start3A_1316] : memref<40000x128xf32, #tpu.memory_space<hbm>> -> memref<128x128xf32, #tpu.memory_space<hbm>>
      %dma_start3A_1318 = arith.constant 0 : i32
      %dma_start3A_1319 = arith.constant 0 : i32
      %dma_start3A_1320 = tpu.memref_slice %arg18[%dma_start3A_1318, %dma_start3A_1319] : memref<128x128xf32, #tpu.memory_space<vmem>> -> memref<128x128xf32, #tpu.memory_space<vmem>>
      tpu.enqueue_dma source(%dma_start3A_1320 : memref<128x128xf32, #tpu.memory_space<vmem>>) target(%dma_start3A_1317 : memref<128x128xf32, #tpu.memory_space<hbm>>) target_semaphore(%run_scoped3A_1310 : memref<!tpu.dma_semaphore, #tpu.memory_space<semaphore_mem>>)
      %dma_wait3A_1321 = arith.constant 0 : i32
      %dma_wait3A_1322 = arith.constant 0 : i32
      %dma_wait3A_1323 = tpu.memref_slice %arg18[%dma_wait3A_1321, %dma_wait3A_1322] : memref<128x128xf32, #tpu.memory_space<vmem>> -> memref<128x128xf32, #tpu.memory_space<vmem>>
      %dma_wait3A_1324 = arith.constant 0 : i32
      %dma_wait3A_1325 = tpu.memref_slice %arg4[%add3A_1275, %dma_wait3A_1324] : memref<40000x128xf32, #tpu.memory_space<hbm>> -> memref<128x128xf32, #tpu.memory_space<hbm>>
      %dma_wait3A_1326 = arith.constant 0 : i32
      %dma_wait3A_1327 = tpu.memref_slice %arg4[%add3A_1275, %dma_wait3A_1326] : memref<40000x128xf32, #tpu.memory_space<hbm>> -> memref<128x128xf32, #tpu.memory_space<hbm>>
      %dma_wait3A_1328 = arith.constant 0 : i32
      %dma_wait3A_1329 = arith.constant 0 : i32
      %dma_wait3A_1330 = tpu.memref_slice %arg18[%dma_wait3A_1328, %dma_wait3A_1329] : memref<128x128xf32, #tpu.memory_space<vmem>> -> memref<128x128xf32, #tpu.memory_space<vmem>>
      tpu.wait_dma2 semaphore(%run_scoped3A_1310 : memref<!tpu.dma_semaphore, #tpu.memory_space<semaphore_mem>>) src(%dma_wait3A_1330 : memref<128x128xf32, #tpu.memory_space<vmem>>) dst(%dma_wait3A_1327 : memref<128x128xf32, #tpu.memory_space<hbm>>)
      tpu.yield
    }) : () -> ()
    %dma_start3A_1276 = arith.constant 0 : i32
    %dma_start3A_1277 = arith.constant 0 : i32
    %dma_start3A_1278 = tpu.memref_slice %arg18[%dma_start3A_1276, %dma_start3A_1277] : memref<128x128xf32, #tpu.memory_space<vmem>> -> memref<112x128xf32, #tpu.memory_space<vmem>>
    %dma_start3A_1279 = arith.constant 1152 : i32
    %dma_start3A_1280 = tpu.memref_slice %arg16[%dma_start3A_1279] : memref<1264xi32, #tpu.memory_space<vmem>> -> memref<112xi32, #tpu.memory_space<vmem>>
    %dma_start3A_1281 = arith.constant 0 : i32
    %dma_start3A_1282 = arith.constant 0 : i32
    %dma_start3A_1283 = tpu.memref_slice %arg3[%dma_start3A_1281, %dma_start3A_1282] : memref<400000x128xf32, #tpu.memory_space<hbm>> -> memref<400000x128xf32, #tpu.memory_space<hbm>>
    tpu.enqueue_indirect_dma source(%dma_start3A_1283 : memref<400000x128xf32, #tpu.memory_space<hbm>>) target(%dma_start3A_1278 : memref<112x128xf32, #tpu.memory_space<vmem>>) offsets(%dma_start3A_1280 : memref<112xi32, #tpu.memory_space<vmem>>) semaphore(%arg23 : memref<!tpu.dma_semaphore, #tpu.memory_space<semaphore_mem>>)
    %dma_wait3A_1284 = arith.constant 0 : i32
    %dma_wait3A_1285 = arith.constant 0 : i32
    %dma_wait3A_1286 = tpu.memref_slice %arg17[%dma_wait3A_1284, %dma_wait3A_1285] : memref<128x128xf32, #tpu.memory_space<vmem>> -> memref<128x128xf32, #tpu.memory_space<vmem>>
    %dma_wait3A_1287 = arith.constant 1024 : i32
    %dma_wait3A_1288 = tpu.memref_slice %arg16[%dma_wait3A_1287] : memref<1264xi32, #tpu.memory_space<vmem>> -> memref<128xi32, #tpu.memory_space<vmem>>
    %dma_wait3A_1289 = arith.constant 0 : i32
    %dma_wait3A_1290 = arith.constant 0 : i32
    %dma_wait3A_1291 = tpu.memref_slice %arg3[%dma_wait3A_1289, %dma_wait3A_1290] : memref<400000x128xf32, #tpu.memory_space<hbm>> -> memref<400000x128xf32, #tpu.memory_space<hbm>>
    tpu.wait_indirect_dma semaphore(%arg22 : memref<!tpu.dma_semaphore, #tpu.memory_space<semaphore_mem>>) src(%dma_wait3A_1291 : memref<400000x128xf32, #tpu.memory_space<hbm>>) dst(%dma_wait3A_1286 : memref<128x128xf32, #tpu.memory_space<vmem>>)
    %mul3A_1292 = arith.constant 10000 : i32
    %mul3A_1293 = arith.muli %add3A_30, %mul3A_1292 : i32
    %add3A_1294 = arith.addi %mul3A_1293, %min3A_622 : i32
    %add3A_1295 = arith.constant 1024 : i32
    %add3A_1296 = arith.addi %add3A_1294, %add3A_1295 : i32
    "tpu.region"() ({
      %run_scoped3A_1310 = tpu.sem_alloc : memref<!tpu.dma_semaphore, #tpu.memory_space<semaphore_mem>>
      %dma_start3A_1311 = arith.constant 0 : i32
      %dma_start3A_1312 = arith.constant 0 : i32
      %dma_start3A_1313 = tpu.memref_slice %arg17[%dma_start3A_1311, %dma_start3A_1312] : memref<128x128xf32, #tpu.memory_space<vmem>> -> memref<128x128xf32, #tpu.memory_space<vmem>>
      %dma_start3A_1314 = arith.constant 0 : i32
      %dma_start3A_1315 = tpu.memref_slice %arg4[%add3A_1296, %dma_start3A_1314] : memref<40000x128xf32, #tpu.memory_space<hbm>> -> memref<128x128xf32, #tpu.memory_space<hbm>>
      %dma_start3A_1316 = arith.constant 0 : i32
      %dma_start3A_1317 = tpu.memref_slice %arg4[%add3A_1296, %dma_start3A_1316] : memref<40000x128xf32, #tpu.memory_space<hbm>> -> memref<128x128xf32, #tpu.memory_space<hbm>>
      %dma_start3A_1318 = arith.constant 0 : i32
      %dma_start3A_1319 = arith.constant 0 : i32
      %dma_start3A_1320 = tpu.memref_slice %arg17[%dma_start3A_1318, %dma_start3A_1319] : memref<128x128xf32, #tpu.memory_space<vmem>> -> memref<128x128xf32, #tpu.memory_space<vmem>>
      tpu.enqueue_dma source(%dma_start3A_1320 : memref<128x128xf32, #tpu.memory_space<vmem>>) target(%dma_start3A_1317 : memref<128x128xf32, #tpu.memory_space<hbm>>) target_semaphore(%run_scoped3A_1310 : memref<!tpu.dma_semaphore, #tpu.memory_space<semaphore_mem>>)
      %dma_wait3A_1321 = arith.constant 0 : i32
      %dma_wait3A_1322 = arith.constant 0 : i32
      %dma_wait3A_1323 = tpu.memref_slice %arg17[%dma_wait3A_1321, %dma_wait3A_1322] : memref<128x128xf32, #tpu.memory_space<vmem>> -> memref<128x128xf32, #tpu.memory_space<vmem>>
      %dma_wait3A_1324 = arith.constant 0 : i32
      %dma_wait3A_1325 = tpu.memref_slice %arg4[%add3A_1296, %dma_wait3A_1324] : memref<40000x128xf32, #tpu.memory_space<hbm>> -> memref<128x128xf32, #tpu.memory_space<hbm>>
      %dma_wait3A_1326 = arith.constant 0 : i32
      %dma_wait3A_1327 = tpu.memref_slice %arg4[%add3A_1296, %dma_wait3A_1326] : memref<40000x128xf32, #tpu.memory_space<hbm>> -> memref<128x128xf32, #tpu.memory_space<hbm>>
      %dma_wait3A_1328 = arith.constant 0 : i32
      %dma_wait3A_1329 = arith.constant 0 : i32
      %dma_wait3A_1330 = tpu.memref_slice %arg17[%dma_wait3A_1328, %dma_wait3A_1329] : memref<128x128xf32, #tpu.memory_space<vmem>> -> memref<128x128xf32, #tpu.memory_space<vmem>>
      tpu.wait_dma2 semaphore(%run_scoped3A_1310 : memref<!tpu.dma_semaphore, #tpu.memory_space<semaphore_mem>>) src(%dma_wait3A_1330 : memref<128x128xf32, #tpu.memory_space<vmem>>) dst(%dma_wait3A_1327 : memref<128x128xf32, #tpu.memory_space<hbm>>)
      tpu.yield
    }) : () -> ()
    %dma_wait3A_1297 = arith.constant 0 : i32
    %dma_wait3A_1298 = arith.constant 0 : i32
    %dma_wait3A_1299 = tpu.memref_slice %arg18[%dma_wait3A_1297, %dma_wait3A_1298] : memref<128x128xf32, #tpu.memory_space<vmem>> -> memref<112x128xf32, #tpu.memory_space<vmem>>
    %dma_wait3A_1300 = arith.constant 1152 : i32
    %dma_wait3A_1301 = tpu.memref_slice %arg16[%dma_wait3A_1300] : memref<1264xi32, #tpu.memory_space<vmem>> -> memref<112xi32, #tpu.memory_space<vmem>>
    %dma_wait3A_1302 = arith.constant 0 : i32
    %dma_wait3A_1303 = arith.constant 0 : i32
    %dma_wait3A_1304 = tpu.memref_slice %arg3[%dma_wait3A_1302, %dma_wait3A_1303] : memref<400000x128xf32, #tpu.memory_space<hbm>> -> memref<400000x128xf32, #tpu.memory_space<hbm>>
    tpu.wait_indirect_dma semaphore(%arg23 : memref<!tpu.dma_semaphore, #tpu.memory_space<semaphore_mem>>) src(%dma_wait3A_1304 : memref<400000x128xf32, #tpu.memory_space<hbm>>) dst(%dma_wait3A_1299 : memref<112x128xf32, #tpu.memory_space<vmem>>)
    %mul3A_1305 = arith.constant 10000 : i32
    %mul3A_1306 = arith.muli %add3A_30, %mul3A_1305 : i32
    %add3A_1307 = arith.addi %mul3A_1306, %min3A_622 : i32
    %add3A_1308 = arith.constant 1152 : i32
    %add3A_1309 = arith.addi %add3A_1307, %add3A_1308 : i32
    "tpu.region"() ({
      %run_scoped3A_1310 = tpu.sem_alloc : memref<!tpu.dma_semaphore, #tpu.memory_space<semaphore_mem>>
      %dma_start3A_1311 = arith.constant 0 : i32
      %dma_start3A_1312 = arith.constant 0 : i32
      %dma_start3A_1313 = tpu.memref_slice %arg18[%dma_start3A_1311, %dma_start3A_1312] : memref<128x128xf32, #tpu.memory_space<vmem>> -> memref<112x128xf32, #tpu.memory_space<vmem>>
      %dma_start3A_1314 = arith.constant 0 : i32
      %dma_start3A_1315 = tpu.memref_slice %arg4[%add3A_1309, %dma_start3A_1314] : memref<40000x128xf32, #tpu.memory_space<hbm>> -> memref<112x128xf32, #tpu.memory_space<hbm>>
      %dma_start3A_1316 = arith.constant 0 : i32
      %dma_start3A_1317 = tpu.memref_slice %arg4[%add3A_1309, %dma_start3A_1316] : memref<40000x128xf32, #tpu.memory_space<hbm>> -> memref<112x128xf32, #tpu.memory_space<hbm>>
      %dma_start3A_1318 = arith.constant 0 : i32
      %dma_start3A_1319 = arith.constant 0 : i32
      %dma_start3A_1320 = tpu.memref_slice %arg18[%dma_start3A_1318, %dma_start3A_1319] : memref<128x128xf32, #tpu.memory_space<vmem>> -> memref<112x128xf32, #tpu.memory_space<vmem>>
      tpu.enqueue_dma source(%dma_start3A_1320 : memref<112x128xf32, #tpu.memory_space<vmem>>) target(%dma_start3A_1317 : memref<112x128xf32, #tpu.memory_space<hbm>>) target_semaphore(%run_scoped3A_1310 : memref<!tpu.dma_semaphore, #tpu.memory_space<semaphore_mem>>)
      %dma_wait3A_1321 = arith.constant 0 : i32
      %dma_wait3A_1322 = arith.constant 0 : i32
      %dma_wait3A_1323 = tpu.memref_slice %arg18[%dma_wait3A_1321, %dma_wait3A_1322] : memref<128x128xf32, #tpu.memory_space<vmem>> -> memref<112x128xf32, #tpu.memory_space<vmem>>
      %dma_wait3A_1324 = arith.constant 0 : i32
      %dma_wait3A_1325 = tpu.memref_slice %arg4[%add3A_1309, %dma_wait3A_1324] : memref<40000x128xf32, #tpu.memory_space<hbm>> -> memref<112x128xf32, #tpu.memory_space<hbm>>
      %dma_wait3A_1326 = arith.constant 0 : i32
      %dma_wait3A_1327 = tpu.memref_slice %arg4[%add3A_1309, %dma_wait3A_1326] : memref<40000x128xf32, #tpu.memory_space<hbm>> -> memref<112x128xf32, #tpu.memory_space<hbm>>
      %dma_wait3A_1328 = arith.constant 0 : i32
      %dma_wait3A_1329 = arith.constant 0 : i32
      %dma_wait3A_1330 = tpu.memref_slice %arg18[%dma_wait3A_1328, %dma_wait3A_1329] : memref<128x128xf32, #tpu.memory_space<vmem>> -> memref<112x128xf32, #tpu.memory_space<vmem>>
      tpu.wait_dma2 semaphore(%run_scoped3A_1310 : memref<!tpu.dma_semaphore, #tpu.memory_space<semaphore_mem>>) src(%dma_wait3A_1330 : memref<112x128xf32, #tpu.memory_space<vmem>>) dst(%dma_wait3A_1327 : memref<112x128xf32, #tpu.memory_space<hbm>>)
      tpu.yield
    }) : () -> ()
    return
  }
}

module attributes {stable_mosaic.version = 14 : i64} {
  func.func @_score_body(%arg0: i32, %arg1: i32, %arg2: memref<1x16384x128xf32, #tpu.memory_space<vmem>>, %arg3: memref<1x128xf32, #tpu.memory_space<vmem>>, %arg4: memref<1x1xf32, #tpu.memory_space<vmem>>, %arg5: memref<1x1x1x16384xf32, #tpu.memory_space<vmem>>) attributes {dimension_semantics = [#tpu.dimension_semantics<arbitrary>, #tpu.dimension_semantics<arbitrary>], iteration_bounds = array<i64: 4, 7>, scalar_prefetch = 0 : i64, scratch_operands = 0 : i64, tpu.core_type = #tpu.core_type<tc>, window_params = [{transform_indices = @transform_0, window_bounds = array<i64: 1, 16384, 128>}, {pipeline_mode = #tpu.pipeline_mode<synchronous>, transform_indices = @transform_1, window_bounds = array<i64: 1, 128>}, {pipeline_mode = #tpu.pipeline_mode<synchronous>, transform_indices = @transform_2, window_bounds = array<i64: 1, 1>}, {transform_indices = @transform_3, window_bounds = array<i64: 1, 1, 1, 16384>}]} {
    %get3A = arith.constant 0 : index
    %get3A_0 = arith.constant 0 : index
    %get3A_1 = arith.constant 0 : index
    %get3A_2 = vector.load %arg2[%get3A, %get3A_0, %get3A_1] : memref<1x16384x128xf32, #tpu.memory_space<vmem>>, vector<1x16384x128xf32>
    %get3A_3 = vector.shape_cast %get3A_2 : vector<1x16384x128xf32> to vector<16384x128xf32>
    %get3A_4 = arith.constant 0 : index
    %get3A_5 = arith.constant 0 : index
    %get3A_6 = vector.load %arg3[%get3A_4, %get3A_5] : memref<1x128xf32, #tpu.memory_space<vmem>>, vector<1x128xf32>
    %dot_general3A = arith.constant dense<0.000000e+00> : vector<1x16384xf32>
    %dot_general3A_7 = tpu.matmul %get3A_6, %get3A_3, %dot_general3A {dimension_numbers = #tpu.dot_dimension_numbers<[1], [1], [0], [0], [0, 0, 1, 0], [], []>, transpose_lhs_hint = false} : vector<1x128xf32>, vector<16384x128xf32>, vector<1x16384xf32> -> vector<1x16384xf32>
    %get3A_8 = arith.constant 0 : index
    %get3A_9 = arith.constant 0 : index
    %get3A_10 = vector.load %arg4[%get3A_8, %get3A_9] : memref<1x1xf32, #tpu.memory_space<vmem>>, vector<1x1xf32>
    %get3A_11 = vector.extract %get3A_10[0, 0] : f32 from vector<1x1xf32>
    %add3A = vector.broadcast %get3A_11 : f32 to vector<1x16384xf32>
    %add3A_12 = arith.addf %dot_general3A_7, %add3A : vector<1x16384xf32>
    %mul3A = arith.constant 16384 : i32
    %mul3A_13 = arith.muli %arg1, %mul3A : i32
    %iota3A = tpu.iota {dimensions = array<i32: 1>} : vector<1x16384xi32>
    %add3A_14 = vector.broadcast %mul3A_13 : i32 to vector<1x16384xi32>
    %add3A_15 = arith.addi %add3A_14, %iota3A : vector<1x16384xi32>
    %lt3A = arith.constant 100000 : i32
    %lt3A_16 = vector.broadcast %lt3A : i32 to vector<1x16384xi32>
    %lt3A_17 = arith.cmpi slt, %add3A_15, %lt3A_16 : vector<1x16384xi32>
    %jit3A = arith.constant 0xFF800000 : f32
    %broadcast_in_dim3A = vector.broadcast %jit3A : f32 to vector<1x16384xf32>
    %select_n3A = arith.select %lt3A_17, %add3A_12, %broadcast_in_dim3A : vector<1x16384xi1>, vector<1x16384xf32>
    %swap3A = arith.constant 0 : index
    %swap3A_18 = arith.constant 0 : index
    %swap3A_19 = arith.constant 0 : index
    %swap3A_20 = arith.constant 0 : index
    %swap3A_21 = vector.load %arg5[%swap3A, %swap3A_18, %swap3A_19, %swap3A_20] : memref<1x1x1x16384xf32, #tpu.memory_space<vmem>>, vector<1x1x1x16384xf32>
    %swap3A_22 = vector.shape_cast %swap3A_21 : vector<1x1x1x16384xf32> to vector<1x16384xf32>
    %swap3A_23 = vector.shape_cast %select_n3A : vector<1x16384xf32> to vector<1x1x1x16384xf32>
    tpu.vector_store %arg5[%swap3A, %swap3A_18, %swap3A_19, %swap3A_20], %swap3A_23 {strides = array<i32>} : memref<1x1x1x16384xf32, #tpu.memory_space<vmem>>, vector<1x1x1x16384xf32>,
    return
  }
  func.func @transform_0(%arg0: i32, %arg1: i32) -> (i32, i32, i32) {
    %c0_i32 = arith.constant 0 : i32
    %c0_i32_0 = arith.constant 0 : i32
    return %arg0, %arg1, %c0_i32 : i32, i32, i32
  }
  func.func @transform_1(%arg0: i32, %arg1: i32) -> (i32, i32) {
    %c0_i32 = arith.constant 0 : i32
    %c0_i32_0 = arith.constant 0 : i32
    %c0_i32_1 = arith.constant 0 : i32
    return %c0_i32, %c0_i32_0 : i32, i32
  }
  func.func @transform_2(%arg0: i32, %arg1: i32) -> (i32, i32) {
    %c0_i32 = arith.constant 0 : i32
    %c0_i32_0 = arith.constant 0 : i32
    %c0_i32_1 = arith.constant 0 : i32
    return %c0_i32, %c0_i32_0 : i32, i32
  }
  func.func @transform_3(%arg0: i32, %arg1: i32) -> (i32, i32, i32, i32) {
    %c0_i32 = arith.constant 0 : i32
    %c0_i32_0 = arith.constant 0 : i32
    %c0_i32_1 = arith.constant 0 : i32
    return %arg0, %arg1, %c0_i32, %c0_i32_0 : i32, i32, i32, i32
  }
}

</mosaic_0001>

<sc_bundles>
// kernel: _run.4.cloned.1.call-start
scs
__scs_entry_jumppad:
0x0: {  	(pc) =	sbr.rel $0x88, $3  }
0x1: {  	(tag) =	ssettag $0x0;
	lr =	simm.s32 $0x1  }
0x2: {  	[smem:$0x3F9E] =	sst lr;
	_ =	strace $0xD0000000  }
0x3: {  	_ = 	snop  }
0x4: {  	_ = 	snop  }
0x5: {  	_ = 	snop  }
0x6: {  	_ = 	snop  }
0x7: {  	_ = 	snop  }
__scs_overlays_trampoline_lowered:
0x8: {  	[smem:$0x3FAD] =	sst s0  }
0x9: {  	[smem:$0x3FAE] =	sst s1  }
0xa: {  	[smem:$0x3FAF] =	sst s2  }
0xb: {  	[smem:$0x3FB0] =	sst s3  }
0xc: {  	[smem:$0x3FB1] =	sst s4  }
0xd: {  	[smem:$0x3FB2] =	sst s5  }
0xe: {  	[smem:$0x3FB3] =	sst s6  }
0xf: {  	[smem:$0x3FB4] =	sst s7  }
0x10: {  	[smem:$0x3FB5] =	sst s8  }
0x11: {  	[smem:$0x3FB6] =	sst s9;
	s0 =	simm.s32 @!p0 $0x0  }
0x12: {  	s1 =	sld [smem:$0x3F9C];
	s0 =	simm.s32 @p0 $0x1  }
0x13: {  	[smem:$0x3FB7] =	sst s0;
	s0 =	simm.s32 @!p1 $0x0  }
0x14: {  	s2 =	sld [smem:$0x3F9B];
	s0 =	simm.s32 @p1 $0x1  }
0x15: {  	[smem:$0x3FB8] =	sst s0;
	s0 =	simm.s32 @!p2 $0x0  }
0x16: {  	s3 =	sld [smem:$0x3FDB];
	s0 =	simm.s32 @p2 $0x1  }
0x17: {  	s4 =	simm.s32 $0x1BF5;
	[smem:$0x3FBA] =	sst s0  }
0x18: {  	s0 =	sld [smem:$0x3F9D];
	_ =	swait.ge [sflag:s4], $0x0  }
0x19: {  	s7 =	sld [smem:$0x3F9E]  }
0x1a: {  	s8 =	sadd.s32 $0xFFFFE003, lr  }
0x1b: {  	s9 =	sadd.s32 $0xFFFFFEF7, lr;
	s5 =	simm.s32 $0xFFFFFFFF;
	p2 =	slt.u32 s8, $0xFFFFF086  }
0x1c: {  	p1 =	slt.u32 s9, $0xF7A;
	s5 =	simm.s32 @!p2 $0x0  }
0x1d: {  	s5 =	simm.s32 @p1 $0x1;
	p0 =	seq.s32 s7, s2  }
0x1e: {  	s7 =	smul.u32 @!p0 $0xF7A, s2;
	p2 =	seq.s32 @!p0 s5, $0x0  }
0x1f: {  	s9 =	smul.u32 $0xF7A, s1;
	s8 =	simm.s32 @!p0 $0x1BF5;
	p2 =	por !p2, p0  }
0x20: {  	[sflag:s8] =	ssyncset.s32 @!p0 $0xFFFFF086;
	s6 =	sadd.s32 @!p0 s3, s7;
	s7 =	simm.s32 @!p0 $0x108  }
0x21: {  	s3 =	sadd.s32 s3, s9;
	s6 =	sadd.s32 @!p0 $0x88, s6;
	s7 =	simm.s32 @p2 $0x1082  }
0x22: {  	[simem:s7], [sflag:s8] =	dma.local @!p0 [hbm:s6], $0xF7A  }
0x23: {  	s9 =	sor.u32 $0xD0000000, s2;
	s6 =	simm.s32 $0x108;
	_ =	swait.ge @!p0 [sflag:s8], $0x0  }
0x24: {  	s3 =	sadd.s32 $0x88, s3;
	s6 =	simm.s32 @!p1 $0x1082;
	[sflag:s4] =	ssyncset.s32 $0xFFFFF086  }
0x25: {  	[simem:s6], [sflag:s4] =	dma.local [hbm:s3], $0xF7A  }
0x26: {  	[smem:$0x3F9E] =	sst s1;
	(tag) =	ssettag s2;
	_ =	strace s9  }
0x27: {  	s1 =	sld [smem:$0x3FAE]  }
0x28: {  	s2 =	sld [smem:$0x3FAF]  }
0x29: {  	s4 =	sld [smem:$0x3FB1]  }
0x2a: {  	p0 =	seq.s32 s5, $0x0;
	s5 =	sld [smem:$0x3FB2]  }
0x2b: {  	s6 =	sld [smem:$0x3FB3]  }
0x2c: {  	s7 =	sld [smem:$0x3FB4]  }
0x2d: {  	s3 =	simm.s32 $0x108;
	s8 =	sld [smem:$0x3FB5]  }
0x2e: {  	s3 =	simm.s32 @!p0 $0x1082;
	s9 =	sld [smem:$0x3FB6]  }
0x2f: {  	lr =	sadd.s32 s0, s3;
	s0 =	sld [smem:$0x3FAD]  }
0x30: {  	s3 =	sld [smem:$0x3FB0]  }
0x31: {  	[smem:$0x3FB9] =	sst s10  }
0x32: {  	s10 =	sld [smem:$0x3FB7];
	_ =	sdelay $0x3  }
0x33: {  	p0 =	seq.s32 s10, $0x1;
	s10 =	sld [smem:$0x3FB9];
	_ =	sdelay $0x3  }
0x34: {  	[smem:$0x3FB9] =	sst s10  }
0x35: {  	s10 =	sld [smem:$0x3FB8];
	_ =	sdelay $0x3  }
0x36: {  	p1 =	seq.s32 s10, $0x1;
	s10 =	sld [smem:$0x3FB9];
	_ =	sdelay $0x3  }
0x37: {  	[smem:$0x3FB9] =	sst s10  }
0x38: {  	s10 =	sld [smem:$0x3FBA]  }
0x39: {  	_ = 	snop;
	(pc) =	sbr.ind lr, $3  }
0x3a: {  	_ = 	snop  }
0x3b: {  	_ = 	snop  }
0x3c: {  	p2 =	seq.s32 s10, $0x1;
	s10 =	sld [smem:$0x3FB9]  }
0x3d: {  	_ =	shalt  }
0x3e: {  	_ =	shalt  }
0x3f: {  	_ =	shalt  }
0x40: {  	_ =	shalt  }
0x41: {  	_ =	shalt  }
0x42: {  	_ =	shalt  }
0x43: {  	_ =	shalt  }
0x44: {  	_ =	shalt  }
0x45: {  	_ =	shalt  }
0x46: {  	_ =	shalt  }
0x47: {  	_ =	shalt  }
0x48: {  	_ =	shalt  }
0x49: {  	_ =	shalt  }
0x4a: {  	_ =	shalt  }
0x4b: {  	_ =	shalt  }
0x4c: {  	_ =	shalt  }
0x4d: {  	_ =	shalt  }
0x4e: {  	_ =	shalt  }
0x4f: {  	_ =	shalt  }
0x50: {  	_ =	shalt  }
0x51: {  	_ =	shalt  }
0x52: {  	_ =	shalt  }
0x53: {  	_ =	shalt  }
0x54: {  	_ =	shalt  }
0x55: {  	_ =	shalt  }
0x56: {  	_ =	shalt  }
0x57: {  	_ =	shalt  }
0x58: {  	_ =	shalt  }
0x59: {  	_ =	shalt  }
0x5a: {  	_ =	shalt  }
0x5b: {  	_ =	shalt  }
0x5c: {  	_ =	shalt  }
0x5d: {  	_ =	shalt  }
0x5e: {  	_ =	shalt  }
0x5f: {  	_ =	shalt  }
0x60: {  	_ =	shalt  }
0x61: {  	_ =	shalt  }
0x62: {  	_ =	shalt  }
0x63: {  	_ =	shalt  }
0x64: {  	_ =	shalt  }
0x65: {  	_ =	shalt  }
0x66: {  	_ =	shalt  }
0x67: {  	_ =	shalt  }
0x68: {  	_ =	shalt  }
0x69: {  	_ =	shalt  }
0x6a: {  	_ =	shalt  }
0x6b: {  	_ =	shalt  }
0x6c: {  	_ =	shalt  }
0x6d: {  	_ =	shalt  }
0x6e: {  	_ =	shalt  }
0x6f: {  	_ =	shalt  }
0x70: {  	_ =	shalt  }
0x71: {  	_ =	shalt  }
0x72: {  	_ =	shalt  }
0x73: {  	_ =	shalt  }
0x74: {  	_ =	shalt  }
0x75: {  	_ =	shalt  }
0x76: {  	_ =	shalt  }
0x77: {  	_ =	shalt  }
0x78: {  	_ =	shalt  }
0x79: {  	_ =	shalt  }
0x7a: {  	_ =	shalt  }
0x7b: {  	_ =	shalt  }
0x7c: {  	_ =	shalt  }
0x7d: {  	_ =	shalt  }
0x7e: {  	_ =	shalt  }
0x7f: {  	_ =	shalt  }
0x80: {  	_ =	shalt  }
0x81: {  	_ =	shalt  }
0x82: {  	_ =	shalt  }
0x83: {  	_ =	shalt  }
0x84: {  	_ =	shalt  }
0x85: {  	_ =	shalt  }
0x86: {  	_ =	shalt  }
0x87: {  	_ =	shalt  }
.Lfunc_end0:
.L_simem_size_0:
called_computation_lowered:
.L_overlay_start_0:
0x88: {  	s2 =	sld [smem:$0x3FD9]  }
0x89: {  	s3 =	sld [smem:$0x3FFE];
	_ =	sdelay $0x1  }
0x8a: {  	s1 =	srdreg.scid  }
0x8b: {  	s0 =	sand.u32 $0x1, s1  }
0x8c: {  	s14 =	sshll.u32 s0, $0xA;
	s2 =	sadd.s32 s3, s2  }
0x8d: {  	s2 =	sadd.s32 s2, s14  }
0x8e: {  	[smem:$0x3FC5] =	sst s2  }
0x8f: {  	_ = 	snop  }
0x90: {  	s2 =	sld [smem:$0x3FD0];
	_ =	sdelay $0x2  }
0x91: {  	s4 =	simm.s32 $0xA;
	s5 =	simm.s32 $0x10;
	s15 =	sld [smem:$0x3FC9]  }
0x92: {  	[smem:s5], [sflag:s4] =	dma.local [hbm:s2], $0x1  }
0x93: {  	_ =	swait.eq [sflag:s4], $0x1  }
0x94: {  	[sflag:s4] =	ssyncset.done $0x0  }
0x95: {  	[sflag:s4] =	ssyncadd.s32 $0xFFFFFFFF  }
0x96: {  	s16 =	sld [smem:$0x10];
	(tm) =	ssettm $0x1  }
0x97: {  	s17 =	sld [smem:$0x3FFB];
	_ =	sdelay $0x3  }
0x98: {  	_ =	strace s17  }
0x99: {  	s4 =	sld [smem:$0x3FFC];
	_ =	sdelay $0x3  }
0x9a: {  	_ =	strace s4  }
0x9b: {  	s4 =	sld [smem:$0x3FFD];
	_ =	sdelay $0x3  }
0x9c: {  	_ =	strace s4  }
0x9d: {  	_ =	strace $0x8FFFFFFF  }
0x9e: {  	s18 =	sld [smem:$0x3FDB];
	_ =	sdelay $0x1  }
0x9f: {  	s19 =	simm.s32 $_scs_section_size  }
0xa0: {  	s6 =	simm.s32 $_size__tile_overlayer_lowered;
	s7 =	simm.s32 $_tile_overlayer_lowered  }
0xa1: {  	s22 =	simm.s32 $0x1BFF;
	s21 =	sshll.u32 s7, $0x1;
	s4 =	sadd.s32 s19, s18  }
0xa2: {  	s8 =	simm.s32 $0x0;
	s20 =	sshll.u32 s6, $0x1;
	s6 =	sadd.s32 s21, s4  }
0xa3: {  	[timem:s8], [sflag:s22] =	dma.local [hbm:s6], s20  }
0xa4: {  	_ =	swait.ge [sflag:s22], s20  }
0xa5: {  	s5 =	ssub.s32 $0x0, s20;
	[sflag:s22] =	ssyncset.done $0x0  }
0xa6: {  	[sflag:s22] =	ssyncadd.s32 s5;
	_ =	sdelay $0x1  }
0xa7: {  	s23 =	simm.s32 $0x1B8B  }
0xa8: {  	_ =	swait.ge [sflag:s23], $0x1  }
0xa9: {  	[sflag:s23] =	ssyncset.done $0x0  }
0xaa: {  	s25 =	simm.s32 $0x1B8E;
	s24 =	sld [smem:$0x3FFE];
	[sflag:s23] =	ssyncadd.s32 $0xFFFFFFFF  }
0xab: {  	s26 =	simm.s32 $execute0_lowered;
	[smem:$0x3FD2] =	sst s25  }
0xac: {  	s6 =	sshll.u32 s26, $0x1;
	_ =	strace $0x80000046;
	[dreg:$0x1] =	wrdreg $0xFFFFFFFF  }
0xad: {  	s28 =	simm.s32 $_size_execute0_lowered;
	s4 =	sadd.s32 s4, s6;
	[dreg:$0x0] =	wrdreg $0x0  }
0xae: {  	s6 =	sshll.u32 s28, $0x1;
	[dreg:$0x2] =	wrdreg s4  }
0xaf: {  	[dreg:$0x3] =	wrdreg s6  }
0xb0: {  	[dreg:$0x4] =	wrdreg $0xC0  }
0xb1: {  	_ =	task [dreg:s8], $0x5FFFF  }
0xb2: {  	[dreg:$0x1] =	wrdreg $0xFFFFFFFF  }
0xb3: {  	[dreg:$0x0] =	wrdreg $0x60  }
0xb4: {  	[dreg:$0x2] =	wrdreg s24  }
0xb5: {  	[dreg:$0x3] =	wrdreg s15  }
0xb6: {  	[dreg:$0x4] =	wrdreg s16  }
0xb7: {  	[dreg:$0x5] =	wrdreg $0x18F000  }
0xb8: {  	[dreg:$0x6] =	wrdreg $0x18B000  }
0xb9: {  	[dreg:$0x7] =	wrdreg $0x18F100  }
0xba: {  	[dreg:$0x8] =	wrdreg $0x9  }
0xbb: {  	_ =	task.clear_ibuf [dreg:s8], $0x9FFFF;
	_ =	strace $0x90000046  }
0xbc: {  	s29 =	simm.s32 $0x9;
	_ =	strace $0x80000048  }
0xbd: {  	_ =	swait.ge [sflag:s29], $0x1  }
0xbe: {  	[sflag:s29] =	ssyncadd.s32 $0xFFFFFFFF  }
0xbf: {  	_ =	strace $0x90000048  }
0xc0: {  	_ =	sfence  }
0xc1: {  	s30 =	sld [smem:$0x0];
	_ =	sdelay $0x2  }
0xc2: {  	s31 =	sshll.u32 s1, $0xD;
	s1 =	sshrl.u32 s1, $0x2  }
0xc3: {  	s3 =	sand.u32 $0x4000, s31;
	s1 =	sadd.s32 s1, s30  }
0xc4: {  	s0 =	sor.u32 s3, s0;
	s1 =	sshll.u32 s1, $0x11  }
0xc5: {  	s0 =	sor.u32 s1, s0  }
0xc6: {  	s0 =	sadd.s32 $0x8F2B, s0  }
0xc7: {  	[sflag:s0] =	ssyncadd.remote.s32 $0x1  }
0xc8: {  	_ =	sfence.sel $0xFFFF  }
0xc9: {  	[dreg:$0x0] =	wrdreg $0xFFFFFFFF;
	(pc) =	sbr.abs _section_cstart, $3  }
0xca: {  	[dreg:$0x1] =	wrdreg $0xFFFFFFFF  }
0xcb: {  	_ =	task.clear_ibuf [dreg:s8], $0x2FFFF;
	_ =	strace $0x9FFFFFFF  }
0xcc: {  	(tm) =	ssettm $0x7FFFFFFF  }
0xcd: {  	_ =	shalt  }
tec
execute0_lowered:
.L_overlay_start_1:
0x0: {  	(tag) =	ssettag $0x1  }
0x1: {  	s0 =	rddreg [dreg:$0x0]  }
0x2: {  	s17 =	rddreg [dreg:$0x1]  }
0x3: {  	s2 =	rddreg [dreg:$0x2]  }
0x4: {  	s6 =	rddreg [dreg:$0x3]  }
0x5: {  	s1 =	srdreg.scid;
	s7 =	rddreg [dreg:$0x4]  }
0x6: {  	s4 =	stileid.u32;
	s9 =	rddreg [dreg:$0x5]  }
0x7: {  	s31 =	simm.s32 $0x0;
	s1 =	sand.u32 $0x1, s1;
	s3 =	sshrl.u32 s4, $0x3  }
0x8: {  	s4 =	sand.u32 $0x7, s4;
	[smem:$0x7FF] =	sst s31;
	s5 =	sshll.u32 s1, $0x1  }
0x9: {  	s10 =	smul.u32 $0x3800, s4;
	s1 =	ssub.s32 $0x2, s1;
	s13 =	sshll.u32 s3, $0xB  }
0xa: {  	s18 =	smul.u32 $0x50000, s3;
	s5 =	sor.u32 s3, s5;
	s3 =	sshll.u32 s3, $0xA  }
0xb: {  	s14 =	sshll.u32 s4, $0x7;
	[dreg:$0x7] =	wrdreg s10;
	s21 =	sadd.s32 s3, s6  }
0xc: {  	_ =	strace $0x80000047;
	s25 =	sadd.s32 s14, s21;
	[dreg:$0x11] =	wrdreg s21  }
0xd: {  	s12 =	sshrl.u32 s1, $0x1;
	s29 =	sadd.s32 $0x80, s21;
	[dreg:$0x13] =	wrdreg s25  }
0xe: {  	s1 =	ssub.s32 s1, s12;
	s30 =	sadd.s32 $0x100, s21;
	[dreg:$0x16] =	wrdreg s29  }
0xf: {  	s8 =	smul.u32 $0x1C000, s5;
	s1 =	smax.u32 s1, $0x1;
	[dreg:$0x18] =	wrdreg s30  }
0x10: {  	s23 =	sshrl.u32 s18, $0x2;
	s12 =	sadd.s32 $0x380, s21;
	[dreg:$0x1b] =	wrdreg s1  }
0x11: {  	s9 =	sadd.s32 s23, s9;
	[dreg:$0x1f] =	wrdreg s12  }
0x12: {  	s8 =	sadd.s32 s10, s8;
	s10 =	sadd.s32 s13, s7;
	[dreg:$0x12] =	wrdreg s9  }
0x13: {  	s13 =	sadd.s32 $0x80, s9;
	[dreg:$0x9] =	wrdreg s10  }
0x14: {  	s18 =	sadd.s32 $0x280, s9;
	[smem:$0x7EE] =	sst s13  }
0x15: {  	s7 =	sadd.s32 s14, s10;
	[smem:$0x7F2] =	sst s18  }
0x16: {  	s15 =	sadd.s32 $0x1000, s10;
	[dreg:$0xa] =	wrdreg s7  }
0x17: {  	s20 =	smul.u32 $0x4F0, s4;
	s11 =	sadd.s32 $0x2000, s10;
	[dreg:$0xb] =	wrdreg s15  }
0x18: {  	s19 =	sadd.s32 $0x3000, s10;
	[dreg:$0xc] =	wrdreg s11  }
0x19: {  	s10 =	smin.u32 s20, $0x2220;
	s20 =	sadd.s32 $0x380, s9;
	[dreg:$0xf] =	wrdreg s19  }
0x1a: {  	s7 =	sadd.s32 s14, s15;
	[smem:$0x7F4] =	sst s20  }
0x1b: {  	s22 =	smul.u32 $0x2710, s5;
	s16 =	sadd.s32 s14, s11;
	[dreg:$0xd] =	wrdreg s7  }
0x1c: {  	s24 =	smul.u32 $0x4E2, s5;
	s11 =	sadd.s32 s14, s19;
	[dreg:$0xe] =	wrdreg s16  }
0x1d: {  	s3 =	sadd.s32 s10, s22;
	s10 =	sadd.s32 $0x300, s21;
	[dreg:$0x10] =	wrdreg s11  }
0x1e: {  	s8 =	sshrl.u32 s8, $0x3;
	s15 =	sadd.s32 $0x180, s9;
	[dreg:$0x1e] =	wrdreg s10  }
0x1f: {  	s8 =	sadd.s32 s8, s0;
	s19 =	sadd.s32 $0x300, s9;
	[smem:$0x7F0] =	sst s15  }
0x20: {  	s0 =	sadd.s32 $0xEC00, s0;
	s8 =	sadd.s32 $0xC00, s8;
	[smem:$0x7F3] =	sst s19  }
0x21: {  	s26 =	sadd.s32 s0, s24;
	[dreg:$0x8] =	wrdreg s8  }
0x22: {  	p0 =	seq.s32 s4, $0x7;
	s7 =	sadd.s32 $0x200, s21;
	[dreg:$0x14] =	wrdreg s26  }
0x23: {  	s28 =	sshrl.u32 s3, $0x3;
	s16 =	sadd.s32 $0x200, s9;
	[dreg:$0x1c] =	wrdreg s7  }
0x24: {  	s3 =	sshll.u32 s3, $0x4;
	s0 =	sadd.s32 s0, s28;
	[smem:$0x7F1] =	sst s16  }
0x25: {  	s2 =	sadd.s32 s2, s3;
	s3 =	sadd.s32 $0x180, s21;
	[dreg:$0x15] =	wrdreg s0  }
0x26: {  	p6 =	seq.s32 s4, $0x0;
	s8 =	sadd.s32 $0x280, s21;
	[dreg:$0x19] =	wrdreg s3  }
0x27: {  	s6 =	smul.u32 $0x186A0, s5;
	s18 =	simm.s32 $0xA800;
	[dreg:$0x1d] =	wrdreg s8  }
0x28: {  	s13 =	simm.s32 $0x0;
	s21 =	sadd.s32 $0x800, s2;
	[dreg:$0x17] =	wrdreg s2  }
0x29: {  	s11 =	simm.s32 $0x3;
	s22 =	sadd.s32 $0x1000, s2;
	[smem:$0x7F5] =	sst s21  }
0x2a: {  	s15 =	simm.s32 $0x400;
	s23 =	sadd.s32 $0x1800, s2;
	[smem:$0x7F6] =	sst s22  }
0x2b: {  	s16 =	simm.s32 $0xB100;
	s24 =	sadd.s32 $0x2000, s2;
	[smem:$0x7F7] =	sst s23  }
0x2c: {  	s0 =	simm.s32 @!p0 $0x0;
	s25 =	sadd.s32 $0x2800, s2;
	[smem:$0x7F8] =	sst s24  }
0x2d: {  	s0 =	simm.s32 @p0 $0x1;
	p0 =	sgt.u32 s4, $0x5;
	[smem:$0x7F9] =	sst s25  }
0x2e: {  	s26 =	sadd.s32 $0x3000, s2;
	[smem:$0x7E8] =	sst s0;
	s0 =	simm.s32 @!p0 $0x0  }
0x2f: {  	[smem:$0x7FA] =	sst s26;
	s0 =	simm.s32 @p0 $0x1;
	p0 =	sgt.u32 s4, $0x4  }
0x30: {  	s28 =	sadd.s32 $0x3800, s2;
	[smem:$0x7E9] =	sst s0;
	s0 =	simm.s32 @!p0 $0x0  }
0x31: {  	[smem:$0x7FB] =	sst s28;
	s0 =	simm.s32 @p0 $0x1;
	p0 =	sgt.u32 s4, $0x3  }
0x32: {  	s29 =	sadd.s32 $0x4000, s2;
	[smem:$0x7EA] =	sst s0;
	s0 =	simm.s32 @!p0 $0x0  }
0x33: {  	[smem:$0x7FC] =	sst s29;
	s0 =	simm.s32 @p0 $0x1;
	p0 =	sgt.u32 s4, $0x2  }
0x34: {  	s30 =	sadd.s32 $0x4800, s2;
	[smem:$0x7EB] =	sst s0;
	s0 =	simm.s32 @!p0 $0x0  }
0x35: {  	[smem:$0x7FD] =	sst s30;
	s0 =	simm.s32 @p0 $0x1;
	p0 =	sgt.u32 s4, $0x1  }
.Ltmp0:
0x36: {  	[smem:$0x7EC] =	sst s0;
	s0 =	simm.s32 @!p0 $0x0;
	(pc) =	sbr.rel .LBB2_1-.Ltmp0, $4  }
0x37: {  	s23 =	simm.s32 $0x80;
	s21 =	simm.s32 $0x3800;
	s0 =	simm.s32 @p0 $0x1  }
0x38: {  	v1 =	vimm.s32 $0x0;
	v2 =	vlaneseq.u32;
	v4 =	vimm.s32 $0x1;
	p0 =	sne.s32 s4, $0x0;
	s4 =	sadd.s32 s14, s9;
	[smem:$0x7ED] =	sst s0  }
0x39: {  	vm0 =	vcmask $0x300;
	vm1 =	vcmask $0x704;
	vm2 =	vcmask $0x308;
	s22 =	simm.s32 $0x9800;
	s14 =	sadd.s32 $0x100, s9;
	[dreg:$0x1a] =	wrdreg s4  }
0x3a: {  	vm3 =	vmmov $0x1;
	v3 =	vmul.u32 $0x100, v2;
	v0 =	vmov s6;
	s24 =	simm.s32 $0x7000;
	s25 =	simm.s32 $0xDA80;
	[smem:$0x7EF] =	sst s14  }
.LBB2_139:
0x3b: {  	_ =	sdelay $0x3  }
0x3c: {  	[tilespmem:v6+s25+$0x0] =	vst.idx.msk $0xffff, v5;
	s15 =	simm.s32 $0x400  }
.LBB2_140:
0x3d: {  	s31 =	simm.s32 $0x0;
	s0 =	rddreg [dreg:$0x14]  }
0x3e: {  	[hbm4b:s0+s31] =	stream.linear.scatter [tilespmem:s25], [sflag:$0x3], $0x2710, $0x38;
	[tilespmem:$0x1B710] =	vst v63  }
0x3f: {  	_ =	swait.ge [sflag:s11], $0x2710  }
0x40: {  	[sflag:s11] =	ssyncset.done $0x0  }
0x41: {  	s13 =	sld [smem:$0x7E4];
	[sflag:s11] =	ssyncadd.s32 $0xFFFFD8F0  }
.LBB2_141:
0x42: {  	[bflag:$0x0] =	sbarrier.arrive $0xFFFF  }
0x43: {  	s1 =	simm.s32 $0x10600;
	s0 =	rddreg [dreg:$0x15]  }
0x44: {  	[tilespmem:s1], [sflag:$0x3] =	stream.linear.gather [hbm4b:s0+s31], $0x4F0, $0x38;
	[tilespmem:$0x1B710] =	vst v63  }
0x45: {  	_ =	swait.ge [sflag:s11], $0x4F0  }
0x46: {  	[sflag:s11] =	ssyncset.done $0x0  }
0x47: {  	[sflag:s11] =	ssyncadd.s32 $0xFFFFFB10  }
0x48: {  	v5 =	vld [tilespmem:$0x10600]  }
0x49: {  	v6 =	vld [tilespmem:$0x10610]  }
0x4a: {  	v7 =	vld [tilespmem:$0x10620]  }
0x4b: {  	v8 =	vld [tilespmem:$0x10630]  }
0x4c: {  	v9 =	vld [tilespmem:$0x10640]  }
0x4d: {  	v10 =	vld [tilespmem:$0x10650];
	v5 =	vadd.s32 v0, v5  }
0x4e: {  	[tilespmem:$0x10600] =	vst v5;
	v5 =	vadd.s32 v0, v6;
	v6 =	vld [tilespmem:$0x10660]  }
0x4f: {  	[tilespmem:$0x10610] =	vst v5;
	v5 =	vadd.s32 v0, v7;
	v7 =	vld [tilespmem:$0x10670]  }
0x50: {  	v21 =	vld [tilespmem:$0x10680];
	[tilespmem:$0x10620] =	vst v5;
	v5 =	vadd.s32 v0, v8  }
0x51: {  	v22 =	vld [tilespmem:$0x10690];
	[tilespmem:$0x10630] =	vst v5;
	v5 =	vadd.s32 v0, v9  }
0x52: {  	v23 =	vld [tilespmem:$0x106A0];
	[tilespmem:$0x10640] =	vst v5;
	v5 =	vadd.s32 v0, v10  }
0x53: {  	[tilespmem:$0x10650] =	vst v5;
	v5 =	vadd.s32 v0, v6;
	v6 =	vld [tilespmem:$0x106B0]  }
0x54: {  	[tilespmem:$0x10660] =	vst v5;
	v5 =	vadd.s32 v0, v7;
	v7 =	vld [tilespmem:$0x106C0]  }
0x55: {  	v24 =	vld [tilespmem:$0x106D0];
	[tilespmem:$0x10670] =	vst v5;
	v5 =	vadd.s32 v0, v21  }
0x56: {  	v25 =	vld [tilespmem:$0x106E0];
	[tilespmem:$0x10680] =	vst v5;
	v5 =	vadd.s32 v0, v22  }
0x57: {  	v26 =	vld [tilespmem:$0x106F0];
	[tilespmem:$0x10690] =	vst v5;
	v5 =	vadd.s32 v0, v23  }
0x58: {  	[tilespmem:$0x106A0] =	vst v5;
	v5 =	vadd.s32 v0, v6;
	v6 =	vld [tilespmem:$0x10700]  }
0x59: {  	[tilespmem:$0x106B0] =	vst v5;
	v5 =	vadd.s32 v0, v7;
	v7 =	vld [tilespmem:$0x10710]  }
0x5a: {  	v27 =	vld [tilespmem:$0x10720];
	[tilespmem:$0x106C0] =	vst v5;
	v5 =	vadd.s32 v0, v24  }
0x5b: {  	v28 =	vld [tilespmem:$0x10730];
	[tilespmem:$0x106D0] =	vst v5;
	v5 =	vadd.s32 v0, v25  }
0x5c: {  	v29 =	vld [tilespmem:$0x10740];
	[tilespmem:$0x106E0] =	vst v5;
	v5 =	vadd.s32 v0, v26  }
0x5d: {  	[tilespmem:$0x106F0] =	vst v5;
	v5 =	vadd.s32 v0, v6;
	v6 =	vld [tilespmem:$0x10750]  }
0x5e: {  	[tilespmem:$0x10700] =	vst v5;
	v5 =	vadd.s32 v0, v7;
	v7 =	vld [tilespmem:$0x10760]  }
0x5f: {  	v30 =	vld [tilespmem:$0x10770];
	[tilespmem:$0x10710] =	vst v5;
	v5 =	vadd.s32 v0, v27  }
0x60: {  	v31 =	vld [tilespmem:$0x10780];
	[tilespmem:$0x10720] =	vst v5;
	v5 =	vadd.s32 v0, v28  }
0x61: {  	v32 =	vld [tilespmem:$0x10790];
	[tilespmem:$0x10730] =	vst v5;
	v5 =	vadd.s32 v0, v29  }
0x62: {  	[tilespmem:$0x10740] =	vst v5;
	v5 =	vadd.s32 v0, v6;
	v6 =	vld [tilespmem:$0x107A0]  }
0x63: {  	[tilespmem:$0x10750] =	vst v5;
	v5 =	vadd.s32 v0, v7;
	v7 =	vld [tilespmem:$0x107B0]  }
0x64: {  	v33 =	vld [tilespmem:$0x107C0];
	[tilespmem:$0x10760] =	vst v5;
	v5 =	vadd.s32 v0, v30  }
0x65: {  	v34 =	vld [tilespmem:$0x107D0];
	[tilespmem:$0x10770] =	vst v5;
	v5 =	vadd.s32 v0, v31  }
0x66: {  	v35 =	vld [tilespmem:$0x107E0];
	[tilespmem:$0x10780] =	vst v5;
	v5 =	vadd.s32 v0, v32  }
0x67: {  	[tilespmem:$0x10790] =	vst v5;
	v5 =	vadd.s32 v0, v6;
	v6 =	vld [tilespmem:$0x107F0]  }
0x68: {  	[tilespmem:$0x107A0] =	vst v5;
	v5 =	vadd.s32 v0, v7;
	v7 =	vld [tilespmem:$0x10800]  }
0x69: {  	v36 =	vld [tilespmem:$0x10810];
	[tilespmem:$0x107B0] =	vst v5;
	v5 =	vadd.s32 v0, v33  }
0x6a: {  	v37 =	vld [tilespmem:$0x10820];
	[tilespmem:$0x107C0] =	vst v5;
	v5 =	vadd.s32 v0, v34  }
0x6b: {  	v38 =	vld [tilespmem:$0x10830];
	[tilespmem:$0x107D0] =	vst v5;
	v5 =	vadd.s32 v0, v35  }
0x6c: {  	[tilespmem:$0x107E0] =	vst v5;
	v5 =	vadd.s32 v0, v6;
	v6 =	vld [tilespmem:$0x10840]  }
0x6d: {  	[tilespmem:$0x107F0] =	vst v5;
	v5 =	vadd.s32 v0, v7;
	v7 =	vld [tilespmem:$0x10850]  }
0x6e: {  	v39 =	vld [tilespmem:$0x10860];
	[tilespmem:$0x10800] =	vst v5;
	v5 =	vadd.s32 v0, v36  }
0x6f: {  	v40 =	vld [tilespmem:$0x10870];
	[tilespmem:$0x10810] =	vst v5;
	v5 =	vadd.s32 v0, v37  }
0x70: {  	v41 =	vld [tilespmem:$0x10880];
	[tilespmem:$0x10820] =	vst v5;
	v5 =	vadd.s32 v0, v38  }
0x71: {  	[tilespmem:$0x10830] =	vst v5;
	v5 =	vadd.s32 v0, v6;
	v6 =	vld [tilespmem:$0x10890]  }
0x72: {  	[tilespmem:$0x10840] =	vst v5;
	v5 =	vadd.s32 v0, v7;
	v7 =	vld [tilespmem:$0x108A0]  }
0x73: {  	v42 =	vld [tilespmem:$0x108B0];
	[tilespmem:$0x10850] =	vst v5;
	v5 =	vadd.s32 v0, v39  }
0x74: {  	v43 =	vld [tilespmem:$0x108C0];
	[tilespmem:$0x10860] =	vst v5;
	v5 =	vadd.s32 v0, v40  }
0x75: {  	v44 =	vld [tilespmem:$0x108D0];
	[tilespmem:$0x10870] =	vst v5;
	v5 =	vadd.s32 v0, v41  }
0x76: {  	[tilespmem:$0x10880] =	vst v5;
	v5 =	vadd.s32 v0, v6;
	v6 =	vld [tilespmem:$0x108E0]  }
0x77: {  	[tilespmem:$0x10890] =	vst v5;
	v5 =	vadd.s32 v0, v7;
	v7 =	vld [tilespmem:$0x108F0]  }
0x78: {  	v45 =	vld [tilespmem:$0x10900];
	[tilespmem:$0x108A0] =	vst v5;
	v5 =	vadd.s32 v0, v42  }
0x79: {  	v46 =	vld [tilespmem:$0x10910];
	[tilespmem:$0x108B0] =	vst v5;
	v5 =	vadd.s32 v0, v43  }
0x7a: {  	v47 =	vld [tilespmem:$0x10920];
	[tilespmem:$0x108C0] =	vst v5;
	v5 =	vadd.s32 v0, v44  }
0x7b: {  	[tilespmem:$0x108D0] =	vst v5;
	v5 =	vadd.s32 v0, v6;
	v6 =	vld [tilespmem:$0x10930]  }
0x7c: {  	[tilespmem:$0x108E0] =	vst v5;
	v5 =	vadd.s32 v0, v7;
	v7 =	vld [tilespmem:$0x10940]  }
0x7d: {  	v48 =	vld [tilespmem:$0x10950];
	[tilespmem:$0x108F0] =	vst v5;
	v5 =	vadd.s32 v0, v45  }
0x7e: {  	v49 =	vld [tilespmem:$0x10960];
	[tilespmem:$0x10900] =	vst v5;
	v5 =	vadd.s32 v0, v46  }
0x7f: {  	v50 =	vld [tilespmem:$0x10970];
	[tilespmem:$0x10910] =	vst v5;
	v5 =	vadd.s32 v0, v47  }
0x80: {  	[tilespmem:$0x10920] =	vst v5;
	v5 =	vadd.s32 v0, v6;
	v6 =	vld [tilespmem:$0x10980]  }
0x81: {  	[tilespmem:$0x10930] =	vst v5;
	v5 =	vadd.s32 v0, v7;
	v7 =	vld [tilespmem:$0x10990]  }
0x82: {  	v51 =	vld [tilespmem:$0x109A0];
	[tilespmem:$0x10940] =	vst v5;
	v5 =	vadd.s32 v0, v48  }
0x83: {  	v52 =	vld [tilespmem:$0x109B0];
	[tilespmem:$0x10950] =	vst v5;
	v5 =	vadd.s32 v0, v49  }
0x84: {  	v53 =	vld [tilespmem:$0x109C0];
	[tilespmem:$0x10960] =	vst v5;
	v5 =	vadd.s32 v0, v50  }
0x85: {  	[tilespmem:$0x10970] =	vst v5;
	v5 =	vadd.s32 v0, v6;
	v6 =	vld [tilespmem:$0x109D0]  }
0x86: {  	[tilespmem:$0x10980] =	vst v5;
	v5 =	vadd.s32 v0, v7;
	v7 =	vld [tilespmem:$0x109E0]  }
0x87: {  	v54 =	vld [tilespmem:$0x109F0];
	[tilespmem:$0x10990] =	vst v5;
	v5 =	vadd.s32 v0, v51  }
0x88: {  	v55 =	vld [tilespmem:$0x10A00];
	[tilespmem:$0x109A0] =	vst v5;
	v5 =	vadd.s32 v0, v52  }
0x89: {  	v56 =	vld [tilespmem:$0x10A10];
	[tilespmem:$0x109B0] =	vst v5;
	v5 =	vadd.s32 v0, v53  }
0x8a: {  	[tilespmem:$0x109C0] =	vst v5;
	v5 =	vadd.s32 v0, v6;
	v6 =	vld [tilespmem:$0x10A20]  }
0x8b: {  	[tilespmem:$0x109D0] =	vst v5;
	v5 =	vadd.s32 v0, v7;
	v7 =	vld [tilespmem:$0x10A30]  }
0x8c: {  	v57 =	vld [tilespmem:$0x10A40];
	[tilespmem:$0x109E0] =	vst v5;
	v5 =	vadd.s32 v0, v54  }
0x8d: {  	v58 =	vld [tilespmem:$0x10A50];
	[tilespmem:$0x109F0] =	vst v5;
	v5 =	vadd.s32 v0, v55  }
0x8e: {  	v59 =	vld [tilespmem:$0x10A60];
	[tilespmem:$0x10A00] =	vst v5;
	v5 =	vadd.s32 v0, v56  }
0x8f: {  	[tilespmem:$0x10A10] =	vst v5;
	v5 =	vadd.s32 v0, v6;
	v6 =	vld [tilespmem:$0x10A70]  }
0x90: {  	[tilespmem:$0x10A20] =	vst v5;
	v5 =	vadd.s32 v0, v7;
	v7 =	vld [tilespmem:$0x10A80]  }
0x91: {  	v60 =	vld [tilespmem:$0x10A90];
	[tilespmem:$0x10A30] =	vst v5;
	v5 =	vadd.s32 v0, v57  }
0x92: {  	v61 =	vld [tilespmem:$0x10AA0];
	[tilespmem:$0x10A40] =	vst v5;
	v5 =	vadd.s32 v0, v58  }
0x93: {  	v62 =	vld [tilespmem:$0x10AB0];
	[tilespmem:$0x10A50] =	vst v5;
	v5 =	vadd.s32 v0, v59  }
0x94: {  	[tilespmem:$0x10A60] =	vst v5;
	v5 =	vadd.s32 v0, v6;
	v6 =	vld [tilespmem:$0x10AC0]  }
0x95: {  	[tilespmem:$0x10A70] =	vst v5;
	v5 =	vadd.s32 v0, v7;
	v7 =	vld [tilespmem:$0x10AD0]  }
0x96: {  	v63 =	vld [tilespmem:$0x10AE0];
	[tilespmem:$0x10A80] =	vst v5;
	v5 =	vadd.s32 v0, v60  }
0x97: {  	[tilespmem:$0x10A90] =	vst v5;
	v5 =	vadd.s32 v0, v61  }
0x98: {  	[tilespmem:$0x10AA0] =	vst v5;
	v5 =	vadd.s32 v0, v62  }
0x99: {  	[tilespmem:$0x10AB0] =	vst v5;
	v5 =	vadd.s32 v0, v6  }
0x9a: {  	[tilespmem:$0x10AC0] =	vst v5;
	v5 =	vadd.s32 v0, v7  }
0x9b: {  	[tilespmem:$0x10AD0] =	vst v5;
	v5 =	vadd.s32 v0, v63  }
0x9c: {  	s2 =	simm.s32 $0x10B00;
	[tilespmem:$0x10AE0] =	vst v5  }
0x9d: {  	[tilespmem:s2], [sflag:$0x1] =	stream.indirect.gather [hbm4b:s17+s23], $0x80, s1, s23, $0xb8;
	[tilespmem:$0x1B710] =	vst v63  }
0x9e: {  	s26 =	simm.s32 $0x10680;
	s3 =	simm.s32 $0x1;
	s1 =	simm.s32 $0x14B00  }
0x9f: {  	[tilespmem:s1], [sflag:$0x2] =	stream.indirect.gather [hbm4b:s17+s23], $0x80, s26, s23, $0xb8;
	[tilespmem:$0x1B710] =	vst v63  }
0xa0: {  	_ =	swait.ge [sflag:s3], $0x4000  }
0xa1: {  	[sflag:s3] =	ssyncset.done $0x0  }
0xa2: {  	s28 =	rddreg [dreg:$0x17];
	[sflag:s3] =	ssyncadd.s32 $0xFFFFC000  }
0xa3: {  	[hbm4b:s28+s31] =	stream.linear.scatter [tilespmem:s2], [sflag:$0x3], $0x4000, $0x38;
	[tilespmem:$0x1B710] =	vst v63  }
0xa4: {  	_ =	swait.ge [sflag:s11], $0x4000  }
0xa5: {  	[sflag:s11] =	ssyncset.done $0x0  }
0xa6: {  	s29 =	simm.s32 $0x10700;
	s4 =	simm.s32 $0x2;
	[sflag:s11] =	ssyncadd.s32 $0xFFFFC000  }
0xa7: {  	[tilespmem:s2], [sflag:$0x1] =	stream.indirect.gather [hbm4b:s17+s23], $0x80, s29, s23, $0xb8;
	[tilespmem:$0x1B710] =	vst v63  }
0xa8: {  	_ =	swait.ge [sflag:s4], $0x4000  }
0xa9: {  	s30 =	sld [smem:$0x7F5]  }
0xaa: {  	[sflag:s4] =	ssyncset.done $0x0  }
0xab: {  	[sflag:s4] =	ssyncadd.s32 $0xFFFFC000  }
0xac: {  	[hbm4b:s30+s31] =	stream.linear.scatter [tilespmem:s1], [sflag:$0x3], $0x4000, $0x38;
	[tilespmem:$0x1B710] =	vst v63  }
0xad: {  	_ =	swait.ge [sflag:s11], $0x4000  }
0xae: {  	[sflag:s11] =	ssyncset.done $0x0  }
0xaf: {  	s5 =	simm.s32 $0x10780;
	[sflag:s11] =	ssyncadd.s32 $0xFFFFC000  }
0xb0: {  	[tilespmem:s1], [sflag:$0x2] =	stream.indirect.gather [hbm4b:s17+s23], $0x80, s5, s23, $0xb8;
	[tilespmem:$0x1B710] =	vst v63  }
0xb1: {  	_ =	swait.ge [sflag:s3], $0x4000  }
0xb2: {  	s6 =	sld [smem:$0x7F6]  }
0xb3: {  	[sflag:s3] =	ssyncset.done $0x0  }
0xb4: {  	[sflag:s3] =	ssyncadd.s32 $0xFFFFC000  }
0xb5: {  	[hbm4b:s6+s31] =	stream.linear.scatter [tilespmem:s2], [sflag:$0x3], $0x4000, $0x38;
	[tilespmem:$0x1B710] =	vst v63  }
0xb6: {  	_ =	swait.ge [sflag:s11], $0x4000  }
0xb7: {  	[sflag:s11] =	ssyncset.done $0x0  }
0xb8: {  	s7 =	simm.s32 $0x10800;
	[sflag:s11] =	ssyncadd.s32 $0xFFFFC000  }
0xb9: {  	[tilespmem:s2], [sflag:$0x1] =	stream.indirect.gather [hbm4b:s17+s23], $0x80, s7, s23, $0xb8;
	[tilespmem:$0x1B710] =	vst v63  }
0xba: {  	_ =	swait.ge [sflag:s4], $0x4000  }
0xbb: {  	s8 =	sld [smem:$0x7F7]  }
0xbc: {  	[sflag:s4] =	ssyncset.done $0x0  }
0xbd: {  	[sflag:s4] =	ssyncadd.s32 $0xFFFFC000  }
0xbe: {  	[hbm4b:s8+s31] =	stream.linear.scatter [tilespmem:s1], [sflag:$0x3], $0x4000, $0x38;
	[tilespmem:$0x1B710] =	vst v63  }
0xbf: {  	_ =	swait.ge [sflag:s11], $0x4000  }
0xc0: {  	[sflag:s11] =	ssyncset.done $0x0  }
0xc1: {  	s9 =	simm.s32 $0x10880;
	[sflag:s11] =	ssyncadd.s32 $0xFFFFC000  }
0xc2: {  	[tilespmem:s1], [sflag:$0x2] =	stream.indirect.gather [hbm4b:s17+s23], $0x80, s9, s23, $0xb8;
	[tilespmem:$0x1B710] =	vst v63  }
0xc3: {  	_ =	swait.ge [sflag:s3], $0x4000  }
0xc4: {  	s10 =	sld [smem:$0x7F8]  }
0xc5: {  	[sflag:s3] =	ssyncset.done $0x0  }
0xc6: {  	[sflag:s3] =	ssyncadd.s32 $0xFFFFC000  }
0xc7: {  	[hbm4b:s10+s31] =	stream.linear.scatter [tilespmem:s2], [sflag:$0x3], $0x4000, $0x38;
	[tilespmem:$0x1B710] =	vst v63  }
0xc8: {  	_ =	swait.ge [sflag:s11], $0x4000  }
0xc9: {  	[sflag:s11] =	ssyncset.done $0x0  }
0xca: {  	s12 =	simm.s32 $0x10900;
	[sflag:s11] =	ssyncadd.s32 $0xFFFFC000  }
0xcb: {  	[tilespmem:s2], [sflag:$0x1] =	stream.indirect.gather [hbm4b:s17+s23], $0x80, s12, s23, $0xb8;
	[tilespmem:$0x1B710] =	vst v63  }
0xcc: {  	_ =	swait.ge [sflag:s4], $0x4000  }
0xcd: {  	s14 =	sld [smem:$0x7F9]  }
0xce: {  	[sflag:s4] =	ssyncset.done $0x0  }
0xcf: {  	[sflag:s4] =	ssyncadd.s32 $0xFFFFC000  }
0xd0: {  	[hbm4b:s14+s31] =	stream.linear.scatter [tilespmem:s1], [sflag:$0x3], $0x4000, $0x38;
	[tilespmem:$0x1B710] =	vst v63  }
0xd1: {  	_ =	swait.ge [sflag:s11], $0x4000  }
0xd2: {  	[sflag:s11] =	ssyncset.done $0x0  }
0xd3: {  	s16 =	simm.s32 $0x10980;
	[sflag:s11] =	ssyncadd.s32 $0xFFFFC000  }
0xd4: {  	[tilespmem:s1], [sflag:$0x2] =	stream.indirect.gather [hbm4b:s17+s23], $0x80, s16, s23, $0xb8;
	[tilespmem:$0x1B710] =	vst v63  }
0xd5: {  	_ =	swait.ge [sflag:s3], $0x4000  }
0xd6: {  	s18 =	sld [smem:$0x7FA]  }
0xd7: {  	[sflag:s3] =	ssyncset.done $0x0  }
0xd8: {  	[sflag:s3] =	ssyncadd.s32 $0xFFFFC000  }
0xd9: {  	[hbm4b:s18+s31] =	stream.linear.scatter [tilespmem:s2], [sflag:$0x3], $0x4000, $0x38;
	[tilespmem:$0x1B710] =	vst v63  }
0xda: {  	_ =	swait.ge [sflag:s11], $0x4000  }
0xdb: {  	[sflag:s11] =	ssyncset.done $0x0  }
0xdc: {  	s19 =	simm.s32 $0x10A00;
	[sflag:s11] =	ssyncadd.s32 $0xFFFFC000  }
0xdd: {  	[tilespmem:s2], [sflag:$0x1] =	stream.indirect.gather [hbm4b:s17+s23], $0x80, s19, s23, $0xb8;
	[tilespmem:$0x1B710] =	vst v63  }
0xde: {  	_ =	swait.ge [sflag:s4], $0x4000  }
0xdf: {  	s20 =	sld [smem:$0x7FB]  }
0xe0: {  	[sflag:s4] =	ssyncset.done $0x0  }
0xe1: {  	[sflag:s4] =	ssyncadd.s32 $0xFFFFC000  }
0xe2: {  	[hbm4b:s20+s31] =	stream.linear.scatter [tilespmem:s1], [sflag:$0x3], $0x4000, $0x38;
	[tilespmem:$0x1B710] =	vst v63  }
0xe3: {  	_ =	swait.ge [sflag:s11], $0x4000  }
0xe4: {  	[sflag:s11] =	ssyncset.done $0x0  }
0xe5: {  	s26 =	simm.s32 $0x70;
	s5 =	simm.s32 $0x10A80;
	[sflag:s11] =	ssyncadd.s32 $0xFFFFC000  }
0xe6: {  	[tilespmem:s1], [sflag:$0x2] =	stream.indirect.gather [hbm4b:s17+s26], $0x80, s5, s26, $0xb8;
	[tilespmem:$0x1B710] =	vst v63  }
0xe7: {  	_ =	swait.ge [sflag:s3], $0x4000  }
0xe8: {  	s28 =	sld [smem:$0x7FC]  }
0xe9: {  	[sflag:s3] =	ssyncset.done $0x0  }
0xea: {  	[sflag:s3] =	ssyncadd.s32 $0xFFFFC000  }
0xeb: {  	[hbm4b:s28+s31] =	stream.linear.scatter [tilespmem:s2], [sflag:$0x3], $0x4000, $0x38;
	[tilespmem:$0x1B710] =	vst v63  }
0xec: {  	_ =	swait.ge [sflag:s11], $0x4000  }
0xed: {  	[sflag:s11] =	ssyncset.done $0x0  }
0xee: {  	[sflag:s11] =	ssyncadd.s32 $0xFFFFC000  }
0xef: {  	_ =	swait.ge [sflag:s4], $0x3800  }
0xf0: {  	s29 =	sld [smem:$0x7FD]  }
0xf1: {  	[sflag:s4] =	ssyncset.done $0x0  }
0xf2: {  	[sflag:s4] =	ssyncadd.s32 $0xFFFFC800  }
0xf3: {  	[hbm4b:s29+s31] =	stream.linear.scatter [tilespmem:s1], [sflag:$0x3], $0x3800, $0x38;
	[tilespmem:$0x1B710] =	vst v63  }
0xf4: {  	_ =	swait.ge [sflag:s11], $0x3800  }
0xf5: {  	s13 =	sadd.s32 $0x1, s13;
	s30 =	rddreg [dreg:$0x1b]  }
0xf6: {  	p1 =	sne.s32 s13, s30  }
.Ltmp1:
0xf7: {  	_ = 	snop;
	(pc) =	sbr.rel @!p1 .LBB2_142-.Ltmp1, $3  }
0xf8: {  	_ =	sdelay $0x1  }
0xf9: {  	[sflag:s11] =	ssyncset.done $0x0  }
0xfa: {  	s16 =	simm.s32 $0xB100;
	s18 =	simm.s32 $0xA800;
	[sflag:s11] =	ssyncadd.s32 $0xFFFFC800  }
.LBB2_1:
0xfb: {  	s0 =	rddreg [dreg:$0x8]  }
0xfc: {  	[tilespmem:s31], [sflag:$0x3] =	stream.linear.gather [hbm4b:s0+s31], $0x3800, $0x38;
	[tilespmem:$0x1B710] =	vst v63  }
0xfd: {  	_ =	swait.ge [sflag:s11], $0x3800  }
0xfe: {  	[sflag:s11] =	ssyncset.done $0x0  }
0xff: {  	s1 =	simm.s32 $0x0;
	s0 =	simm.s32 $0x40;
	[sflag:s11] =	ssyncadd.s32 $0xFFFFC800  }
.LBB2_2:
0x100: {  	p1 =	sne.s32 s0, $0x3FC0;
	[tilespmem:s1+$0x9800] =	vst v1;
	s1 =	smov.u32 s0;
	s0 =	sadd.s32 $0x40, s0  }
.Ltmp2:
0x101: {  	(pc) =	sbr.rel @p1 .LBB2_2-.Ltmp2, $2  }
0x102: {  	_ =	sdelay $0x2  }
0x103: {  	s1 =	sshra.s32 s1, $0x2  }
0x104: {  	[tilespmem:s1+$0x9800] =	vst v1;
	s1 =	simm.s32 $0x0;
	s0 =	simm.s32 $0x0  }
.LBB2_4:
0x105: {  	s2 =	sshra.s32 s0, $0x2  }
0x106: {  	v5 =	vld [tilespmem:s2+$0x0];
	_ =	sdelay $0x4  }
0x107: {  	v6 =	vshra.s32 v5, $0x1F  }
0x108: {  	v6 =	vor.u32 $0x80000000, v6  }
0x109: {  	v5 =	vxor.u32 v5, v6  }
0x10a: {  	v5 =	vshrl.u32 v5, $0x18  }
0x10b: {  	v6 =	vand.u32 $0x80, v5  }
0x10c: {  	v5 =	vand.u32 $0x7F, v5;
	v6 =	vor.u32 v3, v6  }
0x10d: {  	p1 =	sne.s32 s0, $0xDFC0;
	v5 =	vor.u32 v5, v6  }
.Ltmp3:
0x10e: {  	_ = 	snop;
	(pc) =	sbr.rel @p1 .LBB2_4-.Ltmp3, $3  }
0x10f: {  	_ =	sdelay $0x1  }
0x110: {  	s2 =	simm.s32 $0x9800  }
0x111: {  	s0 =	sadd.s32 $0x40, s0;
	[tilespmem:v5+s2+$0x0] =	vst.idx.add.s32.msk $0xffff, v4  }
0x112: {  	s0 =	sand.u32 $0xF0, s1;
	v6 =	vld [tilespmem:s2+$0x0]  }
0x113: {  	v5 =	vld [tilespmem:s0+$0x9900]  }
0x114: {  	v7 =	vld [tilespmem:s0+$0x9A00]  }
0x115: {  	v8 =	vld [tilespmem:s0+$0x9B00]  }
0x116: {  	v9 =	vld [tilespmem:s0+$0x9C00]  }
0x117: {  	v10 =	vld [tilespmem:s0+$0x9D00]  }
0x118: {  	v5 =	vadd.s32 v6, v5;
	v6 =	vld [tilespmem:s0+$0x9E00]  }
0x119: {  	v5 =	vadd.s32 v7, v5;
	v7 =	vld [tilespmem:s0+$0x9F00]  }
0x11a: {  	v58 =	vld [tilespmem:s0+$0xA000];
	v5 =	vadd.s32 v8, v5  }
0x11b: {  	v59 =	vld [tilespmem:s0+$0xA100];
	v5 =	vadd.s32 v9, v5  }
0x11c: {  	v60 =	vld [tilespmem:s0+$0xA200];
	v5 =	vadd.s32 v10, v5  }
0x11d: {  	v5 =	vadd.s32 v6, v5;
	v6 =	vld [tilespmem:s0+$0xA300]  }
0x11e: {  	v5 =	vadd.s32 v7, v5;
	v7 =	vld [tilespmem:s0+$0xA400]  }
0x11f: {  	v61 =	vld [tilespmem:s0+$0xA500];
	v5 =	vadd.s32 v58, v5  }
0x120: {  	v62 =	vld [tilespmem:s0+$0xA600];
	v5 =	vadd.s32 v59, v5  }
0x121: {  	v63 =	vld [tilespmem:s0+$0xA700];
	v5 =	vadd.s32 v60, v5  }
0x122: {  	v5 =	vadd.s32 v6, v5  }
0x123: {  	v5 =	vadd.s32 v7, v5  }
0x124: {  	v5 =	vadd.s32 v61, v5  }
0x125: {  	v5 =	vadd.s32 v62, v5  }
0x126: {  	s1 =	simm.s32 $0xB100;
	s30 =	simm.s32 $0x10;
	v5 =	vadd.s32 v63, v5  }
0x127: {  	s3 =	sand.u32 $0xF0, s30;
	[tilespmem:s1+$0x0] =	vst v5  }
0x128: {  	s5 =	simm.s32 $0x20;
	s4 =	simm.s32 $0x9810;
	v5 =	vld [tilespmem:s3+$0x9900]  }
.LBB2_6:
0x129: {  	p1 =	sne.s32 s5, $0xF0;
	v6 =	vld [tilespmem:s4+$0x0]  }
0x12a: {  	v7 =	vld [tilespmem:s3+$0x9A00]  }
0x12b: {  	v8 =	vld [tilespmem:s3+$0x9B00]  }
0x12c: {  	v9 =	vld [tilespmem:s3+$0x9C00]  }
0x12d: {  	v10 =	vld [tilespmem:s3+$0x9D00]  }
0x12e: {  	v5 =	vadd.s32 v6, v5;
	v6 =	vld [tilespmem:s3+$0x9E00]  }
0x12f: {  	v5 =	vadd.s32 v7, v5;
	v7 =	vld [tilespmem:s3+$0x9F00]  }
0x130: {  	v5 =	vadd.s32 v8, v5;
	v8 =	vld [tilespmem:s3+$0xA000]  }
0x131: {  	v5 =	vadd.s32 v9, v5;
	v9 =	vld [tilespmem:s3+$0xA100]  }
0x132: {  	v5 =	vadd.s32 v10, v5;
	v10 =	vld [tilespmem:s3+$0xA200]  }
0x133: {  	v5 =	vadd.s32 v6, v5;
	v6 =	vld [tilespmem:s3+$0xA300]  }
0x134: {  	v5 =	vadd.s32 v7, v5;
	v7 =	vld [tilespmem:s3+$0xA400]  }
0x135: {  	v5 =	vadd.s32 v8, v5;
	v8 =	vld [tilespmem:s3+$0xA500]  }
0x136: {  	v5 =	vadd.s32 v9, v5;
	v9 =	vld [tilespmem:s3+$0xA600]  }
0x137: {  	v5 =	vadd.s32 v10, v5;
	v10 =	vld [tilespmem:s3+$0xA700]  }
0x138: {  	v5 =	vadd.s32 v6, v5  }
0x139: {  	v5 =	vadd.s32 v7, v5  }
.Ltmp4:
0x13a: {  	v5 =	vadd.s32 v8, v5;
	(pc) =	sbr.rel @p1 .LBB2_6-.Ltmp4, $4  }
0x13b: {  	v5 =	vadd.s32 v9, v5  }
0x13c: {  	s1 =	sadd.s32 $0x10, s1;
	v5 =	vadd.s32 v10, v5  }
0x13d: {  	s3 =	sand.u32 $0xF0, s5;
	[tilespmem:s1+$0x0] =	vst v5  }
0x13e: {  	s4 =	sadd.s32 $0x10, s4;
	s5 =	sadd.s32 $0x10, s5;
	v5 =	vld [tilespmem:s3+$0x9900]  }
0x13f: {  	v6 =	vld [tilespmem:s4+$0x0]  }
0x140: {  	v7 =	vld [tilespmem:s3+$0x9A00]  }
0x141: {  	v8 =	vld [tilespmem:s3+$0x9B00]  }
0x142: {  	v9 =	vld [tilespmem:s3+$0x9C00]  }
0x143: {  	v10 =	vld [tilespmem:s3+$0x9D00]  }
0x144: {  	v5 =	vadd.s32 v6, v5;
	v6 =	vld [tilespmem:s3+$0x9E00]  }
0x145: {  	v5 =	vadd.s32 v7, v5;
	v7 =	vld [tilespmem:s3+$0x9F00]  }
0x146: {  	v55 =	vld [tilespmem:s3+$0xA000];
	v5 =	vadd.s32 v8, v5  }
0x147: {  	v56 =	vld [tilespmem:s3+$0xA100];
	v5 =	vadd.s32 v9, v5  }
0x148: {  	v57 =	vld [tilespmem:s3+$0xA200];
	v5 =	vadd.s32 v10, v5  }
0x149: {  	v5 =	vadd.s32 v6, v5;
	v6 =	vld [tilespmem:s3+$0xA300]  }
0x14a: {  	v5 =	vadd.s32 v7, v5;
	v7 =	vld [tilespmem:s3+$0xA400]  }
0x14b: {  	v58 =	vld [tilespmem:s3+$0xA500];
	v5 =	vadd.s32 v55, v5  }
0x14c: {  	v59 =	vld [tilespmem:s3+$0xA600];
	v5 =	vadd.s32 v56, v5  }
0x14d: {  	v60 =	vld [tilespmem:s3+$0xA700];
	v5 =	vadd.s32 v57, v5  }
0x14e: {  	v5 =	vadd.s32 v6, v5  }
0x14f: {  	v5 =	vadd.s32 v7, v5  }
0x150: {  	v5 =	vadd.s32 v58, v5  }
0x151: {  	v5 =	vadd.s32 v59, v5  }
0x152: {  	s0 =	sadd.s32 $0x10, s1;
	v5 =	vadd.s32 v60, v5  }
0x153: {  	s20 =	rddreg [dreg:$0xa];
	[tilespmem:s0+$0x0] =	vst v5  }
0x154: {  	[spmem:s20] =	stream.strided.scatter [tilespmem:s16], [sflag:$0x3], $0x100, s15, s23, $0x38;
	[tilespmem:$0x1B710] =	vst v63  }
0x155: {  	_ =	swait.ge [sflag:s11], $0x100  }
0x156: {  	[sflag:s11] =	ssyncset.done $0x0  }
0x157: {  	[sflag:s11] =	ssyncadd.s32 $0xFFFFFF00  }
0x158: {  	[bflag:$0x0] =	sbarrier.arrive $0xFFFF  }
0x159: {  	s26 =	rddreg [dreg:$0x9]  }
0x15a: {  	[tilespmem:s18], [sflag:$0x3] =	stream.linear.gather [spmem:s26], $0x800, $0x38;
	[tilespmem:$0x1B710] =	vst v63  }
0x15b: {  	s15 =	simm.s32 $0x0;
	_ =	swait.ge [sflag:s11], $0x800  }
0x15c: {  	s28 =	sand.u32 $0x70, s15;
	s29 =	sand.u32 $0x400, s15;
	[sflag:s11] =	ssyncset.done $0x0  }
0x15d: {  	s0 =	sor.u32 s28, s29;
	[sflag:s11] =	ssyncadd.s32 $0xFFFFF800  }
0x15e: {  	v5 =	vld [tilespmem:s0+$0xA880]  }
0x15f: {  	v6 =	vld [tilespmem:s0+$0xA800]  }
0x160: {  	v7 =	vld [tilespmem:s0+$0xA900]  }
0x161: {  	v61 =	vld [tilespmem:s0+$0xA980]  }
0x162: {  	v62 =	vld [tilespmem:s0+$0xAA00]  }
0x163: {  	v63 =	vld [tilespmem:s0+$0xAA80]  }
0x164: {  	v5 =	vadd.s32 v6, v5;
	v6 =	vld [tilespmem:s0+$0xAB00]  }
0x165: {  	v5 =	vadd.s32 v7, v5;
	v7 =	vld [tilespmem:s0+$0xAB80]  }
0x166: {  	v5 =	vadd.s32 v61, v5  }
0x167: {  	v5 =	vadd.s32 v62, v5  }
0x168: {  	v5 =	vadd.s32 v63, v5  }
0x169: {  	s30 =	simm.s32 $0x10;
	s3 =	simm.s32 $0x80;
	v5 =	vadd.s32 v6, v5  }
0x16a: {  	s1 =	simm.s32 $0xB000;
	s2 =	sand.u32 $0x400, s3;
	s0 =	sand.u32 $0x70, s30;
	v5 =	vadd.s32 v7, v5  }
0x16b: {  	s9 =	simm.s32 $0x400;
	s4 =	simm.s32 $0x20;
	s5 =	sor.u32 s0, s2;
	[tilespmem:s1+$0x0] =	vst v5  }
.LBB2_8:
0x16c: {  	p1 =	sne.s32 s4, $0xF0;
	v5 =	vld [tilespmem:s5+$0xA880]  }
0x16d: {  	v6 =	vld [tilespmem:s5+$0xA800]  }
0x16e: {  	v7 =	vld [tilespmem:s5+$0xA900]  }
0x16f: {  	v8 =	vld [tilespmem:s5+$0xA980]  }
0x170: {  	v9 =	vld [tilespmem:s5+$0xAA00]  }
0x171: {  	v10 =	vld [tilespmem:s5+$0xAA80]  }
0x172: {  	v5 =	vadd.s32 v6, v5;
	v6 =	vld [tilespmem:s5+$0xAB00]  }
0x173: {  	v5 =	vadd.s32 v7, v5;
	v7 =	vld [tilespmem:s5+$0xAB80]  }
0x174: {  	v5 =	vadd.s32 v8, v5  }
.Ltmp5:
0x175: {  	v5 =	vadd.s32 v9, v5;
	(pc) =	sbr.rel @p1 .LBB2_8-.Ltmp5, $4  }
0x176: {  	v5 =	vadd.s32 v10, v5  }
0x177: {  	s3 =	sadd.s32 $0x80, s3;
	v5 =	vadd.s32 v6, v5  }
0x178: {  	s0 =	sand.u32 $0x70, s4;
	s1 =	sadd.s32 $0x10, s1;
	s2 =	sand.u32 $0x400, s3;
	v5 =	vadd.s32 v7, v5  }
0x179: {  	s4 =	sadd.s32 $0x10, s4;
	s5 =	sor.u32 s0, s2;
	[tilespmem:s1+$0x0] =	vst v5  }
0x17a: {  	v5 =	vld [tilespmem:s5+$0xA880]  }
0x17b: {  	v6 =	vld [tilespmem:s5+$0xA800]  }
0x17c: {  	v7 =	vld [tilespmem:s5+$0xA900]  }
0x17d: {  	v8 =	vld [tilespmem:s5+$0xA980]  }
0x17e: {  	v9 =	vld [tilespmem:s5+$0xAA00]  }
0x17f: {  	v10 =	vld [tilespmem:s5+$0xAA80]  }
0x180: {  	v5 =	vadd.s32 v6, v5;
	v6 =	vld [tilespmem:s5+$0xAB00]  }
0x181: {  	v5 =	vadd.s32 v7, v5;
	v7 =	vld [tilespmem:s5+$0xAB80]  }
0x182: {  	v5 =	vadd.s32 v8, v5  }
0x183: {  	v5 =	vadd.s32 v9, v5  }
0x184: {  	v5 =	vadd.s32 v10, v5  }
0x185: {  	v5 =	vadd.s32 v6, v5  }
0x186: {  	s0 =	sadd.s32 $0x10, s1;
	v5 =	vadd.s32 v7, v5  }
0x187: {  	s3 =	simm.s32 $0xFF;
	s1 =	simm.s32 $0x0;
	[tilespmem:s0+$0x0] =	vst v5  }
.LBB2_10:
0x188: {  	s0 =	simm.s32 $0xB000  }
0x189: {  	s2 =	sadd.s32 s3, s15;
	s19 =	simm.s32 $0xB010;
	v6 =	vld [tilespmem:s0+$0x0]  }
0x18a: {  	s2 =	sadd.s32 $0x1, s2;
	v7 =	vld [tilespmem:s19+$0x0]  }
0x18b: {  	s5 =	simm.s32 $0x0;
	s4 =	sshra.s32 s2, $0x1  }
0x18c: {  	s20 =	simm.s32 $0x10;
	v8 =	vor.u32 s5, v2;
	v5 =	vmov s4  }
0x18d: {  	vm4 =	vlt.s32 v8, v5;
	v8 =	vor.u32 s20, v2  }
0x18e: {  	v6 =	vsel vm4, $0x0, v6;
	vm4 =	vlt.s32 v8, v5  }
0x18f: {  	(xrf0) =	vadd.scan.msk.s32 $0xffff, v6;
	v6 =	vsel vm4, $0x0, v7  }
0x190: {  	s26 =	simm.s32 $0xB020;
	(xrf0) =	vadd.scan.msk.s32 $0xffff, v6  }
0x191: {  	s29 =	simm.s32 $0x20;
	v6 =	vld [tilespmem:s26+$0x0]  }
0x192: {  	s30 =	simm.s32 $0x30;
	v8 =	vor.u32 s29, v2  }
0x193: {  	vm4 =	vlt.s32 v8, v5;
	v8 =	vor.u32 s30, v2;
	_ =	sdelay $0x1  }
0x194: {  	v9, _, _ =	vpop (xrf0)  }
0x195: {  	v6 =	vsel vm4, $0x0, v6;
	vm4 =	vlt.s32 v8, v5;
	(v2sf) =	vpush v9, $0xF;
	v8, _, _ =	vpop (xrf0)  }
0x196: {  	(v2sf) =	vpush v8, $0xF;
	_ =	sdelay $0x2  }
0x197: {  	s28 =	simm.s32 $0xB030  }
0x198: {  	v7 =	vld [tilespmem:s28+$0x0];
	(xrf0) =	vadd.scan.msk.s32 $0xffff, v6;
	_ =	sdelay $0x4  }
0x199: {  	s6 =	simm.s32 $0x40;
	s7 =	simm.s32 $0xB040;
	v6 =	vsel vm4, $0x0, v7  }
.LBB2_11:
0x19a: {  	v7 =	vld [tilespmem:s7+$0x0];
	p1 =	sne.s32 s6, $0xF0;
	(xrf0) =	vadd.scan.msk.s32 $0xffff, v6;
	v6, _, _ =	vpop (xrf0);
	s0 =	smov.u32 s6;
	s6 =	sadd.s32 $0x10, s6  }
.Ltmp6:
0x19b: {  	(v2sf) =	vpush v6, $0xF;
	(pc) =	sbr.rel @p1 .LBB2_11-.Ltmp6, $4  }
0x19c: {  	_ = 	snop  }
0x19d: {  	v6 =	vor.u32 s0, v2  }
0x19e: {  	vm4 =	vlt.s32 v6, v5;
	s0 =	spop (v2sf)  }
0x19f: {  	s7 =	sadd.s32 $0x10, s7;
	v6 =	vsel vm4, $0x0, v7;
	s5 =	sadd.s32 s5, s0  }
0x1a0: {  	(xrf0) =	vadd.scan.msk.s32 $0xffff, v6;
	_ =	sdelay $0x4  }
0x1a1: {  	v5, _, _ =	vpop (xrf0)  }
0x1a2: {  	(v2sf) =	vpush v5, $0xF;
	v5, _, _ =	vpop (xrf0)  }
0x1a3: {  	(v2sf) =	vpush v5, $0xF;
	_ =	sdelay $0xb  }
0x1a4: {  	s0 =	spop (v2sf)  }
0x1a5: {  	s1 =	sadd.s32 $0x1, s1;
	s0 =	sadd.s32 s5, s0;
	s2 =	spop (v2sf)  }
0x1a6: {  	p2 =	sne.s32 s1, $0x8;
	s0 =	sadd.s32 s0, s2;
	s29 =	spop (v2sf)  }
.Ltmp7:
0x1a7: {  	s0 =	sadd.s32 s0, s29;
	s30 =	spop (v2sf);
	(pc) =	sbr.rel @p2 .LBB2_10-.Ltmp7, $4  }
0x1a8: {  	s0 =	sadd.s32 s0, s30  }
0x1a9: {  	p1 =	sgt.s32 s0, $0x270F;
	s0 =	sadd.s32 $0xFFFFFFFF, s4  }
0x1aa: {  	s0 =	smov.u32 @p1 s3  }
0x1ab: {  	s15 =	smov.u32 @p1 s4;
	s3 =	smov.u32 s0  }
0x1ac: {  	s0 =	simm.s32 $0xB000  }
0x1ad: {  	s19 =	simm.s32 $0xB010;
	v6 =	vld [tilespmem:s0+$0x0]  }
0x1ae: {  	v7 =	vld [tilespmem:s19+$0x0]  }
0x1af: {  	s20 =	sadd.s32 $0x1, s15;
	s1 =	simm.s32 $0x0  }
0x1b0: {  	s26 =	simm.s32 $0x10;
	v5 =	vmov s20;
	v8 =	vor.u32 s1, v2  }
0x1b1: {  	vm7 =	vlt.s32 v8, v5;
	v8 =	vor.u32 s26, v2  }
0x1b2: {  	vm5 =	vlt.s32 v8, v5;
	v6 =	vsel vm7, $0x0, v6  }
0x1b3: {  	(xrf0) =	vadd.scan.msk.s32 $0xffff, v6;
	v6 =	vsel vm5, $0x0, v7  }
0x1b4: {  	(xrf0) =	vadd.scan.msk.s32 $0xffff, v6  }
0x1b5: {  	s30 =	simm.s32 $0x20  }
0x1b6: {  	s2 =	simm.s32 $0x30;
	v8 =	vor.u32 s30, v2  }
0x1b7: {  	vm6 =	vlt.s32 v8, v5;
	v8 =	vor.u32 s2, v2  }
0x1b8: {  	s28 =	simm.s32 $0xB020  }
0x1b9: {  	v6 =	vld [tilespmem:s28+$0x0];
	v9, _, _ =	vpop (xrf0)  }
0x1ba: {  	vm4 =	vlt.s32 v8, v5;
	(v2sf) =	vpush v9, $0xF;
	v8, _, _ =	vpop (xrf0)  }
0x1bb: {  	(v2sf) =	vpush v8, $0xF;
	_ =	sdelay $0x2  }
0x1bc: {  	s29 =	simm.s32 $0xB030;
	v6 =	vsel vm6, $0x0, v6  }
0x1bd: {  	v7 =	vld [tilespmem:s29+$0x0];
	(xrf0) =	vadd.scan.msk.s32 $0xffff, v6;
	_ =	sdelay $0x4  }
0x1be: {  	s4 =	simm.s32 $0x40;
	s5 =	simm.s32 $0xB040;
	s3 =	simm.s32 $0x0;
	v6 =	vsel vm4, $0x0, v7  }
.LBB2_14:
0x1bf: {  	v7 =	vld [tilespmem:s5+$0x0];
	p1 =	sne.s32 s4, $0xF0;
	(xrf0) =	vadd.scan.msk.s32 $0xffff, v6;
	v6, _, _ =	vpop (xrf0);
	s0 =	smov.u32 s4;
	s4 =	sadd.s32 $0x10, s4  }
.Ltmp8:
0x1c0: {  	(v2sf) =	vpush v6, $0xF;
	(pc) =	sbr.rel @p1 .LBB2_14-.Ltmp8, $4  }
0x1c1: {  	_ = 	snop  }
0x1c2: {  	v6 =	vor.u32 s0, v2  }
0x1c3: {  	vm8 =	vlt.s32 v6, v5;
	s0 =	spop (v2sf)  }
0x1c4: {  	s5 =	sadd.s32 $0x10, s5;
	v6 =	vsel vm8, $0x0, v7;
	s3 =	sadd.s32 s3, s0  }
0x1c5: {  	(xrf0) =	vadd.scan.msk.s32 $0xffff, v6;
	_ =	sdelay $0x4  }
0x1c6: {  	v6, _, _ =	vpop (xrf0)  }
0x1c7: {  	(v2sf) =	vpush v6, $0xF;
	v6, _, _ =	vpop (xrf0)  }
0x1c8: {  	(v2sf) =	vpush v6, $0xF;
	_ =	sdelay $0xa  }
0x1c9: {  	s0 =	simm.s32 $0xB100  }
0x1ca: {  	s28 =	spop (v2sf);
	p4 =	por $0x0, $0x0;
	v6 =	vld [tilespmem:s0+$0x0]  }
.Ltmp9:
0x1cb: {  	s0 =	sadd.s32 s3, s28;
	s2 =	spop (v2sf);
	(pc) =	sbr.rel @p4 .LBB2_16-.Ltmp9, $4  }
0x1cc: {  	s0 =	sadd.s32 s0, s2;
	s29 =	spop (v2sf)  }
0x1cd: {  	s0 =	sadd.s32 s0, s29;
	s30 =	spop (v2sf)  }
0x1ce: {  	p1 =	por $0x0, $0x0;
	p2 =	por $0x0, $0x0;
	s0 =	sadd.s32 s0, s30  }
0x1cf: {  	p3 =	por $0x0, $0x0;
	v6 =	vsel vm7, $0x0, v6;
	[smem:$0x7E7] =	sst s0;
	s0 =	simm.s32 $0xB110  }
0x1d0: {  	v7 =	vld [tilespmem:s0+$0x0];
	p4 =	por $0x0, $0x0  }
.Ltmp10:
0x1d1: {  	_ = 	snop;
	(pc) =	sbr.rel @p4 .LBB2_18-.Ltmp10, $2  }
0x1d2: {  	_ =	sdelay $0x2  }
0x1d3: {  	(xrf0) =	vadd.scan.msk.s32 $0xffff, v6;
	s0 =	simm.s32 $0xB120;
	p1 =	por $0x1, $0x1;
	v6 =	vsel vm5, $0x0, v7  }
0x1d4: {  	_ =	sdelay $0x4  }
0x1d5: {  	(xrf0) =	vadd.scan.msk.s32 $0xffff, v6;
	v6, _, _ =	vpop (xrf0)  }
0x1d6: {  	(v2sf) =	vpush v6, $0xF;
	_ =	sdelay $0x4  }
0x1d7: {  	v7 =	vld [tilespmem:s0+$0x0];
	p4 =	por $0x0, $0x0  }
.Ltmp11:
0x1d8: {  	_ = 	snop;
	(pc) =	sbr.rel @p4 .LBB2_20-.Ltmp11, $2  }
0x1d9: {  	_ =	sdelay $0x2  }
0x1da: {  	s0 =	simm.s32 $0xB130;
	p2 =	por $0x1, $0x1;
	v6 =	vsel vm6, $0x0, v7  }
0x1db: {  	(xrf0) =	vadd.scan.msk.s32 $0xffff, v6;
	v6, _, _ =	vpop (xrf0)  }
0x1dc: {  	(v2sf) =	vpush v6, $0xF;
	_ =	sdelay $0x3  }
0x1dd: {  	v7 =	vld [tilespmem:s0+$0x0];
	p4 =	por $0x0, $0x0  }
.Ltmp12:
0x1de: {  	_ = 	snop;
	(pc) =	sbr.rel @p4 .LBB2_22-.Ltmp12, $3  }
0x1df: {  	_ =	sdelay $0x1  }
0x1e0: {  	s4 =	simm.s32 $0x40  }
0x1e1: {  	s5 =	simm.s32 $0xB140;
	p3 =	por $0x1, $0x1;
	s3 =	simm.s32 $0x0;
	v6 =	vsel vm4, $0x0, v7  }
.LBB2_23:
0x1e2: {  	v7 =	vld [tilespmem:s5+$0x0];
	p4 =	seq.s32 s4, $0xF0;
	(xrf0) =	vadd.scan.msk.s32 $0xffff, v6;
	v6, _, _ =	vpop (xrf0);
	s0 =	smov.u32 s4;
	s4 =	sadd.s32 $0x10, s4  }
.Ltmp13:
0x1e3: {  	(v2sf) =	vpush v6, $0xF;
	(pc) =	sbr.rel @!p4 .LBB2_23-.Ltmp13, $4  }
0x1e4: {  	_ = 	snop  }
0x1e5: {  	v6 =	vor.u32 s0, v2  }
0x1e6: {  	vm4 =	vlt.s32 v6, v5;
	s0 =	spop (v2sf)  }
0x1e7: {  	s5 =	sadd.s32 $0x10, s5;
	v6 =	vsel vm4, $0x0, v7;
	s3 =	sadd.s32 s3, s0  }
.LBB2_24:
0x1e8: {  	(xrf0) =	vadd.scan.msk.s32 $0xffff, v6;
	_ =	sdelay $0x3  }
0x1e9: {  	v5, _, _ =	vpop @p1 (xrf0)  }
0x1ea: {  	(v2sf) =	vpush @p1 v5, $0xF  }
0x1eb: {  	v5, _, _ =	vpop (xrf0)  }
0x1ec: {  	(v2sf) =	vpush v5, $0xF;
	_ =	sdelay $0x8  }
0x1ed: {  	s0 =	spop @p3 (v2sf)  }
0x1ee: {  	s2 =	simm.s32 $0x0;
	s0 =	sadd.s32 @p3 s3, s0  }
0x1ef: {  	s2 =	smov.u32 @p3 s0;
	s0 =	spop @p2 (v2sf)  }
0x1f0: {  	s0 =	sadd.s32 @p2 s2, s0;
	s2 =	simm.s32 $0x0  }
0x1f1: {  	s2 =	smov.u32 @p2 s0;
	s0 =	spop @p1 (v2sf)  }
0x1f2: {  	s0 =	sadd.s32 @p1 s2, s0  }
0x1f3: {  	s1 =	smov.u32 @p1 s0;
	s30 =	spop (v2sf)  }
0x1f4: {  	s0 =	simm.s32 $0x40;
	s5 =	sadd.s32 s1, s30;
	s1 =	simm.s32 $0x0  }
.LBB2_25:
0x1f5: {  	p1 =	seq.s32 s0, $0x3FC0;
	[tilespmem:s1+$0x9800] =	vst v1;
	s1 =	smov.u32 s0;
	s0 =	sadd.s32 $0x40, s0  }
.Ltmp14:
0x1f6: {  	(pc) =	sbr.rel @!p1 .LBB2_25-.Ltmp14, $2  }
0x1f7: {  	_ =	sdelay $0x2  }
0x1f8: {  	s1 =	sshra.s32 s1, $0x2  }
0x1f9: {  	[tilespmem:s1+$0x9800] =	vst v1;
	s0 =	simm.s32 $0x0  }
0x1fa: {  	v6 =	vld [tilespmem:s0+$0x0];
	_ =	sdelay $0x4  }
0x1fb: {  	v7 =	vxor.u32 $0x7FFFFFFF, v6;
	vm4 =	vlt.s32 v6, $0x0  }
0x1fc: {  	v6 =	vsel vm4, v7, v6  }
0x1fd: {  	v7 =	vxor.u32 $0x80000000, v6  }
0x1fe: {  	v5 =	vmov s15;
	v8 =	vshrl.u32 v7, $0x18  }
0x1ff: {  	vm4 =	veq.s32 v8, v5  }
0x200: {  	v8 =	vsel vm4, $0x1, v1  }
0x201: {  	(xrf0) =	vadd.scan.msk.s32 $0xffff, v8;
	_ =	sdelay $0x3  }
0x202: {  	v6 =	vshrl.u32 v6, $0x10  }
0x203: {  	s1 =	simm.s32 $0x0;
	v6 =	vand.u32 $0xFF, v6;
	v63 =	vsel vm4, $0xFFFFFFFF, v1  }
0x204: {  	v6 =	vor.u32 v3, v6;
	v8 =	vadd.s32 s1, v63;
	v9, _, _ =	vpop (xrf0)  }
0x205: {  	v8 =	vadd.s32 v9, v8;
	(v2sf) =	vpush v9, $0xF;
	_ =	sdelay $0x2  }
0x206: {  	s4 =	simm.s32 $0x9800  }
0x207: {  	[tilespmem:v6+s4+$0x0] =	vst.idx.add.s32.msk vm4, v4  }
0x208: {  	s6 =	simm.s32 $0x80;
	s3 =	simm.s32 $0x0;
	s0 =	simm.s32 $0x10;
	[tilespmem:v8+s21+$0x0] =	vst.idx.msk vm4, v7  }
.LBB2_27:
0x209: {  	p1 =	sne.s32 s6, $0xDFC0;
	v6 =	vld [tilespmem:s0+$0x0];
	_ =	sdelay $0x4  }
0x20a: {  	v7 =	vxor.u32 $0x7FFFFFFF, v6;
	vm4 =	vlt.s32 v6, $0x0  }
0x20b: {  	v6 =	vsel vm4, v7, v6  }
0x20c: {  	v7 =	vxor.u32 $0x80000000, v6;
	v6 =	vshrl.u32 v6, $0x10  }
0x20d: {  	v8 =	vshrl.u32 v7, $0x18  }
0x20e: {  	v6 =	vand.u32 $0xFF, v6;
	vm4 =	veq.s32 v8, v5;
	s0 =	spop (v2sf)  }
0x20f: {  	v6 =	vor.u32 v3, v6;
	v8 =	vsel vm4, $0xFFFFFFFF, v1;
	v9 =	vsel vm4, $0x1, v1;
	s3 =	sadd.s32 s3, s0  }
0x210: {  	v8 =	vadd.s32 s3, v8;
	(xrf0) =	vadd.scan.msk.s32 $0xffff, v9;
	_ =	sdelay $0x3  }
0x211: {  	[tilespmem:v6+s4+$0x0] =	vst.idx.add.s32.msk vm4, v4;
	_ =	sdelay $0x1  }
0x212: {  	v6, _, _ =	vpop (xrf0)  }
0x213: {  	v8 =	vadd.s32 v6, v8;
	(v2sf) =	vpush v6, $0xF  }
.Ltmp15:
0x214: {  	(pc) =	sbr.rel @p1 .LBB2_27-.Ltmp15, $2  }
0x215: {  	_ =	sdelay $0x2  }
0x216: {  	s0 =	sshra.s32 s6, $0x2;
	s6 =	sadd.s32 $0x40, s6;
	[tilespmem:v8+s21+$0x0] =	vst.idx.msk vm4, v7  }
0x217: {  	v6 =	vld [tilespmem:s0+$0x0];
	_ =	sdelay $0x4  }
0x218: {  	v7 =	vxor.u32 $0x7FFFFFFF, v6;
	vm4 =	vlt.s32 v6, $0x0  }
0x219: {  	v6 =	vsel vm4, v7, v6  }
0x21a: {  	v7 =	vxor.u32 $0x80000000, v6  }
0x21b: {  	v8 =	vshrl.u32 v7, $0x18  }
0x21c: {  	vm4 =	veq.s32 v8, v5  }
0x21d: {  	v5 =	vsel vm4, $0x1, v1  }
0x21e: {  	(xrf0) =	vadd.scan.msk.s32 $0xffff, v5;
	_ =	sdelay $0x3  }
0x21f: {  	s29 =	spop (v2sf);
	v5 =	vshrl.u32 v6, $0x10  }
0x220: {  	s0 =	sadd.s32 s3, s29;
	v6 =	vsel vm4, $0xFFFFFFFF, v1;
	v5 =	vand.u32 $0xFF, v5  }
0x221: {  	v6 =	vadd.s32 s0, v6;
	v5 =	vor.u32 v3, v5;
	v57, _, _ =	vpop (xrf0)  }
0x222: {  	v6 =	vadd.s32 v57, v6;
	_ =	sdelay $0x2  }
0x223: {  	s2 =	simm.s32 $0x9800  }
0x224: {  	[tilespmem:v5+s2+$0x0] =	vst.idx.add.s32.msk vm4, v4  }
0x225: {  	s1 =	sand.u32 $0xF0, s1;
	[tilespmem:v6+s21+$0x0] =	vst.idx.msk vm4, v7  }
0x226: {  	v5 =	vld [tilespmem:s1+$0x9900]  }
0x227: {  	v6 =	vld [tilespmem:s2+$0x0]  }
0x228: {  	v7 =	vld [tilespmem:s1+$0x9A00]  }
0x229: {  	v9 =	vld [tilespmem:s1+$0x9B00]  }
0x22a: {  	v10 =	vld [tilespmem:s1+$0x9C00]  }
0x22b: {  	v11 =	vld [tilespmem:s1+$0x9D00]  }
0x22c: {  	(v2sf) =	vpush v57, $0xF;
	v5 =	vadd.s32 v6, v5;
	v6 =	vld [tilespmem:s1+$0x9E00]  }
0x22d: {  	v5 =	vadd.s32 v7, v5;
	v7 =	vld [tilespmem:s1+$0x9F00]  }
0x22e: {  	v58 =	vld [tilespmem:s1+$0xA000];
	v5 =	vadd.s32 v9, v5  }
0x22f: {  	v59 =	vld [tilespmem:s1+$0xA100];
	v5 =	vadd.s32 v10, v5  }
0x230: {  	v60 =	vld [tilespmem:s1+$0xA200];
	v5 =	vadd.s32 v11, v5  }
0x231: {  	v5 =	vadd.s32 v6, v5;
	v6 =	vld [tilespmem:s1+$0xA300]  }
0x232: {  	v5 =	vadd.s32 v7, v5;
	v7 =	vld [tilespmem:s1+$0xA400]  }
0x233: {  	v61 =	vld [tilespmem:s1+$0xA500];
	v5 =	vadd.s32 v58, v5  }
0x234: {  	v62 =	vld [tilespmem:s1+$0xA600];
	v5 =	vadd.s32 v59, v5  }
0x235: {  	v63 =	vld [tilespmem:s1+$0xA700];
	v5 =	vadd.s32 v60, v5  }
0x236: {  	v5 =	vadd.s32 v6, v5  }
0x237: {  	v5 =	vadd.s32 v7, v5  }
0x238: {  	v5 =	vadd.s32 v61, v5  }
0x239: {  	v5 =	vadd.s32 v62, v5  }
0x23a: {  	s30 =	simm.s32 $0x10;
	s1 =	simm.s32 $0xB100;
	v5 =	vadd.s32 v63, v5  }
0x23b: {  	s3 =	sand.u32 $0xF0, s30;
	s4 =	spop (v2sf);
	[tilespmem:s1+$0x0] =	vst v5  }
0x23c: {  	s6 =	simm.s32 $0x20;
	s8 =	sadd.s32 s0, s4;
	s4 =	simm.s32 $0x9810;
	v5 =	vld [tilespmem:s3+$0x9900]  }
.LBB2_29:
0x23d: {  	p1 =	sne.s32 s6, $0xF0;
	v6 =	vld [tilespmem:s4+$0x0]  }
0x23e: {  	v7 =	vld [tilespmem:s3+$0x9A00]  }
0x23f: {  	v8 =	vld [tilespmem:s3+$0x9B00]  }
0x240: {  	v9 =	vld [tilespmem:s3+$0x9C00]  }
0x241: {  	v10 =	vld [tilespmem:s3+$0x9D00]  }
0x242: {  	v5 =	vadd.s32 v6, v5;
	v6 =	vld [tilespmem:s3+$0x9E00]  }
0x243: {  	v5 =	vadd.s32 v7, v5;
	v7 =	vld [tilespmem:s3+$0x9F00]  }
0x244: {  	v5 =	vadd.s32 v8, v5;
	v8 =	vld [tilespmem:s3+$0xA000]  }
0x245: {  	v5 =	vadd.s32 v9, v5;
	v9 =	vld [tilespmem:s3+$0xA100]  }
0x246: {  	v5 =	vadd.s32 v10, v5;
	v10 =	vld [tilespmem:s3+$0xA200]  }
0x247: {  	v5 =	vadd.s32 v6, v5;
	v6 =	vld [tilespmem:s3+$0xA300]  }
0x248: {  	v5 =	vadd.s32 v7, v5;
	v7 =	vld [tilespmem:s3+$0xA400]  }
0x249: {  	v5 =	vadd.s32 v8, v5;
	v8 =	vld [tilespmem:s3+$0xA500]  }
0x24a: {  	v5 =	vadd.s32 v9, v5;
	v9 =	vld [tilespmem:s3+$0xA600]  }
0x24b: {  	v5 =	vadd.s32 v10, v5;
	v10 =	vld [tilespmem:s3+$0xA700]  }
0x24c: {  	v5 =	vadd.s32 v6, v5  }
0x24d: {  	v5 =	vadd.s32 v7, v5  }
.Ltmp16:
0x24e: {  	v5 =	vadd.s32 v8, v5;
	(pc) =	sbr.rel @p1 .LBB2_29-.Ltmp16, $4  }
0x24f: {  	v5 =	vadd.s32 v9, v5  }
0x250: {  	s1 =	sadd.s32 $0x10, s1;
	v5 =	vadd.s32 v10, v5  }
0x251: {  	s3 =	sand.u32 $0xF0, s6;
	[tilespmem:s1+$0x0] =	vst v5  }
0x252: {  	s4 =	sadd.s32 $0x10, s4;
	s6 =	sadd.s32 $0x10, s6;
	v5 =	vld [tilespmem:s3+$0x9900]  }
0x253: {  	v6 =	vld [tilespmem:s4+$0x0]  }
0x254: {  	v7 =	vld [tilespmem:s3+$0x9A00]  }
0x255: {  	v8 =	vld [tilespmem:s3+$0x9B00]  }
0x256: {  	v9 =	vld [tilespmem:s3+$0x9C00]  }
0x257: {  	v10 =	vld [tilespmem:s3+$0x9D00]  }
0x258: {  	v5 =	vadd.s32 v6, v5;
	v6 =	vld [tilespmem:s3+$0x9E00]  }
0x259: {  	v5 =	vadd.s32 v7, v5;
	v7 =	vld [tilespmem:s3+$0x9F00]  }
0x25a: {  	v55 =	vld [tilespmem:s3+$0xA000];
	v5 =	vadd.s32 v8, v5  }
0x25b: {  	v56 =	vld [tilespmem:s3+$0xA100];
	v5 =	vadd.s32 v9, v5  }
0x25c: {  	v57 =	vld [tilespmem:s3+$0xA200];
	v5 =	vadd.s32 v10, v5  }
0x25d: {  	v5 =	vadd.s32 v6, v5;
	v6 =	vld [tilespmem:s3+$0xA300]  }
0x25e: {  	v5 =	vadd.s32 v7, v5;
	v7 =	vld [tilespmem:s3+$0xA400]  }
0x25f: {  	v58 =	vld [tilespmem:s3+$0xA500];
	v5 =	vadd.s32 v55, v5  }
0x260: {  	v59 =	vld [tilespmem:s3+$0xA600];
	v5 =	vadd.s32 v56, v5  }
0x261: {  	v60 =	vld [tilespmem:s3+$0xA700];
	v5 =	vadd.s32 v57, v5  }
0x262: {  	v5 =	vadd.s32 v6, v5  }
0x263: {  	v5 =	vadd.s32 v7, v5  }
0x264: {  	v5 =	vadd.s32 v58, v5  }
0x265: {  	v5 =	vadd.s32 v59, v5  }
0x266: {  	s0 =	sadd.s32 $0x10, s1;
	v5 =	vadd.s32 v60, v5  }
0x267: {  	s20 =	rddreg [dreg:$0xd];
	[tilespmem:s0+$0x0] =	vst v5  }
0x268: {  	[spmem:s20] =	stream.strided.scatter [tilespmem:s16], [sflag:$0x3], $0x100, s9, s23, $0x38;
	[tilespmem:$0x1B710] =	vst v63  }
0x269: {  	_ =	swait.ge [sflag:s11], $0x100  }
0x26a: {  	[sflag:s11] =	ssyncset.done $0x0  }
0x26b: {  	[sflag:s11] =	ssyncadd.s32 $0xFFFFFF00  }
0x26c: {  	[bflag:$0x0] =	sbarrier.arrive $0xFFFF  }
0x26d: {  	s26 =	rddreg [dreg:$0xb]  }
0x26e: {  	[tilespmem:s18], [sflag:$0x3] =	stream.linear.gather [spmem:s26], $0x800, $0x38;
	[tilespmem:$0x1B710] =	vst v63  }
0x26f: {  	s28 =	simm.s32 $0x0;
	_ =	swait.ge [sflag:s11], $0x800  }
0x270: {  	s29 =	sand.u32 $0x70, s28;
	s0 =	sand.u32 $0x400, s28;
	[sflag:s11] =	ssyncset.done $0x0  }
0x271: {  	s0 =	sor.u32 s29, s0;
	[sflag:s11] =	ssyncadd.s32 $0xFFFFF800  }
0x272: {  	v5 =	vld [tilespmem:s0+$0xA880]  }
0x273: {  	v6 =	vld [tilespmem:s0+$0xA800]  }
0x274: {  	v7 =	vld [tilespmem:s0+$0xA900]  }
0x275: {  	v61 =	vld [tilespmem:s0+$0xA980]  }
0x276: {  	v62 =	vld [tilespmem:s0+$0xAA00]  }
0x277: {  	v63 =	vld [tilespmem:s0+$0xAA80]  }
0x278: {  	v5 =	vadd.s32 v6, v5;
	v6 =	vld [tilespmem:s0+$0xAB00]  }
0x279: {  	v5 =	vadd.s32 v7, v5;
	v7 =	vld [tilespmem:s0+$0xAB80]  }
0x27a: {  	v5 =	vadd.s32 v61, v5  }
0x27b: {  	v5 =	vadd.s32 v62, v5  }
0x27c: {  	v5 =	vadd.s32 v63, v5  }
0x27d: {  	s30 =	simm.s32 $0x10;
	s3 =	simm.s32 $0x80;
	v5 =	vadd.s32 v6, v5  }
0x27e: {  	s1 =	simm.s32 $0xB000;
	s2 =	sand.u32 $0x400, s3;
	s0 =	sand.u32 $0x70, s30;
	v5 =	vadd.s32 v7, v5  }
0x27f: {  	s4 =	simm.s32 $0x20;
	s6 =	sor.u32 s0, s2;
	[tilespmem:s1+$0x0] =	vst v5  }
.LBB2_31:
0x280: {  	p1 =	sne.s32 s4, $0xF0;
	v5 =	vld [tilespmem:s6+$0xA880]  }
0x281: {  	v6 =	vld [tilespmem:s6+$0xA800]  }
0x282: {  	v7 =	vld [tilespmem:s6+$0xA900]  }
0x283: {  	v8 =	vld [tilespmem:s6+$0xA980]  }
0x284: {  	v9 =	vld [tilespmem:s6+$0xAA00]  }
0x285: {  	v10 =	vld [tilespmem:s6+$0xAA80]  }
0x286: {  	v5 =	vadd.s32 v6, v5;
	v6 =	vld [tilespmem:s6+$0xAB00]  }
0x287: {  	v5 =	vadd.s32 v7, v5;
	v7 =	vld [tilespmem:s6+$0xAB80]  }
0x288: {  	v5 =	vadd.s32 v8, v5  }
.Ltmp17:
0x289: {  	v5 =	vadd.s32 v9, v5;
	(pc) =	sbr.rel @p1 .LBB2_31-.Ltmp17, $4  }
0x28a: {  	v5 =	vadd.s32 v10, v5  }
0x28b: {  	s3 =	sadd.s32 $0x80, s3;
	v5 =	vadd.s32 v6, v5  }
0x28c: {  	s0 =	sand.u32 $0x70, s4;
	s1 =	sadd.s32 $0x10, s1;
	s2 =	sand.u32 $0x400, s3;
	v5 =	vadd.s32 v7, v5  }
0x28d: {  	s4 =	sadd.s32 $0x10, s4;
	s6 =	sor.u32 s0, s2;
	[tilespmem:s1+$0x0] =	vst v5  }
0x28e: {  	v5 =	vld [tilespmem:s6+$0xA880]  }
0x28f: {  	v6 =	vld [tilespmem:s6+$0xA800]  }
0x290: {  	v7 =	vld [tilespmem:s6+$0xA900]  }
0x291: {  	v8 =	vld [tilespmem:s6+$0xA980]  }
0x292: {  	v9 =	vld [tilespmem:s6+$0xAA00]  }
0x293: {  	v10 =	vld [tilespmem:s6+$0xAA80]  }
0x294: {  	v5 =	vadd.s32 v6, v5;
	v6 =	vld [tilespmem:s6+$0xAB00]  }
0x295: {  	v5 =	vadd.s32 v7, v5;
	v7 =	vld [tilespmem:s6+$0xAB80]  }
0x296: {  	v5 =	vadd.s32 v8, v5  }
0x297: {  	v5 =	vadd.s32 v9, v5  }
0x298: {  	s30 =	sld [smem:$0x7E7];
	v5 =	vadd.s32 v10, v5  }
0x299: {  	v5 =	vadd.s32 v6, v5  }
0x29a: {  	s0 =	sadd.s32 $0x10, s1;
	s4 =	simm.s32 $0x0;
	s9 =	simm.s32 $0x0;
	v5 =	vadd.s32 v7, v5  }
0x29b: {  	s7 =	simm.s32 $0x0;
	s3 =	ssub.s32 $0x2710, s30;
	s6 =	simm.s32 $0xFF;
	[tilespmem:s0+$0x0] =	vst v5  }
.LBB2_33:
0x29c: {  	s0 =	simm.s32 $0xB000  }
0x29d: {  	s1 =	sadd.s32 s6, s9;
	s20 =	simm.s32 $0xB010;
	v6 =	vld [tilespmem:s0+$0x0]  }
0x29e: {  	s1 =	sadd.s32 $0x1, s1;
	v7 =	vld [tilespmem:s20+$0x0]  }
0x29f: {  	s1 =	sshra.s32 s1, $0x1  }
0x2a0: {  	s26 =	simm.s32 $0x10;
	v8 =	vor.u32 s4, v2;
	v5 =	vmov s1  }
0x2a1: {  	vm4 =	vlt.s32 v8, v5;
	v8 =	vor.u32 s26, v2  }
0x2a2: {  	v6 =	vsel vm4, $0x0, v6;
	vm4 =	vlt.s32 v8, v5  }
0x2a3: {  	(xrf0) =	vadd.scan.msk.s32 $0xffff, v6;
	v6 =	vsel vm4, $0x0, v7  }
0x2a4: {  	s28 =	simm.s32 $0xB020;
	(xrf0) =	vadd.scan.msk.s32 $0xffff, v6  }
0x2a5: {  	s30 =	simm.s32 $0x20;
	v6 =	vld [tilespmem:s28+$0x0]  }
0x2a6: {  	s2 =	simm.s32 $0x30;
	v8 =	vor.u32 s30, v2  }
0x2a7: {  	vm4 =	vlt.s32 v8, v5;
	v8 =	vor.u32 s2, v2;
	_ =	sdelay $0x1  }
0x2a8: {  	v9, _, _ =	vpop (xrf0)  }
0x2a9: {  	v6 =	vsel vm4, $0x0, v6;
	vm4 =	vlt.s32 v8, v5;
	(v2sf) =	vpush v9, $0xF;
	v8, _, _ =	vpop (xrf0)  }
0x2aa: {  	(v2sf) =	vpush v8, $0xF;
	_ =	sdelay $0x2  }
0x2ab: {  	s29 =	simm.s32 $0xB030  }
0x2ac: {  	v7 =	vld [tilespmem:s29+$0x0];
	(xrf0) =	vadd.scan.msk.s32 $0xffff, v6;
	_ =	sdelay $0x4  }
0x2ad: {  	s12 =	simm.s32 $0x40;
	s14 =	simm.s32 $0xB040;
	s10 =	simm.s32 $0x0;
	v6 =	vsel vm4, $0x0, v7  }
.LBB2_34:
0x2ae: {  	v7 =	vld [tilespmem:s14+$0x0];
	p1 =	sne.s32 s12, $0xF0;
	(xrf0) =	vadd.scan.msk.s32 $0xffff, v6;
	v6, _, _ =	vpop (xrf0);
	s0 =	smov.u32 s12;
	s12 =	sadd.s32 $0x10, s12  }
.Ltmp18:
0x2af: {  	(v2sf) =	vpush v6, $0xF;
	(pc) =	sbr.rel @p1 .LBB2_34-.Ltmp18, $4  }
0x2b0: {  	_ = 	snop  }
0x2b1: {  	v6 =	vor.u32 s0, v2  }
0x2b2: {  	vm4 =	vlt.s32 v6, v5;
	s0 =	spop (v2sf)  }
0x2b3: {  	s14 =	sadd.s32 $0x10, s14;
	v6 =	vsel vm4, $0x0, v7;
	s10 =	sadd.s32 s10, s0  }
0x2b4: {  	(xrf0) =	vadd.scan.msk.s32 $0xffff, v6;
	_ =	sdelay $0x4  }
0x2b5: {  	v5, _, _ =	vpop (xrf0)  }
0x2b6: {  	(v2sf) =	vpush v5, $0xF;
	v5, _, _ =	vpop (xrf0)  }
0x2b7: {  	(v2sf) =	vpush v5, $0xF;
	_ =	sdelay $0xb  }
0x2b8: {  	s0 =	spop (v2sf)  }
0x2b9: {  	s7 =	sadd.s32 $0x1, s7;
	s0 =	sadd.s32 s10, s0;
	s2 =	spop (v2sf)  }
0x2ba: {  	p2 =	sne.s32 s7, $0x8;
	s0 =	sadd.s32 s0, s2;
	s29 =	spop (v2sf)  }
.Ltmp19:
0x2bb: {  	s0 =	sadd.s32 s0, s29;
	s30 =	spop (v2sf);
	(pc) =	sbr.rel @p2 .LBB2_33-.Ltmp19, $4  }
0x2bc: {  	s0 =	sadd.s32 s0, s30  }
0x2bd: {  	p1 =	slt.s32 s0, s3  }
0x2be: {  	s0 =	sadd.s32 $0xFFFFFFFF, s1;
	s1 =	smov.u32 @p1 s9  }
0x2bf: {  	s6 =	smov.u32 @p1 s0;
	s9 =	smov.u32 s1  }
0x2c0: {  	s0 =	simm.s32 $0xB000  }
0x2c1: {  	s19 =	simm.s32 $0xB010;
	v6 =	vld [tilespmem:s0+$0x0]  }
0x2c2: {  	v7 =	vld [tilespmem:s19+$0x0]  }
0x2c3: {  	s20 =	sadd.s32 $0x1, s1;
	s4 =	simm.s32 $0x0  }
0x2c4: {  	s26 =	simm.s32 $0x10;
	v5 =	vmov s20;
	v8 =	vor.u32 s4, v2  }
0x2c5: {  	vm7 =	vlt.s32 v8, v5;
	v8 =	vor.u32 s26, v2  }
0x2c6: {  	vm5 =	vlt.s32 v8, v5;
	v6 =	vsel vm7, $0x0, v6  }
0x2c7: {  	(xrf0) =	vadd.scan.msk.s32 $0xffff, v6;
	v6 =	vsel vm5, $0x0, v7  }
0x2c8: {  	(xrf0) =	vadd.scan.msk.s32 $0xffff, v6  }
0x2c9: {  	s30 =	simm.s32 $0x20  }
0x2ca: {  	s2 =	simm.s32 $0x30;
	v8 =	vor.u32 s30, v2  }
0x2cb: {  	vm6 =	vlt.s32 v8, v5;
	v8 =	vor.u32 s2, v2  }
0x2cc: {  	s28 =	simm.s32 $0xB020  }
0x2cd: {  	v6 =	vld [tilespmem:s28+$0x0];
	v9, _, _ =	vpop (xrf0)  }
0x2ce: {  	vm4 =	vlt.s32 v8, v5;
	(v2sf) =	vpush v9, $0xF;
	v8, _, _ =	vpop (xrf0)  }
0x2cf: {  	(v2sf) =	vpush v8, $0xF;
	_ =	sdelay $0x2  }
0x2d0: {  	s29 =	simm.s32 $0xB030;
	v6 =	vsel vm6, $0x0, v6  }
0x2d1: {  	v7 =	vld [tilespmem:s29+$0x0];
	(xrf0) =	vadd.scan.msk.s32 $0xffff, v6;
	_ =	sdelay $0x4  }
0x2d2: {  	s7 =	simm.s32 $0x40;
	s9 =	simm.s32 $0xB040;
	s6 =	simm.s32 $0x0;
	v6 =	vsel vm4, $0x0, v7  }
.LBB2_37:
0x2d3: {  	v7 =	vld [tilespmem:s9+$0x0];
	p1 =	sne.s32 s7, $0xF0;
	(xrf0) =	vadd.scan.msk.s32 $0xffff, v6;
	v6, _, _ =	vpop (xrf0);
	s0 =	smov.u32 s7;
	s7 =	sadd.s32 $0x10, s7  }
.Ltmp20:
0x2d4: {  	(v2sf) =	vpush v6, $0xF;
	(pc) =	sbr.rel @p1 .LBB2_37-.Ltmp20, $4  }
0x2d5: {  	_ = 	snop  }
0x2d6: {  	v6 =	vor.u32 s0, v2  }
0x2d7: {  	vm8 =	vlt.s32 v6, v5;
	s0 =	spop (v2sf)  }
0x2d8: {  	s9 =	sadd.s32 $0x10, s9;
	v6 =	vsel vm8, $0x0, v7;
	s6 =	sadd.s32 s6, s0  }
0x2d9: {  	(xrf0) =	vadd.scan.msk.s32 $0xffff, v6;
	_ =	sdelay $0x4  }
0x2da: {  	v6, _, _ =	vpop (xrf0)  }
0x2db: {  	(v2sf) =	vpush v6, $0xF;
	v6, _, _ =	vpop (xrf0)  }
0x2dc: {  	(v2sf) =	vpush v6, $0xF;
	_ =	sdelay $0xa  }
0x2dd: {  	s0 =	simm.s32 $0xB100  }
0x2de: {  	s28 =	spop (v2sf);
	p4 =	por $0x0, $0x0;
	v6 =	vld [tilespmem:s0+$0x0]  }
.Ltmp21:
0x2df: {  	s0 =	sadd.s32 s6, s28;
	s2 =	spop (v2sf);
	(pc) =	sbr.rel @p4 .LBB2_39-.Ltmp21, $4  }
0x2e0: {  	s0 =	sadd.s32 s0, s2;
	s29 =	spop (v2sf)  }
0x2e1: {  	s0 =	sadd.s32 s0, s29;
	s30 =	spop (v2sf)  }
0x2e2: {  	p1 =	por $0x0, $0x0;
	p2 =	por $0x0, $0x0;
	s0 =	sadd.s32 s0, s30  }
0x2e3: {  	p3 =	por $0x0, $0x0;
	v6 =	vsel vm7, $0x0, v6;
	[smem:$0x7E6] =	sst s0;
	s0 =	simm.s32 $0xB110  }
0x2e4: {  	v7 =	vld [tilespmem:s0+$0x0];
	p4 =	por $0x0, $0x0  }
.Ltmp22:
0x2e5: {  	_ = 	snop;
	(pc) =	sbr.rel @p4 .LBB2_41-.Ltmp22, $2  }
0x2e6: {  	_ =	sdelay $0x2  }
0x2e7: {  	(xrf0) =	vadd.scan.msk.s32 $0xffff, v6;
	s0 =	simm.s32 $0xB120;
	p1 =	por $0x1, $0x1;
	v6 =	vsel vm5, $0x0, v7  }
0x2e8: {  	_ =	sdelay $0x4  }
0x2e9: {  	(xrf0) =	vadd.scan.msk.s32 $0xffff, v6;
	v6, _, _ =	vpop (xrf0)  }
0x2ea: {  	(v2sf) =	vpush v6, $0xF;
	_ =	sdelay $0x4  }
0x2eb: {  	v7 =	vld [tilespmem:s0+$0x0];
	p4 =	por $0x0, $0x0  }
.Ltmp23:
0x2ec: {  	_ = 	snop;
	(pc) =	sbr.rel @p4 .LBB2_43-.Ltmp23, $2  }
0x2ed: {  	_ =	sdelay $0x2  }
0x2ee: {  	s0 =	simm.s32 $0xB130;
	p2 =	por $0x1, $0x1;
	v6 =	vsel vm6, $0x0, v7  }
0x2ef: {  	(xrf0) =	vadd.scan.msk.s32 $0xffff, v6;
	v6, _, _ =	vpop (xrf0)  }
0x2f0: {  	(v2sf) =	vpush v6, $0xF;
	_ =	sdelay $0x3  }
0x2f1: {  	v7 =	vld [tilespmem:s0+$0x0];
	p4 =	por $0x0, $0x0  }
.Ltmp24:
0x2f2: {  	_ = 	snop;
	(pc) =	sbr.rel @p4 .LBB2_45-.Ltmp24, $3  }
0x2f3: {  	_ =	sdelay $0x1  }
0x2f4: {  	s7 =	simm.s32 $0x40  }
0x2f5: {  	s9 =	simm.s32 $0xB140;
	p3 =	por $0x1, $0x1;
	s6 =	simm.s32 $0x0;
	v6 =	vsel vm4, $0x0, v7  }
.LBB2_46:
0x2f6: {  	v7 =	vld [tilespmem:s9+$0x0];
	p4 =	seq.s32 s7, $0xF0;
	(xrf0) =	vadd.scan.msk.s32 $0xffff, v6;
	v6, _, _ =	vpop (xrf0);
	s0 =	smov.u32 s7;
	s7 =	sadd.s32 $0x10, s7  }
.Ltmp25:
0x2f7: {  	(v2sf) =	vpush v6, $0xF;
	(pc) =	sbr.rel @!p4 .LBB2_46-.Ltmp25, $4  }
0x2f8: {  	_ = 	snop  }
0x2f9: {  	v6 =	vor.u32 s0, v2  }
0x2fa: {  	vm4 =	vlt.s32 v6, v5;
	s0 =	spop (v2sf)  }
0x2fb: {  	s9 =	sadd.s32 $0x10, s9;
	v6 =	vsel vm4, $0x0, v7;
	s6 =	sadd.s32 s6, s0  }
.LBB2_47:
0x2fc: {  	(xrf0) =	vadd.scan.msk.s32 $0xffff, v6;
	_ =	sdelay $0x3  }
0x2fd: {  	v5, _, _ =	vpop @p1 (xrf0)  }
0x2fe: {  	(v2sf) =	vpush @p1 v5, $0xF  }
0x2ff: {  	v5, _, _ =	vpop (xrf0)  }
0x300: {  	(v2sf) =	vpush v5, $0xF;
	_ =	sdelay $0x8  }
0x301: {  	s0 =	spop @p3 (v2sf)  }
0x302: {  	s2 =	simm.s32 $0x0;
	s0 =	sadd.s32 @p3 s6, s0  }
0x303: {  	s2 =	smov.u32 @p3 s0;
	s0 =	spop @p2 (v2sf)  }
0x304: {  	s0 =	sadd.s32 @p2 s2, s0;
	s2 =	simm.s32 $0x0  }
0x305: {  	s2 =	smov.u32 @p2 s0;
	s0 =	spop @p1 (v2sf)  }
0x306: {  	s0 =	sadd.s32 @p1 s2, s0  }
0x307: {  	s4 =	smov.u32 @p1 s0;
	s30 =	spop (v2sf)  }
0x308: {  	s2 =	simm.s32 $0x0;
	s0 =	simm.s32 $0x40;
	s4 =	sadd.s32 s4, s30  }
.LBB2_48:
0x309: {  	p1 =	seq.s32 s0, $0x3FC0;
	[tilespmem:s2+$0x9800] =	vst v1;
	s2 =	smov.u32 s0;
	s0 =	sadd.s32 $0x40, s0  }
.Ltmp26:
0x30a: {  	(pc) =	sbr.rel @!p1 .LBB2_48-.Ltmp26, $2  }
0x30b: {  	_ =	sdelay $0x2  }
0x30c: {  	s2 =	sshra.s32 s2, $0x2  }
0x30d: {  	s0 =	sadd.s32 $0xF, s8  }
0x30e: {  	s6 =	sshra.s32 s0, $0x4  }
0x30f: {  	p1 =	slt.s32 s6, $0x1  }
.Ltmp27:
0x310: {  	_ = 	snop;
	(pc) =	sbr.rel @p1 .LBB2_56-.Ltmp27, $3  }
0x311: {  	_ =	sdelay $0x1  }
0x312: {  	s30 =	sshll.u32 s15, $0x8  }
0x313: {  	[tilespmem:s2+$0x9800] =	vst v1;
	v5 =	vmov s8;
	s15 =	simm.s32 $0x400;
	s7 =	sor.u32 s30, s1  }
0x314: {  	p3 =	sne.s32 s6, $0x1  }
.Ltmp28:
0x315: {  	_ = 	snop;
	(pc) =	sbr.rel @!p3 .LBB2_51-.Ltmp28, $3  }
0x316: {  	_ =	sdelay $0x1  }
0x317: {  	s0 =	simm.s32 $0x3800  }
0x318: {  	v6 =	vmov s7;
	s1 =	simm.s32 $0x0;
	p2 =	por $0x0, $0x0;
	v7 =	vld [tilespmem:s0+$0x0];
	s0 =	sadd.s32 $0xFFFFFFFF, s6  }
0x319: {  	_ =	sdelay $0x3  }
0x31a: {  	v8 =	vor.u32 s1, v2;
	v9 =	vshrl.u32 v7, $0x10  }
0x31b: {  	vm4 =	vlt.s32 v8, v5;
	v7 =	vshrl.u32 v7, $0x8;
	vm5 =	veq.s32 v9, v6  }
0x31c: {  	v7 =	vand.u32 $0xFF, v7;
	vm4 =	vmand vm4, vm5  }
0x31d: {  	v7 =	vor.u32 v3, v7  }
0x31e: {  	p3 =	sne.s32 s0, $0x1  }
.Ltmp29:
0x31f: {  	_ = 	snop;
	(pc) =	sbr.rel @!p3 .LBB2_53-.Ltmp29, $3  }
0x320: {  	_ =	sdelay $0x1  }
0x321: {  	s9 =	simm.s32 $0x3810;
	[tilespmem:v7+s22+$0x0] =	vst.idx.add.s32.msk vm4, v4  }
0x322: {  	s10 =	sadd.s32 $0xFFFFFFFF, s0;
	p2 =	por $0x1, $0x1;
	s8 =	simm.s32 $0x0;
	v7 =	vld [tilespmem:s9+$0x0]  }
.LBB2_54:
0x323: {  	p3 =	sne.s32 s10, $0x1;
	_ =	sdelay $0x2  }
0x324: {  	s8 =	sadd.s32 $0x10, s8  }
0x325: {  	v8 =	vor.u32 s8, v2;
	v9 =	vshrl.u32 v7, $0x10  }
0x326: {  	vm4 =	vlt.s32 v8, v5;
	v7 =	vshrl.u32 v7, $0x8;
	vm5 =	veq.s32 v9, v6  }
0x327: {  	v7 =	vand.u32 $0xFF, v7;
	vm4 =	vmand vm4, vm5  }
0x328: {  	v7 =	vor.u32 v3, v7;
	_ =	sdelay $0x1  }
.Ltmp30:
0x329: {  	(pc) =	sbr.rel @p3 .LBB2_54-.Ltmp30, $3  }
0x32a: {  	_ =	sdelay $0x1  }
0x32b: {  	s9 =	sadd.s32 $0x10, s9;
	[tilespmem:v7+s22+$0x0] =	vst.idx.add.s32.msk vm4, v4  }
0x32c: {  	s10 =	sadd.s32 $0xFFFFFFFF, s10;
	v7 =	vld [tilespmem:s9+$0x0]  }
.LBB2_55:
0x32d: {  	_ =	sdelay $0x1  }
0x32e: {  	s0 =	sadd.s32 @p2 $0x10, s8  }
0x32f: {  	s1 =	smov.u32 @p2 s0  }
0x330: {  	v8 =	vor.u32 s1, v2;
	v9 =	vshrl.u32 v7, $0x10  }
0x331: {  	vm4 =	vlt.s32 v8, v5;
	vm5 =	veq.s32 v9, v6;
	v6 =	vshrl.u32 v7, $0x8  }
0x332: {  	vm4 =	vmand vm4, vm5;
	v6 =	vand.u32 $0xFF, v6  }
0x333: {  	v6 =	vor.u32 v3, v6;
	_ =	sdelay $0x4  }
0x334: {  	[tilespmem:v6+s22+$0x0] =	vst.idx.add.s32.msk vm4, v4  }
.LBB2_56:
0x335: {  	s0 =	simm.s32 $0x0;
	s1 =	simm.s32 $0x9800  }
0x336: {  	s0 =	sand.u32 $0xF0, s0;
	v7 =	vld [tilespmem:s1+$0x0]  }
0x337: {  	v6 =	vld [tilespmem:s0+$0x9900]  }
0x338: {  	v8 =	vld [tilespmem:s0+$0x9A00]  }
0x339: {  	v9 =	vld [tilespmem:s0+$0x9B00]  }
0x33a: {  	v10 =	vld [tilespmem:s0+$0x9C00]  }
0x33b: {  	v11 =	vld [tilespmem:s0+$0x9D00]  }
0x33c: {  	v6 =	vadd.s32 v7, v6;
	v7 =	vld [tilespmem:s0+$0x9E00]  }
0x33d: {  	v6 =	vadd.s32 v8, v6;
	v8 =	vld [tilespmem:s0+$0x9F00]  }
0x33e: {  	v58 =	vld [tilespmem:s0+$0xA000];
	v6 =	vadd.s32 v9, v6  }
0x33f: {  	v59 =	vld [tilespmem:s0+$0xA100];
	v6 =	vadd.s32 v10, v6  }
0x340: {  	v60 =	vld [tilespmem:s0+$0xA200];
	v6 =	vadd.s32 v11, v6  }
0x341: {  	v6 =	vadd.s32 v7, v6;
	v7 =	vld [tilespmem:s0+$0xA300]  }
0x342: {  	v6 =	vadd.s32 v8, v6;
	v8 =	vld [tilespmem:s0+$0xA400]  }
0x343: {  	v61 =	vld [tilespmem:s0+$0xA500];
	v6 =	vadd.s32 v58, v6  }
0x344: {  	v62 =	vld [tilespmem:s0+$0xA600];
	v6 =	vadd.s32 v59, v6  }
0x345: {  	v63 =	vld [tilespmem:s0+$0xA700];
	v6 =	vadd.s32 v60, v6  }
0x346: {  	v6 =	vadd.s32 v7, v6  }
0x347: {  	v6 =	vadd.s32 v8, v6  }
0x348: {  	s2 =	sld [smem:$0x7E6];
	v6 =	vadd.s32 v61, v6  }
0x349: {  	v6 =	vadd.s32 v62, v6  }
0x34a: {  	s30 =	simm.s32 $0x10;
	s1 =	simm.s32 $0xB100;
	v6 =	vadd.s32 v63, v6  }
0x34b: {  	s9 =	ssub.s32 s3, s2;
	s3 =	sand.u32 $0xF0, s30;
	[tilespmem:s1+$0x0] =	vst v6  }
0x34c: {  	s5 =	sadd.s32 s5, s4;
	s8 =	simm.s32 $0x20;
	s4 =	simm.s32 $0x9810;
	v6 =	vld [tilespmem:s3+$0x9900]  }
.LBB2_57:
0x34d: {  	p2 =	sne.s32 s8, $0xF0;
	v7 =	vld [tilespmem:s4+$0x0]  }
0x34e: {  	v8 =	vld [tilespmem:s3+$0x9A00]  }
0x34f: {  	v9 =	vld [tilespmem:s3+$0x9B00]  }
0x350: {  	v10 =	vld [tilespmem:s3+$0x9C00]  }
0x351: {  	v11 =	vld [tilespmem:s3+$0x9D00]  }
0x352: {  	v6 =	vadd.s32 v7, v6;
	v7 =	vld [tilespmem:s3+$0x9E00]  }
0x353: {  	v6 =	vadd.s32 v8, v6;
	v8 =	vld [tilespmem:s3+$0x9F00]  }
0x354: {  	v6 =	vadd.s32 v9, v6;
	v9 =	vld [tilespmem:s3+$0xA000]  }
0x355: {  	v6 =	vadd.s32 v10, v6;
	v10 =	vld [tilespmem:s3+$0xA100]  }
0x356: {  	v6 =	vadd.s32 v11, v6;
	v11 =	vld [tilespmem:s3+$0xA200]  }
0x357: {  	v6 =	vadd.s32 v7, v6;
	v7 =	vld [tilespmem:s3+$0xA300]  }
0x358: {  	v6 =	vadd.s32 v8, v6;
	v8 =	vld [tilespmem:s3+$0xA400]  }
0x359: {  	v6 =	vadd.s32 v9, v6;
	v9 =	vld [tilespmem:s3+$0xA500]  }
0x35a: {  	v6 =	vadd.s32 v10, v6;
	v10 =	vld [tilespmem:s3+$0xA600]  }
0x35b: {  	v6 =	vadd.s32 v11, v6;
	v11 =	vld [tilespmem:s3+$0xA700]  }
0x35c: {  	v6 =	vadd.s32 v7, v6  }
0x35d: {  	v6 =	vadd.s32 v8, v6  }
.Ltmp31:
0x35e: {  	v6 =	vadd.s32 v9, v6;
	(pc) =	sbr.rel @p2 .LBB2_57-.Ltmp31, $4  }
0x35f: {  	v6 =	vadd.s32 v10, v6  }
0x360: {  	s1 =	sadd.s32 $0x10, s1;
	v6 =	vadd.s32 v11, v6  }
0x361: {  	s3 =	sand.u32 $0xF0, s8;
	[tilespmem:s1+$0x0] =	vst v6  }
0x362: {  	s4 =	sadd.s32 $0x10, s4;
	s8 =	sadd.s32 $0x10, s8;
	v6 =	vld [tilespmem:s3+$0x9900]  }
0x363: {  	v7 =	vld [tilespmem:s4+$0x0]  }
0x364: {  	v8 =	vld [tilespmem:s3+$0x9A00]  }
0x365: {  	v9 =	vld [tilespmem:s3+$0x9B00]  }
0x366: {  	v10 =	vld [tilespmem:s3+$0x9C00]  }
0x367: {  	v11 =	vld [tilespmem:s3+$0x9D00]  }
0x368: {  	v6 =	vadd.s32 v7, v6;
	v7 =	vld [tilespmem:s3+$0x9E00]  }
0x369: {  	v51 =	vld [tilespmem:s3+$0x9F00];
	v6 =	vadd.s32 v8, v6  }
0x36a: {  	v52 =	vld [tilespmem:s3+$0xA000];
	v6 =	vadd.s32 v9, v6  }
0x36b: {  	v53 =	vld [tilespmem:s3+$0xA100];
	v6 =	vadd.s32 v10, v6  }
0x36c: {  	v54 =	vld [tilespmem:s3+$0xA200];
	v6 =	vadd.s32 v11, v6  }
0x36d: {  	v6 =	vadd.s32 v7, v6;
	v7 =	vld [tilespmem:s3+$0xA300]  }
0x36e: {  	v55 =	vld [tilespmem:s3+$0xA400];
	v6 =	vadd.s32 v51, v6  }
0x36f: {  	v56 =	vld [tilespmem:s3+$0xA500];
	v6 =	vadd.s32 v52, v6  }
0x370: {  	v57 =	vld [tilespmem:s3+$0xA600];
	v6 =	vadd.s32 v53, v6  }
0x371: {  	v58 =	vld [tilespmem:s3+$0xA700];
	v6 =	vadd.s32 v54, v6  }
0x372: {  	v6 =	vadd.s32 v7, v6  }
0x373: {  	v6 =	vadd.s32 v55, v6  }
0x374: {  	v6 =	vadd.s32 v56, v6  }
0x375: {  	v6 =	vadd.s32 v57, v6  }
0x376: {  	s0 =	sadd.s32 $0x10, s1;
	v6 =	vadd.s32 v58, v6  }
0x377: {  	s20 =	rddreg [dreg:$0xe];
	[tilespmem:s0+$0x0] =	vst v6  }
0x378: {  	[spmem:s20] =	stream.strided.scatter [tilespmem:s16], [sflag:$0x3], $0x100, s15, s23, $0x38;
	[tilespmem:$0x1B710] =	vst v63  }
0x379: {  	_ =	swait.ge [sflag:s11], $0x100  }
0x37a: {  	[sflag:s11] =	ssyncset.done $0x0  }
0x37b: {  	[sflag:s11] =	ssyncadd.s32 $0xFFFFFF00  }
0x37c: {  	[bflag:$0x0] =	sbarrier.arrive $0xFFFF  }
0x37d: {  	s26 =	rddreg [dreg:$0xc]  }
0x37e: {  	[tilespmem:s18], [sflag:$0x3] =	stream.linear.gather [spmem:s26], $0x800, $0x38;
	[tilespmem:$0x1B710] =	vst v63  }
0x37f: {  	s3 =	simm.s32 $0x0;
	_ =	swait.ge [sflag:s11], $0x800  }
0x380: {  	s28 =	sand.u32 $0x70, s3;
	s29 =	sand.u32 $0x400, s3;
	[sflag:s11] =	ssyncset.done $0x0  }
0x381: {  	s0 =	sor.u32 s28, s29;
	[sflag:s11] =	ssyncadd.s32 $0xFFFFF800  }
0x382: {  	v6 =	vld [tilespmem:s0+$0xA880]  }
0x383: {  	v7 =	vld [tilespmem:s0+$0xA800]  }
0x384: {  	v59 =	vld [tilespmem:s0+$0xA900]  }
0x385: {  	v60 =	vld [tilespmem:s0+$0xA980]  }
0x386: {  	v61 =	vld [tilespmem:s0+$0xAA00]  }
0x387: {  	v62 =	vld [tilespmem:s0+$0xAA80]  }
0x388: {  	v6 =	vadd.s32 v7, v6;
	v7 =	vld [tilespmem:s0+$0xAB00]  }
0x389: {  	v63 =	vld [tilespmem:s0+$0xAB80];
	v6 =	vadd.s32 v59, v6  }
0x38a: {  	v6 =	vadd.s32 v60, v6  }
0x38b: {  	v6 =	vadd.s32 v61, v6  }
0x38c: {  	v6 =	vadd.s32 v62, v6  }
0x38d: {  	s30 =	simm.s32 $0x10;
	s4 =	simm.s32 $0x80;
	v6 =	vadd.s32 v7, v6  }
0x38e: {  	s1 =	simm.s32 $0xB000;
	s2 =	sand.u32 $0x400, s4;
	s0 =	sand.u32 $0x70, s30;
	v6 =	vadd.s32 v63, v6  }
0x38f: {  	s8 =	simm.s32 $0x20;
	s10 =	sor.u32 s0, s2;
	[tilespmem:s1+$0x0] =	vst v6  }
.LBB2_59:
0x390: {  	p2 =	sne.s32 s8, $0xF0;
	v6 =	vld [tilespmem:s10+$0xA880]  }
0x391: {  	v7 =	vld [tilespmem:s10+$0xA800]  }
0x392: {  	v8 =	vld [tilespmem:s10+$0xA900]  }
0x393: {  	v9 =	vld [tilespmem:s10+$0xA980]  }
0x394: {  	v10 =	vld [tilespmem:s10+$0xAA00]  }
0x395: {  	v11 =	vld [tilespmem:s10+$0xAA80]  }
0x396: {  	v6 =	vadd.s32 v7, v6;
	v7 =	vld [tilespmem:s10+$0xAB00]  }
0x397: {  	v6 =	vadd.s32 v8, v6;
	v8 =	vld [tilespmem:s10+$0xAB80]  }
0x398: {  	v6 =	vadd.s32 v9, v6  }
.Ltmp32:
0x399: {  	v6 =	vadd.s32 v10, v6;
	(pc) =	sbr.rel @p2 .LBB2_59-.Ltmp32, $4  }
0x39a: {  	v6 =	vadd.s32 v11, v6  }
0x39b: {  	s4 =	sadd.s32 $0x80, s4;
	v6 =	vadd.s32 v7, v6  }
0x39c: {  	s0 =	sand.u32 $0x70, s8;
	s1 =	sadd.s32 $0x10, s1;
	s2 =	sand.u32 $0x400, s4;
	v6 =	vadd.s32 v8, v6  }
0x39d: {  	s8 =	sadd.s32 $0x10, s8;
	s10 =	sor.u32 s0, s2;
	[tilespmem:s1+$0x0] =	vst v6  }
0x39e: {  	v6 =	vld [tilespmem:s10+$0xA880]  }
0x39f: {  	v7 =	vld [tilespmem:s10+$0xA800]  }
0x3a0: {  	v8 =	vld [tilespmem:s10+$0xA900]  }
0x3a1: {  	v9 =	vld [tilespmem:s10+$0xA980]  }
0x3a2: {  	v10 =	vld [tilespmem:s10+$0xAA00]  }
0x3a3: {  	v11 =	vld [tilespmem:s10+$0xAA80]  }
0x3a4: {  	v6 =	vadd.s32 v7, v6;
	v7 =	vld [tilespmem:s10+$0xAB00]  }
0x3a5: {  	v63 =	vld [tilespmem:s10+$0xAB80];
	v6 =	vadd.s32 v8, v6  }
0x3a6: {  	v6 =	vadd.s32 v9, v6  }
0x3a7: {  	v6 =	vadd.s32 v10, v6  }
0x3a8: {  	v6 =	vadd.s32 v11, v6  }
0x3a9: {  	v6 =	vadd.s32 v7, v6  }
0x3aa: {  	s0 =	sadd.s32 $0x10, s1;
	v6 =	vadd.s32 v63, v6  }
0x3ab: {  	s4 =	simm.s32 $0xFF;
	s8 =	simm.s32 $0x0;
	[tilespmem:s0+$0x0] =	vst v6  }
.LBB2_61:
0x3ac: {  	s0 =	simm.s32 $0xB000  }
0x3ad: {  	s1 =	sadd.s32 s4, s3;
	s20 =	simm.s32 $0xB010;
	v7 =	vld [tilespmem:s0+$0x0]  }
0x3ae: {  	s1 =	sadd.s32 $0x1, s1;
	v8 =	vld [tilespmem:s20+$0x0]  }
0x3af: {  	s10 =	simm.s32 $0x0;
	s1 =	sshra.s32 s1, $0x1  }
0x3b0: {  	s26 =	simm.s32 $0x10;
	v9 =	vor.u32 s10, v2;
	v6 =	vmov s1  }
0x3b1: {  	v60 =	vor.u32 s26, v2;
	vm4 =	vlt.s32 v9, v6  }
0x3b2: {  	v7 =	vsel vm4, $0x0, v7;
	vm4 =	vlt.s32 v60, v6  }
0x3b3: {  	(xrf0) =	vadd.scan.msk.s32 $0xffff, v7;
	v7 =	vsel vm4, $0x0, v8  }
0x3b4: {  	(xrf0) =	vadd.scan.msk.s32 $0xffff, v7;
	_ =	sdelay $0x3  }
0x3b5: {  	s28 =	simm.s32 $0xB020  }
0x3b6: {  	v7 =	vld [tilespmem:s28+$0x0];
	v10, _, _ =	vpop (xrf0)  }
0x3b7: {  	(v2sf) =	vpush v10, $0xF;
	v63, _, _ =	vpop (xrf0)  }
0x3b8: {  	s30 =	simm.s32 $0x20;
	(v2sf) =	vpush v63, $0xF  }
0x3b9: {  	v61 =	vor.u32 s30, v2  }
0x3ba: {  	vm4 =	vlt.s32 v61, v6  }
0x3bb: {  	s29 =	simm.s32 $0xB030;
	v7 =	vsel vm4, $0x0, v7  }
0x3bc: {  	v8 =	vld [tilespmem:s29+$0x0];
	(xrf0) =	vadd.scan.msk.s32 $0xffff, v7;
	_ =	sdelay $0x1  }
0x3bd: {  	s2 =	simm.s32 $0x30  }
0x3be: {  	v62 =	vor.u32 s2, v2  }
0x3bf: {  	vm4 =	vlt.s32 v62, v6  }
0x3c0: {  	s12 =	simm.s32 $0x40;
	s14 =	simm.s32 $0xB040;
	v7 =	vsel vm4, $0x0, v8  }
.LBB2_62:
0x3c1: {  	v8 =	vld [tilespmem:s14+$0x0];
	p2 =	sne.s32 s12, $0xF0;
	(xrf0) =	vadd.scan.msk.s32 $0xffff, v7;
	v7, _, _ =	vpop (xrf0);
	s0 =	smov.u32 s12;
	s12 =	sadd.s32 $0x10, s12  }
.Ltmp33:
0x3c2: {  	(v2sf) =	vpush v7, $0xF;
	(pc) =	sbr.rel @p2 .LBB2_62-.Ltmp33, $4  }
0x3c3: {  	_ = 	snop  }
0x3c4: {  	v7 =	vor.u32 s0, v2  }
0x3c5: {  	vm4 =	vlt.s32 v7, v6;
	s0 =	spop (v2sf)  }
0x3c6: {  	s14 =	sadd.s32 $0x10, s14;
	v7 =	vsel vm4, $0x0, v8;
	s10 =	sadd.s32 s10, s0  }
0x3c7: {  	(xrf0) =	vadd.scan.msk.s32 $0xffff, v7;
	_ =	sdelay $0x4  }
0x3c8: {  	v6, _, _ =	vpop (xrf0)  }
0x3c9: {  	(v2sf) =	vpush v6, $0xF;
	v6, _, _ =	vpop (xrf0)  }
0x3ca: {  	(v2sf) =	vpush v6, $0xF;
	_ =	sdelay $0xb  }
0x3cb: {  	s0 =	spop (v2sf)  }
0x3cc: {  	s8 =	sadd.s32 $0x1, s8;
	s0 =	sadd.s32 s10, s0;
	s2 =	spop (v2sf)  }
0x3cd: {  	p3 =	sne.s32 s8, $0x8;
	s0 =	sadd.s32 s0, s2;
	s29 =	spop (v2sf)  }
.Ltmp34:
0x3ce: {  	s0 =	sadd.s32 s0, s29;
	s30 =	spop (v2sf);
	(pc) =	sbr.rel @p3 .LBB2_61-.Ltmp34, $4  }
0x3cf: {  	s0 =	sadd.s32 s0, s30  }
0x3d0: {  	p2 =	slt.s32 s0, s9  }
0x3d1: {  	s0 =	sadd.s32 $0xFFFFFFFF, s1;
	s1 =	smov.u32 @p2 s3  }
0x3d2: {  	s4 =	smov.u32 @p2 s0;
	s3 =	smov.u32 s1  }
0x3d3: {  	s0 =	simm.s32 $0xB000  }
0x3d4: {  	s19 =	simm.s32 $0xB010;
	v7 =	vld [tilespmem:s0+$0x0]  }
0x3d5: {  	v8 =	vld [tilespmem:s19+$0x0]  }
0x3d6: {  	s20 =	sadd.s32 $0x1, s1;
	s3 =	simm.s32 $0x0  }
0x3d7: {  	s26 =	simm.s32 $0x10;
	v6 =	vmov s20;
	v9 =	vor.u32 s3, v2  }
0x3d8: {  	v60 =	vor.u32 s26, v2;
	vm7 =	vlt.s32 v9, v6  }
0x3d9: {  	vm5 =	vlt.s32 v60, v6;
	v7 =	vsel vm7, $0x0, v7  }
0x3da: {  	(xrf0) =	vadd.scan.msk.s32 $0xffff, v7;
	v7 =	vsel vm5, $0x0, v8  }
0x3db: {  	(xrf0) =	vadd.scan.msk.s32 $0xffff, v7;
	_ =	sdelay $0x3  }
0x3dc: {  	s28 =	simm.s32 $0xB020  }
0x3dd: {  	v7 =	vld [tilespmem:s28+$0x0];
	v10, _, _ =	vpop (xrf0)  }
0x3de: {  	(v2sf) =	vpush v10, $0xF;
	v63, _, _ =	vpop (xrf0)  }
0x3df: {  	s30 =	simm.s32 $0x20;
	(v2sf) =	vpush v63, $0xF  }
0x3e0: {  	v61 =	vor.u32 s30, v2  }
0x3e1: {  	vm6 =	vlt.s32 v61, v6  }
0x3e2: {  	s29 =	simm.s32 $0xB030;
	v7 =	vsel vm6, $0x0, v7  }
0x3e3: {  	v8 =	vld [tilespmem:s29+$0x0];
	(xrf0) =	vadd.scan.msk.s32 $0xffff, v7;
	_ =	sdelay $0x1  }
0x3e4: {  	s2 =	simm.s32 $0x30  }
0x3e5: {  	v62 =	vor.u32 s2, v2  }
0x3e6: {  	vm4 =	vlt.s32 v62, v6  }
0x3e7: {  	s8 =	simm.s32 $0x40;
	s10 =	simm.s32 $0xB040;
	s4 =	simm.s32 $0x0;
	v7 =	vsel vm4, $0x0, v8  }
.LBB2_65:
0x3e8: {  	v8 =	vld [tilespmem:s10+$0x0];
	p2 =	sne.s32 s8, $0xF0;
	(xrf0) =	vadd.scan.msk.s32 $0xffff, v7;
	v7, _, _ =	vpop (xrf0);
	s0 =	smov.u32 s8;
	s8 =	sadd.s32 $0x10, s8  }
.Ltmp35:
0x3e9: {  	(v2sf) =	vpush v7, $0xF;
	(pc) =	sbr.rel @p2 .LBB2_65-.Ltmp35, $4  }
0x3ea: {  	_ = 	snop  }
0x3eb: {  	v7 =	vor.u32 s0, v2  }
0x3ec: {  	vm8 =	vlt.s32 v7, v6;
	s0 =	spop (v2sf)  }
0x3ed: {  	s10 =	sadd.s32 $0x10, s10;
	v7 =	vsel vm8, $0x0, v8;
	s4 =	sadd.s32 s4, s0  }
0x3ee: {  	(xrf0) =	vadd.scan.msk.s32 $0xffff, v7;
	_ =	sdelay $0x4  }
0x3ef: {  	v7, _, _ =	vpop (xrf0)  }
0x3f0: {  	(v2sf) =	vpush v7, $0xF;
	v7, _, _ =	vpop (xrf0)  }
0x3f1: {  	(v2sf) =	vpush v7, $0xF;
	_ =	sdelay $0xa  }
0x3f2: {  	s0 =	simm.s32 $0xB100  }
0x3f3: {  	s28 =	spop (v2sf);
	p5 =	por $0x0, $0x0;
	v7 =	vld [tilespmem:s0+$0x0]  }
.Ltmp36:
0x3f4: {  	s0 =	sadd.s32 s4, s28;
	s2 =	spop (v2sf);
	(pc) =	sbr.rel @p5 .LBB2_67-.Ltmp36, $4  }
0x3f5: {  	s0 =	sadd.s32 s0, s2;
	s29 =	spop (v2sf)  }
0x3f6: {  	s0 =	sadd.s32 s0, s29;
	s30 =	spop (v2sf)  }
0x3f7: {  	p2 =	por $0x0, $0x0;
	p3 =	por $0x0, $0x0;
	s0 =	sadd.s32 s0, s30  }
0x3f8: {  	p4 =	por $0x0, $0x0;
	v7 =	vsel vm7, $0x0, v7;
	[smem:$0x7E5] =	sst s0;
	s0 =	simm.s32 $0xB110  }
0x3f9: {  	v8 =	vld [tilespmem:s0+$0x0];
	p5 =	por $0x0, $0x0  }
.Ltmp37:
0x3fa: {  	_ = 	snop;
	(pc) =	sbr.rel @p5 .LBB2_69-.Ltmp37, $2  }
0x3fb: {  	_ =	sdelay $0x2  }
0x3fc: {  	(xrf0) =	vadd.scan.msk.s32 $0xffff, v7;
	s0 =	simm.s32 $0xB120;
	p2 =	por $0x1, $0x1;
	v7 =	vsel vm5, $0x0, v8  }
0x3fd: {  	_ =	sdelay $0x4  }
0x3fe: {  	(xrf0) =	vadd.scan.msk.s32 $0xffff, v7;
	v7, _, _ =	vpop (xrf0)  }
0x3ff: {  	(v2sf) =	vpush v7, $0xF;
	_ =	sdelay $0x4  }
0x400: {  	v8 =	vld [tilespmem:s0+$0x0];
	p5 =	por $0x0, $0x0  }
.Ltmp38:
0x401: {  	_ = 	snop;
	(pc) =	sbr.rel @p5 .LBB2_71-.Ltmp38, $2  }
0x402: {  	_ =	sdelay $0x2  }
0x403: {  	s0 =	simm.s32 $0xB130;
	p3 =	por $0x1, $0x1;
	v7 =	vsel vm6, $0x0, v8  }
0x404: {  	(xrf0) =	vadd.scan.msk.s32 $0xffff, v7;
	v7, _, _ =	vpop (xrf0)  }
0x405: {  	(v2sf) =	vpush v7, $0xF;
	_ =	sdelay $0x3  }
0x406: {  	v8 =	vld [tilespmem:s0+$0x0];
	p5 =	por $0x0, $0x0  }
.Ltmp39:
0x407: {  	_ = 	snop;
	(pc) =	sbr.rel @p5 .LBB2_73-.Ltmp39, $3  }
0x408: {  	_ =	sdelay $0x1  }
0x409: {  	s8 =	simm.s32 $0x40  }
0x40a: {  	s10 =	simm.s32 $0xB140;
	p4 =	por $0x1, $0x1;
	s4 =	simm.s32 $0x0;
	v7 =	vsel vm4, $0x0, v8  }
.LBB2_74:
0x40b: {  	v8 =	vld [tilespmem:s10+$0x0];
	p5 =	seq.s32 s8, $0xF0;
	(xrf0) =	vadd.scan.msk.s32 $0xffff, v7;
	v7, _, _ =	vpop (xrf0);
	s0 =	smov.u32 s8;
	s8 =	sadd.s32 $0x10, s8  }
.Ltmp40:
0x40c: {  	(v2sf) =	vpush v7, $0xF;
	(pc) =	sbr.rel @!p5 .LBB2_74-.Ltmp40, $4  }
0x40d: {  	_ = 	snop  }
0x40e: {  	v7 =	vor.u32 s0, v2  }
0x40f: {  	vm4 =	vlt.s32 v7, v6;
	s0 =	spop (v2sf)  }
0x410: {  	s10 =	sadd.s32 $0x10, s10;
	v7 =	vsel vm4, $0x0, v8;
	s4 =	sadd.s32 s4, s0  }
.LBB2_75:
0x411: {  	(xrf0) =	vadd.scan.msk.s32 $0xffff, v7;
	_ =	sdelay $0x3  }
0x412: {  	v6, _, _ =	vpop @p2 (xrf0)  }
0x413: {  	(v2sf) =	vpush @p2 v6, $0xF  }
0x414: {  	v6, _, _ =	vpop (xrf0)  }
0x415: {  	(v2sf) =	vpush v6, $0xF;
	_ =	sdelay $0x8  }
0x416: {  	s0 =	spop @p4 (v2sf)  }
0x417: {  	s2 =	simm.s32 $0x0;
	s0 =	sadd.s32 @p4 s4, s0  }
0x418: {  	s2 =	smov.u32 @p4 s0;
	s0 =	spop @p3 (v2sf)  }
0x419: {  	s0 =	sadd.s32 @p3 s2, s0;
	s2 =	simm.s32 $0x0  }
0x41a: {  	s2 =	smov.u32 @p3 s0;
	s0 =	spop @p2 (v2sf)  }
0x41b: {  	s0 =	sadd.s32 @p2 s2, s0  }
0x41c: {  	s3 =	smov.u32 @p2 s0;
	s30 =	spop (v2sf)  }
0x41d: {  	s2 =	simm.s32 $0x0;
	s0 =	simm.s32 $0x40;
	s3 =	sadd.s32 s3, s30  }
.LBB2_76:
0x41e: {  	p2 =	seq.s32 s0, $0x3FC0;
	[tilespmem:s2+$0x9800] =	vst v1;
	s2 =	smov.u32 s0;
	s0 =	sadd.s32 $0x40, s0  }
.Ltmp41:
0x41f: {  	(pc) =	sbr.rel @!p2 .LBB2_76-.Ltmp41, $2  }
0x420: {  	_ =	sdelay $0x2  }
0x421: {  	s2 =	sshra.s32 s2, $0x2  }
.Ltmp42:
0x422: {  	(pc) =	sbr.rel @p1 .LBB2_84-.Ltmp42, $3  }
0x423: {  	_ =	sdelay $0x1  }
0x424: {  	s0 =	sshll.u32 s7, $0x8  }
0x425: {  	[tilespmem:s2+$0x9800] =	vst v1;
	s8 =	sor.u32 s0, s1  }
0x426: {  	p2 =	sne.s32 s6, $0x1  }
.Ltmp43:
0x427: {  	_ = 	snop;
	(pc) =	sbr.rel @!p2 .LBB2_79-.Ltmp43, $3  }
0x428: {  	_ =	sdelay $0x1  }
0x429: {  	s0 =	simm.s32 $0x3800  }
0x42a: {  	v6 =	vmov s8;
	s1 =	simm.s32 $0x0;
	p1 =	por $0x0, $0x0;
	v7 =	vld [tilespmem:s0+$0x0];
	s0 =	sadd.s32 $0xFFFFFFFF, s6  }
0x42b: {  	_ =	sdelay $0x3  }
0x42c: {  	v8 =	vor.u32 s1, v2;
	v9 =	vshrl.u32 v7, $0x8  }
0x42d: {  	vm4 =	vlt.s32 v8, v5;
	vm5 =	veq.s32 v9, v6  }
0x42e: {  	v7 =	vand.u32 $0xFF, v7;
	vm4 =	vmand vm4, vm5  }
0x42f: {  	v7 =	vor.u32 v3, v7  }
0x430: {  	p2 =	sne.s32 s0, $0x1  }
.Ltmp44:
0x431: {  	_ = 	snop;
	(pc) =	sbr.rel @!p2 .LBB2_81-.Ltmp44, $3  }
0x432: {  	_ =	sdelay $0x1  }
0x433: {  	s6 =	simm.s32 $0x3810;
	[tilespmem:v7+s22+$0x0] =	vst.idx.add.s32.msk vm4, v4  }
0x434: {  	s7 =	sadd.s32 $0xFFFFFFFF, s0;
	p1 =	por $0x1, $0x1;
	s4 =	simm.s32 $0x0;
	v7 =	vld [tilespmem:s6+$0x0]  }
.LBB2_82:
0x435: {  	p2 =	sne.s32 s7, $0x1;
	_ =	sdelay $0x2  }
0x436: {  	s4 =	sadd.s32 $0x10, s4  }
0x437: {  	v8 =	vor.u32 s4, v2;
	v9 =	vshrl.u32 v7, $0x8  }
0x438: {  	vm4 =	vlt.s32 v8, v5;
	vm5 =	veq.s32 v9, v6  }
0x439: {  	v7 =	vand.u32 $0xFF, v7;
	vm4 =	vmand vm4, vm5  }
0x43a: {  	v7 =	vor.u32 v3, v7;
	_ =	sdelay $0x1  }
.Ltmp45:
0x43b: {  	(pc) =	sbr.rel @p2 .LBB2_82-.Ltmp45, $3  }
0x43c: {  	_ =	sdelay $0x1  }
0x43d: {  	s6 =	sadd.s32 $0x10, s6;
	[tilespmem:v7+s22+$0x0] =	vst.idx.add.s32.msk vm4, v4  }
0x43e: {  	s7 =	sadd.s32 $0xFFFFFFFF, s7;
	v7 =	vld [tilespmem:s6+$0x0]  }
.LBB2_83:
0x43f: {  	_ =	sdelay $0x1  }
0x440: {  	s0 =	sadd.s32 @p1 $0x10, s4  }
0x441: {  	s1 =	smov.u32 @p1 s0  }
0x442: {  	v8 =	vor.u32 s1, v2;
	v9 =	vshrl.u32 v7, $0x8  }
0x443: {  	vm4 =	vlt.s32 v8, v5;
	vm5 =	veq.s32 v9, v6  }
0x444: {  	v5 =	vand.u32 $0xFF, v7;
	vm4 =	vmand vm4, vm5  }
0x445: {  	v5 =	vor.u32 v3, v5;
	_ =	sdelay $0x4  }
0x446: {  	[tilespmem:v5+s22+$0x0] =	vst.idx.add.s32.msk vm4, v4  }
.LBB2_84:
0x447: {  	s0 =	simm.s32 $0x0;
	s1 =	simm.s32 $0x9800  }
0x448: {  	s0 =	sand.u32 $0xF0, s0;
	v6 =	vld [tilespmem:s1+$0x0]  }
0x449: {  	v5 =	vld [tilespmem:s0+$0x9900]  }
0x44a: {  	v7 =	vld [tilespmem:s0+$0x9A00]  }
0x44b: {  	v8 =	vld [tilespmem:s0+$0x9B00]  }
0x44c: {  	v9 =	vld [tilespmem:s0+$0x9C00]  }
0x44d: {  	v10 =	vld [tilespmem:s0+$0x9D00]  }
0x44e: {  	v5 =	vadd.s32 v6, v5;
	v6 =	vld [tilespmem:s0+$0x9E00]  }
0x44f: {  	v5 =	vadd.s32 v7, v5;
	v7 =	vld [tilespmem:s0+$0x9F00]  }
0x450: {  	v58 =	vld [tilespmem:s0+$0xA000];
	v5 =	vadd.s32 v8, v5  }
0x451: {  	v59 =	vld [tilespmem:s0+$0xA100];
	v5 =	vadd.s32 v9, v5  }
0x452: {  	v60 =	vld [tilespmem:s0+$0xA200];
	v5 =	vadd.s32 v10, v5  }
0x453: {  	v5 =	vadd.s32 v6, v5;
	v6 =	vld [tilespmem:s0+$0xA300]  }
0x454: {  	v5 =	vadd.s32 v7, v5;
	v7 =	vld [tilespmem:s0+$0xA400]  }
0x455: {  	v61 =	vld [tilespmem:s0+$0xA500];
	v5 =	vadd.s32 v58, v5  }
0x456: {  	v62 =	vld [tilespmem:s0+$0xA600];
	v5 =	vadd.s32 v59, v5  }
0x457: {  	v63 =	vld [tilespmem:s0+$0xA700];
	v5 =	vadd.s32 v60, v5  }
0x458: {  	v5 =	vadd.s32 v6, v5  }
0x459: {  	v5 =	vadd.s32 v7, v5  }
0x45a: {  	v5 =	vadd.s32 v61, v5  }
0x45b: {  	s2 =	sld [smem:$0x7E5];
	v5 =	vadd.s32 v62, v5  }
0x45c: {  	s30 =	simm.s32 $0x10;
	s1 =	simm.s32 $0xB100;
	v5 =	vadd.s32 v63, v5  }
0x45d: {  	s5 =	sadd.s32 s3, s5;
	s4 =	sand.u32 $0xF0, s30;
	[tilespmem:s1+$0x0] =	vst v5  }
0x45e: {  	s6 =	simm.s32 $0x20;
	s3 =	simm.s32 $0x9810;
	s20 =	ssub.s32 s9, s2;
	v5 =	vld [tilespmem:s4+$0x9900]  }
.LBB2_85:
0x45f: {  	p1 =	sne.s32 s6, $0xF0;
	v6 =	vld [tilespmem:s3+$0x0]  }
0x460: {  	v7 =	vld [tilespmem:s4+$0x9A00]  }
0x461: {  	v8 =	vld [tilespmem:s4+$0x9B00]  }
0x462: {  	v9 =	vld [tilespmem:s4+$0x9C00]  }
0x463: {  	v10 =	vld [tilespmem:s4+$0x9D00]  }
0x464: {  	v5 =	vadd.s32 v6, v5;
	v6 =	vld [tilespmem:s4+$0x9E00]  }
0x465: {  	v5 =	vadd.s32 v7, v5;
	v7 =	vld [tilespmem:s4+$0x9F00]  }
0x466: {  	v5 =	vadd.s32 v8, v5;
	v8 =	vld [tilespmem:s4+$0xA000]  }
0x467: {  	v5 =	vadd.s32 v9, v5;
	v9 =	vld [tilespmem:s4+$0xA100]  }
0x468: {  	v5 =	vadd.s32 v10, v5;
	v10 =	vld [tilespmem:s4+$0xA200]  }
0x469: {  	v5 =	vadd.s32 v6, v5;
	v6 =	vld [tilespmem:s4+$0xA300]  }
0x46a: {  	v5 =	vadd.s32 v7, v5;
	v7 =	vld [tilespmem:s4+$0xA400]  }
0x46b: {  	v5 =	vadd.s32 v8, v5;
	v8 =	vld [tilespmem:s4+$0xA500]  }
0x46c: {  	v5 =	vadd.s32 v9, v5;
	v9 =	vld [tilespmem:s4+$0xA600]  }
0x46d: {  	v5 =	vadd.s32 v10, v5;
	v10 =	vld [tilespmem:s4+$0xA700]  }
0x46e: {  	v5 =	vadd.s32 v6, v5  }
0x46f: {  	v5 =	vadd.s32 v7, v5  }
.Ltmp46:
0x470: {  	v5 =	vadd.s32 v8, v5;
	(pc) =	sbr.rel @p1 .LBB2_85-.Ltmp46, $4  }
0x471: {  	v5 =	vadd.s32 v9, v5  }
0x472: {  	s1 =	sadd.s32 $0x10, s1;
	v5 =	vadd.s32 v10, v5  }
0x473: {  	s4 =	sand.u32 $0xF0, s6;
	[tilespmem:s1+$0x0] =	vst v5  }
0x474: {  	s3 =	sadd.s32 $0x10, s3;
	s6 =	sadd.s32 $0x10, s6;
	v5 =	vld [tilespmem:s4+$0x9900]  }
0x475: {  	v6 =	vld [tilespmem:s3+$0x0]  }
0x476: {  	v7 =	vld [tilespmem:s4+$0x9A00]  }
0x477: {  	v8 =	vld [tilespmem:s4+$0x9B00]  }
0x478: {  	v9 =	vld [tilespmem:s4+$0x9C00]  }
0x479: {  	v10 =	vld [tilespmem:s4+$0x9D00]  }
0x47a: {  	v5 =	vadd.s32 v6, v5;
	v6 =	vld [tilespmem:s4+$0x9E00]  }
0x47b: {  	v5 =	vadd.s32 v7, v5;
	v7 =	vld [tilespmem:s4+$0x9F00]  }
0x47c: {  	v55 =	vld [tilespmem:s4+$0xA000];
	v5 =	vadd.s32 v8, v5  }
0x47d: {  	v56 =	vld [tilespmem:s4+$0xA100];
	v5 =	vadd.s32 v9, v5  }
0x47e: {  	v57 =	vld [tilespmem:s4+$0xA200];
	v5 =	vadd.s32 v10, v5  }
0x47f: {  	v5 =	vadd.s32 v6, v5;
	v6 =	vld [tilespmem:s4+$0xA300]  }
0x480: {  	v5 =	vadd.s32 v7, v5;
	v7 =	vld [tilespmem:s4+$0xA400]  }
0x481: {  	v58 =	vld [tilespmem:s4+$0xA500];
	v5 =	vadd.s32 v55, v5  }
0x482: {  	v59 =	vld [tilespmem:s4+$0xA600];
	v5 =	vadd.s32 v56, v5  }
0x483: {  	v60 =	vld [tilespmem:s4+$0xA700];
	v5 =	vadd.s32 v57, v5  }
0x484: {  	v5 =	vadd.s32 v6, v5  }
0x485: {  	v5 =	vadd.s32 v7, v5  }
0x486: {  	v5 =	vadd.s32 v58, v5  }
0x487: {  	v5 =	vadd.s32 v59, v5  }
0x488: {  	s0 =	sadd.s32 $0x10, s1;
	v5 =	vadd.s32 v60, v5  }
0x489: {  	s19 =	rddreg [dreg:$0x10];
	[tilespmem:s0+$0x0] =	vst v5  }
0x48a: {  	[spmem:s19] =	stream.strided.scatter [tilespmem:s16], [sflag:$0x3], $0x100, s15, s23, $0x38;
	[tilespmem:$0x1B710] =	vst v63  }
0x48b: {  	_ =	swait.ge [sflag:s11], $0x100  }
0x48c: {  	[sflag:s11] =	ssyncset.done $0x0  }
0x48d: {  	[sflag:s11] =	ssyncadd.s32 $0xFFFFFF00  }
0x48e: {  	[bflag:$0x0] =	sbarrier.arrive $0xFFFF  }
0x48f: {  	s26 =	rddreg [dreg:$0xf]  }
0x490: {  	[tilespmem:s18], [sflag:$0x3] =	stream.linear.gather [spmem:s26], $0x800, $0x38;
	[tilespmem:$0x1B710] =	vst v63  }
0x491: {  	s1 =	simm.s32 $0x0;
	_ =	swait.ge [sflag:s11], $0x800  }
0x492: {  	s28 =	sand.u32 $0x70, s1;
	s2 =	sand.u32 $0x400, s1;
	[sflag:s11] =	ssyncset.done $0x0  }
0x493: {  	s0 =	sor.u32 s28, s2;
	[sflag:s11] =	ssyncadd.s32 $0xFFFFF800  }
0x494: {  	v5 =	vld [tilespmem:s0+$0xA880]  }
0x495: {  	v6 =	vld [tilespmem:s0+$0xA800]  }
0x496: {  	v7 =	vld [tilespmem:s0+$0xA900]  }
0x497: {  	v61 =	vld [tilespmem:s0+$0xA980]  }
0x498: {  	v62 =	vld [tilespmem:s0+$0xAA00]  }
0x499: {  	v63 =	vld [tilespmem:s0+$0xAA80]  }
0x49a: {  	v5 =	vadd.s32 v6, v5;
	v6 =	vld [tilespmem:s0+$0xAB00]  }
0x49b: {  	v5 =	vadd.s32 v7, v5;
	v7 =	vld [tilespmem:s0+$0xAB80]  }
0x49c: {  	v5 =	vadd.s32 v61, v5  }
0x49d: {  	v5 =	vadd.s32 v62, v5  }
0x49e: {  	v5 =	vadd.s32 v63, v5  }
0x49f: {  	s29 =	simm.s32 $0x10;
	s4 =	simm.s32 $0x80;
	v5 =	vadd.s32 v6, v5  }
0x4a0: {  	s3 =	simm.s32 $0xB000;
	s30 =	sand.u32 $0x400, s4;
	s0 =	sand.u32 $0x70, s29;
	v5 =	vadd.s32 v7, v5  }
0x4a1: {  	s6 =	simm.s32 $0x20;
	s7 =	sor.u32 s0, s30;
	[tilespmem:s3+$0x0] =	vst v5  }
.LBB2_87:
0x4a2: {  	p1 =	sne.s32 s6, $0xF0;
	v5 =	vld [tilespmem:s7+$0xA880]  }
0x4a3: {  	v6 =	vld [tilespmem:s7+$0xA800]  }
0x4a4: {  	v7 =	vld [tilespmem:s7+$0xA900]  }
0x4a5: {  	v8 =	vld [tilespmem:s7+$0xA980]  }
0x4a6: {  	v9 =	vld [tilespmem:s7+$0xAA00]  }
0x4a7: {  	v10 =	vld [tilespmem:s7+$0xAA80]  }
0x4a8: {  	v5 =	vadd.s32 v6, v5;
	v6 =	vld [tilespmem:s7+$0xAB00]  }
0x4a9: {  	v5 =	vadd.s32 v7, v5;
	v7 =	vld [tilespmem:s7+$0xAB80]  }
0x4aa: {  	v5 =	vadd.s32 v8, v5  }
.Ltmp47:
0x4ab: {  	v5 =	vadd.s32 v9, v5;
	(pc) =	sbr.rel @p1 .LBB2_87-.Ltmp47, $4  }
0x4ac: {  	v5 =	vadd.s32 v10, v5  }
0x4ad: {  	s4 =	sadd.s32 $0x80, s4;
	v5 =	vadd.s32 v6, v5  }
0x4ae: {  	s0 =	sand.u32 $0x70, s6;
	s3 =	sadd.s32 $0x10, s3;
	s2 =	sand.u32 $0x400, s4;
	v5 =	vadd.s32 v7, v5  }
0x4af: {  	s6 =	sadd.s32 $0x10, s6;
	s7 =	sor.u32 s0, s2;
	[tilespmem:s3+$0x0] =	vst v5  }
0x4b0: {  	v5 =	vld [tilespmem:s7+$0xA880]  }
0x4b1: {  	v6 =	vld [tilespmem:s7+$0xA800]  }
0x4b2: {  	v7 =	vld [tilespmem:s7+$0xA900]  }
0x4b3: {  	v8 =	vld [tilespmem:s7+$0xA980]  }
0x4b4: {  	v9 =	vld [tilespmem:s7+$0xAA00]  }
0x4b5: {  	v10 =	vld [tilespmem:s7+$0xAA80]  }
0x4b6: {  	v5 =	vadd.s32 v6, v5;
	v6 =	vld [tilespmem:s7+$0xAB00]  }
0x4b7: {  	v5 =	vadd.s32 v7, v5;
	v7 =	vld [tilespmem:s7+$0xAB80]  }
0x4b8: {  	v5 =	vadd.s32 v8, v5  }
0x4b9: {  	v5 =	vadd.s32 v9, v5  }
0x4ba: {  	v5 =	vadd.s32 v10, v5  }
0x4bb: {  	v5 =	vadd.s32 v6, v5  }
0x4bc: {  	s0 =	sadd.s32 $0x10, s3;
	v5 =	vadd.s32 v7, v5  }
0x4bd: {  	s4 =	simm.s32 $0xFF;
	s6 =	simm.s32 $0x0;
	[tilespmem:s0+$0x0] =	vst v5  }
.LBB2_89:
0x4be: {  	s0 =	simm.s32 $0xB000  }
0x4bf: {  	s2 =	sadd.s32 s4, s1;
	s19 =	simm.s32 $0xB010;
	v6 =	vld [tilespmem:s0+$0x0]  }
0x4c0: {  	s2 =	sadd.s32 $0x1, s2;
	v7 =	vld [tilespmem:s19+$0x0]  }
0x4c1: {  	s7 =	simm.s32 $0x0;
	s3 =	sshra.s32 s2, $0x1  }
0x4c2: {  	s23 =	simm.s32 $0x10;
	v8 =	vor.u32 s7, v2;
	v5 =	vmov s3  }
0x4c3: {  	vm4 =	vlt.s32 v8, v5;
	v8 =	vor.u32 s23, v2  }
0x4c4: {  	v6 =	vsel vm4, $0x0, v6;
	vm4 =	vlt.s32 v8, v5  }
0x4c5: {  	(xrf0) =	vadd.scan.msk.s32 $0xffff, v6;
	v6 =	vsel vm4, $0x0, v7  }
0x4c6: {  	s26 =	simm.s32 $0xB020;
	(xrf0) =	vadd.scan.msk.s32 $0xffff, v6  }
0x4c7: {  	s29 =	simm.s32 $0x20;
	v6 =	vld [tilespmem:s26+$0x0]  }
0x4c8: {  	s30 =	simm.s32 $0x30;
	v8 =	vor.u32 s29, v2  }
0x4c9: {  	vm4 =	vlt.s32 v8, v5;
	v8 =	vor.u32 s30, v2;
	_ =	sdelay $0x1  }
0x4ca: {  	v9, _, _ =	vpop (xrf0)  }
0x4cb: {  	v6 =	vsel vm4, $0x0, v6;
	vm4 =	vlt.s32 v8, v5;
	(v2sf) =	vpush v9, $0xF;
	v8, _, _ =	vpop (xrf0)  }
0x4cc: {  	(v2sf) =	vpush v8, $0xF;
	_ =	sdelay $0x2  }
0x4cd: {  	s28 =	simm.s32 $0xB030  }
0x4ce: {  	v7 =	vld [tilespmem:s28+$0x0];
	(xrf0) =	vadd.scan.msk.s32 $0xffff, v6;
	_ =	sdelay $0x4  }
0x4cf: {  	s9 =	simm.s32 $0x40;
	s10 =	simm.s32 $0xB040;
	v6 =	vsel vm4, $0x0, v7  }
.LBB2_90:
0x4d0: {  	v7 =	vld [tilespmem:s10+$0x0];
	p1 =	sne.s32 s9, $0xF0;
	(xrf0) =	vadd.scan.msk.s32 $0xffff, v6;
	v6, _, _ =	vpop (xrf0);
	s0 =	smov.u32 s9;
	s9 =	sadd.s32 $0x10, s9  }
.Ltmp48:
0x4d1: {  	(v2sf) =	vpush v6, $0xF;
	(pc) =	sbr.rel @p1 .LBB2_90-.Ltmp48, $4  }
0x4d2: {  	_ = 	snop  }
0x4d3: {  	v6 =	vor.u32 s0, v2  }
0x4d4: {  	vm4 =	vlt.s32 v6, v5;
	s0 =	spop (v2sf)  }
0x4d5: {  	s10 =	sadd.s32 $0x10, s10;
	v6 =	vsel vm4, $0x0, v7;
	s7 =	sadd.s32 s7, s0  }
0x4d6: {  	(xrf0) =	vadd.scan.msk.s32 $0xffff, v6;
	_ =	sdelay $0x4  }
0x4d7: {  	v5, _, _ =	vpop (xrf0)  }
0x4d8: {  	(v2sf) =	vpush v5, $0xF;
	v5, _, _ =	vpop (xrf0)  }
0x4d9: {  	(v2sf) =	vpush v5, $0xF;
	_ =	sdelay $0xb  }
0x4da: {  	s0 =	spop (v2sf)  }
0x4db: {  	s6 =	sadd.s32 $0x1, s6;
	s0 =	sadd.s32 s7, s0;
	s2 =	spop (v2sf)  }
0x4dc: {  	p2 =	sne.s32 s6, $0x8;
	s0 =	sadd.s32 s0, s2;
	s29 =	spop (v2sf)  }
.Ltmp49:
0x4dd: {  	s0 =	sadd.s32 s0, s29;
	s30 =	spop (v2sf);
	(pc) =	sbr.rel @p2 .LBB2_89-.Ltmp49, $4  }
0x4de: {  	s0 =	sadd.s32 s0, s30  }
0x4df: {  	p1 =	slt.s32 s0, s20  }
0x4e0: {  	s0 =	sadd.s32 $0xFFFFFFFF, s3;
	s3 =	smov.u32 @p1 s1  }
0x4e1: {  	s4 =	smov.u32 @p1 s0;
	s1 =	smov.u32 s3  }
0x4e2: {  	s0 =	simm.s32 $0xB000  }
0x4e3: {  	p4 =	por $0x0, $0x0;
	v6 =	vld [tilespmem:s0+$0x0]  }
.Ltmp50:
0x4e4: {  	_ = 	snop;
	(pc) =	sbr.rel @p4 .LBB2_93-.Ltmp50, $4  }
0x4e5: {  	s30 =	sadd.s32 $0x1, s3;
	s4 =	simm.s32 $0x0  }
0x4e6: {  	v5 =	vmov s30;
	v7 =	vor.u32 s4, v2  }
0x4e7: {  	s6 =	simm.s32 $0x10;
	p1 =	por $0x0, $0x0;
	vm4 =	vlt.s32 v7, v5  }
0x4e8: {  	p2 =	por $0x0, $0x0;
	p3 =	por $0x0, $0x0;
	s0 =	simm.s32 $0xB010;
	v6 =	vsel vm4, $0x0, v6  }
0x4e9: {  	v7 =	vld [tilespmem:s0+$0x0];
	p4 =	por $0x0, $0x0  }
.Ltmp51:
0x4ea: {  	_ = 	snop;
	(pc) =	sbr.rel @p4 .LBB2_95-.Ltmp51, $4  }
0x4eb: {  	_ = 	snop  }
0x4ec: {  	v8 =	vor.u32 s6, v2  }
0x4ed: {  	vm5 =	vlt.s32 v8, v5  }
0x4ee: {  	(xrf0) =	vadd.scan.msk.s32 $0xffff, v6;
	s0 =	simm.s32 $0x20;
	s1 =	simm.s32 $0xB020;
	p1 =	por $0x1, $0x1;
	v6 =	vsel vm5, $0x0, v7  }
0x4ef: {  	_ =	sdelay $0x4  }
0x4f0: {  	(xrf0) =	vadd.scan.msk.s32 $0xffff, v6;
	v6, _, _ =	vpop (xrf0)  }
0x4f1: {  	(v2sf) =	vpush v6, $0xF;
	_ =	sdelay $0x4  }
0x4f2: {  	v7 =	vld [tilespmem:s1+$0x0];
	p4 =	por $0x0, $0x0  }
.Ltmp52:
0x4f3: {  	_ = 	snop;
	(pc) =	sbr.rel @p4 .LBB2_97-.Ltmp52, $4  }
0x4f4: {  	_ = 	snop  }
0x4f5: {  	v8 =	vor.u32 s0, v2  }
0x4f6: {  	vm5 =	vlt.s32 v8, v5  }
0x4f7: {  	s0 =	simm.s32 $0x30;
	s1 =	simm.s32 $0xB030;
	p2 =	por $0x1, $0x1;
	v6 =	vsel vm5, $0x0, v7  }
0x4f8: {  	(xrf0) =	vadd.scan.msk.s32 $0xffff, v6;
	v6, _, _ =	vpop (xrf0)  }
0x4f9: {  	(v2sf) =	vpush v6, $0xF;
	_ =	sdelay $0x3  }
0x4fa: {  	v7 =	vld [tilespmem:s1+$0x0];
	p4 =	por $0x0, $0x0  }
.Ltmp53:
0x4fb: {  	_ = 	snop;
	(pc) =	sbr.rel @p4 .LBB2_99-.Ltmp53, $4  }
0x4fc: {  	_ = 	snop  }
0x4fd: {  	v8 =	vor.u32 s0, v2  }
0x4fe: {  	s7 =	simm.s32 $0x40;
	vm5 =	vlt.s32 v8, v5  }
0x4ff: {  	s9 =	simm.s32 $0xB040;
	p3 =	por $0x1, $0x1;
	s1 =	simm.s32 $0x0;
	v6 =	vsel vm5, $0x0, v7  }
.LBB2_100:
0x500: {  	v7 =	vld [tilespmem:s9+$0x0];
	p4 =	seq.s32 s7, $0xF0;
	(xrf0) =	vadd.scan.msk.s32 $0xffff, v6;
	v6, _, _ =	vpop (xrf0);
	s0 =	smov.u32 s7;
	s7 =	sadd.s32 $0x10, s7  }
.Ltmp54:
0x501: {  	(v2sf) =	vpush v6, $0xF;
	(pc) =	sbr.rel @!p4 .LBB2_100-.Ltmp54, $4  }
0x502: {  	_ = 	snop  }
0x503: {  	v6 =	vor.u32 s0, v2  }
0x504: {  	vm5 =	vlt.s32 v6, v5;
	s0 =	spop (v2sf)  }
0x505: {  	s9 =	sadd.s32 $0x10, s9;
	v6 =	vsel vm5, $0x0, v7;
	s1 =	sadd.s32 s1, s0  }
.LBB2_101:
0x506: {  	(xrf0) =	vadd.scan.msk.s32 $0xffff, v6;
	_ =	sdelay $0x4  }
0x507: {  	v6, _, _ =	vpop @p1 (xrf0)  }
0x508: {  	s19 =	simm.s32 $0xB100;
	(v2sf) =	vpush @p1 v6, $0xF;
	v6, _, _ =	vpop (xrf0)  }
0x509: {  	s23 =	simm.s32 $0xB110;
	(v2sf) =	vpush v6, $0xF;
	v6 =	vld [tilespmem:s19+$0x0]  }
0x50a: {  	v7 =	vld [tilespmem:s23+$0x0];
	_ =	sdelay $0x2  }
0x50b: {  	v8 =	vor.u32 s6, v2  }
0x50c: {  	v6 =	vsel vm4, $0x0, v6;
	vm4 =	vlt.s32 v8, v5  }
0x50d: {  	(xrf0) =	vadd.scan.msk.s32 $0xffff, v6;
	v6 =	vsel vm4, $0x0, v7  }
0x50e: {  	s28 =	simm.s32 $0xB120;
	(xrf0) =	vadd.scan.msk.s32 $0xffff, v6  }
0x50f: {  	s30 =	simm.s32 $0x20;
	v6 =	vld [tilespmem:s28+$0x0]  }
0x510: {  	s2 =	simm.s32 $0x30;
	v8 =	vor.u32 s30, v2  }
0x511: {  	vm4 =	vlt.s32 v8, v5;
	v8 =	vor.u32 s2, v2;
	_ =	sdelay $0x1  }
0x512: {  	s0 =	spop @p3 (v2sf);
	v9, _, _ =	vpop (xrf0)  }
0x513: {  	s0 =	sadd.s32 @p3 s1, s0;
	s1 =	simm.s32 $0x0;
	v6 =	vsel vm4, $0x0, v6;
	vm4 =	vlt.s32 v8, v5;
	(v2sf) =	vpush v9, $0xF;
	v8, _, _ =	vpop (xrf0)  }
0x514: {  	s1 =	smov.u32 @p3 s0;
	s0 =	spop @p2 (v2sf);
	(v2sf) =	vpush v8, $0xF;
	_ =	sdelay $0x2  }
0x515: {  	s29 =	simm.s32 $0xB130  }
0x516: {  	v7 =	vld [tilespmem:s29+$0x0];
	(xrf0) =	vadd.scan.msk.s32 $0xffff, v6  }
0x517: {  	s0 =	sadd.s32 @p2 s1, s0;
	s1 =	simm.s32 $0x0  }
0x518: {  	s1 =	smov.u32 @p2 s0;
	s0 =	spop @p1 (v2sf)  }
0x519: {  	s6 =	simm.s32 $0x40;
	s0 =	sadd.s32 @p1 s1, s0;
	s1 =	simm.s32 $0x0  }
0x51a: {  	s26 =	smov.u32 s0;
	s1 =	smov.u32 @p1 s0;
	s18 =	spop (v2sf)  }
0x51b: {  	s7 =	simm.s32 $0xB140;
	s26 =	smov.u32 @p1 s0;
	v6 =	vsel vm4, $0x0, v7;
	s1 =	sadd.s32 s1, s18  }
.LBB2_102:
0x51c: {  	v7 =	vld [tilespmem:s7+$0x0];
	p1 =	seq.s32 s6, $0xF0;
	(xrf0) =	vadd.scan.msk.s32 $0xffff, v6;
	v6, _, _ =	vpop (xrf0);
	s0 =	smov.u32 s6;
	s6 =	sadd.s32 $0x10, s6  }
.Ltmp55:
0x51d: {  	(v2sf) =	vpush v6, $0xF;
	(pc) =	sbr.rel @!p1 .LBB2_102-.Ltmp55, $4  }
0x51e: {  	_ = 	snop  }
0x51f: {  	v6 =	vor.u32 s0, v2  }
0x520: {  	vm4 =	vlt.s32 v6, v5;
	s0 =	spop (v2sf)  }
0x521: {  	s7 =	sadd.s32 $0x10, s7;
	v6 =	vsel vm4, $0x0, v7;
	s4 =	sadd.s32 s4, s0  }
0x522: {  	(xrf0) =	vadd.scan.msk.s32 $0xffff, v6;
	_ =	sdelay $0x2  }
0x523: {  	s14 =	simm.s32 $0xB100  }
0x524: {  	s16 =	simm.s32 $0xB110;
	v6 =	vld [tilespmem:s14+$0x0]  }
0x525: {  	v5, _, _ =	vpop (xrf0);
	v7 =	vld [tilespmem:s16+$0x0]  }
0x526: {  	s6 =	simm.s32 $0x0;
	(v2sf) =	vpush v5, $0xF;
	v5, _, _ =	vpop (xrf0)  }
0x527: {  	s19 =	simm.s32 $0x10;
	v8 =	vor.u32 s6, v2;
	(v2sf) =	vpush v5, $0xF;
	v5 =	vmov s3  }
0x528: {  	vm4 =	vlt.s32 v8, v5;
	v8 =	vor.u32 s19, v2  }
0x529: {  	v6 =	vsel vm4, $0x0, v6;
	vm4 =	vlt.s32 v8, v5  }
0x52a: {  	(xrf0) =	vadd.scan.msk.s32 $0xffff, v6;
	v6 =	vsel vm4, $0x0, v7  }
0x52b: {  	s23 =	simm.s32 $0xB120;
	(xrf0) =	vadd.scan.msk.s32 $0xffff, v6  }
0x52c: {  	s29 =	simm.s32 $0x20;
	v6 =	vld [tilespmem:s23+$0x0]  }
0x52d: {  	s30 =	simm.s32 $0x30;
	v8 =	vor.u32 s29, v2  }
0x52e: {  	vm4 =	vlt.s32 v8, v5;
	v8 =	vor.u32 s30, v2;
	_ =	sdelay $0x1  }
0x52f: {  	v9, _, _ =	vpop (xrf0)  }
0x530: {  	s0 =	spop (v2sf);
	v6 =	vsel vm4, $0x0, v6;
	vm4 =	vlt.s32 v8, v5;
	(v2sf) =	vpush v9, $0xF;
	v8, _, _ =	vpop (xrf0)  }
0x531: {  	s2 =	spop (v2sf);
	(v2sf) =	vpush v8, $0xF;
	_ =	sdelay $0x2  }
0x532: {  	s28 =	simm.s32 $0xB130  }
0x533: {  	v7 =	vld [tilespmem:s28+$0x0];
	(xrf0) =	vadd.scan.msk.s32 $0xffff, v6;
	_ =	sdelay $0x1  }
0x534: {  	s0 =	sadd.s32 s4, s0  }
0x535: {  	s0 =	sadd.s32 s0, s2;
	s10 =	spop (v2sf)  }
0x536: {  	s0 =	sadd.s32 s0, s10;
	s12 =	spop (v2sf)  }
0x537: {  	s7 =	simm.s32 $0x40;
	s9 =	simm.s32 $0xB140;
	v6 =	vsel vm4, $0x0, v7;
	s4 =	sadd.s32 s0, s12  }
.LBB2_104:
0x538: {  	v7 =	vld [tilespmem:s9+$0x0];
	p1 =	sne.s32 s7, $0xF0;
	(xrf0) =	vadd.scan.msk.s32 $0xffff, v6;
	v6, _, _ =	vpop (xrf0);
	s0 =	smov.u32 s7;
	s7 =	sadd.s32 $0x10, s7  }
.Ltmp56:
0x539: {  	(v2sf) =	vpush v6, $0xF;
	(pc) =	sbr.rel @p1 .LBB2_104-.Ltmp56, $4  }
0x53a: {  	_ = 	snop  }
0x53b: {  	v6 =	vor.u32 s0, v2  }
0x53c: {  	vm4 =	vlt.s32 v6, v5;
	s0 =	spop (v2sf)  }
0x53d: {  	s9 =	sadd.s32 $0x10, s9;
	v6 =	vsel vm4, $0x0, v7;
	s6 =	sadd.s32 s6, s0  }
0x53e: {  	(xrf0) =	vadd.scan.msk.s32 $0xffff, v6;
	_ =	sdelay $0x4  }
0x53f: {  	v5, _, _ =	vpop (xrf0)  }
0x540: {  	(v2sf) =	vpush v5, $0xF;
	v5, _, _ =	vpop (xrf0)  }
0x541: {  	(v2sf) =	vpush v5, $0xF;
	_ =	sdelay $0xb  }
0x542: {  	s0 =	spop (v2sf)  }
0x543: {  	s0 =	sadd.s32 s6, s0;
	s2 =	spop (v2sf)  }
0x544: {  	s0 =	sadd.s32 s0, s2;
	s28 =	spop (v2sf)  }
0x545: {  	s0 =	sadd.s32 s0, s28;
	s29 =	spop (v2sf)  }
0x546: {  	s0 =	sadd.s32 s0, s29  }
0x547: {  	s30 =	sadd.s32 s4, s5;
	s0 =	ssub.s32 s0, s4  }
0x548: {  	v5 =	vmov s30;
	v6 =	vmov s0  }
0x549: {  	v5 =	vnsel vm0, $0x0, v5;
	v6 =	vnsel vm1, $0x0, v6  }
0x54a: {  	v5 =	vadd.s32 v5, v6  }
0x54b: {  	s2 =	rddreg [dreg:$0x13];
	s4 =	simm.s32 $0xB200;
	[tilespmem:$0xB200] =	vst v5  }
0x54c: {  	[spmem:s2] =	stream.linear.scatter [tilespmem:s4], [sflag:$0x3], $0x80, $0x38;
	[tilespmem:$0x1B710] =	vst v63  }
0x54d: {  	_ =	swait.ge [sflag:s11], $0x80  }
0x54e: {  	[sflag:s11] =	ssyncset.done $0x0  }
0x54f: {  	[sflag:s11] =	ssyncadd.s32 $0xFFFFFF80  }
0x550: {  	[bflag:$0x0] =	sbarrier.arrive $0xFFFF  }
0x551: {  	s10 =	rddreg [dreg:$0x11]  }
0x552: {  	[tilespmem:s4], [sflag:$0x3] =	stream.linear.gather [spmem:s10], $0x80, $0x38;
	[tilespmem:$0x1B710] =	vst v63  }
0x553: {  	_ =	swait.ge [sflag:s11], $0x80  }
0x554: {  	[sflag:s11] =	ssyncset.done $0x0  }
0x555: {  	[sflag:s11] =	ssyncadd.s32 $0xFFFFFF80  }
0x556: {  	v5 =	vld [tilespmem:$0xB200];
	_ =	sdelay $0x4  }
0x557: {  	v6 =	vsel vm2, $0x0, v5  }
0x558: {  	(xrf0) =	vadd.scan.msk.s32 $0xffff, v6;
	_ =	sdelay $0x5  }
0x559: {  	v6, _, _ =	vpop (xrf0)  }
0x55a: {  	(v2sf) =	vpush v6, $0xF;
	_ =	sdelay $0xc  }
0x55b: {  	s12 =	rddreg [dreg:$0x16]  }
0x55c: {  	[tilespmem:s4], [sflag:$0x3] =	stream.linear.gather [spmem:s12], $0x80, $0x38;
	[tilespmem:$0x1B710] =	vst v63  }
0x55d: {  	s5 =	spop (v2sf)  }
0x55e: {  	_ =	swait.ge [sflag:s11], $0x80  }
0x55f: {  	[sflag:s11] =	ssyncset.done $0x0  }
0x560: {  	[sflag:s11] =	ssyncadd.s32 $0xFFFFFF80  }
0x561: {  	v6 =	vld [tilespmem:$0xB200];
	_ =	sdelay $0x4  }
0x562: {  	v7 =	vsel vm2, $0x0, v6  }
0x563: {  	(xrf0) =	vadd.scan.msk.s32 $0xffff, v7;
	_ =	sdelay $0x5  }
0x564: {  	v7, _, _ =	vpop (xrf0)  }
0x565: {  	(v2sf) =	vpush v7, $0xF;
	_ =	sdelay $0xc  }
0x566: {  	s14 =	rddreg [dreg:$0x18]  }
0x567: {  	[tilespmem:s4], [sflag:$0x3] =	stream.linear.gather [spmem:s14], $0x80, $0x38;
	[tilespmem:$0x1B710] =	vst v63  }
0x568: {  	s9 =	spop (v2sf)  }
0x569: {  	_ =	swait.ge [sflag:s11], $0x80  }
0x56a: {  	[sflag:s11] =	ssyncset.done $0x0  }
0x56b: {  	[sflag:s11] =	ssyncadd.s32 $0xFFFFFF80  }
0x56c: {  	v7 =	vld [tilespmem:$0xB200];
	_ =	sdelay $0x4  }
0x56d: {  	v8 =	vsel vm2, $0x0, v7  }
0x56e: {  	(xrf0) =	vadd.scan.msk.s32 $0xffff, v8;
	_ =	sdelay $0x5  }
0x56f: {  	v8, _, _ =	vpop (xrf0)  }
0x570: {  	(v2sf) =	vpush v8, $0xF;
	_ =	sdelay $0xc  }
0x571: {  	s16 =	rddreg [dreg:$0x19]  }
0x572: {  	[tilespmem:s4], [sflag:$0x3] =	stream.linear.gather [spmem:s16], $0x80, $0x38;
	[tilespmem:$0x1B710] =	vst v63  }
0x573: {  	s7 =	spop (v2sf)  }
0x574: {  	_ =	swait.ge [sflag:s11], $0x80  }
0x575: {  	[sflag:s11] =	ssyncset.done $0x0  }
0x576: {  	[sflag:s11] =	ssyncadd.s32 $0xFFFFFF80  }
0x577: {  	v8 =	vld [tilespmem:$0xB200];
	_ =	sdelay $0x4  }
0x578: {  	v9 =	vsel vm2, $0x0, v8  }
0x579: {  	(xrf0) =	vadd.scan.msk.s32 $0xffff, v9;
	_ =	sdelay $0x5  }
0x57a: {  	v9, _, _ =	vpop (xrf0)  }
0x57b: {  	(v2sf) =	vpush v9, $0xF;
	_ =	sdelay $0xc  }
0x57c: {  	s19 =	rddreg [dreg:$0x1c]  }
0x57d: {  	[tilespmem:s4], [sflag:$0x3] =	stream.linear.gather [spmem:s19], $0x80, $0x38;
	[tilespmem:$0x1B710] =	vst v63  }
0x57e: {  	s10 =	spop (v2sf)  }
0x57f: {  	_ =	swait.ge [sflag:s11], $0x80  }
0x580: {  	[sflag:s11] =	ssyncset.done $0x0  }
0x581: {  	[sflag:s11] =	ssyncadd.s32 $0xFFFFFF80  }
0x582: {  	v9 =	vld [tilespmem:$0xB200];
	_ =	sdelay $0x4  }
0x583: {  	v10 =	vsel vm2, $0x0, v9  }
0x584: {  	(xrf0) =	vadd.scan.msk.s32 $0xffff, v10;
	_ =	sdelay $0x5  }
0x585: {  	v10, _, _ =	vpop (xrf0)  }
0x586: {  	(v2sf) =	vpush v10, $0xF;
	_ =	sdelay $0xc  }
0x587: {  	s23 =	rddreg [dreg:$0x1d]  }
0x588: {  	[tilespmem:s4], [sflag:$0x3] =	stream.linear.gather [spmem:s23], $0x80, $0x38;
	[tilespmem:$0x1B710] =	vst v63  }
0x589: {  	s12 =	spop (v2sf)  }
0x58a: {  	_ =	swait.ge [sflag:s11], $0x80  }
0x58b: {  	[sflag:s11] =	ssyncset.done $0x0  }
0x58c: {  	[sflag:s11] =	ssyncadd.s32 $0xFFFFFF80  }
0x58d: {  	v10 =	vld [tilespmem:$0xB200];
	_ =	sdelay $0x4  }
0x58e: {  	v11 =	vsel vm2, $0x0, v10  }
0x58f: {  	(xrf0) =	vadd.scan.msk.s32 $0xffff, v11;
	_ =	sdelay $0x5  }
0x590: {  	v11, _, _ =	vpop (xrf0)  }
0x591: {  	(v2sf) =	vpush v11, $0xF;
	_ =	sdelay $0xc  }
0x592: {  	s28 =	rddreg [dreg:$0x1e]  }
0x593: {  	[tilespmem:s4], [sflag:$0x3] =	stream.linear.gather [spmem:s28], $0x80, $0x38;
	[tilespmem:$0x1B710] =	vst v63  }
0x594: {  	s6 =	spop (v2sf)  }
0x595: {  	_ =	swait.ge [sflag:s11], $0x80  }
0x596: {  	[sflag:s11] =	ssyncset.done $0x0  }
0x597: {  	[sflag:s11] =	ssyncadd.s32 $0xFFFFFF80  }
0x598: {  	v11 =	vld [tilespmem:$0xB200];
	_ =	sdelay $0x4  }
0x599: {  	v12 =	vsel vm2, $0x0, v11  }
0x59a: {  	(xrf0) =	vadd.scan.msk.s32 $0xffff, v12;
	_ =	sdelay $0x5  }
0x59b: {  	v12, _, _ =	vpop (xrf0)  }
0x59c: {  	(v2sf) =	vpush v12, $0xF;
	_ =	sdelay $0xc  }
0x59d: {  	s29 =	rddreg [dreg:$0x1f]  }
0x59e: {  	[tilespmem:s4], [sflag:$0x3] =	stream.linear.gather [spmem:s29], $0x80, $0x38;
	[tilespmem:$0x1B710] =	vst v63  }
0x59f: {  	s14 =	spop (v2sf)  }
0x5a0: {  	_ =	swait.ge [sflag:s11], $0x80  }
0x5a1: {  	[sflag:s11] =	ssyncset.done $0x0  }
0x5a2: {  	s30 =	simm.s32 $0x0;
	[sflag:s11] =	ssyncadd.s32 $0xFFFFFF80  }
0x5a3: {  	s2 =	sshll.u32 s8, $0x8;
	v13 =	vld [tilespmem:s30+$0x0]  }
0x5a4: {  	s0 =	sor.u32 s2, s3;
	s4 =	sld [smem:$0x7ED]  }
0x5a5: {  	s0 =	sxor.u32 $0x80000000, s0;
	s2 =	smov.u32 s5;
	s8 =	sld [smem:$0x7EC]  }
0x5a6: {  	s2 =	simm.s32 @p6 $0x0;
	s3 =	smov.u32 s9;
	s16 =	sld [smem:$0x7EB]  }
0x5a7: {  	v12 =	vmov s0;
	s0 =	smov.u32 s7;
	s19 =	sld [smem:$0x7EA];
	p1 =	seq.s32 s4, $0x1  }
0x5a8: {  	s23 =	sld [smem:$0x7E9];
	s3 =	simm.s32 @!p1 $0x0;
	p1 =	seq.s32 s8, $0x1;
	v14 =	vxor.u32 $0x7FFFFFFF, v13;
	vm4 =	vlt.s32 v13, $0x0  }
0x5a9: {  	s28 =	sld [smem:$0x7E8];
	s2 =	sadd.s32 s2, s3;
	s0 =	simm.s32 @!p1 $0x0;
	v13 =	vsel vm4, v14, v13  }
0x5aa: {  	s3 =	smov.u32 s10;
	p1 =	seq.s32 s16, $0x1;
	s0 =	sadd.s32 s0, s2;
	vm4 =	veq.s32 v13, v12  }
0x5ab: {  	s3 =	simm.s32 @!p1 $0x0;
	s2 =	smov.u32 s12;
	p1 =	seq.s32 s19, $0x1;
	v14 =	vsel vm4, $0x1, v1  }
0x5ac: {  	s0 =	sadd.s32 s3, s0;
	s2 =	simm.s32 @!p1 $0x0;
	(xrf0) =	vadd.scan.msk.s32 $0xffff, v14  }
0x5ad: {  	s3 =	smov.u32 s6;
	p1 =	seq.s32 s23, $0x1;
	s0 =	sadd.s32 s2, s0  }
0x5ae: {  	s3 =	simm.s32 @!p1 $0x0;
	s2 =	smov.u32 s14;
	p1 =	seq.s32 s28, $0x1  }
0x5af: {  	s0 =	sadd.s32 s3, s0;
	s2 =	simm.s32 @!p1 $0x0  }
0x5b0: {  	s3 =	sadd.s32 s2, s0  }
0x5b1: {  	v14 =	vsel vm4, $0xFFFFFFFF, v1;
	s0 =	sadd.s32 $0x0, s3  }
0x5b2: {  	s8 =	ssub.s32 s20, s1;
	v15 =	vadd.s32 s0, v14;
	v16, _, _ =	vpop (xrf0)  }
0x5b3: {  	v14 =	vmov s8;
	v15 =	vadd.s32 v16, v15  }
0x5b4: {  	vm5 =	vlt.s32 v15, v14  }
0x5b5: {  	vm6 =	vgt.s32 v13, v12;
	vm4 =	vmand vm4, vm5  }
0x5b6: {  	vm4 =	vmor vm6, vm4  }
0x5b7: {  	v13 =	vsel vm4, $0x1, v1  }
0x5b8: {  	(xrf0) =	vadd.scan.msk.s32 $0xffff, v13;
	_ =	sdelay $0x4  }
0x5b9: {  	s1 =	simm.s32 $0x0;
	v13 =	vsel vm4, $0xFFFFFFFF, v1  }
0x5ba: {  	(v2sf) =	vpush v16, $0xF;
	v13 =	vadd.s32 s1, v13;
	v15, _, _ =	vpop (xrf0)  }
0x5bb: {  	v16 =	vadd.s32 v15, v13;
	(v2sf) =	vpush v15, $0xF;
	_ =	sdelay $0x2  }
0x5bc: {  	s23 =	rddreg [dreg:$0x7]  }
0x5bd: {  	v15 =	vor.u32 s23, v2  }
0x5be: {  	s29 =	simm.s32 $0x10;
	v13 =	vld [tilespmem:$0xB200];
	[tilespmem:v16+s24+$0x0] =	vst.idx.msk vm4, v15  }
0x5bf: {  	v15 =	vld [tilespmem:s29+$0x0];
	_ =	sdelay $0x4  }
0x5c0: {  	v16 =	vxor.u32 $0x7FFFFFFF, v15;
	vm4 =	vlt.s32 v15, $0x0  }
0x5c1: {  	v15 =	vsel vm4, v16, v15  }
0x5c2: {  	vm4 =	veq.s32 v15, v12  }
0x5c3: {  	s30 =	spop (v2sf);
	v17 =	vsel vm4, $0x1, v1  }
0x5c4: {  	s0 =	simm.s32 $0x80;
	s4 =	sadd.s32 $0x0, s30;
	v16 =	vsel vm4, $0xFFFFFFFF, v1;
	(xrf0) =	vadd.scan.msk.s32 $0xffff, v17;
	s19 =	spop (v2sf)  }
.LBB2_106:
0x5c5: {  	s1 =	sadd.s32 s1, s19  }
0x5c6: {  	s23 =	sadd.s32 $0x10, s23;
	s2 =	smov.u32 s0;
	s16 =	sadd.s32 $0x40, s0  }
0x5c7: {  	p1 =	sne.s32 s0, $0xDFC0;
	_ =	sdelay $0x2  }
0x5c8: {  	s0 =	sadd.s32 s4, s3  }
0x5c9: {  	v16 =	vadd.s32 s0, v16;
	v17, _, _ =	vpop (xrf0)  }
0x5ca: {  	v16 =	vadd.s32 v17, v16;
	(v2sf) =	vpush v17, $0xF  }
0x5cb: {  	vm5 =	vlt.s32 v16, v14  }
0x5cc: {  	vm6 =	vgt.s32 v15, v12;
	vm4 =	vmand vm4, vm5  }
0x5cd: {  	vm4 =	vmor vm6, vm4  }
0x5ce: {  	v15 =	vsel vm4, $0xFFFFFFFF, v1;
	v16 =	vsel vm4, $0x1, v1  }
0x5cf: {  	(xrf0) =	vadd.scan.msk.s32 $0xffff, v16;
	_ =	sdelay $0x5  }
0x5d0: {  	v15 =	vadd.s32 s1, v15;
	v16, _, _ =	vpop (xrf0)  }
0x5d1: {  	v15 =	vadd.s32 v16, v15;
	(v2sf) =	vpush v16, $0xF;
	_ =	sdelay $0x2  }
0x5d2: {  	s0 =	spop (v2sf)  }
0x5d3: {  	v16 =	vor.u32 s23, v2;
	s4 =	sadd.s32 s4, s0  }
0x5d4: {  	s0 =	sshra.s32 s2, $0x2;
	[tilespmem:v15+s24+$0x0] =	vst.idx.msk vm4, v16  }
0x5d5: {  	v15 =	vld [tilespmem:s0+$0x0];
	_ =	sdelay $0x4  }
.Ltmp57:
0x5d6: {  	v16 =	vxor.u32 $0x7FFFFFFF, v15;
	vm4 =	vlt.s32 v15, $0x0;
	(pc) =	sbr.rel @p1 .LBB2_106-.Ltmp57, $4  }
0x5d7: {  	v15 =	vsel vm4, v16, v15  }
0x5d8: {  	vm4 =	veq.s32 v15, v12  }
0x5d9: {  	v16 =	vsel vm4, $0xFFFFFFFF, v1;
	v17 =	vsel vm4, $0x1, v1  }
0x5da: {  	s0 =	smov.u32 s16;
	(xrf0) =	vadd.scan.msk.s32 $0xffff, v17;
	s19 =	spop (v2sf)  }
0x5db: {  	_ =	sdelay $0x3  }
0x5dc: {  	s0 =	sadd.s32 s4, s3  }
0x5dd: {  	v16 =	vadd.s32 s0, v16;
	v17, _, _ =	vpop (xrf0)  }
0x5de: {  	v16 =	vadd.s32 v17, v16  }
0x5df: {  	vm5 =	vlt.s32 v16, v14  }
0x5e0: {  	vm6 =	vgt.s32 v15, v12;
	vm4 =	vmand vm4, vm5  }
0x5e1: {  	vm4 =	vmor vm6, vm4  }
0x5e2: {  	v63 =	vsel vm4, $0x1, v1  }
0x5e3: {  	v5 =	vnsel vm3, $0x0, v5;
	(xrf0) =	vadd.scan.msk.s32 $0xffff, v63  }
0x5e4: {  	(xrf0) =	vadd.scan.msk.s32 $0xffff, v5;
	v5 =	vnsel vm3, $0x0, v6  }
0x5e5: {  	(xrf0) =	vadd.scan.msk.s32 $0xffff, v5;
	v5 =	vnsel vm3, $0x0, v7  }
0x5e6: {  	(xrf0) =	vadd.scan.msk.s32 $0xffff, v5;
	v5 =	vnsel vm3, $0x0, v8  }
0x5e7: {  	(xrf0) =	vadd.scan.msk.s32 $0xffff, v5;
	v5 =	vnsel vm3, $0x0, v9  }
0x5e8: {  	(xrf0) =	vadd.scan.msk.s32 $0xffff, v5;
	v5 =	vnsel vm3, $0x0, v10  }
0x5e9: {  	(v2sf) =	vpush v17, $0xF;
	v6, _, _ =	vpop (xrf0);
	(xrf0) =	vadd.scan.msk.s32 $0xffff, v5;
	v5 =	vnsel vm3, $0x0, v11  }
0x5ea: {  	(v2sf) =	vpush v6, $0xF;
	v7, _, _ =	vpop (xrf0);
	(xrf0) =	vadd.scan.msk.s32 $0xffff, v5;
	v5 =	vnsel vm3, $0x0, v13  }
0x5eb: {  	(v2sf) =	vpush v7, $0xF;
	v7, _, _ =	vpop (xrf0);
	(xrf0) =	vadd.scan.msk.s32 $0xffff, v5;
	v5 =	vsel vm2, $0x0, v13  }
0x5ec: {  	(v2sf) =	vpush v7, $0xF;
	v7, _, _ =	vpop (xrf0)  }
0x5ed: {  	(xrf0) =	vadd.scan.msk.s32 $0xffff, v5;
	(v2sf) =	vpush v7, $0xF  }
0x5ee: {  	v5, _, _ =	vpop (xrf0)  }
0x5ef: {  	v7, _, _ =	vpop (xrf0);
	(v2sf) =	vpush v5, $0xF  }
0x5f0: {  	v5, _, _ =	vpop (xrf0);
	(v2sf) =	vpush v7, $0xF  }
0x5f1: {  	v7, _, _ =	vpop (xrf0);
	(v2sf) =	vpush v5, $0xF  }
0x5f2: {  	v5, _, _ =	vpop (xrf0);
	(v2sf) =	vpush v7, $0xF  }
0x5f3: {  	(v2sf) =	vpush v5, $0xF;
	v5, _, _ =	vpop (xrf0)  }
0x5f4: {  	(v2sf) =	vpush v5, $0xF  }
0x5f5: {  	s0 =	sadd.s32 s1, s19;
	v5 =	vsel vm4, $0xFFFFFFFF, v1  }
0x5f6: {  	v5 =	vadd.s32 s0, v5  }
0x5f7: {  	v5 =	vadd.s32 v6, v5  }
0x5f8: {  	s16 =	spop (v2sf)  }
0x5f9: {  	s20 =	spop (v2sf)  }
0x5fa: {  	s1 =	sadd.s32 $0x10, s23;
	s28 =	spop (v2sf)  }
0x5fb: {  	v6 =	vor.u32 s1, v2;
	s29 =	spop (v2sf)  }
0x5fc: {  	s2 =	rddreg [dreg:$0x1a];
	s23 =	simm.s32 $0x80;
	[tilespmem:v5+s24+$0x0] =	vst.idx.msk vm4, v6;
	s4 =	spop (v2sf)  }
0x5fd: {  	[spmem:s2] =	stream.strided.scatter [tilespmem:s24], [sflag:$0x3], $0x2800, s15, s23, $0x38;
	[tilespmem:$0x1B710] =	vst v63  }
0x5fe: {  	s16 =	spop (v2sf)  }
0x5ff: {  	s3 =	spop (v2sf)  }
0x600: {  	s19 =	spop (v2sf)  }
0x601: {  	s20 =	spop (v2sf)  }
0x602: {  	s1 =	spop (v2sf)  }
0x603: {  	s30 =	spop (v2sf)  }
.Ltmp58:
0x604: {  	_ =	swait.ge [sflag:s11], $0x2800;
	(pc) =	sbr.rel @p0 .LBB2_141-.Ltmp58, $3  }
0x605: {  	[sflag:s11] =	ssyncset.done $0x0  }
0x606: {  	[sflag:s11] =	ssyncadd.s32 $0xFFFFD800  }
0x607: {  	[bflag:$0x0] =	sbarrier.arrive $0xFFFF;
	_ =	sdelay $0x1  }
0x608: {  	p1 =	sgt.s32 s8, $0x0;
	s0 =	smov.u32 s8  }
0x609: {  	s0 =	simm.s32 @!p1 $0x0  }
0x60a: {  	p1 =	slt.s32 s5, s0  }
0x60b: {  	s0 =	smov.u32 @p1 s5  }
0x60c: {  	s0 =	sadd.s32 s28, s0  }
0x60d: {  	s0 =	sadd.s32 $0xF, s0  }
0x60e: {  	[smem:$0x7E3] =	sst s1;
	s0 =	sshra.s32 s0, $0x4  }
0x60f: {  	[smem:$0x7E4] =	sst s13;
	p1 =	slt.s32 s0, $0x1  }
.Ltmp59:
0x610: {  	s1 =	simm.s32 $0xB280;
	s2 =	rddreg [dreg:$0x12];
	(pc) =	sbr.rel @p1 .LBB2_112-.Ltmp59, $4  }
0x611: {  	[tilespmem:s1], [sflag:$0x3] =	stream.strided.gather [spmem:s2], $0x2800, s15, s23, $0x38;
	[tilespmem:$0x1B710] =	vst v63  }
0x612: {  	_ =	swait.ge [sflag:s11], $0x2800  }
0x613: {  	[sflag:s11] =	ssyncset.done $0x0  }
0x614: {  	s17 =	simm.s32 $0x0;
	[sflag:s11] =	ssyncadd.s32 $0xFFFFD800  }
0x615: {  	p1 =	sne.s32 s0, $0x1  }
.Ltmp60:
0x616: {  	_ = 	snop;
	(pc) =	sbr.rel @!p1 .LBB2_111-.Ltmp60, $2  }
0x617: {  	_ =	sdelay $0x2  }
0x618: {  	v5 =	vld [tilespmem:s1+$0x0];
	v6 =	vor.u32 s17, v2;
	s0 =	sadd.s32 $0xFFFFFFFF, s0  }
.LBB2_110:
0x619: {  	p1 =	sne.s32 s0, $0x1  }
.Ltmp61:
0x61a: {  	_ = 	snop;
	(pc) =	sbr.rel @p1 .LBB2_110-.Ltmp61, $3  }
0x61b: {  	_ =	sdelay $0x1  }
0x61c: {  	s1 =	sadd.s32 $0x10, s1;
	s17 =	sadd.s32 $0x10, s17;
	[tilespmem:v6+s25+$0x0] =	vst.idx.msk $0xffff, v5  }
0x61d: {  	s0 =	sadd.s32 $0xFFFFFFFF, s0;
	v6 =	vor.u32 s17, v2;
	v5 =	vld [tilespmem:s1+$0x0]  }
.LBB2_111:
0x61e: {  	_ =	sdelay $0x3  }
0x61f: {  	[tilespmem:v6+s25+$0x0] =	vst.idx.msk $0xffff, v5  }
.LBB2_112:
0x620: {  	s0 =	ssub.s32 s8, s5  }
0x621: {  	s1 =	sld [smem:$0x7EE];
	p1 =	sgt.s32 s0, $0x0  }
0x622: {  	s0 =	simm.s32 @!p1 $0x0  }
0x623: {  	s2 =	simm.s32 $0xB280;
	p1 =	slt.s32 s9, s0  }
0x624: {  	[tilespmem:s2], [sflag:$0x3] =	stream.strided.gather [spmem:s1], $0x2800, s15, s23, $0x38;
	[tilespmem:$0x1B710] =	vst v63  }
0x625: {  	s0 =	smov.u32 @p1 s9  }
0x626: {  	s0 =	sadd.s32 s29, s0  }
0x627: {  	s0 =	sadd.s32 $0xF, s0  }
0x628: {  	s1 =	sshra.s32 s0, $0x4  }
0x629: {  	p1 =	slt.s32 s1, $0x1  }
.Ltmp62:
0x62a: {  	_ = 	snop;
	(pc) =	sbr.rel @p1 .LBB2_116-.Ltmp62, $4  }
0x62b: {  	_ = 	snop  }
0x62c: {  	_ =	swait.ge [sflag:s11], $0x2800  }
0x62d: {  	[sflag:s11] =	ssyncset.done $0x0  }
0x62e: {  	[sflag:s11] =	ssyncadd.s32 $0xFFFFD800  }
0x62f: {  	s0 =	sld [smem:$0x7E7]  }
0x630: {  	s2 =	sld [smem:$0x7E6]  }
0x631: {  	s17 =	sld [smem:$0x7E5];
	_ =	sdelay $0x1  }
0x632: {  	s0 =	sadd.s32 s2, s0  }
0x633: {  	s31 =	sadd.s32 s26, s18;
	s0 =	sadd.s32 s17, s0  }
0x634: {  	s0 =	sadd.s32 s31, s0  }
0x635: {  	s0 =	ssub.s32 $0x2710, s0  }
0x636: {  	p1 =	sgt.s32 s0, $0x0  }
0x637: {  	s0 =	simm.s32 @!p1 $0x0  }
0x638: {  	p1 =	slt.s32 s5, s0  }
0x639: {  	s0 =	smov.u32 @p1 s5;
	p1 =	sne.s32 s1, $0x1  }
.Ltmp63:
0x63a: {  	_ = 	snop;
	(pc) =	sbr.rel @!p1 .LBB2_115-.Ltmp63, $3  }
0x63b: {  	_ =	sdelay $0x1  }
0x63c: {  	s2 =	simm.s32 $0xB280;
	s17 =	sadd.s32 s0, s28  }
0x63d: {  	v5 =	vld [tilespmem:s2+$0x0];
	s0 =	sadd.s32 $0xFFFFFFFF, s1;
	v6 =	vadd.s32 s17, v2  }
.LBB2_114:
0x63e: {  	p1 =	sne.s32 s0, $0x1  }
.Ltmp64:
0x63f: {  	_ = 	snop;
	(pc) =	sbr.rel @p1 .LBB2_114-.Ltmp64, $3  }
0x640: {  	_ =	sdelay $0x1  }
0x641: {  	s2 =	sadd.s32 $0x10, s2;
	s17 =	sadd.s32 $0x10, s17;
	[tilespmem:v6+s25+$0x0] =	vst.idx.msk $0xffff, v5  }
0x642: {  	s0 =	sadd.s32 $0xFFFFFFFF, s0;
	v6 =	vadd.s32 s17, v2;
	v5 =	vld [tilespmem:s2+$0x0]  }
.LBB2_115:
0x643: {  	_ =	sdelay $0x3  }
0x644: {  	[tilespmem:v6+s25+$0x0] =	vst.idx.msk $0xffff, v5  }
.LBB2_116:
0x645: {  	s1 =	sadd.s32 s5, s9  }
0x646: {  	s0 =	ssub.s32 s8, s1  }
0x647: {  	p1 =	sgt.s32 s0, $0x0  }
0x648: {  	s0 =	simm.s32 @!p1 $0x0  }
0x649: {  	p1 =	slt.s32 s7, s0  }
0x64a: {  	s0 =	smov.u32 @p1 s7  }
0x64b: {  	s0 =	sadd.s32 s4, s0  }
0x64c: {  	s0 =	sadd.s32 $0xF, s0  }
0x64d: {  	s2 =	sld [smem:$0x7EF];
	s31 =	sshra.s32 s0, $0x4  }
0x64e: {  	p1 =	slt.s32 s31, $0x1  }
.Ltmp65:
0x64f: {  	s13 =	simm.s32 $0xB280;
	(pc) =	sbr.rel @p1 .LBB2_120-.Ltmp65, $4  }
0x650: {  	[tilespmem:s13], [sflag:$0x3] =	stream.strided.gather [spmem:s2], $0x2800, s15, s23, $0x38;
	[tilespmem:$0x1B710] =	vst v63  }
0x651: {  	_ =	swait.ge [sflag:s11], $0x2800  }
0x652: {  	[sflag:s11] =	ssyncset.done $0x0  }
0x653: {  	s17 =	sadd.s32 s29, s28;
	s18 =	sadd.s32 s26, s18;
	[sflag:s11] =	ssyncadd.s32 $0xFFFFD800  }
0x654: {  	s0 =	sld [smem:$0x7E7]  }
0x655: {  	s2 =	sld [smem:$0x7E6]  }
0x656: {  	s28 =	sld [smem:$0x7E5];
	_ =	sdelay $0x1  }
0x657: {  	s0 =	sadd.s32 s2, s0  }
0x658: {  	s0 =	sadd.s32 s28, s0  }
0x659: {  	s0 =	sadd.s32 s18, s0  }
0x65a: {  	s29 =	sadd.s32 s5, s0  }
0x65b: {  	s2 =	ssub.s32 $0x2710, s29  }
0x65c: {  	s0 =	ssub.s32 $0x2710, s0;
	p1 =	sgt.s32 s2, $0x0  }
0x65d: {  	s2 =	simm.s32 @!p1 $0x0;
	p1 =	sgt.s32 s0, $0x0  }
0x65e: {  	s0 =	simm.s32 @!p1 $0x0;
	p1 =	slt.s32 s9, s2  }
0x65f: {  	s2 =	smov.u32 @p1 s9;
	p1 =	slt.s32 s5, s0  }
0x660: {  	s0 =	smov.u32 @p1 s5;
	p1 =	sne.s32 s31, $0x1  }
.Ltmp66:
0x661: {  	_ = 	snop;
	(pc) =	sbr.rel @!p1 .LBB2_119-.Ltmp66, $4  }
0x662: {  	_ = 	snop  }
0x663: {  	s2 =	sadd.s32 s2, s17  }
0x664: {  	s26 =	sadd.s32 s0, s2;
	s2 =	simm.s32 $0xB280  }
0x665: {  	s0 =	sadd.s32 $0xFFFFFFFF, s31;
	v5 =	vld [tilespmem:s2+$0x0];
	v6 =	vadd.s32 s26, v2  }
.LBB2_118:
0x666: {  	p1 =	sne.s32 s0, $0x1  }
.Ltmp67:
0x667: {  	_ = 	snop;
	(pc) =	sbr.rel @p1 .LBB2_118-.Ltmp67, $3  }
0x668: {  	_ =	sdelay $0x1  }
0x669: {  	s2 =	sadd.s32 $0x10, s2;
	s26 =	sadd.s32 $0x10, s26;
	[tilespmem:v6+s25+$0x0] =	vst.idx.msk $0xffff, v5  }
0x66a: {  	s0 =	sadd.s32 $0xFFFFFFFF, s0;
	v6 =	vadd.s32 s26, v2;
	v5 =	vld [tilespmem:s2+$0x0]  }
.LBB2_119:
0x66b: {  	_ =	sdelay $0x3  }
0x66c: {  	[tilespmem:v6+s25+$0x0] =	vst.idx.msk $0xffff, v5  }
.LBB2_120:
0x66d: {  	s26 =	sadd.s32 s1, s7  }
0x66e: {  	s0 =	ssub.s32 s8, s26  }
0x66f: {  	p1 =	sgt.s32 s0, $0x0  }
0x670: {  	s0 =	simm.s32 @!p1 $0x0  }
0x671: {  	p1 =	slt.s32 s10, s0  }
0x672: {  	s0 =	smov.u32 @p1 s10  }
0x673: {  	s0 =	sadd.s32 s16, s0  }
0x674: {  	s0 =	sadd.s32 $0xF, s0  }
0x675: {  	s2 =	sld [smem:$0x7F0];
	s29 =	sshra.s32 s0, $0x4  }
0x676: {  	p1 =	slt.s32 s29, $0x1  }
.Ltmp68:
0x677: {  	_ = 	snop;
	(pc) =	sbr.rel @p1 .LBB2_124-.Ltmp68, $4  }
0x678: {  	[tilespmem:s13], [sflag:$0x3] =	stream.strided.gather [spmem:s2], $0x2800, s15, s23, $0x38;
	[tilespmem:$0x1B710] =	vst v63  }
0x679: {  	_ =	swait.ge [sflag:s11], $0x2800  }
0x67a: {  	[sflag:s11] =	ssyncset.done $0x0  }
0x67b: {  	s28 =	sadd.s32 s4, s17;
	[sflag:s11] =	ssyncadd.s32 $0xFFFFD800  }
0x67c: {  	s0 =	sld [smem:$0x7E7]  }
0x67d: {  	s2 =	sld [smem:$0x7E6]  }
0x67e: {  	s17 =	sld [smem:$0x7E5];
	_ =	sdelay $0x1  }
0x67f: {  	s0 =	sadd.s32 s2, s0  }
0x680: {  	s0 =	sadd.s32 s17, s0  }
0x681: {  	s0 =	sadd.s32 s18, s0  }
0x682: {  	s31 =	sadd.s32 s5, s0  }
0x683: {  	s4 =	sadd.s32 s1, s0;
	s2 =	ssub.s32 $0x2710, s31  }
0x684: {  	s4 =	ssub.s32 $0x2710, s4;
	p1 =	sgt.s32 s2, $0x0  }
0x685: {  	s0 =	ssub.s32 $0x2710, s0;
	s2 =	simm.s32 @!p1 $0x0;
	p1 =	sgt.s32 s4, $0x0  }
0x686: {  	s4 =	simm.s32 @!p1 $0x0;
	p1 =	sgt.s32 s0, $0x0  }
0x687: {  	s0 =	simm.s32 @!p1 $0x0;
	p1 =	slt.s32 s7, s4  }
0x688: {  	s4 =	smov.u32 @p1 s7;
	p1 =	slt.s32 s5, s0  }
0x689: {  	p2 =	slt.s32 s9, s2;
	s0 =	smov.u32 @p1 s5;
	p1 =	sne.s32 s29, $0x1  }
.Ltmp69:
0x68a: {  	s2 =	smov.u32 @p2 s9;
	(pc) =	sbr.rel @!p1 .LBB2_123-.Ltmp69, $4  }
0x68b: {  	s2 =	sadd.s32 s2, s28  }
0x68c: {  	s2 =	sadd.s32 s4, s2  }
0x68d: {  	s4 =	sadd.s32 s0, s2;
	s2 =	simm.s32 $0xB280  }
0x68e: {  	s0 =	sadd.s32 $0xFFFFFFFF, s29;
	v5 =	vld [tilespmem:s2+$0x0];
	v6 =	vadd.s32 s4, v2  }
.LBB2_122:
0x68f: {  	p1 =	sne.s32 s0, $0x1  }
.Ltmp70:
0x690: {  	_ = 	snop;
	(pc) =	sbr.rel @p1 .LBB2_122-.Ltmp70, $3  }
0x691: {  	_ =	sdelay $0x1  }
0x692: {  	s2 =	sadd.s32 $0x10, s2;
	s4 =	sadd.s32 $0x10, s4;
	[tilespmem:v6+s25+$0x0] =	vst.idx.msk $0xffff, v5  }
0x693: {  	s0 =	sadd.s32 $0xFFFFFFFF, s0;
	v6 =	vadd.s32 s4, v2;
	v5 =	vld [tilespmem:s2+$0x0]  }
.LBB2_123:
0x694: {  	_ =	sdelay $0x3  }
0x695: {  	[tilespmem:v6+s25+$0x0] =	vst.idx.msk $0xffff, v5  }
.LBB2_124:
0x696: {  	s29 =	sadd.s32 s26, s10  }
0x697: {  	s0 =	ssub.s32 s8, s29  }
0x698: {  	p1 =	sgt.s32 s0, $0x0  }
0x699: {  	s0 =	simm.s32 @!p1 $0x0  }
0x69a: {  	p1 =	slt.s32 s12, s0  }
0x69b: {  	s0 =	smov.u32 @p1 s12  }
0x69c: {  	s0 =	sadd.s32 s3, s0  }
0x69d: {  	s0 =	sadd.s32 $0xF, s0  }
0x69e: {  	s2 =	sld [smem:$0x7F1];
	s4 =	sshra.s32 s0, $0x4  }
0x69f: {  	p1 =	slt.s32 s4, $0x1  }
.Ltmp71:
0x6a0: {  	_ = 	snop;
	(pc) =	sbr.rel @p1 .LBB2_128-.Ltmp71, $4  }
0x6a1: {  	[tilespmem:s13], [sflag:$0x3] =	stream.strided.gather [spmem:s2], $0x2800, s15, s23, $0x38;
	[tilespmem:$0x1B710] =	vst v63  }
0x6a2: {  	_ =	swait.ge [sflag:s11], $0x2800  }
0x6a3: {  	[sflag:s11] =	ssyncset.done $0x0  }
0x6a4: {  	[sflag:s11] =	ssyncadd.s32 $0xFFFFD800  }
0x6a5: {  	s0 =	sld [smem:$0x7E7]  }
0x6a6: {  	s2 =	sld [smem:$0x7E6]  }
0x6a7: {  	s17 =	sld [smem:$0x7E5];
	_ =	sdelay $0x1  }
0x6a8: {  	s0 =	sadd.s32 s2, s0  }
0x6a9: {  	s0 =	sadd.s32 s17, s0  }
0x6aa: {  	s0 =	sadd.s32 s18, s0  }
0x6ab: {  	s31 =	sadd.s32 s5, s0  }
0x6ac: {  	s2 =	ssub.s32 $0x2710, s31  }
0x6ad: {  	p1 =	sgt.s32 s2, $0x0  }
0x6ae: {  	s31 =	sadd.s32 s26, s0;
	s2 =	simm.s32 @!p1 $0x0  }
0x6af: {  	s15 =	sadd.s32 s1, s0;
	s31 =	ssub.s32 $0x2710, s31;
	p1 =	slt.s32 s9, s2  }
0x6b0: {  	s15 =	ssub.s32 $0x2710, s15;
	s2 =	smov.u32 @p1 s9;
	p1 =	sgt.s32 s31, $0x0  }
0x6b1: {  	s0 =	ssub.s32 $0x2710, s0;
	s31 =	simm.s32 @!p1 $0x0;
	p1 =	sgt.s32 s15, $0x0  }
0x6b2: {  	s15 =	simm.s32 @!p1 $0x0;
	p1 =	sgt.s32 s0, $0x0  }
0x6b3: {  	s0 =	simm.s32 @!p1 $0x0;
	p1 =	slt.s32 s7, s15  }
0x6b4: {  	s17 =	sadd.s32 s16, s28;
	s15 =	smov.u32 @p1 s7;
	p1 =	slt.s32 s5, s0  }
0x6b5: {  	p2 =	slt.s32 s10, s31;
	s0 =	smov.u32 @p1 s5;
	p1 =	sne.s32 s4, $0x1  }
.Ltmp72:
0x6b6: {  	s2 =	sadd.s32 s2, s17;
	s31 =	smov.u32 @p2 s10;
	(pc) =	sbr.rel @!p1 .LBB2_127-.Ltmp72, $4  }
0x6b7: {  	s2 =	sadd.s32 s31, s2  }
0x6b8: {  	s2 =	sadd.s32 s15, s2  }
0x6b9: {  	s17 =	sadd.s32 s0, s2;
	s2 =	simm.s32 $0xB280  }
0x6ba: {  	s0 =	sadd.s32 $0xFFFFFFFF, s4;
	v5 =	vld [tilespmem:s2+$0x0];
	v6 =	vadd.s32 s17, v2  }
.LBB2_126:
0x6bb: {  	p1 =	sne.s32 s0, $0x1  }
.Ltmp73:
0x6bc: {  	_ = 	snop;
	(pc) =	sbr.rel @p1 .LBB2_126-.Ltmp73, $3  }
0x6bd: {  	_ =	sdelay $0x1  }
0x6be: {  	s2 =	sadd.s32 $0x10, s2;
	s17 =	sadd.s32 $0x10, s17;
	[tilespmem:v6+s25+$0x0] =	vst.idx.msk $0xffff, v5  }
0x6bf: {  	s0 =	sadd.s32 $0xFFFFFFFF, s0;
	v6 =	vadd.s32 s17, v2;
	v5 =	vld [tilespmem:s2+$0x0]  }
.LBB2_127:
0x6c0: {  	_ =	sdelay $0x3  }
0x6c1: {  	s15 =	simm.s32 $0x400;
	[tilespmem:v6+s25+$0x0] =	vst.idx.msk $0xffff, v5  }
.LBB2_128:
0x6c2: {  	s4 =	sadd.s32 s29, s12  }
0x6c3: {  	s0 =	ssub.s32 s8, s4  }
0x6c4: {  	p1 =	sgt.s32 s0, $0x0  }
0x6c5: {  	s0 =	simm.s32 @!p1 $0x0  }
0x6c6: {  	p1 =	slt.s32 s6, s0  }
0x6c7: {  	s0 =	smov.u32 @p1 s6  }
0x6c8: {  	s0 =	sadd.s32 s19, s0  }
0x6c9: {  	s0 =	sadd.s32 $0xF, s0  }
0x6ca: {  	s2 =	sld [smem:$0x7F2];
	s17 =	sshra.s32 s0, $0x4  }
0x6cb: {  	p1 =	slt.s32 s17, $0x1  }
.Ltmp74:
0x6cc: {  	_ = 	snop;
	(pc) =	sbr.rel @p1 .LBB2_132-.Ltmp74, $4  }
0x6cd: {  	[tilespmem:s13], [sflag:$0x3] =	stream.strided.gather [spmem:s2], $0x2800, s15, s23, $0x38;
	[tilespmem:$0x1B710] =	vst v63  }
0x6ce: {  	_ =	swait.ge [sflag:s11], $0x2800  }
0x6cf: {  	[sflag:s11] =	ssyncset.done $0x0  }
0x6d0: {  	[sflag:s11] =	ssyncadd.s32 $0xFFFFD800  }
0x6d1: {  	s0 =	sld [smem:$0x7E7]  }
0x6d2: {  	s2 =	sld [smem:$0x7E6]  }
0x6d3: {  	s13 =	sld [smem:$0x7E5];
	_ =	sdelay $0x1  }
0x6d4: {  	s0 =	sadd.s32 s2, s0  }
0x6d5: {  	s0 =	sadd.s32 s13, s0  }
0x6d6: {  	s0 =	sadd.s32 s18, s0  }
0x6d7: {  	s15 =	sadd.s32 s5, s0  }
0x6d8: {  	s2 =	ssub.s32 $0x2710, s15  }
0x6d9: {  	p1 =	sgt.s32 s2, $0x0  }
0x6da: {  	s15 =	sadd.s32 s29, s0;
	s2 =	simm.s32 @!p1 $0x0  }
0x6db: {  	s31 =	sadd.s32 s16, s28;
	s15 =	ssub.s32 $0x2710, s15;
	p1 =	slt.s32 s9, s2  }
0x6dc: {  	s31 =	sadd.s32 s3, s31;
	p2 =	sgt.s32 s15, $0x0;
	s2 =	smov.u32 @p1 s9  }
0x6dd: {  	s15 =	simm.s32 @!p2 $0x0;
	s2 =	sadd.s32 s2, s31;
	s31 =	sadd.s32 s26, s0  }
0x6de: {  	s13 =	sadd.s32 s1, s0;
	p1 =	slt.s32 s12, s15;
	s31 =	ssub.s32 $0x2710, s31  }
0x6df: {  	s13 =	ssub.s32 $0x2710, s13;
	s15 =	smov.u32 @p1 s12;
	p1 =	sgt.s32 s31, $0x0  }
0x6e0: {  	s0 =	ssub.s32 $0x2710, s0;
	s31 =	simm.s32 @!p1 $0x0;
	p1 =	sgt.s32 s13, $0x0  }
0x6e1: {  	s13 =	simm.s32 @!p1 $0x0;
	p1 =	sgt.s32 s0, $0x0  }
0x6e2: {  	s0 =	simm.s32 @!p1 $0x0;
	p1 =	slt.s32 s7, s13  }
0x6e3: {  	s13 =	smov.u32 @p1 s7;
	p1 =	slt.s32 s5, s0  }
0x6e4: {  	p2 =	slt.s32 s10, s31;
	s0 =	smov.u32 @p1 s5;
	p1 =	sne.s32 s17, $0x1  }
.Ltmp75:
0x6e5: {  	s2 =	sadd.s32 s15, s2;
	s31 =	smov.u32 @p2 s10;
	(pc) =	sbr.rel @!p1 .LBB2_131-.Ltmp75, $4  }
0x6e6: {  	s2 =	sadd.s32 s31, s2  }
0x6e7: {  	s2 =	sadd.s32 s13, s2  }
0x6e8: {  	s31 =	sadd.s32 s0, s2;
	s2 =	simm.s32 $0xB280  }
0x6e9: {  	s0 =	sadd.s32 $0xFFFFFFFF, s17;
	v5 =	vld [tilespmem:s2+$0x0];
	v6 =	vadd.s32 s31, v2  }
.LBB2_130:
0x6ea: {  	p1 =	sne.s32 s0, $0x1  }
.Ltmp76:
0x6eb: {  	_ = 	snop;
	(pc) =	sbr.rel @p1 .LBB2_130-.Ltmp76, $3  }
0x6ec: {  	_ =	sdelay $0x1  }
0x6ed: {  	s2 =	sadd.s32 $0x10, s2;
	s31 =	sadd.s32 $0x10, s31;
	[tilespmem:v6+s25+$0x0] =	vst.idx.msk $0xffff, v5  }
0x6ee: {  	s0 =	sadd.s32 $0xFFFFFFFF, s0;
	v6 =	vadd.s32 s31, v2;
	v5 =	vld [tilespmem:s2+$0x0]  }
.LBB2_131:
0x6ef: {  	_ =	sdelay $0x3  }
0x6f0: {  	s15 =	simm.s32 $0x400;
	s13 =	simm.s32 $0xB280;
	[tilespmem:v6+s25+$0x0] =	vst.idx.msk $0xffff, v5  }
.LBB2_132:
0x6f1: {  	s31 =	sadd.s32 s4, s6  }
0x6f2: {  	s0 =	ssub.s32 s8, s31  }
0x6f3: {  	p1 =	sgt.s32 s0, $0x0  }
0x6f4: {  	s0 =	simm.s32 @!p1 $0x0  }
0x6f5: {  	p1 =	slt.s32 s14, s0  }
0x6f6: {  	s0 =	smov.u32 @p1 s14  }
0x6f7: {  	s0 =	sadd.s32 s20, s0  }
0x6f8: {  	s0 =	sadd.s32 $0xF, s0  }
0x6f9: {  	s2 =	sld [smem:$0x7F3];
	s17 =	sshra.s32 s0, $0x4  }
0x6fa: {  	p1 =	slt.s32 s17, $0x1  }
.Ltmp77:
0x6fb: {  	_ = 	snop;
	(pc) =	sbr.rel @p1 .LBB2_136-.Ltmp77, $4  }
0x6fc: {  	[tilespmem:s13], [sflag:$0x3] =	stream.strided.gather [spmem:s2], $0x2800, s15, s23, $0x38;
	[tilespmem:$0x1B710] =	vst v63  }
0x6fd: {  	_ =	swait.ge [sflag:s11], $0x2800  }
0x6fe: {  	[sflag:s11] =	ssyncset.done $0x0  }
0x6ff: {  	[sflag:s11] =	ssyncadd.s32 $0xFFFFD800  }
0x700: {  	s0 =	sld [smem:$0x7E7]  }
0x701: {  	s2 =	sld [smem:$0x7E6]  }
0x702: {  	s15 =	sld [smem:$0x7E5];
	_ =	sdelay $0x1  }
0x703: {  	s0 =	sadd.s32 s2, s0  }
0x704: {  	s0 =	sadd.s32 s15, s0  }
0x705: {  	s0 =	sadd.s32 s18, s0  }
0x706: {  	s13 =	sadd.s32 s5, s0  }
0x707: {  	s23 =	sadd.s32 s16, s28;
	s15 =	sadd.s32 s4, s0;
	s13 =	ssub.s32 $0x2710, s13  }
0x708: {  	s2 =	sadd.s32 s3, s23;
	s15 =	ssub.s32 $0x2710, s15;
	p1 =	sgt.s32 s13, $0x0  }
0x709: {  	s2 =	sadd.s32 s19, s2;
	s13 =	simm.s32 @!p1 $0x0;
	p1 =	sgt.s32 s15, $0x0  }
0x70a: {  	s23 =	sadd.s32 s29, s0;
	p2 =	slt.s32 s9, s13;
	s15 =	simm.s32 @!p1 $0x0  }
0x70b: {  	s23 =	ssub.s32 $0x2710, s23;
	s13 =	smov.u32 @p2 s9;
	p1 =	slt.s32 s6, s15  }
0x70c: {  	p2 =	sgt.s32 s23, $0x0;
	s2 =	sadd.s32 s13, s2;
	s15 =	smov.u32 @p1 s6  }
0x70d: {  	s23 =	simm.s32 @!p2 $0x0;
	s2 =	sadd.s32 s15, s2;
	s15 =	sadd.s32 s26, s0  }
0x70e: {  	p1 =	slt.s32 s12, s23;
	s13 =	ssub.s32 $0x2710, s15;
	s15 =	sadd.s32 s1, s0  }
0x70f: {  	s23 =	smov.u32 @p1 s12;
	p1 =	sgt.s32 s13, $0x0;
	s15 =	ssub.s32 $0x2710, s15  }
0x710: {  	s0 =	ssub.s32 $0x2710, s0;
	s13 =	simm.s32 @!p1 $0x0;
	p1 =	sgt.s32 s15, $0x0  }
0x711: {  	s15 =	simm.s32 @!p1 $0x0;
	p1 =	sgt.s32 s0, $0x0  }
0x712: {  	s0 =	simm.s32 @!p1 $0x0;
	p1 =	slt.s32 s7, s15  }
0x713: {  	s15 =	smov.u32 @p1 s7;
	p1 =	slt.s32 s5, s0  }
0x714: {  	p2 =	slt.s32 s10, s13;
	s0 =	smov.u32 @p1 s5;
	p1 =	sne.s32 s17, $0x1  }
.Ltmp78:
0x715: {  	s2 =	sadd.s32 s23, s2;
	s13 =	smov.u32 @p2 s10;
	(pc) =	sbr.rel @!p1 .LBB2_135-.Ltmp78, $4  }
0x716: {  	s2 =	sadd.s32 s13, s2  }
0x717: {  	s2 =	sadd.s32 s15, s2  }
0x718: {  	s2 =	sadd.s32 s0, s2;
	s0 =	simm.s32 $0xB280  }
0x719: {  	s17 =	sadd.s32 $0xFFFFFFFF, s17;
	v5 =	vld [tilespmem:s0+$0x0];
	v6 =	vadd.s32 s2, v2  }
.LBB2_134:
0x71a: {  	p1 =	sne.s32 s17, $0x1  }
.Ltmp79:
0x71b: {  	_ = 	snop;
	(pc) =	sbr.rel @p1 .LBB2_134-.Ltmp79, $3  }
0x71c: {  	_ =	sdelay $0x1  }
0x71d: {  	s0 =	sadd.s32 $0x10, s0;
	s2 =	sadd.s32 $0x10, s2;
	[tilespmem:v6+s25+$0x0] =	vst.idx.msk $0xffff, v5  }
0x71e: {  	s17 =	sadd.s32 $0xFFFFFFFF, s17;
	v6 =	vadd.s32 s2, v2;
	v5 =	vld [tilespmem:s0+$0x0]  }
.LBB2_135:
0x71f: {  	_ =	sdelay $0x3  }
0x720: {  	s23 =	simm.s32 $0x80;
	s15 =	simm.s32 $0x400;
	s13 =	simm.s32 $0xB280;
	[tilespmem:v6+s25+$0x0] =	vst.idx.msk $0xffff, v5  }
.LBB2_136:
0x721: {  	s0 =	sadd.s32 s14, s31  }
0x722: {  	s0 =	ssub.s32 s8, s0  }
0x723: {  	p1 =	sgt.s32 s0, $0x0  }
0x724: {  	s2 =	sld [smem:$0x7E3];
	s0 =	simm.s32 @!p1 $0x0  }
0x725: {  	p1 =	slt.s32 s30, s0  }
0x726: {  	s0 =	smov.u32 @p1 s30;
	s30 =	sld [smem:$0x7F4]  }
0x727: {  	s0 =	sadd.s32 s0, s2  }
0x728: {  	s0 =	sadd.s32 $0xF, s0  }
0x729: {  	[tilespmem:s13], [sflag:$0x3] =	stream.strided.gather [spmem:s30], $0x2800, s15, s23, $0x38;
	[tilespmem:$0x1B710] =	vst v63  }
0x72a: {  	s8 =	sshra.s32 s0, $0x4  }
0x72b: {  	p1 =	slt.s32 s8, $0x1  }
.Ltmp80:
0x72c: {  	_ = 	snop;
	(pc) =	sbr.rel @p1 .LBB2_140-.Ltmp80, $4  }
0x72d: {  	_ =	swait.ge [sflag:s11], $0x2800  }
0x72e: {  	[sflag:s11] =	ssyncset.done $0x0  }
0x72f: {  	[sflag:s11] =	ssyncadd.s32 $0xFFFFD800  }
0x730: {  	s17 =	rddreg [dreg:$0x1]  }
0x731: {  	s0 =	sld [smem:$0x7E7]  }
0x732: {  	s2 =	sld [smem:$0x7E6]  }
0x733: {  	s15 =	sld [smem:$0x7E5];
	_ =	sdelay $0x1  }
0x734: {  	s0 =	sadd.s32 s2, s0  }
0x735: {  	s0 =	sadd.s32 s15, s0  }
0x736: {  	s0 =	sadd.s32 s18, s0  }
0x737: {  	s18 =	sadd.s32 s5, s0  }
0x738: {  	s13 =	sadd.s32 s16, s28;
	s15 =	sadd.s32 s31, s0;
	s2 =	ssub.s32 $0x2710, s18  }
0x739: {  	s3 =	sadd.s32 s3, s13;
	s13 =	ssub.s32 $0x2710, s15;
	p1 =	sgt.s32 s2, $0x0  }
0x73a: {  	s3 =	sadd.s32 s19, s3;
	s2 =	simm.s32 @!p1 $0x0;
	p1 =	sgt.s32 s13, $0x0  }
0x73b: {  	s4 =	sadd.s32 s4, s0;
	s13 =	simm.s32 @!p1 $0x0;
	p1 =	slt.s32 s9, s2  }
0x73c: {  	s4 =	ssub.s32 $0x2710, s4;
	s2 =	smov.u32 @p1 s9;
	p1 =	slt.s32 s14, s13  }
0x73d: {  	s3 =	sadd.s32 s20, s3;
	s13 =	smov.u32 @p1 s14;
	p1 =	sgt.s32 s4, $0x0  }
0x73e: {  	s30 =	sadd.s32 s29, s0;
	s31 =	sadd.s32 s26, s0;
	s4 =	simm.s32 @!p1 $0x0  }
0x73f: {  	s2 =	sadd.s32 s2, s3;
	s3 =	ssub.s32 $0x2710, s30;
	p1 =	slt.s32 s6, s4  }
0x740: {  	s4 =	smov.u32 @p1 s6;
	p1 =	sgt.s32 s3, $0x0;
	s6 =	ssub.s32 $0x2710, s31  }
0x741: {  	s3 =	simm.s32 @!p1 $0x0;
	p1 =	sgt.s32 s6, $0x0  }
0x742: {  	s1 =	sadd.s32 s1, s0;
	s6 =	simm.s32 @!p1 $0x0;
	p1 =	slt.s32 s12, s3  }
0x743: {  	s1 =	ssub.s32 $0x2710, s1;
	s3 =	smov.u32 @p1 s12;
	p1 =	slt.s32 s10, s6  }
0x744: {  	s0 =	ssub.s32 $0x2710, s0;
	s6 =	smov.u32 @p1 s10;
	p1 =	sgt.s32 s1, $0x0  }
0x745: {  	s1 =	simm.s32 @!p1 $0x0;
	p1 =	sgt.s32 s0, $0x0  }
0x746: {  	s0 =	simm.s32 @!p1 $0x0;
	p1 =	slt.s32 s7, s1  }
0x747: {  	s2 =	sadd.s32 s13, s2;
	s1 =	smov.u32 @p1 s7;
	p1 =	slt.s32 s5, s0  }
0x748: {  	s2 =	sadd.s32 s4, s2;
	s0 =	smov.u32 @p1 s5;
	p1 =	sne.s32 s8, $0x1  }
.Ltmp81:
0x749: {  	s2 =	sadd.s32 s3, s2;
	(pc) =	sbr.rel @!p1 .LBB2_139-.Ltmp81, $4  }
0x74a: {  	s2 =	sadd.s32 s6, s2  }
0x74b: {  	s1 =	sadd.s32 s1, s2  }
0x74c: {  	s1 =	sadd.s32 s0, s1;
	s0 =	simm.s32 $0xB280  }
0x74d: {  	s2 =	sadd.s32 $0xFFFFFFFF, s8;
	v5 =	vld [tilespmem:s0+$0x0];
	v6 =	vadd.s32 s1, v2  }
.LBB2_138:
0x74e: {  	p1 =	sne.s32 s2, $0x1  }
.Ltmp82:
0x74f: {  	_ = 	snop;
	(pc) =	sbr.rel @p1 .LBB2_138-.Ltmp82, $3  }
0x750: {  	_ =	sdelay $0x1  }
0x751: {  	[tilespmem:v6+s25+$0x0] =	vst.idx.msk $0xffff, v5;
	s0 =	sadd.s32 $0x10, s0;
	s1 =	sadd.s32 $0x10, s1  }
0x752: {  	s2 =	sadd.s32 $0xFFFFFFFF, s2;
	v5 =	vld [tilespmem:s0+$0x0];
	v6 =	vadd.s32 s1, v2  }
.Ltmp83:
0x753: {  	_ = 	snop;
	(pc) =	sbr.rel .LBB2_139-.Ltmp83, $1  }
0x754: {  	_ =	sdelay $0x3  }
.LBB2_16:
.Ltmp84:
0x755: {  	(pc) =	sbr.rel .LBB2_24-.Ltmp84, $2  }
0x756: {  	_ =	sdelay $0x2  }
0x757: {  	s3 =	simm.s32 $0x0  }
.LBB2_39:
.Ltmp85:
0x758: {  	(pc) =	sbr.rel .LBB2_47-.Ltmp85, $2  }
0x759: {  	_ =	sdelay $0x2  }
0x75a: {  	s6 =	simm.s32 $0x0  }
.LBB2_67:
.Ltmp86:
0x75b: {  	(pc) =	sbr.rel .LBB2_75-.Ltmp86, $2  }
0x75c: {  	_ =	sdelay $0x2  }
0x75d: {  	s4 =	simm.s32 $0x0  }
.LBB2_93:
.Ltmp87:
0x75e: {  	(pc) =	sbr.rel .LBB2_101-.Ltmp87, $2  }
0x75f: {  	_ =	sdelay $0x2  }
0x760: {  	s1 =	simm.s32 $0x0  }
.LBB2_18:
.Ltmp88:
0x761: {  	(pc) =	sbr.rel .LBB2_24-.Ltmp88, $2  }
0x762: {  	_ =	sdelay $0x2  }
0x763: {  	s3 =	simm.s32 $0x0  }
.LBB2_41:
.Ltmp89:
0x764: {  	(pc) =	sbr.rel .LBB2_47-.Ltmp89, $2  }
0x765: {  	_ =	sdelay $0x2  }
0x766: {  	s6 =	simm.s32 $0x0  }
.LBB2_69:
.Ltmp90:
0x767: {  	(pc) =	sbr.rel .LBB2_75-.Ltmp90, $2  }
0x768: {  	_ =	sdelay $0x2  }
0x769: {  	s4 =	simm.s32 $0x0  }
.LBB2_95:
.Ltmp91:
0x76a: {  	(pc) =	sbr.rel .LBB2_101-.Ltmp91, $2  }
0x76b: {  	_ =	sdelay $0x2  }
0x76c: {  	s1 =	simm.s32 $0x0  }
.LBB2_20:
.Ltmp92:
0x76d: {  	(pc) =	sbr.rel .LBB2_24-.Ltmp92, $2  }
0x76e: {  	_ =	sdelay $0x2  }
0x76f: {  	s3 =	simm.s32 $0x0  }
.LBB2_43:
.Ltmp93:
0x770: {  	(pc) =	sbr.rel .LBB2_47-.Ltmp93, $2  }
0x771: {  	_ =	sdelay $0x2  }
0x772: {  	s6 =	simm.s32 $0x0  }
.LBB2_71:
.Ltmp94:
0x773: {  	(pc) =	sbr.rel .LBB2_75-.Ltmp94, $2  }
0x774: {  	_ =	sdelay $0x2  }
0x775: {  	s4 =	simm.s32 $0x0  }
.LBB2_97:
.Ltmp95:
0x776: {  	(pc) =	sbr.rel .LBB2_101-.Ltmp95, $2  }
0x777: {  	_ =	sdelay $0x2  }
0x778: {  	s1 =	simm.s32 $0x0  }
.LBB2_22:
.Ltmp96:
0x779: {  	(pc) =	sbr.rel .LBB2_24-.Ltmp96, $2  }
0x77a: {  	_ =	sdelay $0x2  }
0x77b: {  	s3 =	simm.s32 $0x0  }
.LBB2_45:
.Ltmp97:
0x77c: {  	(pc) =	sbr.rel .LBB2_47-.Ltmp97, $2  }
0x77d: {  	_ =	sdelay $0x2  }
0x77e: {  	s6 =	simm.s32 $0x0  }
.LBB2_73:
.Ltmp98:
0x77f: {  	(pc) =	sbr.rel .LBB2_75-.Ltmp98, $2  }
0x780: {  	_ =	sdelay $0x2  }
0x781: {  	s4 =	simm.s32 $0x0  }
.LBB2_99:
.Ltmp99:
0x782: {  	(pc) =	sbr.rel .LBB2_101-.Ltmp99, $2  }
0x783: {  	_ =	sdelay $0x2  }
0x784: {  	s1 =	simm.s32 $0x0  }
.LBB2_51:
.Ltmp100:
0x785: {  	(pc) =	sbr.rel .LBB2_55-.Ltmp100, $2  }
0x786: {  	_ =	sdelay $0x2  }
0x787: {  	s8 =	simm.s32 $0x0  }
.LBB2_79:
.Ltmp101:
0x788: {  	(pc) =	sbr.rel .LBB2_83-.Ltmp101, $2  }
0x789: {  	_ =	sdelay $0x2  }
0x78a: {  	s4 =	simm.s32 $0x0  }
.LBB2_53:
.Ltmp102:
0x78b: {  	(pc) =	sbr.rel .LBB2_55-.Ltmp102, $2  }
0x78c: {  	_ =	sdelay $0x2  }
0x78d: {  	s8 =	simm.s32 $0x0  }
.LBB2_81:
.Ltmp103:
0x78e: {  	(pc) =	sbr.rel .LBB2_83-.Ltmp103, $2  }
0x78f: {  	_ =	sdelay $0x2  }
0x790: {  	s4 =	simm.s32 $0x0  }
.LBB2_142:
0x791: {  	_ =	sfence.sel $0x180000  }
0x792: {  	[bflag:$0x0] =	sbarrier.arrive $0xFFFF  }
0x793: {  	_ =	strace $0x90000047  }
0x794: {  	s0 =	stileid.u32;
	[bflag:$0x2] =	sbarrier.arrive $0xFFFF  }
0x795: {  	p0 =	sne.s32 s0, $0x0;
	s0 =	rddreg [dreg:$0x6]  }
0x796: {  	s0 =	sadd.s32 @!p0 $0x100000, s0  }
0x797: {  	[sflag:s0] =	ssyncadd.tile.s32 @!p0 $0x1;
	_ =	shalt  }
.Lfunc_end2:
_tile_overlayer_lowered:
.L_overlay_start_2:
0x798: {  	(tag) =	ssettag $0x2  }
0x799: {  	s0 =	rddreg [dreg:$0x0];
	s2 =	stileid.u32  }
0x79a: {  	s1 =	rddreg [dreg:$0x1];
	p0 =	sne.s32 s2, $0x0  }
0x79b: {  	s3 =	rddreg [dreg:$0x2];
	[bflag:$0x3] =	sbarrier.arrive $0xFFFF;
	s2 =	simm.s32 @!p0 $0x1C03  }
0x79c: {  	[timem:s3], [sflag:s2] =	dma.local @!p0 [hbm:s0], s1  }
0x79d: {  	s0 =	simm.s32 @!p0 $0x3  }
0x79e: {  	_ =	swait.ge @!p0 [sflag:s0], s1  }
0x79f: {  	s1 =	ssub.s32 @!p0 $0x0, s1;
	[sflag:s0] =	ssyncset.done @!p0 $0x0  }
0x7a0: {  	[sflag:s0] =	ssyncadd.s32 @!p0 s1  }
0x7a1: {  	[bflag:$0x3] =	sbarrier.arrive $0xFFFF  }
0x7a2: {  	_ =	shalt  }

</sc_bundles>
